<compile_context>
chip_gen: v7x
topology: tpu7x:2x2x1
jax: 0.10.2.dev20260603
libtpu: 0.0.44.dev20260713+nightly
codegen_flags: <defaults>
</compile_context>

<pallas_src>
import jax
import jax.numpy as jnp
from jax import lax
from jax.experimental import pallas as pl
from jax.experimental.pallas import tpu as pltpu
from jax.experimental.pallas import tpu_sc as plsc


def _tc_body(coords_ref, pr_ref, spatial_ref, gia_ref, ev_ref, tv_ref):
    H = W = 512
    S = coords_ref.shape[2]
    s = spatial_ref[0]
    xmin = jnp.min(s[0])
    xmax = jnp.max(s[0])
    ymin = jnp.min(s[1])
    ymax = jnp.max(s[1])
    if True:
        c = coords_ref[0]
        cx = c[0:1, :]
        cy = c[1:2, :]
        nx = (cx - xmin) / (xmax - xmin)
        ny = (cy - ymin) / (ymax - ymin)
        fx = jnp.clip(jnp.round(nx * (W - 1)), 0.0, W - 1)
        fy = jnp.clip(jnp.round(ny * (H - 1)), 0.0, H - 1)
        px = fx.astype(jnp.int32)
        py = fy.astype(jnp.int32)
        in_view = ((cx >= xmin) & (cx <= xmax) & (cy >= ymin) & (cy <= ymax))
        ih = lax.broadcasted_iota(jnp.int32, (H, S), 0)
        iw = lax.broadcasted_iota(jnp.int32, (W, S), 0)
        oh_y = (ih == py).astype(jnp.float32)
        oh_x = (iw == px).astype(jnp.float32)
        gia = gia_ref[0]
        rows = lax.dot_general(gia, oh_y, (((0,), (0,)), ((), ())),
                               preferred_element_type=jnp.float32)
        g = jnp.sum(rows * oh_x, axis=0, keepdims=True)
        e = pr_ref[0] * g * in_view.astype(jnp.float32)
        flat = py * W + px
        ev_ref[0] = jnp.broadcast_to(e, (8, S))
        tv_ref[0] = jnp.broadcast_to(flat, (8, S))


_NW = 32
_NQ = 8
_QW = 512 * 512 // _NQ
_QR = 512 // _NQ


def _sc_body(ev_hbm, tv_hbm, out_hbm, acc0, acc1, evp, tvp, semi, sem0, sem1):
    cid = lax.axis_index("c")
    sid = lax.axis_index("s")
    wid = sid * 2 + cid
    zeros16 = jnp.zeros((16,), jnp.float32)
    bufs = (acc0, acc1)
    sems = (sem0, sem1)
    copies = [None, None]
    pref = []
    for p in range(4):
        bp = (wid + _NW * p) // _NQ
        pref.append(pltpu.async_copy(ev_hbm.at[bp], evp.at[p], semi))
        pref.append(pltpu.async_copy(tv_hbm.at[bp], tvp.at[p], semi))
    drained = False
    for p in range(4):
        acc = bufs[p % 2]
        if p >= 2:
            copies[p % 2].wait()
        item = wid + _NW * p
        b = item // _NQ
        q = item % _NQ

        def _zero(i, carry):
            for k in range(2):
                for m in range(32):
                    acc[i * 2 + k, pl.ds(m * 16, 16)] = zeros16
            return carry
        lax.fori_loop(0, _QR // 2, _zero, 0)

        if not drained:
            for cp in pref:
                cp.wait()
            drained = True
        qbase = q * _QW
        for i in range(16):
            csl = pl.ds(i * 16, 16)
            ei = evp[p, 0, csl]
            ti = tvp[p, 0, csl]
            local = ti - qbase
            mask = (ei != 0.0) & (local >= 0) & (local < _QW)
            lc = jnp.minimum(jnp.maximum(local, 0), _QW - 1)
            plsc.addupdate_scatter(acc, [lax.shift_right_logical(lc, 9),
                                         jnp.bitwise_and(lc, 511)],
                                   ei, mask=mask)
        copies[p % 2] = pltpu.async_copy(
            acc, out_hbm.at[b, pl.ds(q * _QR, _QR)], sems[p % 2])
    copies[0].wait()
    copies[1].wait()


def kernel(point_rates, spatial, gia, all_source_coords):
    B, H, W = gia.shape
    S = all_source_coords.shape[0]
    coords3 = jnp.transpose(all_source_coords)[None]
    pr3 = point_rates[:, None, :]
    ev, tv = pl.pallas_call(
        _tc_body,
        grid=(B,),
        in_specs=[
            pl.BlockSpec((1, 2, S), lambda b: (0, 0, 0)),
            pl.BlockSpec((1, 1, S), lambda b: (b, 0, 0)),
            pl.BlockSpec((1, 2, H, W), lambda b: (b, 0, 0, 0)),
            pl.BlockSpec((1, H, W), lambda b: (b, 0, 0)),
        ],
        out_specs=[
            pl.BlockSpec((1, 8, S), lambda b: (b, 0, 0)),
            pl.BlockSpec((1, 8, S), lambda b: (b, 0, 0)),
        ],
        out_shape=[
            jax.ShapeDtypeStruct((B, 8, S), jnp.float32),
            jax.ShapeDtypeStruct((B, 8, S), jnp.int32),
        ],
    )(coords3, pr3, spatial, gia)
    mesh = plsc.VectorSubcoreMesh(core_axis_name="c", subcore_axis_name="s")
    sc = pl.kernel(
        _sc_body,
        out_type=jax.ShapeDtypeStruct((B, H, W), jnp.float32),
        mesh=mesh,
        compiler_params=pltpu.CompilerParams(needs_layout_passes=False, skip_device_barrier=True),
        scratch_types=[
            pltpu.VMEM((_QR, 512), jnp.float32),
            pltpu.VMEM((_QR, 512), jnp.float32),
            pltpu.VMEM((4, 8, S), jnp.float32),
            pltpu.VMEM((4, 8, S), jnp.int32),
            pltpu.SemaphoreType.DMA,
            pltpu.SemaphoreType.DMA,
            pltpu.SemaphoreType.DMA,
        ],
    )
    out3 = sc(ev, tv)
    return out3[:, None]

# --- scband reference (transcript-rebuilt; emitter-appended) ---
"""Pipeline reference for scband-point-source-distributor-62835371541138 (READ-ONLY COPY).

The authoritative reference and input builder live on the scoring server;
editing this copy changes nothing except your own understanding.
"""

import jax, jax.numpy as jnp
import numpy as np


def setup_inputs(seed: int = 0) -> dict:
    key = jax.random.key(seed)
    k1, k2, k3 = jax.random.split(key, 3)
    B, H, W, S = 16, 512, 512, 256
    point_rates = jax.random.uniform(k1, (B, S), dtype=jnp.float32)
    spatial = jax.random.uniform(k2, (B, 2, H, W), dtype=jnp.float32)
    gia = jax.random.uniform(k3, (B, H, W), dtype=jnp.float32)
    g = np.linspace(0.0, 1.0, 16, endpoint=False)
    xx, yy = np.meshgrid(g, g, indexing='ij')
    all_source_coords = jnp.asarray(np.stack([xx.ravel(), yy.ravel()], axis=1), dtype=jnp.float32)
    return {"point_rates": point_rates, "spatial": spatial, "gia": gia, "all_source_coords": all_source_coords}


def reference(point_rates, spatial, gia, all_source_coords):
    B, H, W = gia.shape
    cx = all_source_coords[:, 0]
    cy = all_source_coords[:, 1]
    fields = []
    for b in range(B):
        xmin = spatial[b, 0].min()
        xmax = spatial[b, 0].max()
        ymin = spatial[b, 1].min()
        ymax = spatial[b, 1].max()
        # mask-weighted formulation: sources outside the view contribute exactly 0,
        # matching the torch index_select + scatter-add on the in-view subset
        in_view = ((cx >= xmin) & (cx <= xmax) & (cy >= ymin) & (cy <= ymax)).astype(point_rates.dtype)
        nx = (cx - xmin) / (xmax - xmin)
        ny = (cy - ymin) / (ymax - ymin)
        px = jnp.clip(jnp.round(nx * (W - 1)).astype(jnp.int32), 0, W - 1)
        py = jnp.clip(jnp.round(ny * (H - 1)).astype(jnp.int32), 0, H - 1)
        emissions = point_rates[b] * gia[b, py, px] * in_view
        field = jnp.zeros((H, W), dtype=point_rates.dtype).at[py, px].add(emissions)
        fields.append(field[None])
    return jnp.stack(fields, axis=0)

if __name__ == "__main__":
    import jax
    _d = setup_inputs()
    print(jax.jit(kernel)(*tuple(_d.values())))

</pallas_src>

<mosaic_0001>
#map = affine_map<(d0, d1) -> (0, 0, 0)>
module attributes {stable_mosaic.version = 14 : i64} {
  func.func @_sc_body(%arg0: i32, %arg1: i32, %arg2: memref<16x8x256xf32, #tpu.memory_space<hbm>>, %arg3: memref<16x8x256xi32, #tpu.memory_space<hbm>>, %arg4: memref<16x512x512xf32, #tpu.memory_space<hbm>>, %arg5: memref<64x512xf32, #tpu.memory_space<vmem>>, %arg6: memref<64x512xf32, #tpu.memory_space<vmem>>, %arg7: memref<4x8x256xf32, #tpu.memory_space<vmem>>, %arg8: memref<4x8x256xi32, #tpu.memory_space<vmem>>, %arg9: memref<!tpu.dma_semaphore, #tpu.memory_space<semaphore_mem>>, %arg10: memref<!tpu.dma_semaphore, #tpu.memory_space<semaphore_mem>>, %arg11: memref<!tpu.dma_semaphore, #tpu.memory_space<semaphore_mem>>) attributes {dimension_semantics = [#tpu.dimension_semantics<core_parallel>, #tpu.dimension_semantics<subcore_parallel>], iteration_bounds = array<i64: 2, 16>, scalar_prefetch = 0 : i64, scratch_operands = 7 : i64, tpu.core_type = #tpu.core_type<sc_vector_subcore>, window_params = [{transform_indices = #map}, {transform_indices = #map}, {transform_indices = #map}]} {
    %mul3A = arith.constant 2 : i32
    %mul3A_0 = arith.muli %arg1, %mul3A : i32
    %add3A = arith.addi %mul3A_0, %arg0 : i32
    %broadcast_in_dim3A = arith.constant 0.000000e+00 : f32
    %broadcast_in_dim3A_1 = vector.broadcast %broadcast_in_dim3A : f32 to vector<16xf32>
    %add3A_2 = arith.constant 0 : i32
    %add3A_3 = arith.addi %add3A, %add3A_2 : i32
    %jit3A = arith.constant 8 : i32
    %div3A = arith.divsi %add3A_3, %jit3A : i32
    %sign3A = arith.constant 0 : i32
    %sign3A_4 = arith.cmpi sgt, %add3A_3, %sign3A : i32
    %sign3A_5 = arith.extui %sign3A_4 : i1 to i32
    %sign3A_6 = arith.constant 0 : i32
    %sign3A_7 = arith.cmpi slt, %add3A_3, %sign3A_6 : i32
    %sign3A_8 = arith.extui %sign3A_7 : i1 to i32
    %sign3A_9 = arith.subi %sign3A_5, %sign3A_8 : i32
    %sign3A_10 = arith.constant 0 : i32
    %sign3A_11 = arith.cmpi sgt, %jit3A, %sign3A_10 : i32
    %sign3A_12 = arith.extui %sign3A_11 : i1 to i32
    %sign3A_13 = arith.constant 0 : i32
    %sign3A_14 = arith.cmpi slt, %jit3A, %sign3A_13 : i32
    %sign3A_15 = arith.extui %sign3A_14 : i1 to i32
    %sign3A_16 = arith.subi %sign3A_12, %sign3A_15 : i32
    %ne3A = arith.cmpi ne, %sign3A_9, %sign3A_16 : i32
    %rem3A = arith.remsi %add3A_3, %jit3A : i32
    %ne3A_17 = arith.constant 0 : i32
    %ne3A_18 = arith.cmpi ne, %rem3A, %ne3A_17 : i32
    %and3A = arith.andi %ne3A, %ne3A_18 : i1
    %sub3A = arith.constant 1 : i32
    %sub3A_19 = arith.subi %div3A, %sub3A : i32
    %select_n3A = arith.select %and3A, %sub3A_19, %div3A : i32
    %dma_start3A = arith.constant 0 : i32
    %dma_start3A_20 = arith.constant 0 : i32
    %dma_start3A_21 = arith.constant 0 : i32
    %dma_start3A_22 = tpu.memref_slice %arg7[%dma_start3A, %dma_start3A_20, %dma_start3A_21] : memref<4x8x256xf32, #tpu.memory_space<vmem>> -> memref<1x8x256xf32, #tpu.memory_space<vmem>>
    %dma_start3A_23 = tpu.memref_squeeze %dma_start3A_22 : memref<1x8x256xf32, #tpu.memory_space<vmem>> -> memref<8x256xf32, #tpu.memory_space<vmem>>
    %dma_start3A_24 = arith.constant 0 : i32
    %dma_start3A_25 = arith.constant 0 : i32
    %dma_start3A_26 = tpu.memref_slice %arg2[%select_n3A, %dma_start3A_24, %dma_start3A_25] : memref<16x8x256xf32, #tpu.memory_space<hbm>> -> memref<1x8x256xf32, #tpu.memory_space<hbm>>
    %dma_start3A_27 = tpu.memref_squeeze %dma_start3A_26 : memref<1x8x256xf32, #tpu.memory_space<hbm>> -> memref<8x256xf32, #tpu.memory_space<hbm>>
    %dma_start3A_28 = arith.constant 0 : i32
    %dma_start3A_29 = arith.constant 0 : i32
    %dma_start3A_30 = tpu.memref_slice %arg7[%dma_start3A, %dma_start3A_28, %dma_start3A_29] : memref<4x8x256xf32, #tpu.memory_space<vmem>> -> memref<1x8x256xf32, #tpu.memory_space<vmem>>
    %dma_start3A_31 = tpu.memref_squeeze %dma_start3A_30 : memref<1x8x256xf32, #tpu.memory_space<vmem>> -> memref<8x256xf32, #tpu.memory_space<vmem>>
    %dma_start3A_32 = arith.constant 0 : i32
    %dma_start3A_33 = arith.constant 0 : i32
    %dma_start3A_34 = tpu.memref_slice %arg2[%select_n3A, %dma_start3A_32, %dma_start3A_33] : memref<16x8x256xf32, #tpu.memory_space<hbm>> -> memref<1x8x256xf32, #tpu.memory_space<hbm>>
    %dma_start3A_35 = tpu.memref_squeeze %dma_start3A_34 : memref<1x8x256xf32, #tpu.memory_space<hbm>> -> memref<8x256xf32, #tpu.memory_space<hbm>>
    tpu.enqueue_dma source(%dma_start3A_35 : memref<8x256xf32, #tpu.memory_space<hbm>>) target(%dma_start3A_31 : memref<8x256xf32, #tpu.memory_space<vmem>>) target_semaphore(%arg9 : memref<!tpu.dma_semaphore, #tpu.memory_space<semaphore_mem>>)
    %dma_start3A_36 = arith.constant 0 : i32
    %dma_start3A_37 = arith.constant 0 : i32
    %dma_start3A_38 = arith.constant 0 : i32
    %dma_start3A_39 = tpu.memref_slice %arg8[%dma_start3A_36, %dma_start3A_37, %dma_start3A_38] : memref<4x8x256xi32, #tpu.memory_space<vmem>> -> memref<1x8x256xi32, #tpu.memory_space<vmem>>
    %dma_start3A_40 = tpu.memref_squeeze %dma_start3A_39 : memref<1x8x256xi32, #tpu.memory_space<vmem>> -> memref<8x256xi32, #tpu.memory_space<vmem>>
    %dma_start3A_41 = arith.constant 0 : i32
    %dma_start3A_42 = arith.constant 0 : i32
    %dma_start3A_43 = tpu.memref_slice %arg3[%select_n3A, %dma_start3A_41, %dma_start3A_42] : memref<16x8x256xi32, #tpu.memory_space<hbm>> -> memref<1x8x256xi32, #tpu.memory_space<hbm>>
    %dma_start3A_44 = tpu.memref_squeeze %dma_start3A_43 : memref<1x8x256xi32, #tpu.memory_space<hbm>> -> memref<8x256xi32, #tpu.memory_space<hbm>>
    %dma_start3A_45 = arith.constant 0 : i32
    %dma_start3A_46 = arith.constant 0 : i32
    %dma_start3A_47 = tpu.memref_slice %arg8[%dma_start3A_36, %dma_start3A_45, %dma_start3A_46] : memref<4x8x256xi32, #tpu.memory_space<vmem>> -> memref<1x8x256xi32, #tpu.memory_space<vmem>>
    %dma_start3A_48 = tpu.memref_squeeze %dma_start3A_47 : memref<1x8x256xi32, #tpu.memory_space<vmem>> -> memref<8x256xi32, #tpu.memory_space<vmem>>
    %dma_start3A_49 = arith.constant 0 : i32
    %dma_start3A_50 = arith.constant 0 : i32
    %dma_start3A_51 = tpu.memref_slice %arg3[%select_n3A, %dma_start3A_49, %dma_start3A_50] : memref<16x8x256xi32, #tpu.memory_space<hbm>> -> memref<1x8x256xi32, #tpu.memory_space<hbm>>
    %dma_start3A_52 = tpu.memref_squeeze %dma_start3A_51 : memref<1x8x256xi32, #tpu.memory_space<hbm>> -> memref<8x256xi32, #tpu.memory_space<hbm>>
    tpu.enqueue_dma source(%dma_start3A_52 : memref<8x256xi32, #tpu.memory_space<hbm>>) target(%dma_start3A_48 : memref<8x256xi32, #tpu.memory_space<vmem>>) target_semaphore(%arg9 : memref<!tpu.dma_semaphore, #tpu.memory_space<semaphore_mem>>)
    %add3A_53 = arith.constant 32 : i32
    %add3A_54 = arith.addi %add3A, %add3A_53 : i32
    %jit3A_55 = arith.constant 8 : i32
    %div3A_56 = arith.divsi %add3A_54, %jit3A_55 : i32
    %sign3A_57 = arith.constant 0 : i32
    %sign3A_58 = arith.cmpi sgt, %add3A_54, %sign3A_57 : i32
    %sign3A_59 = arith.extui %sign3A_58 : i1 to i32
    %sign3A_60 = arith.constant 0 : i32
    %sign3A_61 = arith.cmpi slt, %add3A_54, %sign3A_60 : i32
    %sign3A_62 = arith.extui %sign3A_61 : i1 to i32
    %sign3A_63 = arith.subi %sign3A_59, %sign3A_62 : i32
    %sign3A_64 = arith.constant 0 : i32
    %sign3A_65 = arith.cmpi sgt, %jit3A_55, %sign3A_64 : i32
    %sign3A_66 = arith.extui %sign3A_65 : i1 to i32
    %sign3A_67 = arith.constant 0 : i32
    %sign3A_68 = arith.cmpi slt, %jit3A_55, %sign3A_67 : i32
    %sign3A_69 = arith.extui %sign3A_68 : i1 to i32
    %sign3A_70 = arith.subi %sign3A_66, %sign3A_69 : i32
    %ne3A_71 = arith.cmpi ne, %sign3A_63, %sign3A_70 : i32
    %rem3A_72 = arith.remsi %add3A_54, %jit3A_55 : i32
    %ne3A_73 = arith.constant 0 : i32
    %ne3A_74 = arith.cmpi ne, %rem3A_72, %ne3A_73 : i32
    %and3A_75 = arith.andi %ne3A_71, %ne3A_74 : i1
    %sub3A_76 = arith.constant 1 : i32
    %sub3A_77 = arith.subi %div3A_56, %sub3A_76 : i32
    %select_n3A_78 = arith.select %and3A_75, %sub3A_77, %div3A_56 : i32
    %dma_start3A_79 = arith.constant 1 : i32
    %dma_start3A_80 = arith.constant 0 : i32
    %dma_start3A_81 = arith.constant 0 : i32
    %dma_start3A_82 = tpu.memref_slice %arg7[%dma_start3A_79, %dma_start3A_80, %dma_start3A_81] : memref<4x8x256xf32, #tpu.memory_space<vmem>> -> memref<1x8x256xf32, #tpu.memory_space<vmem>>
    %dma_start3A_83 = tpu.memref_squeeze %dma_start3A_82 : memref<1x8x256xf32, #tpu.memory_space<vmem>> -> memref<8x256xf32, #tpu.memory_space<vmem>>
    %dma_start3A_84 = arith.constant 0 : i32
    %dma_start3A_85 = arith.constant 0 : i32
    %dma_start3A_86 = tpu.memref_slice %arg2[%select_n3A_78, %dma_start3A_84, %dma_start3A_85] : memref<16x8x256xf32, #tpu.memory_space<hbm>> -> memref<1x8x256xf32, #tpu.memory_space<hbm>>
    %dma_start3A_87 = tpu.memref_squeeze %dma_start3A_86 : memref<1x8x256xf32, #tpu.memory_space<hbm>> -> memref<8x256xf32, #tpu.memory_space<hbm>>
    %dma_start3A_88 = arith.constant 0 : i32
    %dma_start3A_89 = arith.constant 0 : i32
    %dma_start3A_90 = tpu.memref_slice %arg7[%dma_start3A_79, %dma_start3A_88, %dma_start3A_89] : memref<4x8x256xf32, #tpu.memory_space<vmem>> -> memref<1x8x256xf32, #tpu.memory_space<vmem>>
    %dma_start3A_91 = tpu.memref_squeeze %dma_start3A_90 : memref<1x8x256xf32, #tpu.memory_space<vmem>> -> memref<8x256xf32, #tpu.memory_space<vmem>>
    %dma_start3A_92 = arith.constant 0 : i32
    %dma_start3A_93 = arith.constant 0 : i32
    %dma_start3A_94 = tpu.memref_slice %arg2[%select_n3A_78, %dma_start3A_92, %dma_start3A_93] : memref<16x8x256xf32, #tpu.memory_space<hbm>> -> memref<1x8x256xf32, #tpu.memory_space<hbm>>
    %dma_start3A_95 = tpu.memref_squeeze %dma_start3A_94 : memref<1x8x256xf32, #tpu.memory_space<hbm>> -> memref<8x256xf32, #tpu.memory_space<hbm>>
    tpu.enqueue_dma source(%dma_start3A_95 : memref<8x256xf32, #tpu.memory_space<hbm>>) target(%dma_start3A_91 : memref<8x256xf32, #tpu.memory_space<vmem>>) target_semaphore(%arg9 : memref<!tpu.dma_semaphore, #tpu.memory_space<semaphore_mem>>)
    %dma_start3A_96 = arith.constant 1 : i32
    %dma_start3A_97 = arith.constant 0 : i32
    %dma_start3A_98 = arith.constant 0 : i32
    %dma_start3A_99 = tpu.memref_slice %arg8[%dma_start3A_96, %dma_start3A_97, %dma_start3A_98] : memref<4x8x256xi32, #tpu.memory_space<vmem>> -> memref<1x8x256xi32, #tpu.memory_space<vmem>>
    %dma_start3A_100 = tpu.memref_squeeze %dma_start3A_99 : memref<1x8x256xi32, #tpu.memory_space<vmem>> -> memref<8x256xi32, #tpu.memory_space<vmem>>
    %dma_start3A_101 = arith.constant 0 : i32
    %dma_start3A_102 = arith.constant 0 : i32
    %dma_start3A_103 = tpu.memref_slice %arg3[%select_n3A_78, %dma_start3A_101, %dma_start3A_102] : memref<16x8x256xi32, #tpu.memory_space<hbm>> -> memref<1x8x256xi32, #tpu.memory_space<hbm>>
    %dma_start3A_104 = tpu.memref_squeeze %dma_start3A_103 : memref<1x8x256xi32, #tpu.memory_space<hbm>> -> memref<8x256xi32, #tpu.memory_space<hbm>>
    %dma_start3A_105 = arith.constant 0 : i32
    %dma_start3A_106 = arith.constant 0 : i32
    %dma_start3A_107 = tpu.memref_slice %arg8[%dma_start3A_96, %dma_start3A_105, %dma_start3A_106] : memref<4x8x256xi32, #tpu.memory_space<vmem>> -> memref<1x8x256xi32, #tpu.memory_space<vmem>>
    %dma_start3A_108 = tpu.memref_squeeze %dma_start3A_107 : memref<1x8x256xi32, #tpu.memory_space<vmem>> -> memref<8x256xi32, #tpu.memory_space<vmem>>
    %dma_start3A_109 = arith.constant 0 : i32
    %dma_start3A_110 = arith.constant 0 : i32
    %dma_start3A_111 = tpu.memref_slice %arg3[%select_n3A_78, %dma_start3A_109, %dma_start3A_110] : memref<16x8x256xi32, #tpu.memory_space<hbm>> -> memref<1x8x256xi32, #tpu.memory_space<hbm>>
    %dma_start3A_112 = tpu.memref_squeeze %dma_start3A_111 : memref<1x8x256xi32, #tpu.memory_space<hbm>> -> memref<8x256xi32, #tpu.memory_space<hbm>>
    tpu.enqueue_dma source(%dma_start3A_112 : memref<8x256xi32, #tpu.memory_space<hbm>>) target(%dma_start3A_108 : memref<8x256xi32, #tpu.memory_space<vmem>>) target_semaphore(%arg9 : memref<!tpu.dma_semaphore, #tpu.memory_space<semaphore_mem>>)
    %add3A_113 = arith.constant 64 : i32
    %add3A_114 = arith.addi %add3A, %add3A_113 : i32
    %jit3A_115 = arith.constant 8 : i32
    %div3A_116 = arith.divsi %add3A_114, %jit3A_115 : i32
    %sign3A_117 = arith.constant 0 : i32
    %sign3A_118 = arith.cmpi sgt, %add3A_114, %sign3A_117 : i32
    %sign3A_119 = arith.extui %sign3A_118 : i1 to i32
    %sign3A_120 = arith.constant 0 : i32
    %sign3A_121 = arith.cmpi slt, %add3A_114, %sign3A_120 : i32
    %sign3A_122 = arith.extui %sign3A_121 : i1 to i32
    %sign3A_123 = arith.subi %sign3A_119, %sign3A_122 : i32
    %sign3A_124 = arith.constant 0 : i32
    %sign3A_125 = arith.cmpi sgt, %jit3A_115, %sign3A_124 : i32
    %sign3A_126 = arith.extui %sign3A_125 : i1 to i32
    %sign3A_127 = arith.constant 0 : i32
    %sign3A_128 = arith.cmpi slt, %jit3A_115, %sign3A_127 : i32
    %sign3A_129 = arith.extui %sign3A_128 : i1 to i32
    %sign3A_130 = arith.subi %sign3A_126, %sign3A_129 : i32
    %ne3A_131 = arith.cmpi ne, %sign3A_123, %sign3A_130 : i32
    %rem3A_132 = arith.remsi %add3A_114, %jit3A_115 : i32
    %ne3A_133 = arith.constant 0 : i32
    %ne3A_134 = arith.cmpi ne, %rem3A_132, %ne3A_133 : i32
    %and3A_135 = arith.andi %ne3A_131, %ne3A_134 : i1
    %sub3A_136 = arith.constant 1 : i32
    %sub3A_137 = arith.subi %div3A_116, %sub3A_136 : i32
    %select_n3A_138 = arith.select %and3A_135, %sub3A_137, %div3A_116 : i32
    %dma_start3A_139 = arith.constant 2 : i32
    %dma_start3A_140 = arith.constant 0 : i32
    %dma_start3A_141 = arith.constant 0 : i32
    %dma_start3A_142 = tpu.memref_slice %arg7[%dma_start3A_139, %dma_start3A_140, %dma_start3A_141] : memref<4x8x256xf32, #tpu.memory_space<vmem>> -> memref<1x8x256xf32, #tpu.memory_space<vmem>>
    %dma_start3A_143 = tpu.memref_squeeze %dma_start3A_142 : memref<1x8x256xf32, #tpu.memory_space<vmem>> -> memref<8x256xf32, #tpu.memory_space<vmem>>
    %dma_start3A_144 = arith.constant 0 : i32
    %dma_start3A_145 = arith.constant 0 : i32
    %dma_start3A_146 = tpu.memref_slice %arg2[%select_n3A_138, %dma_start3A_144, %dma_start3A_145] : memref<16x8x256xf32, #tpu.memory_space<hbm>> -> memref<1x8x256xf32, #tpu.memory_space<hbm>>
    %dma_start3A_147 = tpu.memref_squeeze %dma_start3A_146 : memref<1x8x256xf32, #tpu.memory_space<hbm>> -> memref<8x256xf32, #tpu.memory_space<hbm>>
    %dma_start3A_148 = arith.constant 0 : i32
    %dma_start3A_149 = arith.constant 0 : i32
    %dma_start3A_150 = tpu.memref_slice %arg7[%dma_start3A_139, %dma_start3A_148, %dma_start3A_149] : memref<4x8x256xf32, #tpu.memory_space<vmem>> -> memref<1x8x256xf32, #tpu.memory_space<vmem>>
    %dma_start3A_151 = tpu.memref_squeeze %dma_start3A_150 : memref<1x8x256xf32, #tpu.memory_space<vmem>> -> memref<8x256xf32, #tpu.memory_space<vmem>>
    %dma_start3A_152 = arith.constant 0 : i32
    %dma_start3A_153 = arith.constant 0 : i32
    %dma_start3A_154 = tpu.memref_slice %arg2[%select_n3A_138, %dma_start3A_152, %dma_start3A_153] : memref<16x8x256xf32, #tpu.memory_space<hbm>> -> memref<1x8x256xf32, #tpu.memory_space<hbm>>
    %dma_start3A_155 = tpu.memref_squeeze %dma_start3A_154 : memref<1x8x256xf32, #tpu.memory_space<hbm>> -> memref<8x256xf32, #tpu.memory_space<hbm>>
    tpu.enqueue_dma source(%dma_start3A_155 : memref<8x256xf32, #tpu.memory_space<hbm>>) target(%dma_start3A_151 : memref<8x256xf32, #tpu.memory_space<vmem>>) target_semaphore(%arg9 : memref<!tpu.dma_semaphore, #tpu.memory_space<semaphore_mem>>)
    %dma_start3A_156 = arith.constant 2 : i32
    %dma_start3A_157 = arith.constant 0 : i32
    %dma_start3A_158 = arith.constant 0 : i32
    %dma_start3A_159 = tpu.memref_slice %arg8[%dma_start3A_156, %dma_start3A_157, %dma_start3A_158] : memref<4x8x256xi32, #tpu.memory_space<vmem>> -> memref<1x8x256xi32, #tpu.memory_space<vmem>>
    %dma_start3A_160 = tpu.memref_squeeze %dma_start3A_159 : memref<1x8x256xi32, #tpu.memory_space<vmem>> -> memref<8x256xi32, #tpu.memory_space<vmem>>
    %dma_start3A_161 = arith.constant 0 : i32
    %dma_start3A_162 = arith.constant 0 : i32
    %dma_start3A_163 = tpu.memref_slice %arg3[%select_n3A_138, %dma_start3A_161, %dma_start3A_162] : memref<16x8x256xi32, #tpu.memory_space<hbm>> -> memref<1x8x256xi32, #tpu.memory_space<hbm>>
    %dma_start3A_164 = tpu.memref_squeeze %dma_start3A_163 : memref<1x8x256xi32, #tpu.memory_space<hbm>> -> memref<8x256xi32, #tpu.memory_space<hbm>>
    %dma_start3A_165 = arith.constant 0 : i32
    %dma_start3A_166 = arith.constant 0 : i32
    %dma_start3A_167 = tpu.memref_slice %arg8[%dma_start3A_156, %dma_start3A_165, %dma_start3A_166] : memref<4x8x256xi32, #tpu.memory_space<vmem>> -> memref<1x8x256xi32, #tpu.memory_space<vmem>>
    %dma_start3A_168 = tpu.memref_squeeze %dma_start3A_167 : memref<1x8x256xi32, #tpu.memory_space<vmem>> -> memref<8x256xi32, #tpu.memory_space<vmem>>
    %dma_start3A_169 = arith.constant 0 : i32
    %dma_start3A_170 = arith.constant 0 : i32
    %dma_start3A_171 = tpu.memref_slice %arg3[%select_n3A_138, %dma_start3A_169, %dma_start3A_170] : memref<16x8x256xi32, #tpu.memory_space<hbm>> -> memref<1x8x256xi32, #tpu.memory_space<hbm>>
    %dma_start3A_172 = tpu.memref_squeeze %dma_start3A_171 : memref<1x8x256xi32, #tpu.memory_space<hbm>> -> memref<8x256xi32, #tpu.memory_space<hbm>>
    tpu.enqueue_dma source(%dma_start3A_172 : memref<8x256xi32, #tpu.memory_space<hbm>>) target(%dma_start3A_168 : memref<8x256xi32, #tpu.memory_space<vmem>>) target_semaphore(%arg9 : memref<!tpu.dma_semaphore, #tpu.memory_space<semaphore_mem>>)
    %add3A_173 = arith.constant 96 : i32
    %add3A_174 = arith.addi %add3A, %add3A_173 : i32
    %jit3A_175 = arith.constant 8 : i32
    %div3A_176 = arith.divsi %add3A_174, %jit3A_175 : i32
    %sign3A_177 = arith.constant 0 : i32
    %sign3A_178 = arith.cmpi sgt, %add3A_174, %sign3A_177 : i32
    %sign3A_179 = arith.extui %sign3A_178 : i1 to i32
    %sign3A_180 = arith.constant 0 : i32
    %sign3A_181 = arith.cmpi slt, %add3A_174, %sign3A_180 : i32
    %sign3A_182 = arith.extui %sign3A_181 : i1 to i32
    %sign3A_183 = arith.subi %sign3A_179, %sign3A_182 : i32
    %sign3A_184 = arith.constant 0 : i32
    %sign3A_185 = arith.cmpi sgt, %jit3A_175, %sign3A_184 : i32
    %sign3A_186 = arith.extui %sign3A_185 : i1 to i32
    %sign3A_187 = arith.constant 0 : i32
    %sign3A_188 = arith.cmpi slt, %jit3A_175, %sign3A_187 : i32
    %sign3A_189 = arith.extui %sign3A_188 : i1 to i32
    %sign3A_190 = arith.subi %sign3A_186, %sign3A_189 : i32
    %ne3A_191 = arith.cmpi ne, %sign3A_183, %sign3A_190 : i32
    %rem3A_192 = arith.remsi %add3A_174, %jit3A_175 : i32
    %ne3A_193 = arith.constant 0 : i32
    %ne3A_194 = arith.cmpi ne, %rem3A_192, %ne3A_193 : i32
    %and3A_195 = arith.andi %ne3A_191, %ne3A_194 : i1
    %sub3A_196 = arith.constant 1 : i32
    %sub3A_197 = arith.subi %div3A_176, %sub3A_196 : i32
    %select_n3A_198 = arith.select %and3A_195, %sub3A_197, %div3A_176 : i32
    %dma_start3A_199 = arith.constant 3 : i32
    %dma_start3A_200 = arith.constant 0 : i32
    %dma_start3A_201 = arith.constant 0 : i32
    %dma_start3A_202 = tpu.memref_slice %arg7[%dma_start3A_199, %dma_start3A_200, %dma_start3A_201] : memref<4x8x256xf32, #tpu.memory_space<vmem>> -> memref<1x8x256xf32, #tpu.memory_space<vmem>>
    %dma_start3A_203 = tpu.memref_squeeze %dma_start3A_202 : memref<1x8x256xf32, #tpu.memory_space<vmem>> -> memref<8x256xf32, #tpu.memory_space<vmem>>
    %dma_start3A_204 = arith.constant 0 : i32
    %dma_start3A_205 = arith.constant 0 : i32
    %dma_start3A_206 = tpu.memref_slice %arg2[%select_n3A_198, %dma_start3A_204, %dma_start3A_205] : memref<16x8x256xf32, #tpu.memory_space<hbm>> -> memref<1x8x256xf32, #tpu.memory_space<hbm>>
    %dma_start3A_207 = tpu.memref_squeeze %dma_start3A_206 : memref<1x8x256xf32, #tpu.memory_space<hbm>> -> memref<8x256xf32, #tpu.memory_space<hbm>>
    %dma_start3A_208 = arith.constant 0 : i32
    %dma_start3A_209 = arith.constant 0 : i32
    %dma_start3A_210 = tpu.memref_slice %arg7[%dma_start3A_199, %dma_start3A_208, %dma_start3A_209] : memref<4x8x256xf32, #tpu.memory_space<vmem>> -> memref<1x8x256xf32, #tpu.memory_space<vmem>>
    %dma_start3A_211 = tpu.memref_squeeze %dma_start3A_210 : memref<1x8x256xf32, #tpu.memory_space<vmem>> -> memref<8x256xf32, #tpu.memory_space<vmem>>
    %dma_start3A_212 = arith.constant 0 : i32
    %dma_start3A_213 = arith.constant 0 : i32
    %dma_start3A_214 = tpu.memref_slice %arg2[%select_n3A_198, %dma_start3A_212, %dma_start3A_213] : memref<16x8x256xf32, #tpu.memory_space<hbm>> -> memref<1x8x256xf32, #tpu.memory_space<hbm>>
    %dma_start3A_215 = tpu.memref_squeeze %dma_start3A_214 : memref<1x8x256xf32, #tpu.memory_space<hbm>> -> memref<8x256xf32, #tpu.memory_space<hbm>>
    tpu.enqueue_dma source(%dma_start3A_215 : memref<8x256xf32, #tpu.memory_space<hbm>>) target(%dma_start3A_211 : memref<8x256xf32, #tpu.memory_space<vmem>>) target_semaphore(%arg9 : memref<!tpu.dma_semaphore, #tpu.memory_space<semaphore_mem>>)
    %dma_start3A_216 = arith.constant 3 : i32
    %dma_start3A_217 = arith.constant 0 : i32
    %dma_start3A_218 = arith.constant 0 : i32
    %dma_start3A_219 = tpu.memref_slice %arg8[%dma_start3A_216, %dma_start3A_217, %dma_start3A_218] : memref<4x8x256xi32, #tpu.memory_space<vmem>> -> memref<1x8x256xi32, #tpu.memory_space<vmem>>
    %dma_start3A_220 = tpu.memref_squeeze %dma_start3A_219 : memref<1x8x256xi32, #tpu.memory_space<vmem>> -> memref<8x256xi32, #tpu.memory_space<vmem>>
    %dma_start3A_221 = arith.constant 0 : i32
    %dma_start3A_222 = arith.constant 0 : i32
    %dma_start3A_223 = tpu.memref_slice %arg3[%select_n3A_198, %dma_start3A_221, %dma_start3A_222] : memref<16x8x256xi32, #tpu.memory_space<hbm>> -> memref<1x8x256xi32, #tpu.memory_space<hbm>>
    %dma_start3A_224 = tpu.memref_squeeze %dma_start3A_223 : memref<1x8x256xi32, #tpu.memory_space<hbm>> -> memref<8x256xi32, #tpu.memory_space<hbm>>
    %dma_start3A_225 = arith.constant 0 : i32
    %dma_start3A_226 = arith.constant 0 : i32
    %dma_start3A_227 = tpu.memref_slice %arg8[%dma_start3A_216, %dma_start3A_225, %dma_start3A_226] : memref<4x8x256xi32, #tpu.memory_space<vmem>> -> memref<1x8x256xi32, #tpu.memory_space<vmem>>
    %dma_start3A_228 = tpu.memref_squeeze %dma_start3A_227 : memref<1x8x256xi32, #tpu.memory_space<vmem>> -> memref<8x256xi32, #tpu.memory_space<vmem>>
    %dma_start3A_229 = arith.constant 0 : i32
    %dma_start3A_230 = arith.constant 0 : i32
    %dma_start3A_231 = tpu.memref_slice %arg3[%select_n3A_198, %dma_start3A_229, %dma_start3A_230] : memref<16x8x256xi32, #tpu.memory_space<hbm>> -> memref<1x8x256xi32, #tpu.memory_space<hbm>>
    %dma_start3A_232 = tpu.memref_squeeze %dma_start3A_231 : memref<1x8x256xi32, #tpu.memory_space<hbm>> -> memref<8x256xi32, #tpu.memory_space<hbm>>
    tpu.enqueue_dma source(%dma_start3A_232 : memref<8x256xi32, #tpu.memory_space<hbm>>) target(%dma_start3A_228 : memref<8x256xi32, #tpu.memory_space<vmem>>) target_semaphore(%arg9 : memref<!tpu.dma_semaphore, #tpu.memory_space<semaphore_mem>>)
    %add3A_233 = arith.constant 0 : i32
    %add3A_234 = arith.addi %add3A, %add3A_233 : i32
    %jit3A_235 = arith.constant 8 : i32
    %div3A_236 = arith.divsi %add3A_234, %jit3A_235 : i32
    %sign3A_237 = arith.constant 0 : i32
    %sign3A_238 = arith.cmpi sgt, %add3A_234, %sign3A_237 : i32
    %sign3A_239 = arith.extui %sign3A_238 : i1 to i32
    %sign3A_240 = arith.constant 0 : i32
    %sign3A_241 = arith.cmpi slt, %add3A_234, %sign3A_240 : i32
    %sign3A_242 = arith.extui %sign3A_241 : i1 to i32
    %sign3A_243 = arith.subi %sign3A_239, %sign3A_242 : i32
    %sign3A_244 = arith.constant 0 : i32
    %sign3A_245 = arith.cmpi sgt, %jit3A_235, %sign3A_244 : i32
    %sign3A_246 = arith.extui %sign3A_245 : i1 to i32
    %sign3A_247 = arith.constant 0 : i32
    %sign3A_248 = arith.cmpi slt, %jit3A_235, %sign3A_247 : i32
    %sign3A_249 = arith.extui %sign3A_248 : i1 to i32
    %sign3A_250 = arith.subi %sign3A_246, %sign3A_249 : i32
    %ne3A_251 = arith.cmpi ne, %sign3A_243, %sign3A_250 : i32
    %rem3A_252 = arith.remsi %add3A_234, %jit3A_235 : i32
    %ne3A_253 = arith.constant 0 : i32
    %ne3A_254 = arith.cmpi ne, %rem3A_252, %ne3A_253 : i32
    %and3A_255 = arith.andi %ne3A_251, %ne3A_254 : i1
    %sub3A_256 = arith.constant 1 : i32
    %sub3A_257 = arith.subi %div3A_236, %sub3A_256 : i32
    %select_n3A_258 = arith.select %and3A_255, %sub3A_257, %div3A_236 : i32
    %jit3A_259 = arith.constant 8 : i32
    %eq3A = arith.constant 0 : i32
    %eq3A_260 = arith.cmpi eq, %jit3A_259, %eq3A : i32
    %jit3A_261 = arith.constant 1 : i32
    %select_n3A_262 = arith.select %eq3A_260, %jit3A_261, %jit3A_259 : i32
    %rem3A_263 = arith.remsi %add3A_234, %select_n3A_262 : i32
    %ne3A_264 = arith.constant 0 : i32
    %ne3A_265 = arith.cmpi ne, %rem3A_263, %ne3A_264 : i32
    %lt3A = arith.constant 0 : i32
    %lt3A_266 = arith.cmpi slt, %rem3A_263, %lt3A : i32
    %lt3A_267 = arith.constant 0 : i32
    %lt3A_268 = arith.cmpi slt, %select_n3A_262, %lt3A_267 : i32
    %ne3A_269 = arith.xori %lt3A_266, %lt3A_268 : i1
    %and3A_270 = arith.andi %ne3A_269, %ne3A_265 : i1
    %add3A_271 = arith.addi %rem3A_263, %select_n3A_262 : i32
    %select_n3A_272 = arith.select %and3A_270, %add3A_271, %rem3A_263 : i32
    %scan3A = arith.constant 0 : i32
    %scan3A_273 = arith.constant 0 : i32
    %scan3A_274 = arith.constant 32 : i32
    %scan3A_275 = arith.addi %scan3A_273, %scan3A_274 : i32
    %scan3A_276 = arith.constant 1 : i32
    scf.for %scan3A_2984 = %scan3A_273 to %scan3A_275 step %scan3A_276  : i32 {
      %mul3A_2985 = arith.constant 2 : i32
      %mul3A_2986 = arith.muli %scan3A_2984, %mul3A_2985 : i32
      %add3A_2987 = arith.constant 0 : i32
      %add3A_2988 = arith.addi %mul3A_2986, %add3A_2987 : i32
      %swap3A = arith.index_cast %add3A_2988 : i32 to index
      %swap3A_2989 = arith.constant 0 : index
      %swap3A_2990 = tpu.vector_load %arg5[%swap3A, %swap3A_2989] {strides = array<i32>} : memref<64x512xf32, #tpu.memory_space<vmem>>, vector<16xf32>,
      tpu.vector_store %arg5[%swap3A, %swap3A_2989], %broadcast_in_dim3A_1 {strides = array<i32>} : memref<64x512xf32, #tpu.memory_space<vmem>>, vector<16xf32>,
      %mul3A_2991 = arith.constant 2 : i32
      %mul3A_2992 = arith.muli %scan3A_2984, %mul3A_2991 : i32
      %add3A_2993 = arith.constant 0 : i32
      %add3A_2994 = arith.addi %mul3A_2992, %add3A_2993 : i32
      %swap3A_2995 = arith.index_cast %add3A_2994 : i32 to index
      %swap3A_2996 = arith.constant 16 : index
      %swap3A_2997 = tpu.vector_load %arg5[%swap3A_2995, %swap3A_2996] {strides = array<i32>} : memref<64x512xf32, #tpu.memory_space<vmem>>, vector<16xf32>,
      tpu.vector_store %arg5[%swap3A_2995, %swap3A_2996], %broadcast_in_dim3A_1 {strides = array<i32>} : memref<64x512xf32, #tpu.memory_space<vmem>>, vector<16xf32>,
      %mul3A_2998 = arith.constant 2 : i32
      %mul3A_2999 = arith.muli %scan3A_2984, %mul3A_2998 : i32
      %add3A_3000 = arith.constant 0 : i32
      %add3A_3001 = arith.addi %mul3A_2999, %add3A_3000 : i32
      %swap3A_3002 = arith.index_cast %add3A_3001 : i32 to index
      %swap3A_3003 = arith.constant 32 : index
      %swap3A_3004 = tpu.vector_load %arg5[%swap3A_3002, %swap3A_3003] {strides = array<i32>} : memref<64x512xf32, #tpu.memory_space<vmem>>, vector<16xf32>,
      tpu.vector_store %arg5[%swap3A_3002, %swap3A_3003], %broadcast_in_dim3A_1 {strides = array<i32>} : memref<64x512xf32, #tpu.memory_space<vmem>>, vector<16xf32>,
      %mul3A_3005 = arith.constant 2 : i32
      %mul3A_3006 = arith.muli %scan3A_2984, %mul3A_3005 : i32
      %add3A_3007 = arith.constant 0 : i32
      %add3A_3008 = arith.addi %mul3A_3006, %add3A_3007 : i32
      %swap3A_3009 = arith.index_cast %add3A_3008 : i32 to index
      %swap3A_3010 = arith.constant 48 : index
      %swap3A_3011 = tpu.vector_load %arg5[%swap3A_3009, %swap3A_3010] {strides = array<i32>} : memref<64x512xf32, #tpu.memory_space<vmem>>, vector<16xf32>,
      tpu.vector_store %arg5[%swap3A_3009, %swap3A_3010], %broadcast_in_dim3A_1 {strides = array<i32>} : memref<64x512xf32, #tpu.memory_space<vmem>>, vector<16xf32>,
      %mul3A_3012 = arith.constant 2 : i32
      %mul3A_3013 = arith.muli %scan3A_2984, %mul3A_3012 : i32
      %add3A_3014 = arith.constant 0 : i32
      %add3A_3015 = arith.addi %mul3A_3013, %add3A_3014 : i32
      %swap3A_3016 = arith.index_cast %add3A_3015 : i32 to index
      %swap3A_3017 = arith.constant 64 : index
      %swap3A_3018 = tpu.vector_load %arg5[%swap3A_3016, %swap3A_3017] {strides = array<i32>} : memref<64x512xf32, #tpu.memory_space<vmem>>, vector<16xf32>,
      tpu.vector_store %arg5[%swap3A_3016, %swap3A_3017], %broadcast_in_dim3A_1 {strides = array<i32>} : memref<64x512xf32, #tpu.memory_space<vmem>>, vector<16xf32>,
      %mul3A_3019 = arith.constant 2 : i32
      %mul3A_3020 = arith.muli %scan3A_2984, %mul3A_3019 : i32
      %add3A_3021 = arith.constant 0 : i32
      %add3A_3022 = arith.addi %mul3A_3020, %add3A_3021 : i32
      %swap3A_3023 = arith.index_cast %add3A_3022 : i32 to index
      %swap3A_3024 = arith.constant 80 : index
      %swap3A_3025 = tpu.vector_load %arg5[%swap3A_3023, %swap3A_3024] {strides = array<i32>} : memref<64x512xf32, #tpu.memory_space<vmem>>, vector<16xf32>,
      tpu.vector_store %arg5[%swap3A_3023, %swap3A_3024], %broadcast_in_dim3A_1 {strides = array<i32>} : memref<64x512xf32, #tpu.memory_space<vmem>>, vector<16xf32>,
      %mul3A_3026 = arith.constant 2 : i32
      %mul3A_3027 = arith.muli %scan3A_2984, %mul3A_3026 : i32
      %add3A_3028 = arith.constant 0 : i32
      %add3A_3029 = arith.addi %mul3A_3027, %add3A_3028 : i32
      %swap3A_3030 = arith.index_cast %add3A_3029 : i32 to index
      %swap3A_3031 = arith.constant 96 : index
      %swap3A_3032 = tpu.vector_load %arg5[%swap3A_3030, %swap3A_3031] {strides = array<i32>} : memref<64x512xf32, #tpu.memory_space<vmem>>, vector<16xf32>,
      tpu.vector_store %arg5[%swap3A_3030, %swap3A_3031], %broadcast_in_dim3A_1 {strides = array<i32>} : memref<64x512xf32, #tpu.memory_space<vmem>>, vector<16xf32>,
      %mul3A_3033 = arith.constant 2 : i32
      %mul3A_3034 = arith.muli %scan3A_2984, %mul3A_3033 : i32
      %add3A_3035 = arith.constant 0 : i32
      %add3A_3036 = arith.addi %mul3A_3034, %add3A_3035 : i32
      %swap3A_3037 = arith.index_cast %add3A_3036 : i32 to index
      %swap3A_3038 = arith.constant 112 : index
      %swap3A_3039 = tpu.vector_load %arg5[%swap3A_3037, %swap3A_3038] {strides = array<i32>} : memref<64x512xf32, #tpu.memory_space<vmem>>, vector<16xf32>,
      tpu.vector_store %arg5[%swap3A_3037, %swap3A_3038], %broadcast_in_dim3A_1 {strides = array<i32>} : memref<64x512xf32, #tpu.memory_space<vmem>>, vector<16xf32>,
      %mul3A_3040 = arith.constant 2 : i32
      %mul3A_3041 = arith.muli %scan3A_2984, %mul3A_3040 : i32
      %add3A_3042 = arith.constant 0 : i32
      %add3A_3043 = arith.addi %mul3A_3041, %add3A_3042 : i32
      %swap3A_3044 = arith.index_cast %add3A_3043 : i32 to index
      %swap3A_3045 = arith.constant 128 : index
      %swap3A_3046 = tpu.vector_load %arg5[%swap3A_3044, %swap3A_3045] {strides = array<i32>} : memref<64x512xf32, #tpu.memory_space<vmem>>, vector<16xf32>,
      tpu.vector_store %arg5[%swap3A_3044, %swap3A_3045], %broadcast_in_dim3A_1 {strides = array<i32>} : memref<64x512xf32, #tpu.memory_space<vmem>>, vector<16xf32>,
      %mul3A_3047 = arith.constant 2 : i32
      %mul3A_3048 = arith.muli %scan3A_2984, %mul3A_3047 : i32
      %add3A_3049 = arith.constant 0 : i32
      %add3A_3050 = arith.addi %mul3A_3048, %add3A_3049 : i32
      %swap3A_3051 = arith.index_cast %add3A_3050 : i32 to index
      %swap3A_3052 = arith.constant 144 : index
      %swap3A_3053 = tpu.vector_load %arg5[%swap3A_3051, %swap3A_3052] {strides = array<i32>} : memref<64x512xf32, #tpu.memory_space<vmem>>, vector<16xf32>,
      tpu.vector_store %arg5[%swap3A_3051, %swap3A_3052], %broadcast_in_dim3A_1 {strides = array<i32>} : memref<64x512xf32, #tpu.memory_space<vmem>>, vector<16xf32>,
      %mul3A_3054 = arith.constant 2 : i32
      %mul3A_3055 = arith.muli %scan3A_2984, %mul3A_3054 : i32
      %add3A_3056 = arith.constant 0 : i32
      %add3A_3057 = arith.addi %mul3A_3055, %add3A_3056 : i32
      %swap3A_3058 = arith.index_cast %add3A_3057 : i32 to index
      %swap3A_3059 = arith.constant 160 : index
      %swap3A_3060 = tpu.vector_load %arg5[%swap3A_3058, %swap3A_3059] {strides = array<i32>} : memref<64x512xf32, #tpu.memory_space<vmem>>, vector<16xf32>,
      tpu.vector_store %arg5[%swap3A_3058, %swap3A_3059], %broadcast_in_dim3A_1 {strides = array<i32>} : memref<64x512xf32, #tpu.memory_space<vmem>>, vector<16xf32>,
      %mul3A_3061 = arith.constant 2 : i32
      %mul3A_3062 = arith.muli %scan3A_2984, %mul3A_3061 : i32
      %add3A_3063 = arith.constant 0 : i32
      %add3A_3064 = arith.addi %mul3A_3062, %add3A_3063 : i32
      %swap3A_3065 = arith.index_cast %add3A_3064 : i32 to index
      %swap3A_3066 = arith.constant 176 : index
      %swap3A_3067 = tpu.vector_load %arg5[%swap3A_3065, %swap3A_3066] {strides = array<i32>} : memref<64x512xf32, #tpu.memory_space<vmem>>, vector<16xf32>,
      tpu.vector_store %arg5[%swap3A_3065, %swap3A_3066], %broadcast_in_dim3A_1 {strides = array<i32>} : memref<64x512xf32, #tpu.memory_space<vmem>>, vector<16xf32>,
      %mul3A_3068 = arith.constant 2 : i32
      %mul3A_3069 = arith.muli %scan3A_2984, %mul3A_3068 : i32
      %add3A_3070 = arith.constant 0 : i32
      %add3A_3071 = arith.addi %mul3A_3069, %add3A_3070 : i32
      %swap3A_3072 = arith.index_cast %add3A_3071 : i32 to index
      %swap3A_3073 = arith.constant 192 : index
      %swap3A_3074 = tpu.vector_load %arg5[%swap3A_3072, %swap3A_3073] {strides = array<i32>} : memref<64x512xf32, #tpu.memory_space<vmem>>, vector<16xf32>,
      tpu.vector_store %arg5[%swap3A_3072, %swap3A_3073], %broadcast_in_dim3A_1 {strides = array<i32>} : memref<64x512xf32, #tpu.memory_space<vmem>>, vector<16xf32>,
      %mul3A_3075 = arith.constant 2 : i32
      %mul3A_3076 = arith.muli %scan3A_2984, %mul3A_3075 : i32
      %add3A_3077 = arith.constant 0 : i32
      %add3A_3078 = arith.addi %mul3A_3076, %add3A_3077 : i32
      %swap3A_3079 = arith.index_cast %add3A_3078 : i32 to index
      %swap3A_3080 = arith.constant 208 : index
      %swap3A_3081 = tpu.vector_load %arg5[%swap3A_3079, %swap3A_3080] {strides = array<i32>} : memref<64x512xf32, #tpu.memory_space<vmem>>, vector<16xf32>,
      tpu.vector_store %arg5[%swap3A_3079, %swap3A_3080], %broadcast_in_dim3A_1 {strides = array<i32>} : memref<64x512xf32, #tpu.memory_space<vmem>>, vector<16xf32>,
      %mul3A_3082 = arith.constant 2 : i32
      %mul3A_3083 = arith.muli %scan3A_2984, %mul3A_3082 : i32
      %add3A_3084 = arith.constant 0 : i32
      %add3A_3085 = arith.addi %mul3A_3083, %add3A_3084 : i32
      %swap3A_3086 = arith.index_cast %add3A_3085 : i32 to index
      %swap3A_3087 = arith.constant 224 : index
      %swap3A_3088 = tpu.vector_load %arg5[%swap3A_3086, %swap3A_3087] {strides = array<i32>} : memref<64x512xf32, #tpu.memory_space<vmem>>, vector<16xf32>,
      tpu.vector_store %arg5[%swap3A_3086, %swap3A_3087], %broadcast_in_dim3A_1 {strides = array<i32>} : memref<64x512xf32, #tpu.memory_space<vmem>>, vector<16xf32>,
      %mul3A_3089 = arith.constant 2 : i32
      %mul3A_3090 = arith.muli %scan3A_2984, %mul3A_3089 : i32
      %add3A_3091 = arith.constant 0 : i32
      %add3A_3092 = arith.addi %mul3A_3090, %add3A_3091 : i32
      %swap3A_3093 = arith.index_cast %add3A_3092 : i32 to index
      %swap3A_3094 = arith.constant 240 : index
      %swap3A_3095 = tpu.vector_load %arg5[%swap3A_3093, %swap3A_3094] {strides = array<i32>} : memref<64x512xf32, #tpu.memory_space<vmem>>, vector<16xf32>,
      tpu.vector_store %arg5[%swap3A_3093, %swap3A_3094], %broadcast_in_dim3A_1 {strides = array<i32>} : memref<64x512xf32, #tpu.memory_space<vmem>>, vector<16xf32>,
      %mul3A_3096 = arith.constant 2 : i32
      %mul3A_3097 = arith.muli %scan3A_2984, %mul3A_3096 : i32
      %add3A_3098 = arith.constant 0 : i32
      %add3A_3099 = arith.addi %mul3A_3097, %add3A_3098 : i32
      %swap3A_3100 = arith.index_cast %add3A_3099 : i32 to index
      %swap3A_3101 = arith.constant 256 : index
      %swap3A_3102 = tpu.vector_load %arg5[%swap3A_3100, %swap3A_3101] {strides = array<i32>} : memref<64x512xf32, #tpu.memory_space<vmem>>, vector<16xf32>,
      tpu.vector_store %arg5[%swap3A_3100, %swap3A_3101], %broadcast_in_dim3A_1 {strides = array<i32>} : memref<64x512xf32, #tpu.memory_space<vmem>>, vector<16xf32>,
      %mul3A_3103 = arith.constant 2 : i32
      %mul3A_3104 = arith.muli %scan3A_2984, %mul3A_3103 : i32
      %add3A_3105 = arith.constant 0 : i32
      %add3A_3106 = arith.addi %mul3A_3104, %add3A_3105 : i32
      %swap3A_3107 = arith.index_cast %add3A_3106 : i32 to index
      %swap3A_3108 = arith.constant 272 : index
      %swap3A_3109 = tpu.vector_load %arg5[%swap3A_3107, %swap3A_3108] {strides = array<i32>} : memref<64x512xf32, #tpu.memory_space<vmem>>, vector<16xf32>,
      tpu.vector_store %arg5[%swap3A_3107, %swap3A_3108], %broadcast_in_dim3A_1 {strides = array<i32>} : memref<64x512xf32, #tpu.memory_space<vmem>>, vector<16xf32>,
      %mul3A_3110 = arith.constant 2 : i32
      %mul3A_3111 = arith.muli %scan3A_2984, %mul3A_3110 : i32
      %add3A_3112 = arith.constant 0 : i32
      %add3A_3113 = arith.addi %mul3A_3111, %add3A_3112 : i32
      %swap3A_3114 = arith.index_cast %add3A_3113 : i32 to index
      %swap3A_3115 = arith.constant 288 : index
      %swap3A_3116 = tpu.vector_load %arg5[%swap3A_3114, %swap3A_3115] {strides = array<i32>} : memref<64x512xf32, #tpu.memory_space<vmem>>, vector<16xf32>,
      tpu.vector_store %arg5[%swap3A_3114, %swap3A_3115], %broadcast_in_dim3A_1 {strides = array<i32>} : memref<64x512xf32, #tpu.memory_space<vmem>>, vector<16xf32>,
      %mul3A_3117 = arith.constant 2 : i32
      %mul3A_3118 = arith.muli %scan3A_2984, %mul3A_3117 : i32
      %add3A_3119 = arith.constant 0 : i32
      %add3A_3120 = arith.addi %mul3A_3118, %add3A_3119 : i32
      %swap3A_3121 = arith.index_cast %add3A_3120 : i32 to index
      %swap3A_3122 = arith.constant 304 : index
      %swap3A_3123 = tpu.vector_load %arg5[%swap3A_3121, %swap3A_3122] {strides = array<i32>} : memref<64x512xf32, #tpu.memory_space<vmem>>, vector<16xf32>,
      tpu.vector_store %arg5[%swap3A_3121, %swap3A_3122], %broadcast_in_dim3A_1 {strides = array<i32>} : memref<64x512xf32, #tpu.memory_space<vmem>>, vector<16xf32>,
      %mul3A_3124 = arith.constant 2 : i32
      %mul3A_3125 = arith.muli %scan3A_2984, %mul3A_3124 : i32
      %add3A_3126 = arith.constant 0 : i32
      %add3A_3127 = arith.addi %mul3A_3125, %add3A_3126 : i32
      %swap3A_3128 = arith.index_cast %add3A_3127 : i32 to index
      %swap3A_3129 = arith.constant 320 : index
      %swap3A_3130 = tpu.vector_load %arg5[%swap3A_3128, %swap3A_3129] {strides = array<i32>} : memref<64x512xf32, #tpu.memory_space<vmem>>, vector<16xf32>,
      tpu.vector_store %arg5[%swap3A_3128, %swap3A_3129], %broadcast_in_dim3A_1 {strides = array<i32>} : memref<64x512xf32, #tpu.memory_space<vmem>>, vector<16xf32>,
      %mul3A_3131 = arith.constant 2 : i32
      %mul3A_3132 = arith.muli %scan3A_2984, %mul3A_3131 : i32
      %add3A_3133 = arith.constant 0 : i32
      %add3A_3134 = arith.addi %mul3A_3132, %add3A_3133 : i32
      %swap3A_3135 = arith.index_cast %add3A_3134 : i32 to index
      %swap3A_3136 = arith.constant 336 : index
      %swap3A_3137 = tpu.vector_load %arg5[%swap3A_3135, %swap3A_3136] {strides = array<i32>} : memref<64x512xf32, #tpu.memory_space<vmem>>, vector<16xf32>,
      tpu.vector_store %arg5[%swap3A_3135, %swap3A_3136], %broadcast_in_dim3A_1 {strides = array<i32>} : memref<64x512xf32, #tpu.memory_space<vmem>>, vector<16xf32>,
      %mul3A_3138 = arith.constant 2 : i32
      %mul3A_3139 = arith.muli %scan3A_2984, %mul3A_3138 : i32
      %add3A_3140 = arith.constant 0 : i32
      %add3A_3141 = arith.addi %mul3A_3139, %add3A_3140 : i32
      %swap3A_3142 = arith.index_cast %add3A_3141 : i32 to index
      %swap3A_3143 = arith.constant 352 : index
      %swap3A_3144 = tpu.vector_load %arg5[%swap3A_3142, %swap3A_3143] {strides = array<i32>} : memref<64x512xf32, #tpu.memory_space<vmem>>, vector<16xf32>,
      tpu.vector_store %arg5[%swap3A_3142, %swap3A_3143], %broadcast_in_dim3A_1 {strides = array<i32>} : memref<64x512xf32, #tpu.memory_space<vmem>>, vector<16xf32>,
      %mul3A_3145 = arith.constant 2 : i32
      %mul3A_3146 = arith.muli %scan3A_2984, %mul3A_3145 : i32
      %add3A_3147 = arith.constant 0 : i32
      %add3A_3148 = arith.addi %mul3A_3146, %add3A_3147 : i32
      %swap3A_3149 = arith.index_cast %add3A_3148 : i32 to index
      %swap3A_3150 = arith.constant 368 : index
      %swap3A_3151 = tpu.vector_load %arg5[%swap3A_3149, %swap3A_3150] {strides = array<i32>} : memref<64x512xf32, #tpu.memory_space<vmem>>, vector<16xf32>,
      tpu.vector_store %arg5[%swap3A_3149, %swap3A_3150], %broadcast_in_dim3A_1 {strides = array<i32>} : memref<64x512xf32, #tpu.memory_space<vmem>>, vector<16xf32>,
      %mul3A_3152 = arith.constant 2 : i32
      %mul3A_3153 = arith.muli %scan3A_2984, %mul3A_3152 : i32
      %add3A_3154 = arith.constant 0 : i32
      %add3A_3155 = arith.addi %mul3A_3153, %add3A_3154 : i32
      %swap3A_3156 = arith.index_cast %add3A_3155 : i32 to index
      %swap3A_3157 = arith.constant 384 : index
      %swap3A_3158 = tpu.vector_load %arg5[%swap3A_3156, %swap3A_3157] {strides = array<i32>} : memref<64x512xf32, #tpu.memory_space<vmem>>, vector<16xf32>,
      tpu.vector_store %arg5[%swap3A_3156, %swap3A_3157], %broadcast_in_dim3A_1 {strides = array<i32>} : memref<64x512xf32, #tpu.memory_space<vmem>>, vector<16xf32>,
      %mul3A_3159 = arith.constant 2 : i32
      %mul3A_3160 = arith.muli %scan3A_2984, %mul3A_3159 : i32
      %add3A_3161 = arith.constant 0 : i32
      %add3A_3162 = arith.addi %mul3A_3160, %add3A_3161 : i32
      %swap3A_3163 = arith.index_cast %add3A_3162 : i32 to index
      %swap3A_3164 = arith.constant 400 : index
      %swap3A_3165 = tpu.vector_load %arg5[%swap3A_3163, %swap3A_3164] {strides = array<i32>} : memref<64x512xf32, #tpu.memory_space<vmem>>, vector<16xf32>,
      tpu.vector_store %arg5[%swap3A_3163, %swap3A_3164], %broadcast_in_dim3A_1 {strides = array<i32>} : memref<64x512xf32, #tpu.memory_space<vmem>>, vector<16xf32>,
      %mul3A_3166 = arith.constant 2 : i32
      %mul3A_3167 = arith.muli %scan3A_2984, %mul3A_3166 : i32
      %add3A_3168 = arith.constant 0 : i32
      %add3A_3169 = arith.addi %mul3A_3167, %add3A_3168 : i32
      %swap3A_3170 = arith.index_cast %add3A_3169 : i32 to index
      %swap3A_3171 = arith.constant 416 : index
      %swap3A_3172 = tpu.vector_load %arg5[%swap3A_3170, %swap3A_3171] {strides = array<i32>} : memref<64x512xf32, #tpu.memory_space<vmem>>, vector<16xf32>,
      tpu.vector_store %arg5[%swap3A_3170, %swap3A_3171], %broadcast_in_dim3A_1 {strides = array<i32>} : memref<64x512xf32, #tpu.memory_space<vmem>>, vector<16xf32>,
      %mul3A_3173 = arith.constant 2 : i32
      %mul3A_3174 = arith.muli %scan3A_2984, %mul3A_3173 : i32
      %add3A_3175 = arith.constant 0 : i32
      %add3A_3176 = arith.addi %mul3A_3174, %add3A_3175 : i32
      %swap3A_3177 = arith.index_cast %add3A_3176 : i32 to index
      %swap3A_3178 = arith.constant 432 : index
      %swap3A_3179 = tpu.vector_load %arg5[%swap3A_3177, %swap3A_3178] {strides = array<i32>} : memref<64x512xf32, #tpu.memory_space<vmem>>, vector<16xf32>,
      tpu.vector_store %arg5[%swap3A_3177, %swap3A_3178], %broadcast_in_dim3A_1 {strides = array<i32>} : memref<64x512xf32, #tpu.memory_space<vmem>>, vector<16xf32>,
      %mul3A_3180 = arith.constant 2 : i32
      %mul3A_3181 = arith.muli %scan3A_2984, %mul3A_3180 : i32
      %add3A_3182 = arith.constant 0 : i32
      %add3A_3183 = arith.addi %mul3A_3181, %add3A_3182 : i32
      %swap3A_3184 = arith.index_cast %add3A_3183 : i32 to index
      %swap3A_3185 = arith.constant 448 : index
      %swap3A_3186 = tpu.vector_load %arg5[%swap3A_3184, %swap3A_3185] {strides = array<i32>} : memref<64x512xf32, #tpu.memory_space<vmem>>, vector<16xf32>,
      tpu.vector_store %arg5[%swap3A_3184, %swap3A_3185], %broadcast_in_dim3A_1 {strides = array<i32>} : memref<64x512xf32, #tpu.memory_space<vmem>>, vector<16xf32>,
      %mul3A_3187 = arith.constant 2 : i32
      %mul3A_3188 = arith.muli %scan3A_2984, %mul3A_3187 : i32
      %add3A_3189 = arith.constant 0 : i32
      %add3A_3190 = arith.addi %mul3A_3188, %add3A_3189 : i32
      %swap3A_3191 = arith.index_cast %add3A_3190 : i32 to index
      %swap3A_3192 = arith.constant 464 : index
      %swap3A_3193 = tpu.vector_load %arg5[%swap3A_3191, %swap3A_3192] {strides = array<i32>} : memref<64x512xf32, #tpu.memory_space<vmem>>, vector<16xf32>,
      tpu.vector_store %arg5[%swap3A_3191, %swap3A_3192], %broadcast_in_dim3A_1 {strides = array<i32>} : memref<64x512xf32, #tpu.memory_space<vmem>>, vector<16xf32>,
      %mul3A_3194 = arith.constant 2 : i32
      %mul3A_3195 = arith.muli %scan3A_2984, %mul3A_3194 : i32
      %add3A_3196 = arith.constant 0 : i32
      %add3A_3197 = arith.addi %mul3A_3195, %add3A_3196 : i32
      %swap3A_3198 = arith.index_cast %add3A_3197 : i32 to index
      %swap3A_3199 = arith.constant 480 : index
      %swap3A_3200 = tpu.vector_load %arg5[%swap3A_3198, %swap3A_3199] {strides = array<i32>} : memref<64x512xf32, #tpu.memory_space<vmem>>, vector<16xf32>,
      tpu.vector_store %arg5[%swap3A_3198, %swap3A_3199], %broadcast_in_dim3A_1 {strides = array<i32>} : memref<64x512xf32, #tpu.memory_space<vmem>>, vector<16xf32>,
      %mul3A_3201 = arith.constant 2 : i32
      %mul3A_3202 = arith.muli %scan3A_2984, %mul3A_3201 : i32
      %add3A_3203 = arith.constant 0 : i32
      %add3A_3204 = arith.addi %mul3A_3202, %add3A_3203 : i32
      %swap3A_3205 = arith.index_cast %add3A_3204 : i32 to index
      %swap3A_3206 = arith.constant 496 : index
      %swap3A_3207 = tpu.vector_load %arg5[%swap3A_3205, %swap3A_3206] {strides = array<i32>} : memref<64x512xf32, #tpu.memory_space<vmem>>, vector<16xf32>,
      tpu.vector_store %arg5[%swap3A_3205, %swap3A_3206], %broadcast_in_dim3A_1 {strides = array<i32>} : memref<64x512xf32, #tpu.memory_space<vmem>>, vector<16xf32>,
      %mul3A_3208 = arith.constant 2 : i32
      %mul3A_3209 = arith.muli %scan3A_2984, %mul3A_3208 : i32
      %add3A_3210 = arith.constant 1 : i32
      %add3A_3211 = arith.addi %mul3A_3209, %add3A_3210 : i32
      %swap3A_3212 = arith.index_cast %add3A_3211 : i32 to index
      %swap3A_3213 = arith.constant 0 : index
      %swap3A_3214 = tpu.vector_load %arg5[%swap3A_3212, %swap3A_3213] {strides = array<i32>} : memref<64x512xf32, #tpu.memory_space<vmem>>, vector<16xf32>,
      tpu.vector_store %arg5[%swap3A_3212, %swap3A_3213], %broadcast_in_dim3A_1 {strides = array<i32>} : memref<64x512xf32, #tpu.memory_space<vmem>>, vector<16xf32>,
      %mul3A_3215 = arith.constant 2 : i32
      %mul3A_3216 = arith.muli %scan3A_2984, %mul3A_3215 : i32
      %add3A_3217 = arith.constant 1 : i32
      %add3A_3218 = arith.addi %mul3A_3216, %add3A_3217 : i32
      %swap3A_3219 = arith.index_cast %add3A_3218 : i32 to index
      %swap3A_3220 = arith.constant 16 : index
      %swap3A_3221 = tpu.vector_load %arg5[%swap3A_3219, %swap3A_3220] {strides = array<i32>} : memref<64x512xf32, #tpu.memory_space<vmem>>, vector<16xf32>,
      tpu.vector_store %arg5[%swap3A_3219, %swap3A_3220], %broadcast_in_dim3A_1 {strides = array<i32>} : memref<64x512xf32, #tpu.memory_space<vmem>>, vector<16xf32>,
      %mul3A_3222 = arith.constant 2 : i32
      %mul3A_3223 = arith.muli %scan3A_2984, %mul3A_3222 : i32
      %add3A_3224 = arith.constant 1 : i32
      %add3A_3225 = arith.addi %mul3A_3223, %add3A_3224 : i32
      %swap3A_3226 = arith.index_cast %add3A_3225 : i32 to index
      %swap3A_3227 = arith.constant 32 : index
      %swap3A_3228 = tpu.vector_load %arg5[%swap3A_3226, %swap3A_3227] {strides = array<i32>} : memref<64x512xf32, #tpu.memory_space<vmem>>, vector<16xf32>,
      tpu.vector_store %arg5[%swap3A_3226, %swap3A_3227], %broadcast_in_dim3A_1 {strides = array<i32>} : memref<64x512xf32, #tpu.memory_space<vmem>>, vector<16xf32>,
      %mul3A_3229 = arith.constant 2 : i32
      %mul3A_3230 = arith.muli %scan3A_2984, %mul3A_3229 : i32
      %add3A_3231 = arith.constant 1 : i32
      %add3A_3232 = arith.addi %mul3A_3230, %add3A_3231 : i32
      %swap3A_3233 = arith.index_cast %add3A_3232 : i32 to index
      %swap3A_3234 = arith.constant 48 : index
      %swap3A_3235 = tpu.vector_load %arg5[%swap3A_3233, %swap3A_3234] {strides = array<i32>} : memref<64x512xf32, #tpu.memory_space<vmem>>, vector<16xf32>,
      tpu.vector_store %arg5[%swap3A_3233, %swap3A_3234], %broadcast_in_dim3A_1 {strides = array<i32>} : memref<64x512xf32, #tpu.memory_space<vmem>>, vector<16xf32>,
      %mul3A_3236 = arith.constant 2 : i32
      %mul3A_3237 = arith.muli %scan3A_2984, %mul3A_3236 : i32
      %add3A_3238 = arith.constant 1 : i32
      %add3A_3239 = arith.addi %mul3A_3237, %add3A_3238 : i32
      %swap3A_3240 = arith.index_cast %add3A_3239 : i32 to index
      %swap3A_3241 = arith.constant 64 : index
      %swap3A_3242 = tpu.vector_load %arg5[%swap3A_3240, %swap3A_3241] {strides = array<i32>} : memref<64x512xf32, #tpu.memory_space<vmem>>, vector<16xf32>,
      tpu.vector_store %arg5[%swap3A_3240, %swap3A_3241], %broadcast_in_dim3A_1 {strides = array<i32>} : memref<64x512xf32, #tpu.memory_space<vmem>>, vector<16xf32>,
      %mul3A_3243 = arith.constant 2 : i32
      %mul3A_3244 = arith.muli %scan3A_2984, %mul3A_3243 : i32
      %add3A_3245 = arith.constant 1 : i32
      %add3A_3246 = arith.addi %mul3A_3244, %add3A_3245 : i32
      %swap3A_3247 = arith.index_cast %add3A_3246 : i32 to index
      %swap3A_3248 = arith.constant 80 : index
      %swap3A_3249 = tpu.vector_load %arg5[%swap3A_3247, %swap3A_3248] {strides = array<i32>} : memref<64x512xf32, #tpu.memory_space<vmem>>, vector<16xf32>,
      tpu.vector_store %arg5[%swap3A_3247, %swap3A_3248], %broadcast_in_dim3A_1 {strides = array<i32>} : memref<64x512xf32, #tpu.memory_space<vmem>>, vector<16xf32>,
      %mul3A_3250 = arith.constant 2 : i32
      %mul3A_3251 = arith.muli %scan3A_2984, %mul3A_3250 : i32
      %add3A_3252 = arith.constant 1 : i32
      %add3A_3253 = arith.addi %mul3A_3251, %add3A_3252 : i32
      %swap3A_3254 = arith.index_cast %add3A_3253 : i32 to index
      %swap3A_3255 = arith.constant 96 : index
      %swap3A_3256 = tpu.vector_load %arg5[%swap3A_3254, %swap3A_3255] {strides = array<i32>} : memref<64x512xf32, #tpu.memory_space<vmem>>, vector<16xf32>,
      tpu.vector_store %arg5[%swap3A_3254, %swap3A_3255], %broadcast_in_dim3A_1 {strides = array<i32>} : memref<64x512xf32, #tpu.memory_space<vmem>>, vector<16xf32>,
      %mul3A_3257 = arith.constant 2 : i32
      %mul3A_3258 = arith.muli %scan3A_2984, %mul3A_3257 : i32
      %add3A_3259 = arith.constant 1 : i32
      %add3A_3260 = arith.addi %mul3A_3258, %add3A_3259 : i32
      %swap3A_3261 = arith.index_cast %add3A_3260 : i32 to index
      %swap3A_3262 = arith.constant 112 : index
      %swap3A_3263 = tpu.vector_load %arg5[%swap3A_3261, %swap3A_3262] {strides = array<i32>} : memref<64x512xf32, #tpu.memory_space<vmem>>, vector<16xf32>,
      tpu.vector_store %arg5[%swap3A_3261, %swap3A_3262], %broadcast_in_dim3A_1 {strides = array<i32>} : memref<64x512xf32, #tpu.memory_space<vmem>>, vector<16xf32>,
      %mul3A_3264 = arith.constant 2 : i32
      %mul3A_3265 = arith.muli %scan3A_2984, %mul3A_3264 : i32
      %add3A_3266 = arith.constant 1 : i32
      %add3A_3267 = arith.addi %mul3A_3265, %add3A_3266 : i32
      %swap3A_3268 = arith.index_cast %add3A_3267 : i32 to index
      %swap3A_3269 = arith.constant 128 : index
      %swap3A_3270 = tpu.vector_load %arg5[%swap3A_3268, %swap3A_3269] {strides = array<i32>} : memref<64x512xf32, #tpu.memory_space<vmem>>, vector<16xf32>,
      tpu.vector_store %arg5[%swap3A_3268, %swap3A_3269], %broadcast_in_dim3A_1 {strides = array<i32>} : memref<64x512xf32, #tpu.memory_space<vmem>>, vector<16xf32>,
      %mul3A_3271 = arith.constant 2 : i32
      %mul3A_3272 = arith.muli %scan3A_2984, %mul3A_3271 : i32
      %add3A_3273 = arith.constant 1 : i32
      %add3A_3274 = arith.addi %mul3A_3272, %add3A_3273 : i32
      %swap3A_3275 = arith.index_cast %add3A_3274 : i32 to index
      %swap3A_3276 = arith.constant 144 : index
      %swap3A_3277 = tpu.vector_load %arg5[%swap3A_3275, %swap3A_3276] {strides = array<i32>} : memref<64x512xf32, #tpu.memory_space<vmem>>, vector<16xf32>,
      tpu.vector_store %arg5[%swap3A_3275, %swap3A_3276], %broadcast_in_dim3A_1 {strides = array<i32>} : memref<64x512xf32, #tpu.memory_space<vmem>>, vector<16xf32>,
      %mul3A_3278 = arith.constant 2 : i32
      %mul3A_3279 = arith.muli %scan3A_2984, %mul3A_3278 : i32
      %add3A_3280 = arith.constant 1 : i32
      %add3A_3281 = arith.addi %mul3A_3279, %add3A_3280 : i32
      %swap3A_3282 = arith.index_cast %add3A_3281 : i32 to index
      %swap3A_3283 = arith.constant 160 : index
      %swap3A_3284 = tpu.vector_load %arg5[%swap3A_3282, %swap3A_3283] {strides = array<i32>} : memref<64x512xf32, #tpu.memory_space<vmem>>, vector<16xf32>,
      tpu.vector_store %arg5[%swap3A_3282, %swap3A_3283], %broadcast_in_dim3A_1 {strides = array<i32>} : memref<64x512xf32, #tpu.memory_space<vmem>>, vector<16xf32>,
      %mul3A_3285 = arith.constant 2 : i32
      %mul3A_3286 = arith.muli %scan3A_2984, %mul3A_3285 : i32
      %add3A_3287 = arith.constant 1 : i32
      %add3A_3288 = arith.addi %mul3A_3286, %add3A_3287 : i32
      %swap3A_3289 = arith.index_cast %add3A_3288 : i32 to index
      %swap3A_3290 = arith.constant 176 : index
      %swap3A_3291 = tpu.vector_load %arg5[%swap3A_3289, %swap3A_3290] {strides = array<i32>} : memref<64x512xf32, #tpu.memory_space<vmem>>, vector<16xf32>,
      tpu.vector_store %arg5[%swap3A_3289, %swap3A_3290], %broadcast_in_dim3A_1 {strides = array<i32>} : memref<64x512xf32, #tpu.memory_space<vmem>>, vector<16xf32>,
      %mul3A_3292 = arith.constant 2 : i32
      %mul3A_3293 = arith.muli %scan3A_2984, %mul3A_3292 : i32
      %add3A_3294 = arith.constant 1 : i32
      %add3A_3295 = arith.addi %mul3A_3293, %add3A_3294 : i32
      %swap3A_3296 = arith.index_cast %add3A_3295 : i32 to index
      %swap3A_3297 = arith.constant 192 : index
      %swap3A_3298 = tpu.vector_load %arg5[%swap3A_3296, %swap3A_3297] {strides = array<i32>} : memref<64x512xf32, #tpu.memory_space<vmem>>, vector<16xf32>,
      tpu.vector_store %arg5[%swap3A_3296, %swap3A_3297], %broadcast_in_dim3A_1 {strides = array<i32>} : memref<64x512xf32, #tpu.memory_space<vmem>>, vector<16xf32>,
      %mul3A_3299 = arith.constant 2 : i32
      %mul3A_3300 = arith.muli %scan3A_2984, %mul3A_3299 : i32
      %add3A_3301 = arith.constant 1 : i32
      %add3A_3302 = arith.addi %mul3A_3300, %add3A_3301 : i32
      %swap3A_3303 = arith.index_cast %add3A_3302 : i32 to index
      %swap3A_3304 = arith.constant 208 : index
      %swap3A_3305 = tpu.vector_load %arg5[%swap3A_3303, %swap3A_3304] {strides = array<i32>} : memref<64x512xf32, #tpu.memory_space<vmem>>, vector<16xf32>,
      tpu.vector_store %arg5[%swap3A_3303, %swap3A_3304], %broadcast_in_dim3A_1 {strides = array<i32>} : memref<64x512xf32, #tpu.memory_space<vmem>>, vector<16xf32>,
      %mul3A_3306 = arith.constant 2 : i32
      %mul3A_3307 = arith.muli %scan3A_2984, %mul3A_3306 : i32
      %add3A_3308 = arith.constant 1 : i32
      %add3A_3309 = arith.addi %mul3A_3307, %add3A_3308 : i32
      %swap3A_3310 = arith.index_cast %add3A_3309 : i32 to index
      %swap3A_3311 = arith.constant 224 : index
      %swap3A_3312 = tpu.vector_load %arg5[%swap3A_3310, %swap3A_3311] {strides = array<i32>} : memref<64x512xf32, #tpu.memory_space<vmem>>, vector<16xf32>,
      tpu.vector_store %arg5[%swap3A_3310, %swap3A_3311], %broadcast_in_dim3A_1 {strides = array<i32>} : memref<64x512xf32, #tpu.memory_space<vmem>>, vector<16xf32>,
      %mul3A_3313 = arith.constant 2 : i32
      %mul3A_3314 = arith.muli %scan3A_2984, %mul3A_3313 : i32
      %add3A_3315 = arith.constant 1 : i32
      %add3A_3316 = arith.addi %mul3A_3314, %add3A_3315 : i32
      %swap3A_3317 = arith.index_cast %add3A_3316 : i32 to index
      %swap3A_3318 = arith.constant 240 : index
      %swap3A_3319 = tpu.vector_load %arg5[%swap3A_3317, %swap3A_3318] {strides = array<i32>} : memref<64x512xf32, #tpu.memory_space<vmem>>, vector<16xf32>,
      tpu.vector_store %arg5[%swap3A_3317, %swap3A_3318], %broadcast_in_dim3A_1 {strides = array<i32>} : memref<64x512xf32, #tpu.memory_space<vmem>>, vector<16xf32>,
      %mul3A_3320 = arith.constant 2 : i32
      %mul3A_3321 = arith.muli %scan3A_2984, %mul3A_3320 : i32
      %add3A_3322 = arith.constant 1 : i32
      %add3A_3323 = arith.addi %mul3A_3321, %add3A_3322 : i32
      %swap3A_3324 = arith.index_cast %add3A_3323 : i32 to index
      %swap3A_3325 = arith.constant 256 : index
      %swap3A_3326 = tpu.vector_load %arg5[%swap3A_3324, %swap3A_3325] {strides = array<i32>} : memref<64x512xf32, #tpu.memory_space<vmem>>, vector<16xf32>,
      tpu.vector_store %arg5[%swap3A_3324, %swap3A_3325], %broadcast_in_dim3A_1 {strides = array<i32>} : memref<64x512xf32, #tpu.memory_space<vmem>>, vector<16xf32>,
      %mul3A_3327 = arith.constant 2 : i32
      %mul3A_3328 = arith.muli %scan3A_2984, %mul3A_3327 : i32
      %add3A_3329 = arith.constant 1 : i32
      %add3A_3330 = arith.addi %mul3A_3328, %add3A_3329 : i32
      %swap3A_3331 = arith.index_cast %add3A_3330 : i32 to index
      %swap3A_3332 = arith.constant 272 : index
      %swap3A_3333 = tpu.vector_load %arg5[%swap3A_3331, %swap3A_3332] {strides = array<i32>} : memref<64x512xf32, #tpu.memory_space<vmem>>, vector<16xf32>,
      tpu.vector_store %arg5[%swap3A_3331, %swap3A_3332], %broadcast_in_dim3A_1 {strides = array<i32>} : memref<64x512xf32, #tpu.memory_space<vmem>>, vector<16xf32>,
      %mul3A_3334 = arith.constant 2 : i32
      %mul3A_3335 = arith.muli %scan3A_2984, %mul3A_3334 : i32
      %add3A_3336 = arith.constant 1 : i32
      %add3A_3337 = arith.addi %mul3A_3335, %add3A_3336 : i32
      %swap3A_3338 = arith.index_cast %add3A_3337 : i32 to index
      %swap3A_3339 = arith.constant 288 : index
      %swap3A_3340 = tpu.vector_load %arg5[%swap3A_3338, %swap3A_3339] {strides = array<i32>} : memref<64x512xf32, #tpu.memory_space<vmem>>, vector<16xf32>,
      tpu.vector_store %arg5[%swap3A_3338, %swap3A_3339], %broadcast_in_dim3A_1 {strides = array<i32>} : memref<64x512xf32, #tpu.memory_space<vmem>>, vector<16xf32>,
      %mul3A_3341 = arith.constant 2 : i32
      %mul3A_3342 = arith.muli %scan3A_2984, %mul3A_3341 : i32
      %add3A_3343 = arith.constant 1 : i32
      %add3A_3344 = arith.addi %mul3A_3342, %add3A_3343 : i32
      %swap3A_3345 = arith.index_cast %add3A_3344 : i32 to index
      %swap3A_3346 = arith.constant 304 : index
      %swap3A_3347 = tpu.vector_load %arg5[%swap3A_3345, %swap3A_3346] {strides = array<i32>} : memref<64x512xf32, #tpu.memory_space<vmem>>, vector<16xf32>,
      tpu.vector_store %arg5[%swap3A_3345, %swap3A_3346], %broadcast_in_dim3A_1 {strides = array<i32>} : memref<64x512xf32, #tpu.memory_space<vmem>>, vector<16xf32>,
      %mul3A_3348 = arith.constant 2 : i32
      %mul3A_3349 = arith.muli %scan3A_2984, %mul3A_3348 : i32
      %add3A_3350 = arith.constant 1 : i32
      %add3A_3351 = arith.addi %mul3A_3349, %add3A_3350 : i32
      %swap3A_3352 = arith.index_cast %add3A_3351 : i32 to index
      %swap3A_3353 = arith.constant 320 : index
      %swap3A_3354 = tpu.vector_load %arg5[%swap3A_3352, %swap3A_3353] {strides = array<i32>} : memref<64x512xf32, #tpu.memory_space<vmem>>, vector<16xf32>,
      tpu.vector_store %arg5[%swap3A_3352, %swap3A_3353], %broadcast_in_dim3A_1 {strides = array<i32>} : memref<64x512xf32, #tpu.memory_space<vmem>>, vector<16xf32>,
      %mul3A_3355 = arith.constant 2 : i32
      %mul3A_3356 = arith.muli %scan3A_2984, %mul3A_3355 : i32
      %add3A_3357 = arith.constant 1 : i32
      %add3A_3358 = arith.addi %mul3A_3356, %add3A_3357 : i32
      %swap3A_3359 = arith.index_cast %add3A_3358 : i32 to index
      %swap3A_3360 = arith.constant 336 : index
      %swap3A_3361 = tpu.vector_load %arg5[%swap3A_3359, %swap3A_3360] {strides = array<i32>} : memref<64x512xf32, #tpu.memory_space<vmem>>, vector<16xf32>,
      tpu.vector_store %arg5[%swap3A_3359, %swap3A_3360], %broadcast_in_dim3A_1 {strides = array<i32>} : memref<64x512xf32, #tpu.memory_space<vmem>>, vector<16xf32>,
      %mul3A_3362 = arith.constant 2 : i32
      %mul3A_3363 = arith.muli %scan3A_2984, %mul3A_3362 : i32
      %add3A_3364 = arith.constant 1 : i32
      %add3A_3365 = arith.addi %mul3A_3363, %add3A_3364 : i32
      %swap3A_3366 = arith.index_cast %add3A_3365 : i32 to index
      %swap3A_3367 = arith.constant 352 : index
      %swap3A_3368 = tpu.vector_load %arg5[%swap3A_3366, %swap3A_3367] {strides = array<i32>} : memref<64x512xf32, #tpu.memory_space<vmem>>, vector<16xf32>,
      tpu.vector_store %arg5[%swap3A_3366, %swap3A_3367], %broadcast_in_dim3A_1 {strides = array<i32>} : memref<64x512xf32, #tpu.memory_space<vmem>>, vector<16xf32>,
      %mul3A_3369 = arith.constant 2 : i32
      %mul3A_3370 = arith.muli %scan3A_2984, %mul3A_3369 : i32
      %add3A_3371 = arith.constant 1 : i32
      %add3A_3372 = arith.addi %mul3A_3370, %add3A_3371 : i32
      %swap3A_3373 = arith.index_cast %add3A_3372 : i32 to index
      %swap3A_3374 = arith.constant 368 : index
      %swap3A_3375 = tpu.vector_load %arg5[%swap3A_3373, %swap3A_3374] {strides = array<i32>} : memref<64x512xf32, #tpu.memory_space<vmem>>, vector<16xf32>,
      tpu.vector_store %arg5[%swap3A_3373, %swap3A_3374], %broadcast_in_dim3A_1 {strides = array<i32>} : memref<64x512xf32, #tpu.memory_space<vmem>>, vector<16xf32>,
      %mul3A_3376 = arith.constant 2 : i32
      %mul3A_3377 = arith.muli %scan3A_2984, %mul3A_3376 : i32
      %add3A_3378 = arith.constant 1 : i32
      %add3A_3379 = arith.addi %mul3A_3377, %add3A_3378 : i32
      %swap3A_3380 = arith.index_cast %add3A_3379 : i32 to index
      %swap3A_3381 = arith.constant 384 : index
      %swap3A_3382 = tpu.vector_load %arg5[%swap3A_3380, %swap3A_3381] {strides = array<i32>} : memref<64x512xf32, #tpu.memory_space<vmem>>, vector<16xf32>,
      tpu.vector_store %arg5[%swap3A_3380, %swap3A_3381], %broadcast_in_dim3A_1 {strides = array<i32>} : memref<64x512xf32, #tpu.memory_space<vmem>>, vector<16xf32>,
      %mul3A_3383 = arith.constant 2 : i32
      %mul3A_3384 = arith.muli %scan3A_2984, %mul3A_3383 : i32
      %add3A_3385 = arith.constant 1 : i32
      %add3A_3386 = arith.addi %mul3A_3384, %add3A_3385 : i32
      %swap3A_3387 = arith.index_cast %add3A_3386 : i32 to index
      %swap3A_3388 = arith.constant 400 : index
      %swap3A_3389 = tpu.vector_load %arg5[%swap3A_3387, %swap3A_3388] {strides = array<i32>} : memref<64x512xf32, #tpu.memory_space<vmem>>, vector<16xf32>,
      tpu.vector_store %arg5[%swap3A_3387, %swap3A_3388], %broadcast_in_dim3A_1 {strides = array<i32>} : memref<64x512xf32, #tpu.memory_space<vmem>>, vector<16xf32>,
      %mul3A_3390 = arith.constant 2 : i32
      %mul3A_3391 = arith.muli %scan3A_2984, %mul3A_3390 : i32
      %add3A_3392 = arith.constant 1 : i32
      %add3A_3393 = arith.addi %mul3A_3391, %add3A_3392 : i32
      %swap3A_3394 = arith.index_cast %add3A_3393 : i32 to index
      %swap3A_3395 = arith.constant 416 : index
      %swap3A_3396 = tpu.vector_load %arg5[%swap3A_3394, %swap3A_3395] {strides = array<i32>} : memref<64x512xf32, #tpu.memory_space<vmem>>, vector<16xf32>,
      tpu.vector_store %arg5[%swap3A_3394, %swap3A_3395], %broadcast_in_dim3A_1 {strides = array<i32>} : memref<64x512xf32, #tpu.memory_space<vmem>>, vector<16xf32>,
      %mul3A_3397 = arith.constant 2 : i32
      %mul3A_3398 = arith.muli %scan3A_2984, %mul3A_3397 : i32
      %add3A_3399 = arith.constant 1 : i32
      %add3A_3400 = arith.addi %mul3A_3398, %add3A_3399 : i32
      %swap3A_3401 = arith.index_cast %add3A_3400 : i32 to index
      %swap3A_3402 = arith.constant 432 : index
      %swap3A_3403 = tpu.vector_load %arg5[%swap3A_3401, %swap3A_3402] {strides = array<i32>} : memref<64x512xf32, #tpu.memory_space<vmem>>, vector<16xf32>,
      tpu.vector_store %arg5[%swap3A_3401, %swap3A_3402], %broadcast_in_dim3A_1 {strides = array<i32>} : memref<64x512xf32, #tpu.memory_space<vmem>>, vector<16xf32>,
      %mul3A_3404 = arith.constant 2 : i32
      %mul3A_3405 = arith.muli %scan3A_2984, %mul3A_3404 : i32
      %add3A_3406 = arith.constant 1 : i32
      %add3A_3407 = arith.addi %mul3A_3405, %add3A_3406 : i32
      %swap3A_3408 = arith.index_cast %add3A_3407 : i32 to index
      %swap3A_3409 = arith.constant 448 : index
      %swap3A_3410 = tpu.vector_load %arg5[%swap3A_3408, %swap3A_3409] {strides = array<i32>} : memref<64x512xf32, #tpu.memory_space<vmem>>, vector<16xf32>,
      tpu.vector_store %arg5[%swap3A_3408, %swap3A_3409], %broadcast_in_dim3A_1 {strides = array<i32>} : memref<64x512xf32, #tpu.memory_space<vmem>>, vector<16xf32>,
      %mul3A_3411 = arith.constant 2 : i32
      %mul3A_3412 = arith.muli %scan3A_2984, %mul3A_3411 : i32
      %add3A_3413 = arith.constant 1 : i32
      %add3A_3414 = arith.addi %mul3A_3412, %add3A_3413 : i32
      %swap3A_3415 = arith.index_cast %add3A_3414 : i32 to index
      %swap3A_3416 = arith.constant 464 : index
      %swap3A_3417 = tpu.vector_load %arg5[%swap3A_3415, %swap3A_3416] {strides = array<i32>} : memref<64x512xf32, #tpu.memory_space<vmem>>, vector<16xf32>,
      tpu.vector_store %arg5[%swap3A_3415, %swap3A_3416], %broadcast_in_dim3A_1 {strides = array<i32>} : memref<64x512xf32, #tpu.memory_space<vmem>>, vector<16xf32>,
      %mul3A_3418 = arith.constant 2 : i32
      %mul3A_3419 = arith.muli %scan3A_2984, %mul3A_3418 : i32
      %add3A_3420 = arith.constant 1 : i32
      %add3A_3421 = arith.addi %mul3A_3419, %add3A_3420 : i32
      %swap3A_3422 = arith.index_cast %add3A_3421 : i32 to index
      %swap3A_3423 = arith.constant 480 : index
      %swap3A_3424 = tpu.vector_load %arg5[%swap3A_3422, %swap3A_3423] {strides = array<i32>} : memref<64x512xf32, #tpu.memory_space<vmem>>, vector<16xf32>,
      tpu.vector_store %arg5[%swap3A_3422, %swap3A_3423], %broadcast_in_dim3A_1 {strides = array<i32>} : memref<64x512xf32, #tpu.memory_space<vmem>>, vector<16xf32>,
      %mul3A_3425 = arith.constant 2 : i32
      %mul3A_3426 = arith.muli %scan3A_2984, %mul3A_3425 : i32
      %add3A_3427 = arith.constant 1 : i32
      %add3A_3428 = arith.addi %mul3A_3426, %add3A_3427 : i32
      %swap3A_3429 = arith.index_cast %add3A_3428 : i32 to index
      %swap3A_3430 = arith.constant 496 : index
      %swap3A_3431 = tpu.vector_load %arg5[%swap3A_3429, %swap3A_3430] {strides = array<i32>} : memref<64x512xf32, #tpu.memory_space<vmem>>, vector<16xf32>,
      tpu.vector_store %arg5[%swap3A_3429, %swap3A_3430], %broadcast_in_dim3A_1 {strides = array<i32>} : memref<64x512xf32, #tpu.memory_space<vmem>>, vector<16xf32>,
    }
    %scan3A_277 = arith.constant 32 : i32
    %dma_wait3A = arith.constant 0 : i32
    %dma_wait3A_278 = arith.constant 0 : i32
    %dma_wait3A_279 = arith.constant 0 : i32
    %dma_wait3A_280 = tpu.memref_slice %arg7[%dma_wait3A, %dma_wait3A_278, %dma_wait3A_279] : memref<4x8x256xf32, #tpu.memory_space<vmem>> -> memref<1x8x256xf32, #tpu.memory_space<vmem>>
    %dma_wait3A_281 = tpu.memref_squeeze %dma_wait3A_280 : memref<1x8x256xf32, #tpu.memory_space<vmem>> -> memref<8x256xf32, #tpu.memory_space<vmem>>
    %dma_wait3A_282 = arith.constant 0 : i32
    %dma_wait3A_283 = arith.constant 0 : i32
    %dma_wait3A_284 = tpu.memref_slice %arg2[%select_n3A, %dma_wait3A_282, %dma_wait3A_283] : memref<16x8x256xf32, #tpu.memory_space<hbm>> -> memref<1x8x256xf32, #tpu.memory_space<hbm>>
    %dma_wait3A_285 = tpu.memref_squeeze %dma_wait3A_284 : memref<1x8x256xf32, #tpu.memory_space<hbm>> -> memref<8x256xf32, #tpu.memory_space<hbm>>
    %dma_wait3A_286 = arith.constant 0 : i32
    %dma_wait3A_287 = arith.constant 0 : i32
    %dma_wait3A_288 = tpu.memref_slice %arg7[%dma_wait3A, %dma_wait3A_286, %dma_wait3A_287] : memref<4x8x256xf32, #tpu.memory_space<vmem>> -> memref<1x8x256xf32, #tpu.memory_space<vmem>>
    %dma_wait3A_289 = tpu.memref_squeeze %dma_wait3A_288 : memref<1x8x256xf32, #tpu.memory_space<vmem>> -> memref<8x256xf32, #tpu.memory_space<vmem>>
    %dma_wait3A_290 = arith.constant 0 : i32
    %dma_wait3A_291 = arith.constant 0 : i32
    %dma_wait3A_292 = tpu.memref_slice %arg2[%select_n3A, %dma_wait3A_290, %dma_wait3A_291] : memref<16x8x256xf32, #tpu.memory_space<hbm>> -> memref<1x8x256xf32, #tpu.memory_space<hbm>>
    %dma_wait3A_293 = tpu.memref_squeeze %dma_wait3A_292 : memref<1x8x256xf32, #tpu.memory_space<hbm>> -> memref<8x256xf32, #tpu.memory_space<hbm>>
    tpu.wait_dma2 semaphore(%arg9 : memref<!tpu.dma_semaphore, #tpu.memory_space<semaphore_mem>>) src(%dma_wait3A_293 : memref<8x256xf32, #tpu.memory_space<hbm>>) dst(%dma_wait3A_289 : memref<8x256xf32, #tpu.memory_space<vmem>>)
    %dma_wait3A_294 = arith.constant 0 : i32
    %dma_wait3A_295 = arith.constant 0 : i32
    %dma_wait3A_296 = arith.constant 0 : i32
    %dma_wait3A_297 = tpu.memref_slice %arg8[%dma_wait3A_294, %dma_wait3A_295, %dma_wait3A_296] : memref<4x8x256xi32, #tpu.memory_space<vmem>> -> memref<1x8x256xi32, #tpu.memory_space<vmem>>
    %dma_wait3A_298 = tpu.memref_squeeze %dma_wait3A_297 : memref<1x8x256xi32, #tpu.memory_space<vmem>> -> memref<8x256xi32, #tpu.memory_space<vmem>>
    %dma_wait3A_299 = arith.constant 0 : i32
    %dma_wait3A_300 = arith.constant 0 : i32
    %dma_wait3A_301 = tpu.memref_slice %arg3[%select_n3A, %dma_wait3A_299, %dma_wait3A_300] : memref<16x8x256xi32, #tpu.memory_space<hbm>> -> memref<1x8x256xi32, #tpu.memory_space<hbm>>
    %dma_wait3A_302 = tpu.memref_squeeze %dma_wait3A_301 : memref<1x8x256xi32, #tpu.memory_space<hbm>> -> memref<8x256xi32, #tpu.memory_space<hbm>>
    %dma_wait3A_303 = arith.constant 0 : i32
    %dma_wait3A_304 = arith.constant 0 : i32
    %dma_wait3A_305 = tpu.memref_slice %arg8[%dma_wait3A_294, %dma_wait3A_303, %dma_wait3A_304] : memref<4x8x256xi32, #tpu.memory_space<vmem>> -> memref<1x8x256xi32, #tpu.memory_space<vmem>>
    %dma_wait3A_306 = tpu.memref_squeeze %dma_wait3A_305 : memref<1x8x256xi32, #tpu.memory_space<vmem>> -> memref<8x256xi32, #tpu.memory_space<vmem>>
    %dma_wait3A_307 = arith.constant 0 : i32
    %dma_wait3A_308 = arith.constant 0 : i32
    %dma_wait3A_309 = tpu.memref_slice %arg3[%select_n3A, %dma_wait3A_307, %dma_wait3A_308] : memref<16x8x256xi32, #tpu.memory_space<hbm>> -> memref<1x8x256xi32, #tpu.memory_space<hbm>>
    %dma_wait3A_310 = tpu.memref_squeeze %dma_wait3A_309 : memref<1x8x256xi32, #tpu.memory_space<hbm>> -> memref<8x256xi32, #tpu.memory_space<hbm>>
    tpu.wait_dma2 semaphore(%arg9 : memref<!tpu.dma_semaphore, #tpu.memory_space<semaphore_mem>>) src(%dma_wait3A_310 : memref<8x256xi32, #tpu.memory_space<hbm>>) dst(%dma_wait3A_306 : memref<8x256xi32, #tpu.memory_space<vmem>>)
    %dma_wait3A_311 = arith.constant 1 : i32
    %dma_wait3A_312 = arith.constant 0 : i32
    %dma_wait3A_313 = arith.constant 0 : i32
    %dma_wait3A_314 = tpu.memref_slice %arg7[%dma_wait3A_311, %dma_wait3A_312, %dma_wait3A_313] : memref<4x8x256xf32, #tpu.memory_space<vmem>> -> memref<1x8x256xf32, #tpu.memory_space<vmem>>
    %dma_wait3A_315 = tpu.memref_squeeze %dma_wait3A_314 : memref<1x8x256xf32, #tpu.memory_space<vmem>> -> memref<8x256xf32, #tpu.memory_space<vmem>>
    %dma_wait3A_316 = arith.constant 0 : i32
    %dma_wait3A_317 = arith.constant 0 : i32
    %dma_wait3A_318 = tpu.memref_slice %arg2[%select_n3A_78, %dma_wait3A_316, %dma_wait3A_317] : memref<16x8x256xf32, #tpu.memory_space<hbm>> -> memref<1x8x256xf32, #tpu.memory_space<hbm>>
    %dma_wait3A_319 = tpu.memref_squeeze %dma_wait3A_318 : memref<1x8x256xf32, #tpu.memory_space<hbm>> -> memref<8x256xf32, #tpu.memory_space<hbm>>
    %dma_wait3A_320 = arith.constant 0 : i32
    %dma_wait3A_321 = arith.constant 0 : i32
    %dma_wait3A_322 = tpu.memref_slice %arg7[%dma_wait3A_311, %dma_wait3A_320, %dma_wait3A_321] : memref<4x8x256xf32, #tpu.memory_space<vmem>> -> memref<1x8x256xf32, #tpu.memory_space<vmem>>
    %dma_wait3A_323 = tpu.memref_squeeze %dma_wait3A_322 : memref<1x8x256xf32, #tpu.memory_space<vmem>> -> memref<8x256xf32, #tpu.memory_space<vmem>>
    %dma_wait3A_324 = arith.constant 0 : i32
    %dma_wait3A_325 = arith.constant 0 : i32
    %dma_wait3A_326 = tpu.memref_slice %arg2[%select_n3A_78, %dma_wait3A_324, %dma_wait3A_325] : memref<16x8x256xf32, #tpu.memory_space<hbm>> -> memref<1x8x256xf32, #tpu.memory_space<hbm>>
    %dma_wait3A_327 = tpu.memref_squeeze %dma_wait3A_326 : memref<1x8x256xf32, #tpu.memory_space<hbm>> -> memref<8x256xf32, #tpu.memory_space<hbm>>
    tpu.wait_dma2 semaphore(%arg9 : memref<!tpu.dma_semaphore, #tpu.memory_space<semaphore_mem>>) src(%dma_wait3A_327 : memref<8x256xf32, #tpu.memory_space<hbm>>) dst(%dma_wait3A_323 : memref<8x256xf32, #tpu.memory_space<vmem>>)
    %dma_wait3A_328 = arith.constant 1 : i32
    %dma_wait3A_329 = arith.constant 0 : i32
    %dma_wait3A_330 = arith.constant 0 : i32
    %dma_wait3A_331 = tpu.memref_slice %arg8[%dma_wait3A_328, %dma_wait3A_329, %dma_wait3A_330] : memref<4x8x256xi32, #tpu.memory_space<vmem>> -> memref<1x8x256xi32, #tpu.memory_space<vmem>>
    %dma_wait3A_332 = tpu.memref_squeeze %dma_wait3A_331 : memref<1x8x256xi32, #tpu.memory_space<vmem>> -> memref<8x256xi32, #tpu.memory_space<vmem>>
    %dma_wait3A_333 = arith.constant 0 : i32
    %dma_wait3A_334 = arith.constant 0 : i32
    %dma_wait3A_335 = tpu.memref_slice %arg3[%select_n3A_78, %dma_wait3A_333, %dma_wait3A_334] : memref<16x8x256xi32, #tpu.memory_space<hbm>> -> memref<1x8x256xi32, #tpu.memory_space<hbm>>
    %dma_wait3A_336 = tpu.memref_squeeze %dma_wait3A_335 : memref<1x8x256xi32, #tpu.memory_space<hbm>> -> memref<8x256xi32, #tpu.memory_space<hbm>>
    %dma_wait3A_337 = arith.constant 0 : i32
    %dma_wait3A_338 = arith.constant 0 : i32
    %dma_wait3A_339 = tpu.memref_slice %arg8[%dma_wait3A_328, %dma_wait3A_337, %dma_wait3A_338] : memref<4x8x256xi32, #tpu.memory_space<vmem>> -> memref<1x8x256xi32, #tpu.memory_space<vmem>>
    %dma_wait3A_340 = tpu.memref_squeeze %dma_wait3A_339 : memref<1x8x256xi32, #tpu.memory_space<vmem>> -> memref<8x256xi32, #tpu.memory_space<vmem>>
    %dma_wait3A_341 = arith.constant 0 : i32
    %dma_wait3A_342 = arith.constant 0 : i32
    %dma_wait3A_343 = tpu.memref_slice %arg3[%select_n3A_78, %dma_wait3A_341, %dma_wait3A_342] : memref<16x8x256xi32, #tpu.memory_space<hbm>> -> memref<1x8x256xi32, #tpu.memory_space<hbm>>
    %dma_wait3A_344 = tpu.memref_squeeze %dma_wait3A_343 : memref<1x8x256xi32, #tpu.memory_space<hbm>> -> memref<8x256xi32, #tpu.memory_space<hbm>>
    tpu.wait_dma2 semaphore(%arg9 : memref<!tpu.dma_semaphore, #tpu.memory_space<semaphore_mem>>) src(%dma_wait3A_344 : memref<8x256xi32, #tpu.memory_space<hbm>>) dst(%dma_wait3A_340 : memref<8x256xi32, #tpu.memory_space<vmem>>)
    %dma_wait3A_345 = arith.constant 2 : i32
    %dma_wait3A_346 = arith.constant 0 : i32
    %dma_wait3A_347 = arith.constant 0 : i32
    %dma_wait3A_348 = tpu.memref_slice %arg7[%dma_wait3A_345, %dma_wait3A_346, %dma_wait3A_347] : memref<4x8x256xf32, #tpu.memory_space<vmem>> -> memref<1x8x256xf32, #tpu.memory_space<vmem>>
    %dma_wait3A_349 = tpu.memref_squeeze %dma_wait3A_348 : memref<1x8x256xf32, #tpu.memory_space<vmem>> -> memref<8x256xf32, #tpu.memory_space<vmem>>
    %dma_wait3A_350 = arith.constant 0 : i32
    %dma_wait3A_351 = arith.constant 0 : i32
    %dma_wait3A_352 = tpu.memref_slice %arg2[%select_n3A_138, %dma_wait3A_350, %dma_wait3A_351] : memref<16x8x256xf32, #tpu.memory_space<hbm>> -> memref<1x8x256xf32, #tpu.memory_space<hbm>>
    %dma_wait3A_353 = tpu.memref_squeeze %dma_wait3A_352 : memref<1x8x256xf32, #tpu.memory_space<hbm>> -> memref<8x256xf32, #tpu.memory_space<hbm>>
    %dma_wait3A_354 = arith.constant 0 : i32
    %dma_wait3A_355 = arith.constant 0 : i32
    %dma_wait3A_356 = tpu.memref_slice %arg7[%dma_wait3A_345, %dma_wait3A_354, %dma_wait3A_355] : memref<4x8x256xf32, #tpu.memory_space<vmem>> -> memref<1x8x256xf32, #tpu.memory_space<vmem>>
    %dma_wait3A_357 = tpu.memref_squeeze %dma_wait3A_356 : memref<1x8x256xf32, #tpu.memory_space<vmem>> -> memref<8x256xf32, #tpu.memory_space<vmem>>
    %dma_wait3A_358 = arith.constant 0 : i32
    %dma_wait3A_359 = arith.constant 0 : i32
    %dma_wait3A_360 = tpu.memref_slice %arg2[%select_n3A_138, %dma_wait3A_358, %dma_wait3A_359] : memref<16x8x256xf32, #tpu.memory_space<hbm>> -> memref<1x8x256xf32, #tpu.memory_space<hbm>>
    %dma_wait3A_361 = tpu.memref_squeeze %dma_wait3A_360 : memref<1x8x256xf32, #tpu.memory_space<hbm>> -> memref<8x256xf32, #tpu.memory_space<hbm>>
    tpu.wait_dma2 semaphore(%arg9 : memref<!tpu.dma_semaphore, #tpu.memory_space<semaphore_mem>>) src(%dma_wait3A_361 : memref<8x256xf32, #tpu.memory_space<hbm>>) dst(%dma_wait3A_357 : memref<8x256xf32, #tpu.memory_space<vmem>>)
    %dma_wait3A_362 = arith.constant 2 : i32
    %dma_wait3A_363 = arith.constant 0 : i32
    %dma_wait3A_364 = arith.constant 0 : i32
    %dma_wait3A_365 = tpu.memref_slice %arg8[%dma_wait3A_362, %dma_wait3A_363, %dma_wait3A_364] : memref<4x8x256xi32, #tpu.memory_space<vmem>> -> memref<1x8x256xi32, #tpu.memory_space<vmem>>
    %dma_wait3A_366 = tpu.memref_squeeze %dma_wait3A_365 : memref<1x8x256xi32, #tpu.memory_space<vmem>> -> memref<8x256xi32, #tpu.memory_space<vmem>>
    %dma_wait3A_367 = arith.constant 0 : i32
    %dma_wait3A_368 = arith.constant 0 : i32
    %dma_wait3A_369 = tpu.memref_slice %arg3[%select_n3A_138, %dma_wait3A_367, %dma_wait3A_368] : memref<16x8x256xi32, #tpu.memory_space<hbm>> -> memref<1x8x256xi32, #tpu.memory_space<hbm>>
    %dma_wait3A_370 = tpu.memref_squeeze %dma_wait3A_369 : memref<1x8x256xi32, #tpu.memory_space<hbm>> -> memref<8x256xi32, #tpu.memory_space<hbm>>
    %dma_wait3A_371 = arith.constant 0 : i32
    %dma_wait3A_372 = arith.constant 0 : i32
    %dma_wait3A_373 = tpu.memref_slice %arg8[%dma_wait3A_362, %dma_wait3A_371, %dma_wait3A_372] : memref<4x8x256xi32, #tpu.memory_space<vmem>> -> memref<1x8x256xi32, #tpu.memory_space<vmem>>
    %dma_wait3A_374 = tpu.memref_squeeze %dma_wait3A_373 : memref<1x8x256xi32, #tpu.memory_space<vmem>> -> memref<8x256xi32, #tpu.memory_space<vmem>>
    %dma_wait3A_375 = arith.constant 0 : i32
    %dma_wait3A_376 = arith.constant 0 : i32
    %dma_wait3A_377 = tpu.memref_slice %arg3[%select_n3A_138, %dma_wait3A_375, %dma_wait3A_376] : memref<16x8x256xi32, #tpu.memory_space<hbm>> -> memref<1x8x256xi32, #tpu.memory_space<hbm>>
    %dma_wait3A_378 = tpu.memref_squeeze %dma_wait3A_377 : memref<1x8x256xi32, #tpu.memory_space<hbm>> -> memref<8x256xi32, #tpu.memory_space<hbm>>
    tpu.wait_dma2 semaphore(%arg9 : memref<!tpu.dma_semaphore, #tpu.memory_space<semaphore_mem>>) src(%dma_wait3A_378 : memref<8x256xi32, #tpu.memory_space<hbm>>) dst(%dma_wait3A_374 : memref<8x256xi32, #tpu.memory_space<vmem>>)
    %dma_wait3A_379 = arith.constant 3 : i32
    %dma_wait3A_380 = arith.constant 0 : i32
    %dma_wait3A_381 = arith.constant 0 : i32
    %dma_wait3A_382 = tpu.memref_slice %arg7[%dma_wait3A_379, %dma_wait3A_380, %dma_wait3A_381] : memref<4x8x256xf32, #tpu.memory_space<vmem>> -> memref<1x8x256xf32, #tpu.memory_space<vmem>>
    %dma_wait3A_383 = tpu.memref_squeeze %dma_wait3A_382 : memref<1x8x256xf32, #tpu.memory_space<vmem>> -> memref<8x256xf32, #tpu.memory_space<vmem>>
    %dma_wait3A_384 = arith.constant 0 : i32
    %dma_wait3A_385 = arith.constant 0 : i32
    %dma_wait3A_386 = tpu.memref_slice %arg2[%select_n3A_198, %dma_wait3A_384, %dma_wait3A_385] : memref<16x8x256xf32, #tpu.memory_space<hbm>> -> memref<1x8x256xf32, #tpu.memory_space<hbm>>
    %dma_wait3A_387 = tpu.memref_squeeze %dma_wait3A_386 : memref<1x8x256xf32, #tpu.memory_space<hbm>> -> memref<8x256xf32, #tpu.memory_space<hbm>>
    %dma_wait3A_388 = arith.constant 0 : i32
    %dma_wait3A_389 = arith.constant 0 : i32
    %dma_wait3A_390 = tpu.memref_slice %arg7[%dma_wait3A_379, %dma_wait3A_388, %dma_wait3A_389] : memref<4x8x256xf32, #tpu.memory_space<vmem>> -> memref<1x8x256xf32, #tpu.memory_space<vmem>>
    %dma_wait3A_391 = tpu.memref_squeeze %dma_wait3A_390 : memref<1x8x256xf32, #tpu.memory_space<vmem>> -> memref<8x256xf32, #tpu.memory_space<vmem>>
    %dma_wait3A_392 = arith.constant 0 : i32
    %dma_wait3A_393 = arith.constant 0 : i32
    %dma_wait3A_394 = tpu.memref_slice %arg2[%select_n3A_198, %dma_wait3A_392, %dma_wait3A_393] : memref<16x8x256xf32, #tpu.memory_space<hbm>> -> memref<1x8x256xf32, #tpu.memory_space<hbm>>
    %dma_wait3A_395 = tpu.memref_squeeze %dma_wait3A_394 : memref<1x8x256xf32, #tpu.memory_space<hbm>> -> memref<8x256xf32, #tpu.memory_space<hbm>>
    tpu.wait_dma2 semaphore(%arg9 : memref<!tpu.dma_semaphore, #tpu.memory_space<semaphore_mem>>) src(%dma_wait3A_395 : memref<8x256xf32, #tpu.memory_space<hbm>>) dst(%dma_wait3A_391 : memref<8x256xf32, #tpu.memory_space<vmem>>)
    %dma_wait3A_396 = arith.constant 3 : i32
    %dma_wait3A_397 = arith.constant 0 : i32
    %dma_wait3A_398 = arith.constant 0 : i32
    %dma_wait3A_399 = tpu.memref_slice %arg8[%dma_wait3A_396, %dma_wait3A_397, %dma_wait3A_398] : memref<4x8x256xi32, #tpu.memory_space<vmem>> -> memref<1x8x256xi32, #tpu.memory_space<vmem>>
    %dma_wait3A_400 = tpu.memref_squeeze %dma_wait3A_399 : memref<1x8x256xi32, #tpu.memory_space<vmem>> -> memref<8x256xi32, #tpu.memory_space<vmem>>
    %dma_wait3A_401 = arith.constant 0 : i32
    %dma_wait3A_402 = arith.constant 0 : i32
    %dma_wait3A_403 = tpu.memref_slice %arg3[%select_n3A_198, %dma_wait3A_401, %dma_wait3A_402] : memref<16x8x256xi32, #tpu.memory_space<hbm>> -> memref<1x8x256xi32, #tpu.memory_space<hbm>>
    %dma_wait3A_404 = tpu.memref_squeeze %dma_wait3A_403 : memref<1x8x256xi32, #tpu.memory_space<hbm>> -> memref<8x256xi32, #tpu.memory_space<hbm>>
    %dma_wait3A_405 = arith.constant 0 : i32
    %dma_wait3A_406 = arith.constant 0 : i32
    %dma_wait3A_407 = tpu.memref_slice %arg8[%dma_wait3A_396, %dma_wait3A_405, %dma_wait3A_406] : memref<4x8x256xi32, #tpu.memory_space<vmem>> -> memref<1x8x256xi32, #tpu.memory_space<vmem>>
    %dma_wait3A_408 = tpu.memref_squeeze %dma_wait3A_407 : memref<1x8x256xi32, #tpu.memory_space<vmem>> -> memref<8x256xi32, #tpu.memory_space<vmem>>
    %dma_wait3A_409 = arith.constant 0 : i32
    %dma_wait3A_410 = arith.constant 0 : i32
    %dma_wait3A_411 = tpu.memref_slice %arg3[%select_n3A_198, %dma_wait3A_409, %dma_wait3A_410] : memref<16x8x256xi32, #tpu.memory_space<hbm>> -> memref<1x8x256xi32, #tpu.memory_space<hbm>>
    %dma_wait3A_412 = tpu.memref_squeeze %dma_wait3A_411 : memref<1x8x256xi32, #tpu.memory_space<hbm>> -> memref<8x256xi32, #tpu.memory_space<hbm>>
    tpu.wait_dma2 semaphore(%arg9 : memref<!tpu.dma_semaphore, #tpu.memory_space<semaphore_mem>>) src(%dma_wait3A_412 : memref<8x256xi32, #tpu.memory_space<hbm>>) dst(%dma_wait3A_408 : memref<8x256xi32, #tpu.memory_space<vmem>>)
    %mul3A_413 = arith.constant 32768 : i32
    %mul3A_414 = arith.muli %select_n3A_272, %mul3A_413 : i32
    %get3A = arith.constant 0 : i32
    %get3A_415 = arith.constant 0 : i32
    %get3A_416 = arith.index_cast %get3A : i32 to index
    %get3A_417 = arith.index_cast %get3A_415 : i32 to index
    %get3A_418 = arith.constant 0 : index
    %get3A_419 = tpu.vector_load %arg7[%get3A_416, %get3A_417, %get3A_418] {strides = array<i32>} : memref<4x8x256xf32, #tpu.memory_space<vmem>>, vector<16xf32>,
    %get3A_420 = arith.constant 0 : i32
    %get3A_421 = arith.constant 0 : i32
    %get3A_422 = arith.index_cast %get3A_420 : i32 to index
    %get3A_423 = arith.index_cast %get3A_421 : i32 to index
    %get3A_424 = arith.constant 0 : index
    %get3A_425 = tpu.vector_load %arg8[%get3A_422, %get3A_423, %get3A_424] {strides = array<i32>} : memref<4x8x256xi32, #tpu.memory_space<vmem>>, vector<16xi32>,
    %sub3A_426 = vector.broadcast %mul3A_414 : i32 to vector<16xi32>
    %sub3A_427 = arith.subi %get3A_425, %sub3A_426 : vector<16xi32>
    %ne3A_428 = arith.constant 0.000000e+00 : f32
    %ne3A_429 = vector.broadcast %ne3A_428 : f32 to vector<16xf32>
    %ne3A_430 = arith.cmpf one, %get3A_419, %ne3A_429 : vector<16xf32>
    %ge3A = arith.constant 0 : i32
    %ge3A_431 = vector.broadcast %ge3A : i32 to vector<16xi32>
    %ge3A_432 = arith.cmpi sge, %sub3A_427, %ge3A_431 : vector<16xi32>
    %and3A_433 = arith.andi %ne3A_430, %ge3A_432 : vector<16xi1>
    %lt3A_434 = arith.constant 32768 : i32
    %lt3A_435 = vector.broadcast %lt3A_434 : i32 to vector<16xi32>
    %lt3A_436 = arith.cmpi slt, %sub3A_427, %lt3A_435 : vector<16xi32>
    %and3A_437 = arith.andi %and3A_433, %lt3A_436 : vector<16xi1>
    %max3A = arith.constant 0 : i32
    %max3A_438 = vector.broadcast %max3A : i32 to vector<16xi32>
    %max3A_439 = arith.maxsi %sub3A_427, %max3A_438 : vector<16xi32>
    %min3A = arith.constant 32767 : i32
    %min3A_440 = vector.broadcast %min3A : i32 to vector<16xi32>
    %min3A_441 = arith.minsi %max3A_439, %min3A_440 : vector<16xi32>
    %shift_right_logical3A = arith.constant 9 : i32
    %shift_right_logical3A_442 = vector.broadcast %shift_right_logical3A : i32 to vector<16xi32>
    %shift_right_logical3A_443 = arith.shrui %min3A_441, %shift_right_logical3A_442 : vector<16xi32>
    %and3A_444 = arith.constant 511 : i32
    %and3A_445 = vector.broadcast %and3A_444 : i32 to vector<16xi32>
    %and3A_446 = arith.andi %min3A_441, %and3A_445 : vector<16xi32>
    tpu.vector_store_idx %arg5[%shift_right_logical3A_443, %and3A_446], %get3A_419 masked %and3A_437 {add = true} : memref<64x512xf32, #tpu.memory_space<vmem>>[vector<16xi32>, vector<16xi32>], vector<16xf32>, vector<16xi1>
    %get3A_447 = arith.constant 0 : i32
    %get3A_448 = arith.constant 0 : i32
    %get3A_449 = arith.index_cast %get3A_447 : i32 to index
    %get3A_450 = arith.index_cast %get3A_448 : i32 to index
    %get3A_451 = arith.constant 16 : index
    %get3A_452 = tpu.vector_load %arg7[%get3A_449, %get3A_450, %get3A_451] {strides = array<i32>} : memref<4x8x256xf32, #tpu.memory_space<vmem>>, vector<16xf32>,
    %get3A_453 = arith.constant 0 : i32
    %get3A_454 = arith.constant 0 : i32
    %get3A_455 = arith.index_cast %get3A_453 : i32 to index
    %get3A_456 = arith.index_cast %get3A_454 : i32 to index
    %get3A_457 = arith.constant 16 : index
    %get3A_458 = tpu.vector_load %arg8[%get3A_455, %get3A_456, %get3A_457] {strides = array<i32>} : memref<4x8x256xi32, #tpu.memory_space<vmem>>, vector<16xi32>,
    %sub3A_459 = vector.broadcast %mul3A_414 : i32 to vector<16xi32>
    %sub3A_460 = arith.subi %get3A_458, %sub3A_459 : vector<16xi32>
    %ne3A_461 = arith.constant 0.000000e+00 : f32
    %ne3A_462 = vector.broadcast %ne3A_461 : f32 to vector<16xf32>
    %ne3A_463 = arith.cmpf one, %get3A_452, %ne3A_462 : vector<16xf32>
    %ge3A_464 = arith.constant 0 : i32
    %ge3A_465 = vector.broadcast %ge3A_464 : i32 to vector<16xi32>
    %ge3A_466 = arith.cmpi sge, %sub3A_460, %ge3A_465 : vector<16xi32>
    %and3A_467 = arith.andi %ne3A_463, %ge3A_466 : vector<16xi1>
    %lt3A_468 = arith.constant 32768 : i32
    %lt3A_469 = vector.broadcast %lt3A_468 : i32 to vector<16xi32>
    %lt3A_470 = arith.cmpi slt, %sub3A_460, %lt3A_469 : vector<16xi32>
    %and3A_471 = arith.andi %and3A_467, %lt3A_470 : vector<16xi1>
    %max3A_472 = arith.constant 0 : i32
    %max3A_473 = vector.broadcast %max3A_472 : i32 to vector<16xi32>
    %max3A_474 = arith.maxsi %sub3A_460, %max3A_473 : vector<16xi32>
    %min3A_475 = arith.constant 32767 : i32
    %min3A_476 = vector.broadcast %min3A_475 : i32 to vector<16xi32>
    %min3A_477 = arith.minsi %max3A_474, %min3A_476 : vector<16xi32>
    %shift_right_logical3A_478 = arith.constant 9 : i32
    %shift_right_logical3A_479 = vector.broadcast %shift_right_logical3A_478 : i32 to vector<16xi32>
    %shift_right_logical3A_480 = arith.shrui %min3A_477, %shift_right_logical3A_479 : vector<16xi32>
    %and3A_481 = arith.constant 511 : i32
    %and3A_482 = vector.broadcast %and3A_481 : i32 to vector<16xi32>
    %and3A_483 = arith.andi %min3A_477, %and3A_482 : vector<16xi32>
    tpu.vector_store_idx %arg5[%shift_right_logical3A_480, %and3A_483], %get3A_452 masked %and3A_471 {add = true} : memref<64x512xf32, #tpu.memory_space<vmem>>[vector<16xi32>, vector<16xi32>], vector<16xf32>, vector<16xi1>
    %get3A_484 = arith.constant 0 : i32
    %get3A_485 = arith.constant 0 : i32
    %get3A_486 = arith.index_cast %get3A_484 : i32 to index
    %get3A_487 = arith.index_cast %get3A_485 : i32 to index
    %get3A_488 = arith.constant 32 : index
    %get3A_489 = tpu.vector_load %arg7[%get3A_486, %get3A_487, %get3A_488] {strides = array<i32>} : memref<4x8x256xf32, #tpu.memory_space<vmem>>, vector<16xf32>,
    %get3A_490 = arith.constant 0 : i32
    %get3A_491 = arith.constant 0 : i32
    %get3A_492 = arith.index_cast %get3A_490 : i32 to index
    %get3A_493 = arith.index_cast %get3A_491 : i32 to index
    %get3A_494 = arith.constant 32 : index
    %get3A_495 = tpu.vector_load %arg8[%get3A_492, %get3A_493, %get3A_494] {strides = array<i32>} : memref<4x8x256xi32, #tpu.memory_space<vmem>>, vector<16xi32>,
    %sub3A_496 = vector.broadcast %mul3A_414 : i32 to vector<16xi32>
    %sub3A_497 = arith.subi %get3A_495, %sub3A_496 : vector<16xi32>
    %ne3A_498 = arith.constant 0.000000e+00 : f32
    %ne3A_499 = vector.broadcast %ne3A_498 : f32 to vector<16xf32>
    %ne3A_500 = arith.cmpf one, %get3A_489, %ne3A_499 : vector<16xf32>
    %ge3A_501 = arith.constant 0 : i32
    %ge3A_502 = vector.broadcast %ge3A_501 : i32 to vector<16xi32>
    %ge3A_503 = arith.cmpi sge, %sub3A_497, %ge3A_502 : vector<16xi32>
    %and3A_504 = arith.andi %ne3A_500, %ge3A_503 : vector<16xi1>
    %lt3A_505 = arith.constant 32768 : i32
    %lt3A_506 = vector.broadcast %lt3A_505 : i32 to vector<16xi32>
    %lt3A_507 = arith.cmpi slt, %sub3A_497, %lt3A_506 : vector<16xi32>
    %and3A_508 = arith.andi %and3A_504, %lt3A_507 : vector<16xi1>
    %max3A_509 = arith.constant 0 : i32
    %max3A_510 = vector.broadcast %max3A_509 : i32 to vector<16xi32>
    %max3A_511 = arith.maxsi %sub3A_497, %max3A_510 : vector<16xi32>
    %min3A_512 = arith.constant 32767 : i32
    %min3A_513 = vector.broadcast %min3A_512 : i32 to vector<16xi32>
    %min3A_514 = arith.minsi %max3A_511, %min3A_513 : vector<16xi32>
    %shift_right_logical3A_515 = arith.constant 9 : i32
    %shift_right_logical3A_516 = vector.broadcast %shift_right_logical3A_515 : i32 to vector<16xi32>
    %shift_right_logical3A_517 = arith.shrui %min3A_514, %shift_right_logical3A_516 : vector<16xi32>
    %and3A_518 = arith.constant 511 : i32
    %and3A_519 = vector.broadcast %and3A_518 : i32 to vector<16xi32>
    %and3A_520 = arith.andi %min3A_514, %and3A_519 : vector<16xi32>
    tpu.vector_store_idx %arg5[%shift_right_logical3A_517, %and3A_520], %get3A_489 masked %and3A_508 {add = true} : memref<64x512xf32, #tpu.memory_space<vmem>>[vector<16xi32>, vector<16xi32>], vector<16xf32>, vector<16xi1>
    %get3A_521 = arith.constant 0 : i32
    %get3A_522 = arith.constant 0 : i32
    %get3A_523 = arith.index_cast %get3A_521 : i32 to index
    %get3A_524 = arith.index_cast %get3A_522 : i32 to index
    %get3A_525 = arith.constant 48 : index
    %get3A_526 = tpu.vector_load %arg7[%get3A_523, %get3A_524, %get3A_525] {strides = array<i32>} : memref<4x8x256xf32, #tpu.memory_space<vmem>>, vector<16xf32>,
    %get3A_527 = arith.constant 0 : i32
    %get3A_528 = arith.constant 0 : i32
    %get3A_529 = arith.index_cast %get3A_527 : i32 to index
    %get3A_530 = arith.index_cast %get3A_528 : i32 to index
    %get3A_531 = arith.constant 48 : index
    %get3A_532 = tpu.vector_load %arg8[%get3A_529, %get3A_530, %get3A_531] {strides = array<i32>} : memref<4x8x256xi32, #tpu.memory_space<vmem>>, vector<16xi32>,
    %sub3A_533 = vector.broadcast %mul3A_414 : i32 to vector<16xi32>
    %sub3A_534 = arith.subi %get3A_532, %sub3A_533 : vector<16xi32>
    %ne3A_535 = arith.constant 0.000000e+00 : f32
    %ne3A_536 = vector.broadcast %ne3A_535 : f32 to vector<16xf32>
    %ne3A_537 = arith.cmpf one, %get3A_526, %ne3A_536 : vector<16xf32>
    %ge3A_538 = arith.constant 0 : i32
    %ge3A_539 = vector.broadcast %ge3A_538 : i32 to vector<16xi32>
    %ge3A_540 = arith.cmpi sge, %sub3A_534, %ge3A_539 : vector<16xi32>
    %and3A_541 = arith.andi %ne3A_537, %ge3A_540 : vector<16xi1>
    %lt3A_542 = arith.constant 32768 : i32
    %lt3A_543 = vector.broadcast %lt3A_542 : i32 to vector<16xi32>
    %lt3A_544 = arith.cmpi slt, %sub3A_534, %lt3A_543 : vector<16xi32>
    %and3A_545 = arith.andi %and3A_541, %lt3A_544 : vector<16xi1>
    %max3A_546 = arith.constant 0 : i32
    %max3A_547 = vector.broadcast %max3A_546 : i32 to vector<16xi32>
    %max3A_548 = arith.maxsi %sub3A_534, %max3A_547 : vector<16xi32>
    %min3A_549 = arith.constant 32767 : i32
    %min3A_550 = vector.broadcast %min3A_549 : i32 to vector<16xi32>
    %min3A_551 = arith.minsi %max3A_548, %min3A_550 : vector<16xi32>
    %shift_right_logical3A_552 = arith.constant 9 : i32
    %shift_right_logical3A_553 = vector.broadcast %shift_right_logical3A_552 : i32 to vector<16xi32>
    %shift_right_logical3A_554 = arith.shrui %min3A_551, %shift_right_logical3A_553 : vector<16xi32>
    %and3A_555 = arith.constant 511 : i32
    %and3A_556 = vector.broadcast %and3A_555 : i32 to vector<16xi32>
    %and3A_557 = arith.andi %min3A_551, %and3A_556 : vector<16xi32>
    tpu.vector_store_idx %arg5[%shift_right_logical3A_554, %and3A_557], %get3A_526 masked %and3A_545 {add = true} : memref<64x512xf32, #tpu.memory_space<vmem>>[vector<16xi32>, vector<16xi32>], vector<16xf32>, vector<16xi1>
    %get3A_558 = arith.constant 0 : i32
    %get3A_559 = arith.constant 0 : i32
    %get3A_560 = arith.index_cast %get3A_558 : i32 to index
    %get3A_561 = arith.index_cast %get3A_559 : i32 to index
    %get3A_562 = arith.constant 64 : index
    %get3A_563 = tpu.vector_load %arg7[%get3A_560, %get3A_561, %get3A_562] {strides = array<i32>} : memref<4x8x256xf32, #tpu.memory_space<vmem>>, vector<16xf32>,
    %get3A_564 = arith.constant 0 : i32
    %get3A_565 = arith.constant 0 : i32
    %get3A_566 = arith.index_cast %get3A_564 : i32 to index
    %get3A_567 = arith.index_cast %get3A_565 : i32 to index
    %get3A_568 = arith.constant 64 : index
    %get3A_569 = tpu.vector_load %arg8[%get3A_566, %get3A_567, %get3A_568] {strides = array<i32>} : memref<4x8x256xi32, #tpu.memory_space<vmem>>, vector<16xi32>,
    %sub3A_570 = vector.broadcast %mul3A_414 : i32 to vector<16xi32>
    %sub3A_571 = arith.subi %get3A_569, %sub3A_570 : vector<16xi32>
    %ne3A_572 = arith.constant 0.000000e+00 : f32
    %ne3A_573 = vector.broadcast %ne3A_572 : f32 to vector<16xf32>
    %ne3A_574 = arith.cmpf one, %get3A_563, %ne3A_573 : vector<16xf32>
    %ge3A_575 = arith.constant 0 : i32
    %ge3A_576 = vector.broadcast %ge3A_575 : i32 to vector<16xi32>
    %ge3A_577 = arith.cmpi sge, %sub3A_571, %ge3A_576 : vector<16xi32>
    %and3A_578 = arith.andi %ne3A_574, %ge3A_577 : vector<16xi1>
    %lt3A_579 = arith.constant 32768 : i32
    %lt3A_580 = vector.broadcast %lt3A_579 : i32 to vector<16xi32>
    %lt3A_581 = arith.cmpi slt, %sub3A_571, %lt3A_580 : vector<16xi32>
    %and3A_582 = arith.andi %and3A_578, %lt3A_581 : vector<16xi1>
    %max3A_583 = arith.constant 0 : i32
    %max3A_584 = vector.broadcast %max3A_583 : i32 to vector<16xi32>
    %max3A_585 = arith.maxsi %sub3A_571, %max3A_584 : vector<16xi32>
    %min3A_586 = arith.constant 32767 : i32
    %min3A_587 = vector.broadcast %min3A_586 : i32 to vector<16xi32>
    %min3A_588 = arith.minsi %max3A_585, %min3A_587 : vector<16xi32>
    %shift_right_logical3A_589 = arith.constant 9 : i32
    %shift_right_logical3A_590 = vector.broadcast %shift_right_logical3A_589 : i32 to vector<16xi32>
    %shift_right_logical3A_591 = arith.shrui %min3A_588, %shift_right_logical3A_590 : vector<16xi32>
    %and3A_592 = arith.constant 511 : i32
    %and3A_593 = vector.broadcast %and3A_592 : i32 to vector<16xi32>
    %and3A_594 = arith.andi %min3A_588, %and3A_593 : vector<16xi32>
    tpu.vector_store_idx %arg5[%shift_right_logical3A_591, %and3A_594], %get3A_563 masked %and3A_582 {add = true} : memref<64x512xf32, #tpu.memory_space<vmem>>[vector<16xi32>, vector<16xi32>], vector<16xf32>, vector<16xi1>
    %get3A_595 = arith.constant 0 : i32
    %get3A_596 = arith.constant 0 : i32
    %get3A_597 = arith.index_cast %get3A_595 : i32 to index
    %get3A_598 = arith.index_cast %get3A_596 : i32 to index
    %get3A_599 = arith.constant 80 : index
    %get3A_600 = tpu.vector_load %arg7[%get3A_597, %get3A_598, %get3A_599] {strides = array<i32>} : memref<4x8x256xf32, #tpu.memory_space<vmem>>, vector<16xf32>,
    %get3A_601 = arith.constant 0 : i32
    %get3A_602 = arith.constant 0 : i32
    %get3A_603 = arith.index_cast %get3A_601 : i32 to index
    %get3A_604 = arith.index_cast %get3A_602 : i32 to index
    %get3A_605 = arith.constant 80 : index
    %get3A_606 = tpu.vector_load %arg8[%get3A_603, %get3A_604, %get3A_605] {strides = array<i32>} : memref<4x8x256xi32, #tpu.memory_space<vmem>>, vector<16xi32>,
    %sub3A_607 = vector.broadcast %mul3A_414 : i32 to vector<16xi32>
    %sub3A_608 = arith.subi %get3A_606, %sub3A_607 : vector<16xi32>
    %ne3A_609 = arith.constant 0.000000e+00 : f32
    %ne3A_610 = vector.broadcast %ne3A_609 : f32 to vector<16xf32>
    %ne3A_611 = arith.cmpf one, %get3A_600, %ne3A_610 : vector<16xf32>
    %ge3A_612 = arith.constant 0 : i32
    %ge3A_613 = vector.broadcast %ge3A_612 : i32 to vector<16xi32>
    %ge3A_614 = arith.cmpi sge, %sub3A_608, %ge3A_613 : vector<16xi32>
    %and3A_615 = arith.andi %ne3A_611, %ge3A_614 : vector<16xi1>
    %lt3A_616 = arith.constant 32768 : i32
    %lt3A_617 = vector.broadcast %lt3A_616 : i32 to vector<16xi32>
    %lt3A_618 = arith.cmpi slt, %sub3A_608, %lt3A_617 : vector<16xi32>
    %and3A_619 = arith.andi %and3A_615, %lt3A_618 : vector<16xi1>
    %max3A_620 = arith.constant 0 : i32
    %max3A_621 = vector.broadcast %max3A_620 : i32 to vector<16xi32>
    %max3A_622 = arith.maxsi %sub3A_608, %max3A_621 : vector<16xi32>
    %min3A_623 = arith.constant 32767 : i32
    %min3A_624 = vector.broadcast %min3A_623 : i32 to vector<16xi32>
    %min3A_625 = arith.minsi %max3A_622, %min3A_624 : vector<16xi32>
    %shift_right_logical3A_626 = arith.constant 9 : i32
    %shift_right_logical3A_627 = vector.broadcast %shift_right_logical3A_626 : i32 to vector<16xi32>
    %shift_right_logical3A_628 = arith.shrui %min3A_625, %shift_right_logical3A_627 : vector<16xi32>
    %and3A_629 = arith.constant 511 : i32
    %and3A_630 = vector.broadcast %and3A_629 : i32 to vector<16xi32>
    %and3A_631 = arith.andi %min3A_625, %and3A_630 : vector<16xi32>
    tpu.vector_store_idx %arg5[%shift_right_logical3A_628, %and3A_631], %get3A_600 masked %and3A_619 {add = true} : memref<64x512xf32, #tpu.memory_space<vmem>>[vector<16xi32>, vector<16xi32>], vector<16xf32>, vector<16xi1>
    %get3A_632 = arith.constant 0 : i32
    %get3A_633 = arith.constant 0 : i32
    %get3A_634 = arith.index_cast %get3A_632 : i32 to index
    %get3A_635 = arith.index_cast %get3A_633 : i32 to index
    %get3A_636 = arith.constant 96 : index
    %get3A_637 = tpu.vector_load %arg7[%get3A_634, %get3A_635, %get3A_636] {strides = array<i32>} : memref<4x8x256xf32, #tpu.memory_space<vmem>>, vector<16xf32>,
    %get3A_638 = arith.constant 0 : i32
    %get3A_639 = arith.constant 0 : i32
    %get3A_640 = arith.index_cast %get3A_638 : i32 to index
    %get3A_641 = arith.index_cast %get3A_639 : i32 to index
    %get3A_642 = arith.constant 96 : index
    %get3A_643 = tpu.vector_load %arg8[%get3A_640, %get3A_641, %get3A_642] {strides = array<i32>} : memref<4x8x256xi32, #tpu.memory_space<vmem>>, vector<16xi32>,
    %sub3A_644 = vector.broadcast %mul3A_414 : i32 to vector<16xi32>
    %sub3A_645 = arith.subi %get3A_643, %sub3A_644 : vector<16xi32>
    %ne3A_646 = arith.constant 0.000000e+00 : f32
    %ne3A_647 = vector.broadcast %ne3A_646 : f32 to vector<16xf32>
    %ne3A_648 = arith.cmpf one, %get3A_637, %ne3A_647 : vector<16xf32>
    %ge3A_649 = arith.constant 0 : i32
    %ge3A_650 = vector.broadcast %ge3A_649 : i32 to vector<16xi32>
    %ge3A_651 = arith.cmpi sge, %sub3A_645, %ge3A_650 : vector<16xi32>
    %and3A_652 = arith.andi %ne3A_648, %ge3A_651 : vector<16xi1>
    %lt3A_653 = arith.constant 32768 : i32
    %lt3A_654 = vector.broadcast %lt3A_653 : i32 to vector<16xi32>
    %lt3A_655 = arith.cmpi slt, %sub3A_645, %lt3A_654 : vector<16xi32>
    %and3A_656 = arith.andi %and3A_652, %lt3A_655 : vector<16xi1>
    %max3A_657 = arith.constant 0 : i32
    %max3A_658 = vector.broadcast %max3A_657 : i32 to vector<16xi32>
    %max3A_659 = arith.maxsi %sub3A_645, %max3A_658 : vector<16xi32>
    %min3A_660 = arith.constant 32767 : i32
    %min3A_661 = vector.broadcast %min3A_660 : i32 to vector<16xi32>
    %min3A_662 = arith.minsi %max3A_659, %min3A_661 : vector<16xi32>
    %shift_right_logical3A_663 = arith.constant 9 : i32
    %shift_right_logical3A_664 = vector.broadcast %shift_right_logical3A_663 : i32 to vector<16xi32>
    %shift_right_logical3A_665 = arith.shrui %min3A_662, %shift_right_logical3A_664 : vector<16xi32>
    %and3A_666 = arith.constant 511 : i32
    %and3A_667 = vector.broadcast %and3A_666 : i32 to vector<16xi32>
    %and3A_668 = arith.andi %min3A_662, %and3A_667 : vector<16xi32>
    tpu.vector_store_idx %arg5[%shift_right_logical3A_665, %and3A_668], %get3A_637 masked %and3A_656 {add = true} : memref<64x512xf32, #tpu.memory_space<vmem>>[vector<16xi32>, vector<16xi32>], vector<16xf32>, vector<16xi1>
    %get3A_669 = arith.constant 0 : i32
    %get3A_670 = arith.constant 0 : i32
    %get3A_671 = arith.index_cast %get3A_669 : i32 to index
    %get3A_672 = arith.index_cast %get3A_670 : i32 to index
    %get3A_673 = arith.constant 112 : index
    %get3A_674 = tpu.vector_load %arg7[%get3A_671, %get3A_672, %get3A_673] {strides = array<i32>} : memref<4x8x256xf32, #tpu.memory_space<vmem>>, vector<16xf32>,
    %get3A_675 = arith.constant 0 : i32
    %get3A_676 = arith.constant 0 : i32
    %get3A_677 = arith.index_cast %get3A_675 : i32 to index
    %get3A_678 = arith.index_cast %get3A_676 : i32 to index
    %get3A_679 = arith.constant 112 : index
    %get3A_680 = tpu.vector_load %arg8[%get3A_677, %get3A_678, %get3A_679] {strides = array<i32>} : memref<4x8x256xi32, #tpu.memory_space<vmem>>, vector<16xi32>,
    %sub3A_681 = vector.broadcast %mul3A_414 : i32 to vector<16xi32>
    %sub3A_682 = arith.subi %get3A_680, %sub3A_681 : vector<16xi32>
    %ne3A_683 = arith.constant 0.000000e+00 : f32
    %ne3A_684 = vector.broadcast %ne3A_683 : f32 to vector<16xf32>
    %ne3A_685 = arith.cmpf one, %get3A_674, %ne3A_684 : vector<16xf32>
    %ge3A_686 = arith.constant 0 : i32
    %ge3A_687 = vector.broadcast %ge3A_686 : i32 to vector<16xi32>
    %ge3A_688 = arith.cmpi sge, %sub3A_682, %ge3A_687 : vector<16xi32>
    %and3A_689 = arith.andi %ne3A_685, %ge3A_688 : vector<16xi1>
    %lt3A_690 = arith.constant 32768 : i32
    %lt3A_691 = vector.broadcast %lt3A_690 : i32 to vector<16xi32>
    %lt3A_692 = arith.cmpi slt, %sub3A_682, %lt3A_691 : vector<16xi32>
    %and3A_693 = arith.andi %and3A_689, %lt3A_692 : vector<16xi1>
    %max3A_694 = arith.constant 0 : i32
    %max3A_695 = vector.broadcast %max3A_694 : i32 to vector<16xi32>
    %max3A_696 = arith.maxsi %sub3A_682, %max3A_695 : vector<16xi32>
    %min3A_697 = arith.constant 32767 : i32
    %min3A_698 = vector.broadcast %min3A_697 : i32 to vector<16xi32>
    %min3A_699 = arith.minsi %max3A_696, %min3A_698 : vector<16xi32>
    %shift_right_logical3A_700 = arith.constant 9 : i32
    %shift_right_logical3A_701 = vector.broadcast %shift_right_logical3A_700 : i32 to vector<16xi32>
    %shift_right_logical3A_702 = arith.shrui %min3A_699, %shift_right_logical3A_701 : vector<16xi32>
    %and3A_703 = arith.constant 511 : i32
    %and3A_704 = vector.broadcast %and3A_703 : i32 to vector<16xi32>
    %and3A_705 = arith.andi %min3A_699, %and3A_704 : vector<16xi32>
    tpu.vector_store_idx %arg5[%shift_right_logical3A_702, %and3A_705], %get3A_674 masked %and3A_693 {add = true} : memref<64x512xf32, #tpu.memory_space<vmem>>[vector<16xi32>, vector<16xi32>], vector<16xf32>, vector<16xi1>
    %get3A_706 = arith.constant 0 : i32
    %get3A_707 = arith.constant 0 : i32
    %get3A_708 = arith.index_cast %get3A_706 : i32 to index
    %get3A_709 = arith.index_cast %get3A_707 : i32 to index
    %get3A_710 = arith.constant 128 : index
    %get3A_711 = tpu.vector_load %arg7[%get3A_708, %get3A_709, %get3A_710] {strides = array<i32>} : memref<4x8x256xf32, #tpu.memory_space<vmem>>, vector<16xf32>,
    %get3A_712 = arith.constant 0 : i32
    %get3A_713 = arith.constant 0 : i32
    %get3A_714 = arith.index_cast %get3A_712 : i32 to index
    %get3A_715 = arith.index_cast %get3A_713 : i32 to index
    %get3A_716 = arith.constant 128 : index
    %get3A_717 = tpu.vector_load %arg8[%get3A_714, %get3A_715, %get3A_716] {strides = array<i32>} : memref<4x8x256xi32, #tpu.memory_space<vmem>>, vector<16xi32>,
    %sub3A_718 = vector.broadcast %mul3A_414 : i32 to vector<16xi32>
    %sub3A_719 = arith.subi %get3A_717, %sub3A_718 : vector<16xi32>
    %ne3A_720 = arith.constant 0.000000e+00 : f32
    %ne3A_721 = vector.broadcast %ne3A_720 : f32 to vector<16xf32>
    %ne3A_722 = arith.cmpf one, %get3A_711, %ne3A_721 : vector<16xf32>
    %ge3A_723 = arith.constant 0 : i32
    %ge3A_724 = vector.broadcast %ge3A_723 : i32 to vector<16xi32>
    %ge3A_725 = arith.cmpi sge, %sub3A_719, %ge3A_724 : vector<16xi32>
    %and3A_726 = arith.andi %ne3A_722, %ge3A_725 : vector<16xi1>
    %lt3A_727 = arith.constant 32768 : i32
    %lt3A_728 = vector.broadcast %lt3A_727 : i32 to vector<16xi32>
    %lt3A_729 = arith.cmpi slt, %sub3A_719, %lt3A_728 : vector<16xi32>
    %and3A_730 = arith.andi %and3A_726, %lt3A_729 : vector<16xi1>
    %max3A_731 = arith.constant 0 : i32
    %max3A_732 = vector.broadcast %max3A_731 : i32 to vector<16xi32>
    %max3A_733 = arith.maxsi %sub3A_719, %max3A_732 : vector<16xi32>
    %min3A_734 = arith.constant 32767 : i32
    %min3A_735 = vector.broadcast %min3A_734 : i32 to vector<16xi32>
    %min3A_736 = arith.minsi %max3A_733, %min3A_735 : vector<16xi32>
    %shift_right_logical3A_737 = arith.constant 9 : i32
    %shift_right_logical3A_738 = vector.broadcast %shift_right_logical3A_737 : i32 to vector<16xi32>
    %shift_right_logical3A_739 = arith.shrui %min3A_736, %shift_right_logical3A_738 : vector<16xi32>
    %and3A_740 = arith.constant 511 : i32
    %and3A_741 = vector.broadcast %and3A_740 : i32 to vector<16xi32>
    %and3A_742 = arith.andi %min3A_736, %and3A_741 : vector<16xi32>
    tpu.vector_store_idx %arg5[%shift_right_logical3A_739, %and3A_742], %get3A_711 masked %and3A_730 {add = true} : memref<64x512xf32, #tpu.memory_space<vmem>>[vector<16xi32>, vector<16xi32>], vector<16xf32>, vector<16xi1>
    %get3A_743 = arith.constant 0 : i32
    %get3A_744 = arith.constant 0 : i32
    %get3A_745 = arith.index_cast %get3A_743 : i32 to index
    %get3A_746 = arith.index_cast %get3A_744 : i32 to index
    %get3A_747 = arith.constant 144 : index
    %get3A_748 = tpu.vector_load %arg7[%get3A_745, %get3A_746, %get3A_747] {strides = array<i32>} : memref<4x8x256xf32, #tpu.memory_space<vmem>>, vector<16xf32>,
    %get3A_749 = arith.constant 0 : i32
    %get3A_750 = arith.constant 0 : i32
    %get3A_751 = arith.index_cast %get3A_749 : i32 to index
    %get3A_752 = arith.index_cast %get3A_750 : i32 to index
    %get3A_753 = arith.constant 144 : index
    %get3A_754 = tpu.vector_load %arg8[%get3A_751, %get3A_752, %get3A_753] {strides = array<i32>} : memref<4x8x256xi32, #tpu.memory_space<vmem>>, vector<16xi32>,
    %sub3A_755 = vector.broadcast %mul3A_414 : i32 to vector<16xi32>
    %sub3A_756 = arith.subi %get3A_754, %sub3A_755 : vector<16xi32>
    %ne3A_757 = arith.constant 0.000000e+00 : f32
    %ne3A_758 = vector.broadcast %ne3A_757 : f32 to vector<16xf32>
    %ne3A_759 = arith.cmpf one, %get3A_748, %ne3A_758 : vector<16xf32>
    %ge3A_760 = arith.constant 0 : i32
    %ge3A_761 = vector.broadcast %ge3A_760 : i32 to vector<16xi32>
    %ge3A_762 = arith.cmpi sge, %sub3A_756, %ge3A_761 : vector<16xi32>
    %and3A_763 = arith.andi %ne3A_759, %ge3A_762 : vector<16xi1>
    %lt3A_764 = arith.constant 32768 : i32
    %lt3A_765 = vector.broadcast %lt3A_764 : i32 to vector<16xi32>
    %lt3A_766 = arith.cmpi slt, %sub3A_756, %lt3A_765 : vector<16xi32>
    %and3A_767 = arith.andi %and3A_763, %lt3A_766 : vector<16xi1>
    %max3A_768 = arith.constant 0 : i32
    %max3A_769 = vector.broadcast %max3A_768 : i32 to vector<16xi32>
    %max3A_770 = arith.maxsi %sub3A_756, %max3A_769 : vector<16xi32>
    %min3A_771 = arith.constant 32767 : i32
    %min3A_772 = vector.broadcast %min3A_771 : i32 to vector<16xi32>
    %min3A_773 = arith.minsi %max3A_770, %min3A_772 : vector<16xi32>
    %shift_right_logical3A_774 = arith.constant 9 : i32
    %shift_right_logical3A_775 = vector.broadcast %shift_right_logical3A_774 : i32 to vector<16xi32>
    %shift_right_logical3A_776 = arith.shrui %min3A_773, %shift_right_logical3A_775 : vector<16xi32>
    %and3A_777 = arith.constant 511 : i32
    %and3A_778 = vector.broadcast %and3A_777 : i32 to vector<16xi32>
    %and3A_779 = arith.andi %min3A_773, %and3A_778 : vector<16xi32>
    tpu.vector_store_idx %arg5[%shift_right_logical3A_776, %and3A_779], %get3A_748 masked %and3A_767 {add = true} : memref<64x512xf32, #tpu.memory_space<vmem>>[vector<16xi32>, vector<16xi32>], vector<16xf32>, vector<16xi1>
    %get3A_780 = arith.constant 0 : i32
    %get3A_781 = arith.constant 0 : i32
    %get3A_782 = arith.index_cast %get3A_780 : i32 to index
    %get3A_783 = arith.index_cast %get3A_781 : i32 to index
    %get3A_784 = arith.constant 160 : index
    %get3A_785 = tpu.vector_load %arg7[%get3A_782, %get3A_783, %get3A_784] {strides = array<i32>} : memref<4x8x256xf32, #tpu.memory_space<vmem>>, vector<16xf32>,
    %get3A_786 = arith.constant 0 : i32
    %get3A_787 = arith.constant 0 : i32
    %get3A_788 = arith.index_cast %get3A_786 : i32 to index
    %get3A_789 = arith.index_cast %get3A_787 : i32 to index
    %get3A_790 = arith.constant 160 : index
    %get3A_791 = tpu.vector_load %arg8[%get3A_788, %get3A_789, %get3A_790] {strides = array<i32>} : memref<4x8x256xi32, #tpu.memory_space<vmem>>, vector<16xi32>,
    %sub3A_792 = vector.broadcast %mul3A_414 : i32 to vector<16xi32>
    %sub3A_793 = arith.subi %get3A_791, %sub3A_792 : vector<16xi32>
    %ne3A_794 = arith.constant 0.000000e+00 : f32
    %ne3A_795 = vector.broadcast %ne3A_794 : f32 to vector<16xf32>
    %ne3A_796 = arith.cmpf one, %get3A_785, %ne3A_795 : vector<16xf32>
    %ge3A_797 = arith.constant 0 : i32
    %ge3A_798 = vector.broadcast %ge3A_797 : i32 to vector<16xi32>
    %ge3A_799 = arith.cmpi sge, %sub3A_793, %ge3A_798 : vector<16xi32>
    %and3A_800 = arith.andi %ne3A_796, %ge3A_799 : vector<16xi1>
    %lt3A_801 = arith.constant 32768 : i32
    %lt3A_802 = vector.broadcast %lt3A_801 : i32 to vector<16xi32>
    %lt3A_803 = arith.cmpi slt, %sub3A_793, %lt3A_802 : vector<16xi32>
    %and3A_804 = arith.andi %and3A_800, %lt3A_803 : vector<16xi1>
    %max3A_805 = arith.constant 0 : i32
    %max3A_806 = vector.broadcast %max3A_805 : i32 to vector<16xi32>
    %max3A_807 = arith.maxsi %sub3A_793, %max3A_806 : vector<16xi32>
    %min3A_808 = arith.constant 32767 : i32
    %min3A_809 = vector.broadcast %min3A_808 : i32 to vector<16xi32>
    %min3A_810 = arith.minsi %max3A_807, %min3A_809 : vector<16xi32>
    %shift_right_logical3A_811 = arith.constant 9 : i32
    %shift_right_logical3A_812 = vector.broadcast %shift_right_logical3A_811 : i32 to vector<16xi32>
    %shift_right_logical3A_813 = arith.shrui %min3A_810, %shift_right_logical3A_812 : vector<16xi32>
    %and3A_814 = arith.constant 511 : i32
    %and3A_815 = vector.broadcast %and3A_814 : i32 to vector<16xi32>
    %and3A_816 = arith.andi %min3A_810, %and3A_815 : vector<16xi32>
    tpu.vector_store_idx %arg5[%shift_right_logical3A_813, %and3A_816], %get3A_785 masked %and3A_804 {add = true} : memref<64x512xf32, #tpu.memory_space<vmem>>[vector<16xi32>, vector<16xi32>], vector<16xf32>, vector<16xi1>
    %get3A_817 = arith.constant 0 : i32
    %get3A_818 = arith.constant 0 : i32
    %get3A_819 = arith.index_cast %get3A_817 : i32 to index
    %get3A_820 = arith.index_cast %get3A_818 : i32 to index
    %get3A_821 = arith.constant 176 : index
    %get3A_822 = tpu.vector_load %arg7[%get3A_819, %get3A_820, %get3A_821] {strides = array<i32>} : memref<4x8x256xf32, #tpu.memory_space<vmem>>, vector<16xf32>,
    %get3A_823 = arith.constant 0 : i32
    %get3A_824 = arith.constant 0 : i32
    %get3A_825 = arith.index_cast %get3A_823 : i32 to index
    %get3A_826 = arith.index_cast %get3A_824 : i32 to index
    %get3A_827 = arith.constant 176 : index
    %get3A_828 = tpu.vector_load %arg8[%get3A_825, %get3A_826, %get3A_827] {strides = array<i32>} : memref<4x8x256xi32, #tpu.memory_space<vmem>>, vector<16xi32>,
    %sub3A_829 = vector.broadcast %mul3A_414 : i32 to vector<16xi32>
    %sub3A_830 = arith.subi %get3A_828, %sub3A_829 : vector<16xi32>
    %ne3A_831 = arith.constant 0.000000e+00 : f32
    %ne3A_832 = vector.broadcast %ne3A_831 : f32 to vector<16xf32>
    %ne3A_833 = arith.cmpf one, %get3A_822, %ne3A_832 : vector<16xf32>
    %ge3A_834 = arith.constant 0 : i32
    %ge3A_835 = vector.broadcast %ge3A_834 : i32 to vector<16xi32>
    %ge3A_836 = arith.cmpi sge, %sub3A_830, %ge3A_835 : vector<16xi32>
    %and3A_837 = arith.andi %ne3A_833, %ge3A_836 : vector<16xi1>
    %lt3A_838 = arith.constant 32768 : i32
    %lt3A_839 = vector.broadcast %lt3A_838 : i32 to vector<16xi32>
    %lt3A_840 = arith.cmpi slt, %sub3A_830, %lt3A_839 : vector<16xi32>
    %and3A_841 = arith.andi %and3A_837, %lt3A_840 : vector<16xi1>
    %max3A_842 = arith.constant 0 : i32
    %max3A_843 = vector.broadcast %max3A_842 : i32 to vector<16xi32>
    %max3A_844 = arith.maxsi %sub3A_830, %max3A_843 : vector<16xi32>
    %min3A_845 = arith.constant 32767 : i32
    %min3A_846 = vector.broadcast %min3A_845 : i32 to vector<16xi32>
    %min3A_847 = arith.minsi %max3A_844, %min3A_846 : vector<16xi32>
    %shift_right_logical3A_848 = arith.constant 9 : i32
    %shift_right_logical3A_849 = vector.broadcast %shift_right_logical3A_848 : i32 to vector<16xi32>
    %shift_right_logical3A_850 = arith.shrui %min3A_847, %shift_right_logical3A_849 : vector<16xi32>
    %and3A_851 = arith.constant 511 : i32
    %and3A_852 = vector.broadcast %and3A_851 : i32 to vector<16xi32>
    %and3A_853 = arith.andi %min3A_847, %and3A_852 : vector<16xi32>
    tpu.vector_store_idx %arg5[%shift_right_logical3A_850, %and3A_853], %get3A_822 masked %and3A_841 {add = true} : memref<64x512xf32, #tpu.memory_space<vmem>>[vector<16xi32>, vector<16xi32>], vector<16xf32>, vector<16xi1>
    %get3A_854 = arith.constant 0 : i32
    %get3A_855 = arith.constant 0 : i32
    %get3A_856 = arith.index_cast %get3A_854 : i32 to index
    %get3A_857 = arith.index_cast %get3A_855 : i32 to index
    %get3A_858 = arith.constant 192 : index
    %get3A_859 = tpu.vector_load %arg7[%get3A_856, %get3A_857, %get3A_858] {strides = array<i32>} : memref<4x8x256xf32, #tpu.memory_space<vmem>>, vector<16xf32>,
    %get3A_860 = arith.constant 0 : i32
    %get3A_861 = arith.constant 0 : i32
    %get3A_862 = arith.index_cast %get3A_860 : i32 to index
    %get3A_863 = arith.index_cast %get3A_861 : i32 to index
    %get3A_864 = arith.constant 192 : index
    %get3A_865 = tpu.vector_load %arg8[%get3A_862, %get3A_863, %get3A_864] {strides = array<i32>} : memref<4x8x256xi32, #tpu.memory_space<vmem>>, vector<16xi32>,
    %sub3A_866 = vector.broadcast %mul3A_414 : i32 to vector<16xi32>
    %sub3A_867 = arith.subi %get3A_865, %sub3A_866 : vector<16xi32>
    %ne3A_868 = arith.constant 0.000000e+00 : f32
    %ne3A_869 = vector.broadcast %ne3A_868 : f32 to vector<16xf32>
    %ne3A_870 = arith.cmpf one, %get3A_859, %ne3A_869 : vector<16xf32>
    %ge3A_871 = arith.constant 0 : i32
    %ge3A_872 = vector.broadcast %ge3A_871 : i32 to vector<16xi32>
    %ge3A_873 = arith.cmpi sge, %sub3A_867, %ge3A_872 : vector<16xi32>
    %and3A_874 = arith.andi %ne3A_870, %ge3A_873 : vector<16xi1>
    %lt3A_875 = arith.constant 32768 : i32
    %lt3A_876 = vector.broadcast %lt3A_875 : i32 to vector<16xi32>
    %lt3A_877 = arith.cmpi slt, %sub3A_867, %lt3A_876 : vector<16xi32>
    %and3A_878 = arith.andi %and3A_874, %lt3A_877 : vector<16xi1>
    %max3A_879 = arith.constant 0 : i32
    %max3A_880 = vector.broadcast %max3A_879 : i32 to vector<16xi32>
    %max3A_881 = arith.maxsi %sub3A_867, %max3A_880 : vector<16xi32>
    %min3A_882 = arith.constant 32767 : i32
    %min3A_883 = vector.broadcast %min3A_882 : i32 to vector<16xi32>
    %min3A_884 = arith.minsi %max3A_881, %min3A_883 : vector<16xi32>
    %shift_right_logical3A_885 = arith.constant 9 : i32
    %shift_right_logical3A_886 = vector.broadcast %shift_right_logical3A_885 : i32 to vector<16xi32>
    %shift_right_logical3A_887 = arith.shrui %min3A_884, %shift_right_logical3A_886 : vector<16xi32>
    %and3A_888 = arith.constant 511 : i32
    %and3A_889 = vector.broadcast %and3A_888 : i32 to vector<16xi32>
    %and3A_890 = arith.andi %min3A_884, %and3A_889 : vector<16xi32>
    tpu.vector_store_idx %arg5[%shift_right_logical3A_887, %and3A_890], %get3A_859 masked %and3A_878 {add = true} : memref<64x512xf32, #tpu.memory_space<vmem>>[vector<16xi32>, vector<16xi32>], vector<16xf32>, vector<16xi1>
    %get3A_891 = arith.constant 0 : i32
    %get3A_892 = arith.constant 0 : i32
    %get3A_893 = arith.index_cast %get3A_891 : i32 to index
    %get3A_894 = arith.index_cast %get3A_892 : i32 to index
    %get3A_895 = arith.constant 208 : index
    %get3A_896 = tpu.vector_load %arg7[%get3A_893, %get3A_894, %get3A_895] {strides = array<i32>} : memref<4x8x256xf32, #tpu.memory_space<vmem>>, vector<16xf32>,
    %get3A_897 = arith.constant 0 : i32
    %get3A_898 = arith.constant 0 : i32
    %get3A_899 = arith.index_cast %get3A_897 : i32 to index
    %get3A_900 = arith.index_cast %get3A_898 : i32 to index
    %get3A_901 = arith.constant 208 : index
    %get3A_902 = tpu.vector_load %arg8[%get3A_899, %get3A_900, %get3A_901] {strides = array<i32>} : memref<4x8x256xi32, #tpu.memory_space<vmem>>, vector<16xi32>,
    %sub3A_903 = vector.broadcast %mul3A_414 : i32 to vector<16xi32>
    %sub3A_904 = arith.subi %get3A_902, %sub3A_903 : vector<16xi32>
    %ne3A_905 = arith.constant 0.000000e+00 : f32
    %ne3A_906 = vector.broadcast %ne3A_905 : f32 to vector<16xf32>
    %ne3A_907 = arith.cmpf one, %get3A_896, %ne3A_906 : vector<16xf32>
    %ge3A_908 = arith.constant 0 : i32
    %ge3A_909 = vector.broadcast %ge3A_908 : i32 to vector<16xi32>
    %ge3A_910 = arith.cmpi sge, %sub3A_904, %ge3A_909 : vector<16xi32>
    %and3A_911 = arith.andi %ne3A_907, %ge3A_910 : vector<16xi1>
    %lt3A_912 = arith.constant 32768 : i32
    %lt3A_913 = vector.broadcast %lt3A_912 : i32 to vector<16xi32>
    %lt3A_914 = arith.cmpi slt, %sub3A_904, %lt3A_913 : vector<16xi32>
    %and3A_915 = arith.andi %and3A_911, %lt3A_914 : vector<16xi1>
    %max3A_916 = arith.constant 0 : i32
    %max3A_917 = vector.broadcast %max3A_916 : i32 to vector<16xi32>
    %max3A_918 = arith.maxsi %sub3A_904, %max3A_917 : vector<16xi32>
    %min3A_919 = arith.constant 32767 : i32
    %min3A_920 = vector.broadcast %min3A_919 : i32 to vector<16xi32>
    %min3A_921 = arith.minsi %max3A_918, %min3A_920 : vector<16xi32>
    %shift_right_logical3A_922 = arith.constant 9 : i32
    %shift_right_logical3A_923 = vector.broadcast %shift_right_logical3A_922 : i32 to vector<16xi32>
    %shift_right_logical3A_924 = arith.shrui %min3A_921, %shift_right_logical3A_923 : vector<16xi32>
    %and3A_925 = arith.constant 511 : i32
    %and3A_926 = vector.broadcast %and3A_925 : i32 to vector<16xi32>
    %and3A_927 = arith.andi %min3A_921, %and3A_926 : vector<16xi32>
    tpu.vector_store_idx %arg5[%shift_right_logical3A_924, %and3A_927], %get3A_896 masked %and3A_915 {add = true} : memref<64x512xf32, #tpu.memory_space<vmem>>[vector<16xi32>, vector<16xi32>], vector<16xf32>, vector<16xi1>
    %get3A_928 = arith.constant 0 : i32
    %get3A_929 = arith.constant 0 : i32
    %get3A_930 = arith.index_cast %get3A_928 : i32 to index
    %get3A_931 = arith.index_cast %get3A_929 : i32 to index
    %get3A_932 = arith.constant 224 : index
    %get3A_933 = tpu.vector_load %arg7[%get3A_930, %get3A_931, %get3A_932] {strides = array<i32>} : memref<4x8x256xf32, #tpu.memory_space<vmem>>, vector<16xf32>,
    %get3A_934 = arith.constant 0 : i32
    %get3A_935 = arith.constant 0 : i32
    %get3A_936 = arith.index_cast %get3A_934 : i32 to index
    %get3A_937 = arith.index_cast %get3A_935 : i32 to index
    %get3A_938 = arith.constant 224 : index
    %get3A_939 = tpu.vector_load %arg8[%get3A_936, %get3A_937, %get3A_938] {strides = array<i32>} : memref<4x8x256xi32, #tpu.memory_space<vmem>>, vector<16xi32>,
    %sub3A_940 = vector.broadcast %mul3A_414 : i32 to vector<16xi32>
    %sub3A_941 = arith.subi %get3A_939, %sub3A_940 : vector<16xi32>
    %ne3A_942 = arith.constant 0.000000e+00 : f32
    %ne3A_943 = vector.broadcast %ne3A_942 : f32 to vector<16xf32>
    %ne3A_944 = arith.cmpf one, %get3A_933, %ne3A_943 : vector<16xf32>
    %ge3A_945 = arith.constant 0 : i32
    %ge3A_946 = vector.broadcast %ge3A_945 : i32 to vector<16xi32>
    %ge3A_947 = arith.cmpi sge, %sub3A_941, %ge3A_946 : vector<16xi32>
    %and3A_948 = arith.andi %ne3A_944, %ge3A_947 : vector<16xi1>
    %lt3A_949 = arith.constant 32768 : i32
    %lt3A_950 = vector.broadcast %lt3A_949 : i32 to vector<16xi32>
    %lt3A_951 = arith.cmpi slt, %sub3A_941, %lt3A_950 : vector<16xi32>
    %and3A_952 = arith.andi %and3A_948, %lt3A_951 : vector<16xi1>
    %max3A_953 = arith.constant 0 : i32
    %max3A_954 = vector.broadcast %max3A_953 : i32 to vector<16xi32>
    %max3A_955 = arith.maxsi %sub3A_941, %max3A_954 : vector<16xi32>
    %min3A_956 = arith.constant 32767 : i32
    %min3A_957 = vector.broadcast %min3A_956 : i32 to vector<16xi32>
    %min3A_958 = arith.minsi %max3A_955, %min3A_957 : vector<16xi32>
    %shift_right_logical3A_959 = arith.constant 9 : i32
    %shift_right_logical3A_960 = vector.broadcast %shift_right_logical3A_959 : i32 to vector<16xi32>
    %shift_right_logical3A_961 = arith.shrui %min3A_958, %shift_right_logical3A_960 : vector<16xi32>
    %and3A_962 = arith.constant 511 : i32
    %and3A_963 = vector.broadcast %and3A_962 : i32 to vector<16xi32>
    %and3A_964 = arith.andi %min3A_958, %and3A_963 : vector<16xi32>
    tpu.vector_store_idx %arg5[%shift_right_logical3A_961, %and3A_964], %get3A_933 masked %and3A_952 {add = true} : memref<64x512xf32, #tpu.memory_space<vmem>>[vector<16xi32>, vector<16xi32>], vector<16xf32>, vector<16xi1>
    %get3A_965 = arith.constant 0 : i32
    %get3A_966 = arith.constant 0 : i32
    %get3A_967 = arith.index_cast %get3A_965 : i32 to index
    %get3A_968 = arith.index_cast %get3A_966 : i32 to index
    %get3A_969 = arith.constant 240 : index
    %get3A_970 = tpu.vector_load %arg7[%get3A_967, %get3A_968, %get3A_969] {strides = array<i32>} : memref<4x8x256xf32, #tpu.memory_space<vmem>>, vector<16xf32>,
    %get3A_971 = arith.constant 0 : i32
    %get3A_972 = arith.constant 0 : i32
    %get3A_973 = arith.index_cast %get3A_971 : i32 to index
    %get3A_974 = arith.index_cast %get3A_972 : i32 to index
    %get3A_975 = arith.constant 240 : index
    %get3A_976 = tpu.vector_load %arg8[%get3A_973, %get3A_974, %get3A_975] {strides = array<i32>} : memref<4x8x256xi32, #tpu.memory_space<vmem>>, vector<16xi32>,
    %sub3A_977 = vector.broadcast %mul3A_414 : i32 to vector<16xi32>
    %sub3A_978 = arith.subi %get3A_976, %sub3A_977 : vector<16xi32>
    %ne3A_979 = arith.constant 0.000000e+00 : f32
    %ne3A_980 = vector.broadcast %ne3A_979 : f32 to vector<16xf32>
    %ne3A_981 = arith.cmpf one, %get3A_970, %ne3A_980 : vector<16xf32>
    %ge3A_982 = arith.constant 0 : i32
    %ge3A_983 = vector.broadcast %ge3A_982 : i32 to vector<16xi32>
    %ge3A_984 = arith.cmpi sge, %sub3A_978, %ge3A_983 : vector<16xi32>
    %and3A_985 = arith.andi %ne3A_981, %ge3A_984 : vector<16xi1>
    %lt3A_986 = arith.constant 32768 : i32
    %lt3A_987 = vector.broadcast %lt3A_986 : i32 to vector<16xi32>
    %lt3A_988 = arith.cmpi slt, %sub3A_978, %lt3A_987 : vector<16xi32>
    %and3A_989 = arith.andi %and3A_985, %lt3A_988 : vector<16xi1>
    %max3A_990 = arith.constant 0 : i32
    %max3A_991 = vector.broadcast %max3A_990 : i32 to vector<16xi32>
    %max3A_992 = arith.maxsi %sub3A_978, %max3A_991 : vector<16xi32>
    %min3A_993 = arith.constant 32767 : i32
    %min3A_994 = vector.broadcast %min3A_993 : i32 to vector<16xi32>
    %min3A_995 = arith.minsi %max3A_992, %min3A_994 : vector<16xi32>
    %shift_right_logical3A_996 = arith.constant 9 : i32
    %shift_right_logical3A_997 = vector.broadcast %shift_right_logical3A_996 : i32 to vector<16xi32>
    %shift_right_logical3A_998 = arith.shrui %min3A_995, %shift_right_logical3A_997 : vector<16xi32>
    %and3A_999 = arith.constant 511 : i32
    %and3A_1000 = vector.broadcast %and3A_999 : i32 to vector<16xi32>
    %and3A_1001 = arith.andi %min3A_995, %and3A_1000 : vector<16xi32>
    tpu.vector_store_idx %arg5[%shift_right_logical3A_998, %and3A_1001], %get3A_970 masked %and3A_989 {add = true} : memref<64x512xf32, #tpu.memory_space<vmem>>[vector<16xi32>, vector<16xi32>], vector<16xf32>, vector<16xi1>
    %mul3A_1002 = arith.constant 64 : i32
    %mul3A_1003 = arith.muli %select_n3A_272, %mul3A_1002 : i32
    %dma_start3A_1004 = arith.constant 0 : i32
    %dma_start3A_1005 = tpu.memref_slice %arg4[%select_n3A_258, %mul3A_1003, %dma_start3A_1004] : memref<16x512x512xf32, #tpu.memory_space<hbm>> -> memref<1x64x512xf32, #tpu.memory_space<hbm>>
    %dma_start3A_1006 = tpu.memref_squeeze %dma_start3A_1005 : memref<1x64x512xf32, #tpu.memory_space<hbm>> -> memref<64x512xf32, #tpu.memory_space<hbm>>
    %dma_start3A_1007 = arith.constant 0 : i32
    %dma_start3A_1008 = tpu.memref_slice %arg4[%select_n3A_258, %mul3A_1003, %dma_start3A_1007] : memref<16x512x512xf32, #tpu.memory_space<hbm>> -> memref<1x64x512xf32, #tpu.memory_space<hbm>>
    %dma_start3A_1009 = tpu.memref_squeeze %dma_start3A_1008 : memref<1x64x512xf32, #tpu.memory_space<hbm>> -> memref<64x512xf32, #tpu.memory_space<hbm>>
    tpu.enqueue_dma source(%arg5 : memref<64x512xf32, #tpu.memory_space<vmem>>) target(%dma_start3A_1009 : memref<64x512xf32, #tpu.memory_space<hbm>>) target_semaphore(%arg10 : memref<!tpu.dma_semaphore, #tpu.memory_space<semaphore_mem>>)
    %add3A_1010 = arith.constant 32 : i32
    %add3A_1011 = arith.addi %add3A, %add3A_1010 : i32
    %jit3A_1012 = arith.constant 8 : i32
    %div3A_1013 = arith.divsi %add3A_1011, %jit3A_1012 : i32
    %sign3A_1014 = arith.constant 0 : i32
    %sign3A_1015 = arith.cmpi sgt, %add3A_1011, %sign3A_1014 : i32
    %sign3A_1016 = arith.extui %sign3A_1015 : i1 to i32
    %sign3A_1017 = arith.constant 0 : i32
    %sign3A_1018 = arith.cmpi slt, %add3A_1011, %sign3A_1017 : i32
    %sign3A_1019 = arith.extui %sign3A_1018 : i1 to i32
    %sign3A_1020 = arith.subi %sign3A_1016, %sign3A_1019 : i32
    %sign3A_1021 = arith.constant 0 : i32
    %sign3A_1022 = arith.cmpi sgt, %jit3A_1012, %sign3A_1021 : i32
    %sign3A_1023 = arith.extui %sign3A_1022 : i1 to i32
    %sign3A_1024 = arith.constant 0 : i32
    %sign3A_1025 = arith.cmpi slt, %jit3A_1012, %sign3A_1024 : i32
    %sign3A_1026 = arith.extui %sign3A_1025 : i1 to i32
    %sign3A_1027 = arith.subi %sign3A_1023, %sign3A_1026 : i32
    %ne3A_1028 = arith.cmpi ne, %sign3A_1020, %sign3A_1027 : i32
    %rem3A_1029 = arith.remsi %add3A_1011, %jit3A_1012 : i32
    %ne3A_1030 = arith.constant 0 : i32
    %ne3A_1031 = arith.cmpi ne, %rem3A_1029, %ne3A_1030 : i32
    %and3A_1032 = arith.andi %ne3A_1028, %ne3A_1031 : i1
    %sub3A_1033 = arith.constant 1 : i32
    %sub3A_1034 = arith.subi %div3A_1013, %sub3A_1033 : i32
    %select_n3A_1035 = arith.select %and3A_1032, %sub3A_1034, %div3A_1013 : i32
    %jit3A_1036 = arith.constant 8 : i32
    %eq3A_1037 = arith.constant 0 : i32
    %eq3A_1038 = arith.cmpi eq, %jit3A_1036, %eq3A_1037 : i32
    %jit3A_1039 = arith.constant 1 : i32
    %select_n3A_1040 = arith.select %eq3A_1038, %jit3A_1039, %jit3A_1036 : i32
    %rem3A_1041 = arith.remsi %add3A_1011, %select_n3A_1040 : i32
    %ne3A_1042 = arith.constant 0 : i32
    %ne3A_1043 = arith.cmpi ne, %rem3A_1041, %ne3A_1042 : i32
    %lt3A_1044 = arith.constant 0 : i32
    %lt3A_1045 = arith.cmpi slt, %rem3A_1041, %lt3A_1044 : i32
    %lt3A_1046 = arith.constant 0 : i32
    %lt3A_1047 = arith.cmpi slt, %select_n3A_1040, %lt3A_1046 : i32
    %ne3A_1048 = arith.xori %lt3A_1045, %lt3A_1047 : i1
    %and3A_1049 = arith.andi %ne3A_1048, %ne3A_1043 : i1
    %add3A_1050 = arith.addi %rem3A_1041, %select_n3A_1040 : i32
    %select_n3A_1051 = arith.select %and3A_1049, %add3A_1050, %rem3A_1041 : i32
    %scan3A_1052 = arith.constant 0 : i32
    %scan3A_1053 = arith.constant 0 : i32
    %scan3A_1054 = arith.constant 32 : i32
    %scan3A_1055 = arith.addi %scan3A_1053, %scan3A_1054 : i32
    %scan3A_1056 = arith.constant 1 : i32
    scf.for %scan3A_2984 = %scan3A_1053 to %scan3A_1055 step %scan3A_1056  : i32 {
      %mul3A_2985 = arith.constant 2 : i32
      %mul3A_2986 = arith.muli %scan3A_2984, %mul3A_2985 : i32
      %add3A_2987 = arith.constant 0 : i32
      %add3A_2988 = arith.addi %mul3A_2986, %add3A_2987 : i32
      %swap3A = arith.index_cast %add3A_2988 : i32 to index
      %swap3A_2989 = arith.constant 0 : index
      %swap3A_2990 = tpu.vector_load %arg6[%swap3A, %swap3A_2989] {strides = array<i32>} : memref<64x512xf32, #tpu.memory_space<vmem>>, vector<16xf32>,
      tpu.vector_store %arg6[%swap3A, %swap3A_2989], %broadcast_in_dim3A_1 {strides = array<i32>} : memref<64x512xf32, #tpu.memory_space<vmem>>, vector<16xf32>,
      %mul3A_2991 = arith.constant 2 : i32
      %mul3A_2992 = arith.muli %scan3A_2984, %mul3A_2991 : i32
      %add3A_2993 = arith.constant 0 : i32
      %add3A_2994 = arith.addi %mul3A_2992, %add3A_2993 : i32
      %swap3A_2995 = arith.index_cast %add3A_2994 : i32 to index
      %swap3A_2996 = arith.constant 16 : index
      %swap3A_2997 = tpu.vector_load %arg6[%swap3A_2995, %swap3A_2996] {strides = array<i32>} : memref<64x512xf32, #tpu.memory_space<vmem>>, vector<16xf32>,
      tpu.vector_store %arg6[%swap3A_2995, %swap3A_2996], %broadcast_in_dim3A_1 {strides = array<i32>} : memref<64x512xf32, #tpu.memory_space<vmem>>, vector<16xf32>,
      %mul3A_2998 = arith.constant 2 : i32
      %mul3A_2999 = arith.muli %scan3A_2984, %mul3A_2998 : i32
      %add3A_3000 = arith.constant 0 : i32
      %add3A_3001 = arith.addi %mul3A_2999, %add3A_3000 : i32
      %swap3A_3002 = arith.index_cast %add3A_3001 : i32 to index
      %swap3A_3003 = arith.constant 32 : index
      %swap3A_3004 = tpu.vector_load %arg6[%swap3A_3002, %swap3A_3003] {strides = array<i32>} : memref<64x512xf32, #tpu.memory_space<vmem>>, vector<16xf32>,
      tpu.vector_store %arg6[%swap3A_3002, %swap3A_3003], %broadcast_in_dim3A_1 {strides = array<i32>} : memref<64x512xf32, #tpu.memory_space<vmem>>, vector<16xf32>,
      %mul3A_3005 = arith.constant 2 : i32
      %mul3A_3006 = arith.muli %scan3A_2984, %mul3A_3005 : i32
      %add3A_3007 = arith.constant 0 : i32
      %add3A_3008 = arith.addi %mul3A_3006, %add3A_3007 : i32
      %swap3A_3009 = arith.index_cast %add3A_3008 : i32 to index
      %swap3A_3010 = arith.constant 48 : index
      %swap3A_3011 = tpu.vector_load %arg6[%swap3A_3009, %swap3A_3010] {strides = array<i32>} : memref<64x512xf32, #tpu.memory_space<vmem>>, vector<16xf32>,
      tpu.vector_store %arg6[%swap3A_3009, %swap3A_3010], %broadcast_in_dim3A_1 {strides = array<i32>} : memref<64x512xf32, #tpu.memory_space<vmem>>, vector<16xf32>,
      %mul3A_3012 = arith.constant 2 : i32
      %mul3A_3013 = arith.muli %scan3A_2984, %mul3A_3012 : i32
      %add3A_3014 = arith.constant 0 : i32
      %add3A_3015 = arith.addi %mul3A_3013, %add3A_3014 : i32
      %swap3A_3016 = arith.index_cast %add3A_3015 : i32 to index
      %swap3A_3017 = arith.constant 64 : index
      %swap3A_3018 = tpu.vector_load %arg6[%swap3A_3016, %swap3A_3017] {strides = array<i32>} : memref<64x512xf32, #tpu.memory_space<vmem>>, vector<16xf32>,
      tpu.vector_store %arg6[%swap3A_3016, %swap3A_3017], %broadcast_in_dim3A_1 {strides = array<i32>} : memref<64x512xf32, #tpu.memory_space<vmem>>, vector<16xf32>,
      %mul3A_3019 = arith.constant 2 : i32
      %mul3A_3020 = arith.muli %scan3A_2984, %mul3A_3019 : i32
      %add3A_3021 = arith.constant 0 : i32
      %add3A_3022 = arith.addi %mul3A_3020, %add3A_3021 : i32
      %swap3A_3023 = arith.index_cast %add3A_3022 : i32 to index
      %swap3A_3024 = arith.constant 80 : index
      %swap3A_3025 = tpu.vector_load %arg6[%swap3A_3023, %swap3A_3024] {strides = array<i32>} : memref<64x512xf32, #tpu.memory_space<vmem>>, vector<16xf32>,
      tpu.vector_store %arg6[%swap3A_3023, %swap3A_3024], %broadcast_in_dim3A_1 {strides = array<i32>} : memref<64x512xf32, #tpu.memory_space<vmem>>, vector<16xf32>,
      %mul3A_3026 = arith.constant 2 : i32
      %mul3A_3027 = arith.muli %scan3A_2984, %mul3A_3026 : i32
      %add3A_3028 = arith.constant 0 : i32
      %add3A_3029 = arith.addi %mul3A_3027, %add3A_3028 : i32
      %swap3A_3030 = arith.index_cast %add3A_3029 : i32 to index
      %swap3A_3031 = arith.constant 96 : index
      %swap3A_3032 = tpu.vector_load %arg6[%swap3A_3030, %swap3A_3031] {strides = array<i32>} : memref<64x512xf32, #tpu.memory_space<vmem>>, vector<16xf32>,
      tpu.vector_store %arg6[%swap3A_3030, %swap3A_3031], %broadcast_in_dim3A_1 {strides = array<i32>} : memref<64x512xf32, #tpu.memory_space<vmem>>, vector<16xf32>,
      %mul3A_3033 = arith.constant 2 : i32
      %mul3A_3034 = arith.muli %scan3A_2984, %mul3A_3033 : i32
      %add3A_3035 = arith.constant 0 : i32
      %add3A_3036 = arith.addi %mul3A_3034, %add3A_3035 : i32
      %swap3A_3037 = arith.index_cast %add3A_3036 : i32 to index
      %swap3A_3038 = arith.constant 112 : index
      %swap3A_3039 = tpu.vector_load %arg6[%swap3A_3037, %swap3A_3038] {strides = array<i32>} : memref<64x512xf32, #tpu.memory_space<vmem>>, vector<16xf32>,
      tpu.vector_store %arg6[%swap3A_3037, %swap3A_3038], %broadcast_in_dim3A_1 {strides = array<i32>} : memref<64x512xf32, #tpu.memory_space<vmem>>, vector<16xf32>,
      %mul3A_3040 = arith.constant 2 : i32
      %mul3A_3041 = arith.muli %scan3A_2984, %mul3A_3040 : i32
      %add3A_3042 = arith.constant 0 : i32
      %add3A_3043 = arith.addi %mul3A_3041, %add3A_3042 : i32
      %swap3A_3044 = arith.index_cast %add3A_3043 : i32 to index
      %swap3A_3045 = arith.constant 128 : index
      %swap3A_3046 = tpu.vector_load %arg6[%swap3A_3044, %swap3A_3045] {strides = array<i32>} : memref<64x512xf32, #tpu.memory_space<vmem>>, vector<16xf32>,
      tpu.vector_store %arg6[%swap3A_3044, %swap3A_3045], %broadcast_in_dim3A_1 {strides = array<i32>} : memref<64x512xf32, #tpu.memory_space<vmem>>, vector<16xf32>,
      %mul3A_3047 = arith.constant 2 : i32
      %mul3A_3048 = arith.muli %scan3A_2984, %mul3A_3047 : i32
      %add3A_3049 = arith.constant 0 : i32
      %add3A_3050 = arith.addi %mul3A_3048, %add3A_3049 : i32
      %swap3A_3051 = arith.index_cast %add3A_3050 : i32 to index
      %swap3A_3052 = arith.constant 144 : index
      %swap3A_3053 = tpu.vector_load %arg6[%swap3A_3051, %swap3A_3052] {strides = array<i32>} : memref<64x512xf32, #tpu.memory_space<vmem>>, vector<16xf32>,
      tpu.vector_store %arg6[%swap3A_3051, %swap3A_3052], %broadcast_in_dim3A_1 {strides = array<i32>} : memref<64x512xf32, #tpu.memory_space<vmem>>, vector<16xf32>,
      %mul3A_3054 = arith.constant 2 : i32
      %mul3A_3055 = arith.muli %scan3A_2984, %mul3A_3054 : i32
      %add3A_3056 = arith.constant 0 : i32
      %add3A_3057 = arith.addi %mul3A_3055, %add3A_3056 : i32
      %swap3A_3058 = arith.index_cast %add3A_3057 : i32 to index
      %swap3A_3059 = arith.constant 160 : index
      %swap3A_3060 = tpu.vector_load %arg6[%swap3A_3058, %swap3A_3059] {strides = array<i32>} : memref<64x512xf32, #tpu.memory_space<vmem>>, vector<16xf32>,
      tpu.vector_store %arg6[%swap3A_3058, %swap3A_3059], %broadcast_in_dim3A_1 {strides = array<i32>} : memref<64x512xf32, #tpu.memory_space<vmem>>, vector<16xf32>,
      %mul3A_3061 = arith.constant 2 : i32
      %mul3A_3062 = arith.muli %scan3A_2984, %mul3A_3061 : i32
      %add3A_3063 = arith.constant 0 : i32
      %add3A_3064 = arith.addi %mul3A_3062, %add3A_3063 : i32
      %swap3A_3065 = arith.index_cast %add3A_3064 : i32 to index
      %swap3A_3066 = arith.constant 176 : index
      %swap3A_3067 = tpu.vector_load %arg6[%swap3A_3065, %swap3A_3066] {strides = array<i32>} : memref<64x512xf32, #tpu.memory_space<vmem>>, vector<16xf32>,
      tpu.vector_store %arg6[%swap3A_3065, %swap3A_3066], %broadcast_in_dim3A_1 {strides = array<i32>} : memref<64x512xf32, #tpu.memory_space<vmem>>, vector<16xf32>,
      %mul3A_3068 = arith.constant 2 : i32
      %mul3A_3069 = arith.muli %scan3A_2984, %mul3A_3068 : i32
      %add3A_3070 = arith.constant 0 : i32
      %add3A_3071 = arith.addi %mul3A_3069, %add3A_3070 : i32
      %swap3A_3072 = arith.index_cast %add3A_3071 : i32 to index
      %swap3A_3073 = arith.constant 192 : index
      %swap3A_3074 = tpu.vector_load %arg6[%swap3A_3072, %swap3A_3073] {strides = array<i32>} : memref<64x512xf32, #tpu.memory_space<vmem>>, vector<16xf32>,
      tpu.vector_store %arg6[%swap3A_3072, %swap3A_3073], %broadcast_in_dim3A_1 {strides = array<i32>} : memref<64x512xf32, #tpu.memory_space<vmem>>, vector<16xf32>,
      %mul3A_3075 = arith.constant 2 : i32
      %mul3A_3076 = arith.muli %scan3A_2984, %mul3A_3075 : i32
      %add3A_3077 = arith.constant 0 : i32
      %add3A_3078 = arith.addi %mul3A_3076, %add3A_3077 : i32
      %swap3A_3079 = arith.index_cast %add3A_3078 : i32 to index
      %swap3A_3080 = arith.constant 208 : index
      %swap3A_3081 = tpu.vector_load %arg6[%swap3A_3079, %swap3A_3080] {strides = array<i32>} : memref<64x512xf32, #tpu.memory_space<vmem>>, vector<16xf32>,
      tpu.vector_store %arg6[%swap3A_3079, %swap3A_3080], %broadcast_in_dim3A_1 {strides = array<i32>} : memref<64x512xf32, #tpu.memory_space<vmem>>, vector<16xf32>,
      %mul3A_3082 = arith.constant 2 : i32
      %mul3A_3083 = arith.muli %scan3A_2984, %mul3A_3082 : i32
      %add3A_3084 = arith.constant 0 : i32
      %add3A_3085 = arith.addi %mul3A_3083, %add3A_3084 : i32
      %swap3A_3086 = arith.index_cast %add3A_3085 : i32 to index
      %swap3A_3087 = arith.constant 224 : index
      %swap3A_3088 = tpu.vector_load %arg6[%swap3A_3086, %swap3A_3087] {strides = array<i32>} : memref<64x512xf32, #tpu.memory_space<vmem>>, vector<16xf32>,
      tpu.vector_store %arg6[%swap3A_3086, %swap3A_3087], %broadcast_in_dim3A_1 {strides = array<i32>} : memref<64x512xf32, #tpu.memory_space<vmem>>, vector<16xf32>,
      %mul3A_3089 = arith.constant 2 : i32
      %mul3A_3090 = arith.muli %scan3A_2984, %mul3A_3089 : i32
      %add3A_3091 = arith.constant 0 : i32
      %add3A_3092 = arith.addi %mul3A_3090, %add3A_3091 : i32
      %swap3A_3093 = arith.index_cast %add3A_3092 : i32 to index
      %swap3A_3094 = arith.constant 240 : index
      %swap3A_3095 = tpu.vector_load %arg6[%swap3A_3093, %swap3A_3094] {strides = array<i32>} : memref<64x512xf32, #tpu.memory_space<vmem>>, vector<16xf32>,
      tpu.vector_store %arg6[%swap3A_3093, %swap3A_3094], %broadcast_in_dim3A_1 {strides = array<i32>} : memref<64x512xf32, #tpu.memory_space<vmem>>, vector<16xf32>,
      %mul3A_3096 = arith.constant 2 : i32
      %mul3A_3097 = arith.muli %scan3A_2984, %mul3A_3096 : i32
      %add3A_3098 = arith.constant 0 : i32
      %add3A_3099 = arith.addi %mul3A_3097, %add3A_3098 : i32
      %swap3A_3100 = arith.index_cast %add3A_3099 : i32 to index
      %swap3A_3101 = arith.constant 256 : index
      %swap3A_3102 = tpu.vector_load %arg6[%swap3A_3100, %swap3A_3101] {strides = array<i32>} : memref<64x512xf32, #tpu.memory_space<vmem>>, vector<16xf32>,
      tpu.vector_store %arg6[%swap3A_3100, %swap3A_3101], %broadcast_in_dim3A_1 {strides = array<i32>} : memref<64x512xf32, #tpu.memory_space<vmem>>, vector<16xf32>,
      %mul3A_3103 = arith.constant 2 : i32
      %mul3A_3104 = arith.muli %scan3A_2984, %mul3A_3103 : i32
      %add3A_3105 = arith.constant 0 : i32
      %add3A_3106 = arith.addi %mul3A_3104, %add3A_3105 : i32
      %swap3A_3107 = arith.index_cast %add3A_3106 : i32 to index
      %swap3A_3108 = arith.constant 272 : index
      %swap3A_3109 = tpu.vector_load %arg6[%swap3A_3107, %swap3A_3108] {strides = array<i32>} : memref<64x512xf32, #tpu.memory_space<vmem>>, vector<16xf32>,
      tpu.vector_store %arg6[%swap3A_3107, %swap3A_3108], %broadcast_in_dim3A_1 {strides = array<i32>} : memref<64x512xf32, #tpu.memory_space<vmem>>, vector<16xf32>,
      %mul3A_3110 = arith.constant 2 : i32
      %mul3A_3111 = arith.muli %scan3A_2984, %mul3A_3110 : i32
      %add3A_3112 = arith.constant 0 : i32
      %add3A_3113 = arith.addi %mul3A_3111, %add3A_3112 : i32
      %swap3A_3114 = arith.index_cast %add3A_3113 : i32 to index
      %swap3A_3115 = arith.constant 288 : index
      %swap3A_3116 = tpu.vector_load %arg6[%swap3A_3114, %swap3A_3115] {strides = array<i32>} : memref<64x512xf32, #tpu.memory_space<vmem>>, vector<16xf32>,
      tpu.vector_store %arg6[%swap3A_3114, %swap3A_3115], %broadcast_in_dim3A_1 {strides = array<i32>} : memref<64x512xf32, #tpu.memory_space<vmem>>, vector<16xf32>,
      %mul3A_3117 = arith.constant 2 : i32
      %mul3A_3118 = arith.muli %scan3A_2984, %mul3A_3117 : i32
      %add3A_3119 = arith.constant 0 : i32
      %add3A_3120 = arith.addi %mul3A_3118, %add3A_3119 : i32
      %swap3A_3121 = arith.index_cast %add3A_3120 : i32 to index
      %swap3A_3122 = arith.constant 304 : index
      %swap3A_3123 = tpu.vector_load %arg6[%swap3A_3121, %swap3A_3122] {strides = array<i32>} : memref<64x512xf32, #tpu.memory_space<vmem>>, vector<16xf32>,
      tpu.vector_store %arg6[%swap3A_3121, %swap3A_3122], %broadcast_in_dim3A_1 {strides = array<i32>} : memref<64x512xf32, #tpu.memory_space<vmem>>, vector<16xf32>,
      %mul3A_3124 = arith.constant 2 : i32
      %mul3A_3125 = arith.muli %scan3A_2984, %mul3A_3124 : i32
      %add3A_3126 = arith.constant 0 : i32
      %add3A_3127 = arith.addi %mul3A_3125, %add3A_3126 : i32
      %swap3A_3128 = arith.index_cast %add3A_3127 : i32 to index
      %swap3A_3129 = arith.constant 320 : index
      %swap3A_3130 = tpu.vector_load %arg6[%swap3A_3128, %swap3A_3129] {strides = array<i32>} : memref<64x512xf32, #tpu.memory_space<vmem>>, vector<16xf32>,
      tpu.vector_store %arg6[%swap3A_3128, %swap3A_3129], %broadcast_in_dim3A_1 {strides = array<i32>} : memref<64x512xf32, #tpu.memory_space<vmem>>, vector<16xf32>,
      %mul3A_3131 = arith.constant 2 : i32
      %mul3A_3132 = arith.muli %scan3A_2984, %mul3A_3131 : i32
      %add3A_3133 = arith.constant 0 : i32
      %add3A_3134 = arith.addi %mul3A_3132, %add3A_3133 : i32
      %swap3A_3135 = arith.index_cast %add3A_3134 : i32 to index
      %swap3A_3136 = arith.constant 336 : index
      %swap3A_3137 = tpu.vector_load %arg6[%swap3A_3135, %swap3A_3136] {strides = array<i32>} : memref<64x512xf32, #tpu.memory_space<vmem>>, vector<16xf32>,
      tpu.vector_store %arg6[%swap3A_3135, %swap3A_3136], %broadcast_in_dim3A_1 {strides = array<i32>} : memref<64x512xf32, #tpu.memory_space<vmem>>, vector<16xf32>,
      %mul3A_3138 = arith.constant 2 : i32
      %mul3A_3139 = arith.muli %scan3A_2984, %mul3A_3138 : i32
      %add3A_3140 = arith.constant 0 : i32
      %add3A_3141 = arith.addi %mul3A_3139, %add3A_3140 : i32
      %swap3A_3142 = arith.index_cast %add3A_3141 : i32 to index
      %swap3A_3143 = arith.constant 352 : index
      %swap3A_3144 = tpu.vector_load %arg6[%swap3A_3142, %swap3A_3143] {strides = array<i32>} : memref<64x512xf32, #tpu.memory_space<vmem>>, vector<16xf32>,
      tpu.vector_store %arg6[%swap3A_3142, %swap3A_3143], %broadcast_in_dim3A_1 {strides = array<i32>} : memref<64x512xf32, #tpu.memory_space<vmem>>, vector<16xf32>,
      %mul3A_3145 = arith.constant 2 : i32
      %mul3A_3146 = arith.muli %scan3A_2984, %mul3A_3145 : i32
      %add3A_3147 = arith.constant 0 : i32
      %add3A_3148 = arith.addi %mul3A_3146, %add3A_3147 : i32
      %swap3A_3149 = arith.index_cast %add3A_3148 : i32 to index
      %swap3A_3150 = arith.constant 368 : index
      %swap3A_3151 = tpu.vector_load %arg6[%swap3A_3149, %swap3A_3150] {strides = array<i32>} : memref<64x512xf32, #tpu.memory_space<vmem>>, vector<16xf32>,
      tpu.vector_store %arg6[%swap3A_3149, %swap3A_3150], %broadcast_in_dim3A_1 {strides = array<i32>} : memref<64x512xf32, #tpu.memory_space<vmem>>, vector<16xf32>,
      %mul3A_3152 = arith.constant 2 : i32
      %mul3A_3153 = arith.muli %scan3A_2984, %mul3A_3152 : i32
      %add3A_3154 = arith.constant 0 : i32
      %add3A_3155 = arith.addi %mul3A_3153, %add3A_3154 : i32
      %swap3A_3156 = arith.index_cast %add3A_3155 : i32 to index
      %swap3A_3157 = arith.constant 384 : index
      %swap3A_3158 = tpu.vector_load %arg6[%swap3A_3156, %swap3A_3157] {strides = array<i32>} : memref<64x512xf32, #tpu.memory_space<vmem>>, vector<16xf32>,
      tpu.vector_store %arg6[%swap3A_3156, %swap3A_3157], %broadcast_in_dim3A_1 {strides = array<i32>} : memref<64x512xf32, #tpu.memory_space<vmem>>, vector<16xf32>,
      %mul3A_3159 = arith.constant 2 : i32
      %mul3A_3160 = arith.muli %scan3A_2984, %mul3A_3159 : i32
      %add3A_3161 = arith.constant 0 : i32
      %add3A_3162 = arith.addi %mul3A_3160, %add3A_3161 : i32
      %swap3A_3163 = arith.index_cast %add3A_3162 : i32 to index
      %swap3A_3164 = arith.constant 400 : index
      %swap3A_3165 = tpu.vector_load %arg6[%swap3A_3163, %swap3A_3164] {strides = array<i32>} : memref<64x512xf32, #tpu.memory_space<vmem>>, vector<16xf32>,
      tpu.vector_store %arg6[%swap3A_3163, %swap3A_3164], %broadcast_in_dim3A_1 {strides = array<i32>} : memref<64x512xf32, #tpu.memory_space<vmem>>, vector<16xf32>,
      %mul3A_3166 = arith.constant 2 : i32
      %mul3A_3167 = arith.muli %scan3A_2984, %mul3A_3166 : i32
      %add3A_3168 = arith.constant 0 : i32
      %add3A_3169 = arith.addi %mul3A_3167, %add3A_3168 : i32
      %swap3A_3170 = arith.index_cast %add3A_3169 : i32 to index
      %swap3A_3171 = arith.constant 416 : index
      %swap3A_3172 = tpu.vector_load %arg6[%swap3A_3170, %swap3A_3171] {strides = array<i32>} : memref<64x512xf32, #tpu.memory_space<vmem>>, vector<16xf32>,
      tpu.vector_store %arg6[%swap3A_3170, %swap3A_3171], %broadcast_in_dim3A_1 {strides = array<i32>} : memref<64x512xf32, #tpu.memory_space<vmem>>, vector<16xf32>,
      %mul3A_3173 = arith.constant 2 : i32
      %mul3A_3174 = arith.muli %scan3A_2984, %mul3A_3173 : i32
      %add3A_3175 = arith.constant 0 : i32
      %add3A_3176 = arith.addi %mul3A_3174, %add3A_3175 : i32
      %swap3A_3177 = arith.index_cast %add3A_3176 : i32 to index
      %swap3A_3178 = arith.constant 432 : index
      %swap3A_3179 = tpu.vector_load %arg6[%swap3A_3177, %swap3A_3178] {strides = array<i32>} : memref<64x512xf32, #tpu.memory_space<vmem>>, vector<16xf32>,
      tpu.vector_store %arg6[%swap3A_3177, %swap3A_3178], %broadcast_in_dim3A_1 {strides = array<i32>} : memref<64x512xf32, #tpu.memory_space<vmem>>, vector<16xf32>,
      %mul3A_3180 = arith.constant 2 : i32
      %mul3A_3181 = arith.muli %scan3A_2984, %mul3A_3180 : i32
      %add3A_3182 = arith.constant 0 : i32
      %add3A_3183 = arith.addi %mul3A_3181, %add3A_3182 : i32
      %swap3A_3184 = arith.index_cast %add3A_3183 : i32 to index
      %swap3A_3185 = arith.constant 448 : index
      %swap3A_3186 = tpu.vector_load %arg6[%swap3A_3184, %swap3A_3185] {strides = array<i32>} : memref<64x512xf32, #tpu.memory_space<vmem>>, vector<16xf32>,
      tpu.vector_store %arg6[%swap3A_3184, %swap3A_3185], %broadcast_in_dim3A_1 {strides = array<i32>} : memref<64x512xf32, #tpu.memory_space<vmem>>, vector<16xf32>,
      %mul3A_3187 = arith.constant 2 : i32
      %mul3A_3188 = arith.muli %scan3A_2984, %mul3A_3187 : i32
      %add3A_3189 = arith.constant 0 : i32
      %add3A_3190 = arith.addi %mul3A_3188, %add3A_3189 : i32
      %swap3A_3191 = arith.index_cast %add3A_3190 : i32 to index
      %swap3A_3192 = arith.constant 464 : index
      %swap3A_3193 = tpu.vector_load %arg6[%swap3A_3191, %swap3A_3192] {strides = array<i32>} : memref<64x512xf32, #tpu.memory_space<vmem>>, vector<16xf32>,
      tpu.vector_store %arg6[%swap3A_3191, %swap3A_3192], %broadcast_in_dim3A_1 {strides = array<i32>} : memref<64x512xf32, #tpu.memory_space<vmem>>, vector<16xf32>,
      %mul3A_3194 = arith.constant 2 : i32
      %mul3A_3195 = arith.muli %scan3A_2984, %mul3A_3194 : i32
      %add3A_3196 = arith.constant 0 : i32
      %add3A_3197 = arith.addi %mul3A_3195, %add3A_3196 : i32
      %swap3A_3198 = arith.index_cast %add3A_3197 : i32 to index
      %swap3A_3199 = arith.constant 480 : index
      %swap3A_3200 = tpu.vector_load %arg6[%swap3A_3198, %swap3A_3199] {strides = array<i32>} : memref<64x512xf32, #tpu.memory_space<vmem>>, vector<16xf32>,
      tpu.vector_store %arg6[%swap3A_3198, %swap3A_3199], %broadcast_in_dim3A_1 {strides = array<i32>} : memref<64x512xf32, #tpu.memory_space<vmem>>, vector<16xf32>,
      %mul3A_3201 = arith.constant 2 : i32
      %mul3A_3202 = arith.muli %scan3A_2984, %mul3A_3201 : i32
      %add3A_3203 = arith.constant 0 : i32
      %add3A_3204 = arith.addi %mul3A_3202, %add3A_3203 : i32
      %swap3A_3205 = arith.index_cast %add3A_3204 : i32 to index
      %swap3A_3206 = arith.constant 496 : index
      %swap3A_3207 = tpu.vector_load %arg6[%swap3A_3205, %swap3A_3206] {strides = array<i32>} : memref<64x512xf32, #tpu.memory_space<vmem>>, vector<16xf32>,
      tpu.vector_store %arg6[%swap3A_3205, %swap3A_3206], %broadcast_in_dim3A_1 {strides = array<i32>} : memref<64x512xf32, #tpu.memory_space<vmem>>, vector<16xf32>,
      %mul3A_3208 = arith.constant 2 : i32
      %mul3A_3209 = arith.muli %scan3A_2984, %mul3A_3208 : i32
      %add3A_3210 = arith.constant 1 : i32
      %add3A_3211 = arith.addi %mul3A_3209, %add3A_3210 : i32
      %swap3A_3212 = arith.index_cast %add3A_3211 : i32 to index
      %swap3A_3213 = arith.constant 0 : index
      %swap3A_3214 = tpu.vector_load %arg6[%swap3A_3212, %swap3A_3213] {strides = array<i32>} : memref<64x512xf32, #tpu.memory_space<vmem>>, vector<16xf32>,
      tpu.vector_store %arg6[%swap3A_3212, %swap3A_3213], %broadcast_in_dim3A_1 {strides = array<i32>} : memref<64x512xf32, #tpu.memory_space<vmem>>, vector<16xf32>,
      %mul3A_3215 = arith.constant 2 : i32
      %mul3A_3216 = arith.muli %scan3A_2984, %mul3A_3215 : i32
      %add3A_3217 = arith.constant 1 : i32
      %add3A_3218 = arith.addi %mul3A_3216, %add3A_3217 : i32
      %swap3A_3219 = arith.index_cast %add3A_3218 : i32 to index
      %swap3A_3220 = arith.constant 16 : index
      %swap3A_3221 = tpu.vector_load %arg6[%swap3A_3219, %swap3A_3220] {strides = array<i32>} : memref<64x512xf32, #tpu.memory_space<vmem>>, vector<16xf32>,
      tpu.vector_store %arg6[%swap3A_3219, %swap3A_3220], %broadcast_in_dim3A_1 {strides = array<i32>} : memref<64x512xf32, #tpu.memory_space<vmem>>, vector<16xf32>,
      %mul3A_3222 = arith.constant 2 : i32
      %mul3A_3223 = arith.muli %scan3A_2984, %mul3A_3222 : i32
      %add3A_3224 = arith.constant 1 : i32
      %add3A_3225 = arith.addi %mul3A_3223, %add3A_3224 : i32
      %swap3A_3226 = arith.index_cast %add3A_3225 : i32 to index
      %swap3A_3227 = arith.constant 32 : index
      %swap3A_3228 = tpu.vector_load %arg6[%swap3A_3226, %swap3A_3227] {strides = array<i32>} : memref<64x512xf32, #tpu.memory_space<vmem>>, vector<16xf32>,
      tpu.vector_store %arg6[%swap3A_3226, %swap3A_3227], %broadcast_in_dim3A_1 {strides = array<i32>} : memref<64x512xf32, #tpu.memory_space<vmem>>, vector<16xf32>,
      %mul3A_3229 = arith.constant 2 : i32
      %mul3A_3230 = arith.muli %scan3A_2984, %mul3A_3229 : i32
      %add3A_3231 = arith.constant 1 : i32
      %add3A_3232 = arith.addi %mul3A_3230, %add3A_3231 : i32
      %swap3A_3233 = arith.index_cast %add3A_3232 : i32 to index
      %swap3A_3234 = arith.constant 48 : index
      %swap3A_3235 = tpu.vector_load %arg6[%swap3A_3233, %swap3A_3234] {strides = array<i32>} : memref<64x512xf32, #tpu.memory_space<vmem>>, vector<16xf32>,
      tpu.vector_store %arg6[%swap3A_3233, %swap3A_3234], %broadcast_in_dim3A_1 {strides = array<i32>} : memref<64x512xf32, #tpu.memory_space<vmem>>, vector<16xf32>,
      %mul3A_3236 = arith.constant 2 : i32
      %mul3A_3237 = arith.muli %scan3A_2984, %mul3A_3236 : i32
      %add3A_3238 = arith.constant 1 : i32
      %add3A_3239 = arith.addi %mul3A_3237, %add3A_3238 : i32
      %swap3A_3240 = arith.index_cast %add3A_3239 : i32 to index
      %swap3A_3241 = arith.constant 64 : index
      %swap3A_3242 = tpu.vector_load %arg6[%swap3A_3240, %swap3A_3241] {strides = array<i32>} : memref<64x512xf32, #tpu.memory_space<vmem>>, vector<16xf32>,
      tpu.vector_store %arg6[%swap3A_3240, %swap3A_3241], %broadcast_in_dim3A_1 {strides = array<i32>} : memref<64x512xf32, #tpu.memory_space<vmem>>, vector<16xf32>,
      %mul3A_3243 = arith.constant 2 : i32
      %mul3A_3244 = arith.muli %scan3A_2984, %mul3A_3243 : i32
      %add3A_3245 = arith.constant 1 : i32
      %add3A_3246 = arith.addi %mul3A_3244, %add3A_3245 : i32
      %swap3A_3247 = arith.index_cast %add3A_3246 : i32 to index
      %swap3A_3248 = arith.constant 80 : index
      %swap3A_3249 = tpu.vector_load %arg6[%swap3A_3247, %swap3A_3248] {strides = array<i32>} : memref<64x512xf32, #tpu.memory_space<vmem>>, vector<16xf32>,
      tpu.vector_store %arg6[%swap3A_3247, %swap3A_3248], %broadcast_in_dim3A_1 {strides = array<i32>} : memref<64x512xf32, #tpu.memory_space<vmem>>, vector<16xf32>,
      %mul3A_3250 = arith.constant 2 : i32
      %mul3A_3251 = arith.muli %scan3A_2984, %mul3A_3250 : i32
      %add3A_3252 = arith.constant 1 : i32
      %add3A_3253 = arith.addi %mul3A_3251, %add3A_3252 : i32
      %swap3A_3254 = arith.index_cast %add3A_3253 : i32 to index
      %swap3A_3255 = arith.constant 96 : index
      %swap3A_3256 = tpu.vector_load %arg6[%swap3A_3254, %swap3A_3255] {strides = array<i32>} : memref<64x512xf32, #tpu.memory_space<vmem>>, vector<16xf32>,
      tpu.vector_store %arg6[%swap3A_3254, %swap3A_3255], %broadcast_in_dim3A_1 {strides = array<i32>} : memref<64x512xf32, #tpu.memory_space<vmem>>, vector<16xf32>,
      %mul3A_3257 = arith.constant 2 : i32
      %mul3A_3258 = arith.muli %scan3A_2984, %mul3A_3257 : i32
      %add3A_3259 = arith.constant 1 : i32
      %add3A_3260 = arith.addi %mul3A_3258, %add3A_3259 : i32
      %swap3A_3261 = arith.index_cast %add3A_3260 : i32 to index
      %swap3A_3262 = arith.constant 112 : index
      %swap3A_3263 = tpu.vector_load %arg6[%swap3A_3261, %swap3A_3262] {strides = array<i32>} : memref<64x512xf32, #tpu.memory_space<vmem>>, vector<16xf32>,
      tpu.vector_store %arg6[%swap3A_3261, %swap3A_3262], %broadcast_in_dim3A_1 {strides = array<i32>} : memref<64x512xf32, #tpu.memory_space<vmem>>, vector<16xf32>,
      %mul3A_3264 = arith.constant 2 : i32
      %mul3A_3265 = arith.muli %scan3A_2984, %mul3A_3264 : i32
      %add3A_3266 = arith.constant 1 : i32
      %add3A_3267 = arith.addi %mul3A_3265, %add3A_3266 : i32
      %swap3A_3268 = arith.index_cast %add3A_3267 : i32 to index
      %swap3A_3269 = arith.constant 128 : index
      %swap3A_3270 = tpu.vector_load %arg6[%swap3A_3268, %swap3A_3269] {strides = array<i32>} : memref<64x512xf32, #tpu.memory_space<vmem>>, vector<16xf32>,
      tpu.vector_store %arg6[%swap3A_3268, %swap3A_3269], %broadcast_in_dim3A_1 {strides = array<i32>} : memref<64x512xf32, #tpu.memory_space<vmem>>, vector<16xf32>,
      %mul3A_3271 = arith.constant 2 : i32
      %mul3A_3272 = arith.muli %scan3A_2984, %mul3A_3271 : i32
      %add3A_3273 = arith.constant 1 : i32
      %add3A_3274 = arith.addi %mul3A_3272, %add3A_3273 : i32
      %swap3A_3275 = arith.index_cast %add3A_3274 : i32 to index
      %swap3A_3276 = arith.constant 144 : index
      %swap3A_3277 = tpu.vector_load %arg6[%swap3A_3275, %swap3A_3276] {strides = array<i32>} : memref<64x512xf32, #tpu.memory_space<vmem>>, vector<16xf32>,
      tpu.vector_store %arg6[%swap3A_3275, %swap3A_3276], %broadcast_in_dim3A_1 {strides = array<i32>} : memref<64x512xf32, #tpu.memory_space<vmem>>, vector<16xf32>,
      %mul3A_3278 = arith.constant 2 : i32
      %mul3A_3279 = arith.muli %scan3A_2984, %mul3A_3278 : i32
      %add3A_3280 = arith.constant 1 : i32
      %add3A_3281 = arith.addi %mul3A_3279, %add3A_3280 : i32
      %swap3A_3282 = arith.index_cast %add3A_3281 : i32 to index
      %swap3A_3283 = arith.constant 160 : index
      %swap3A_3284 = tpu.vector_load %arg6[%swap3A_3282, %swap3A_3283] {strides = array<i32>} : memref<64x512xf32, #tpu.memory_space<vmem>>, vector<16xf32>,
      tpu.vector_store %arg6[%swap3A_3282, %swap3A_3283], %broadcast_in_dim3A_1 {strides = array<i32>} : memref<64x512xf32, #tpu.memory_space<vmem>>, vector<16xf32>,
      %mul3A_3285 = arith.constant 2 : i32
      %mul3A_3286 = arith.muli %scan3A_2984, %mul3A_3285 : i32
      %add3A_3287 = arith.constant 1 : i32
      %add3A_3288 = arith.addi %mul3A_3286, %add3A_3287 : i32
      %swap3A_3289 = arith.index_cast %add3A_3288 : i32 to index
      %swap3A_3290 = arith.constant 176 : index
      %swap3A_3291 = tpu.vector_load %arg6[%swap3A_3289, %swap3A_3290] {strides = array<i32>} : memref<64x512xf32, #tpu.memory_space<vmem>>, vector<16xf32>,
      tpu.vector_store %arg6[%swap3A_3289, %swap3A_3290], %broadcast_in_dim3A_1 {strides = array<i32>} : memref<64x512xf32, #tpu.memory_space<vmem>>, vector<16xf32>,
      %mul3A_3292 = arith.constant 2 : i32
      %mul3A_3293 = arith.muli %scan3A_2984, %mul3A_3292 : i32
      %add3A_3294 = arith.constant 1 : i32
      %add3A_3295 = arith.addi %mul3A_3293, %add3A_3294 : i32
      %swap3A_3296 = arith.index_cast %add3A_3295 : i32 to index
      %swap3A_3297 = arith.constant 192 : index
      %swap3A_3298 = tpu.vector_load %arg6[%swap3A_3296, %swap3A_3297] {strides = array<i32>} : memref<64x512xf32, #tpu.memory_space<vmem>>, vector<16xf32>,
      tpu.vector_store %arg6[%swap3A_3296, %swap3A_3297], %broadcast_in_dim3A_1 {strides = array<i32>} : memref<64x512xf32, #tpu.memory_space<vmem>>, vector<16xf32>,
      %mul3A_3299 = arith.constant 2 : i32
      %mul3A_3300 = arith.muli %scan3A_2984, %mul3A_3299 : i32
      %add3A_3301 = arith.constant 1 : i32
      %add3A_3302 = arith.addi %mul3A_3300, %add3A_3301 : i32
      %swap3A_3303 = arith.index_cast %add3A_3302 : i32 to index
      %swap3A_3304 = arith.constant 208 : index
      %swap3A_3305 = tpu.vector_load %arg6[%swap3A_3303, %swap3A_3304] {strides = array<i32>} : memref<64x512xf32, #tpu.memory_space<vmem>>, vector<16xf32>,
      tpu.vector_store %arg6[%swap3A_3303, %swap3A_3304], %broadcast_in_dim3A_1 {strides = array<i32>} : memref<64x512xf32, #tpu.memory_space<vmem>>, vector<16xf32>,
      %mul3A_3306 = arith.constant 2 : i32
      %mul3A_3307 = arith.muli %scan3A_2984, %mul3A_3306 : i32
      %add3A_3308 = arith.constant 1 : i32
      %add3A_3309 = arith.addi %mul3A_3307, %add3A_3308 : i32
      %swap3A_3310 = arith.index_cast %add3A_3309 : i32 to index
      %swap3A_3311 = arith.constant 224 : index
      %swap3A_3312 = tpu.vector_load %arg6[%swap3A_3310, %swap3A_3311] {strides = array<i32>} : memref<64x512xf32, #tpu.memory_space<vmem>>, vector<16xf32>,
      tpu.vector_store %arg6[%swap3A_3310, %swap3A_3311], %broadcast_in_dim3A_1 {strides = array<i32>} : memref<64x512xf32, #tpu.memory_space<vmem>>, vector<16xf32>,
      %mul3A_3313 = arith.constant 2 : i32
      %mul3A_3314 = arith.muli %scan3A_2984, %mul3A_3313 : i32
      %add3A_3315 = arith.constant 1 : i32
      %add3A_3316 = arith.addi %mul3A_3314, %add3A_3315 : i32
      %swap3A_3317 = arith.index_cast %add3A_3316 : i32 to index
      %swap3A_3318 = arith.constant 240 : index
      %swap3A_3319 = tpu.vector_load %arg6[%swap3A_3317, %swap3A_3318] {strides = array<i32>} : memref<64x512xf32, #tpu.memory_space<vmem>>, vector<16xf32>,
      tpu.vector_store %arg6[%swap3A_3317, %swap3A_3318], %broadcast_in_dim3A_1 {strides = array<i32>} : memref<64x512xf32, #tpu.memory_space<vmem>>, vector<16xf32>,
      %mul3A_3320 = arith.constant 2 : i32
      %mul3A_3321 = arith.muli %scan3A_2984, %mul3A_3320 : i32
      %add3A_3322 = arith.constant 1 : i32
      %add3A_3323 = arith.addi %mul3A_3321, %add3A_3322 : i32
      %swap3A_3324 = arith.index_cast %add3A_3323 : i32 to index
      %swap3A_3325 = arith.constant 256 : index
      %swap3A_3326 = tpu.vector_load %arg6[%swap3A_3324, %swap3A_3325] {strides = array<i32>} : memref<64x512xf32, #tpu.memory_space<vmem>>, vector<16xf32>,
      tpu.vector_store %arg6[%swap3A_3324, %swap3A_3325], %broadcast_in_dim3A_1 {strides = array<i32>} : memref<64x512xf32, #tpu.memory_space<vmem>>, vector<16xf32>,
      %mul3A_3327 = arith.constant 2 : i32
      %mul3A_3328 = arith.muli %scan3A_2984, %mul3A_3327 : i32
      %add3A_3329 = arith.constant 1 : i32
      %add3A_3330 = arith.addi %mul3A_3328, %add3A_3329 : i32
      %swap3A_3331 = arith.index_cast %add3A_3330 : i32 to index
      %swap3A_3332 = arith.constant 272 : index
      %swap3A_3333 = tpu.vector_load %arg6[%swap3A_3331, %swap3A_3332] {strides = array<i32>} : memref<64x512xf32, #tpu.memory_space<vmem>>, vector<16xf32>,
      tpu.vector_store %arg6[%swap3A_3331, %swap3A_3332], %broadcast_in_dim3A_1 {strides = array<i32>} : memref<64x512xf32, #tpu.memory_space<vmem>>, vector<16xf32>,
      %mul3A_3334 = arith.constant 2 : i32
      %mul3A_3335 = arith.muli %scan3A_2984, %mul3A_3334 : i32
      %add3A_3336 = arith.constant 1 : i32
      %add3A_3337 = arith.addi %mul3A_3335, %add3A_3336 : i32
      %swap3A_3338 = arith.index_cast %add3A_3337 : i32 to index
      %swap3A_3339 = arith.constant 288 : index
      %swap3A_3340 = tpu.vector_load %arg6[%swap3A_3338, %swap3A_3339] {strides = array<i32>} : memref<64x512xf32, #tpu.memory_space<vmem>>, vector<16xf32>,
      tpu.vector_store %arg6[%swap3A_3338, %swap3A_3339], %broadcast_in_dim3A_1 {strides = array<i32>} : memref<64x512xf32, #tpu.memory_space<vmem>>, vector<16xf32>,
      %mul3A_3341 = arith.constant 2 : i32
      %mul3A_3342 = arith.muli %scan3A_2984, %mul3A_3341 : i32
      %add3A_3343 = arith.constant 1 : i32
      %add3A_3344 = arith.addi %mul3A_3342, %add3A_3343 : i32
      %swap3A_3345 = arith.index_cast %add3A_3344 : i32 to index
      %swap3A_3346 = arith.constant 304 : index
      %swap3A_3347 = tpu.vector_load %arg6[%swap3A_3345, %swap3A_3346] {strides = array<i32>} : memref<64x512xf32, #tpu.memory_space<vmem>>, vector<16xf32>,
      tpu.vector_store %arg6[%swap3A_3345, %swap3A_3346], %broadcast_in_dim3A_1 {strides = array<i32>} : memref<64x512xf32, #tpu.memory_space<vmem>>, vector<16xf32>,
      %mul3A_3348 = arith.constant 2 : i32
      %mul3A_3349 = arith.muli %scan3A_2984, %mul3A_3348 : i32
      %add3A_3350 = arith.constant 1 : i32
      %add3A_3351 = arith.addi %mul3A_3349, %add3A_3350 : i32
      %swap3A_3352 = arith.index_cast %add3A_3351 : i32 to index
      %swap3A_3353 = arith.constant 320 : index
      %swap3A_3354 = tpu.vector_load %arg6[%swap3A_3352, %swap3A_3353] {strides = array<i32>} : memref<64x512xf32, #tpu.memory_space<vmem>>, vector<16xf32>,
      tpu.vector_store %arg6[%swap3A_3352, %swap3A_3353], %broadcast_in_dim3A_1 {strides = array<i32>} : memref<64x512xf32, #tpu.memory_space<vmem>>, vector<16xf32>,
      %mul3A_3355 = arith.constant 2 : i32
      %mul3A_3356 = arith.muli %scan3A_2984, %mul3A_3355 : i32
      %add3A_3357 = arith.constant 1 : i32
      %add3A_3358 = arith.addi %mul3A_3356, %add3A_3357 : i32
      %swap3A_3359 = arith.index_cast %add3A_3358 : i32 to index
      %swap3A_3360 = arith.constant 336 : index
      %swap3A_3361 = tpu.vector_load %arg6[%swap3A_3359, %swap3A_3360] {strides = array<i32>} : memref<64x512xf32, #tpu.memory_space<vmem>>, vector<16xf32>,
      tpu.vector_store %arg6[%swap3A_3359, %swap3A_3360], %broadcast_in_dim3A_1 {strides = array<i32>} : memref<64x512xf32, #tpu.memory_space<vmem>>, vector<16xf32>,
      %mul3A_3362 = arith.constant 2 : i32
      %mul3A_3363 = arith.muli %scan3A_2984, %mul3A_3362 : i32
      %add3A_3364 = arith.constant 1 : i32
      %add3A_3365 = arith.addi %mul3A_3363, %add3A_3364 : i32
      %swap3A_3366 = arith.index_cast %add3A_3365 : i32 to index
      %swap3A_3367 = arith.constant 352 : index
      %swap3A_3368 = tpu.vector_load %arg6[%swap3A_3366, %swap3A_3367] {strides = array<i32>} : memref<64x512xf32, #tpu.memory_space<vmem>>, vector<16xf32>,
      tpu.vector_store %arg6[%swap3A_3366, %swap3A_3367], %broadcast_in_dim3A_1 {strides = array<i32>} : memref<64x512xf32, #tpu.memory_space<vmem>>, vector<16xf32>,
      %mul3A_3369 = arith.constant 2 : i32
      %mul3A_3370 = arith.muli %scan3A_2984, %mul3A_3369 : i32
      %add3A_3371 = arith.constant 1 : i32
      %add3A_3372 = arith.addi %mul3A_3370, %add3A_3371 : i32
      %swap3A_3373 = arith.index_cast %add3A_3372 : i32 to index
      %swap3A_3374 = arith.constant 368 : index
      %swap3A_3375 = tpu.vector_load %arg6[%swap3A_3373, %swap3A_3374] {strides = array<i32>} : memref<64x512xf32, #tpu.memory_space<vmem>>, vector<16xf32>,
      tpu.vector_store %arg6[%swap3A_3373, %swap3A_3374], %broadcast_in_dim3A_1 {strides = array<i32>} : memref<64x512xf32, #tpu.memory_space<vmem>>, vector<16xf32>,
      %mul3A_3376 = arith.constant 2 : i32
      %mul3A_3377 = arith.muli %scan3A_2984, %mul3A_3376 : i32
      %add3A_3378 = arith.constant 1 : i32
      %add3A_3379 = arith.addi %mul3A_3377, %add3A_3378 : i32
      %swap3A_3380 = arith.index_cast %add3A_3379 : i32 to index
      %swap3A_3381 = arith.constant 384 : index
      %swap3A_3382 = tpu.vector_load %arg6[%swap3A_3380, %swap3A_3381] {strides = array<i32>} : memref<64x512xf32, #tpu.memory_space<vmem>>, vector<16xf32>,
      tpu.vector_store %arg6[%swap3A_3380, %swap3A_3381], %broadcast_in_dim3A_1 {strides = array<i32>} : memref<64x512xf32, #tpu.memory_space<vmem>>, vector<16xf32>,
      %mul3A_3383 = arith.constant 2 : i32
      %mul3A_3384 = arith.muli %scan3A_2984, %mul3A_3383 : i32
      %add3A_3385 = arith.constant 1 : i32
      %add3A_3386 = arith.addi %mul3A_3384, %add3A_3385 : i32
      %swap3A_3387 = arith.index_cast %add3A_3386 : i32 to index
      %swap3A_3388 = arith.constant 400 : index
      %swap3A_3389 = tpu.vector_load %arg6[%swap3A_3387, %swap3A_3388] {strides = array<i32>} : memref<64x512xf32, #tpu.memory_space<vmem>>, vector<16xf32>,
      tpu.vector_store %arg6[%swap3A_3387, %swap3A_3388], %broadcast_in_dim3A_1 {strides = array<i32>} : memref<64x512xf32, #tpu.memory_space<vmem>>, vector<16xf32>,
      %mul3A_3390 = arith.constant 2 : i32
      %mul3A_3391 = arith.muli %scan3A_2984, %mul3A_3390 : i32
      %add3A_3392 = arith.constant 1 : i32
      %add3A_3393 = arith.addi %mul3A_3391, %add3A_3392 : i32
      %swap3A_3394 = arith.index_cast %add3A_3393 : i32 to index
      %swap3A_3395 = arith.constant 416 : index
      %swap3A_3396 = tpu.vector_load %arg6[%swap3A_3394, %swap3A_3395] {strides = array<i32>} : memref<64x512xf32, #tpu.memory_space<vmem>>, vector<16xf32>,
      tpu.vector_store %arg6[%swap3A_3394, %swap3A_3395], %broadcast_in_dim3A_1 {strides = array<i32>} : memref<64x512xf32, #tpu.memory_space<vmem>>, vector<16xf32>,
      %mul3A_3397 = arith.constant 2 : i32
      %mul3A_3398 = arith.muli %scan3A_2984, %mul3A_3397 : i32
      %add3A_3399 = arith.constant 1 : i32
      %add3A_3400 = arith.addi %mul3A_3398, %add3A_3399 : i32
      %swap3A_3401 = arith.index_cast %add3A_3400 : i32 to index
      %swap3A_3402 = arith.constant 432 : index
      %swap3A_3403 = tpu.vector_load %arg6[%swap3A_3401, %swap3A_3402] {strides = array<i32>} : memref<64x512xf32, #tpu.memory_space<vmem>>, vector<16xf32>,
      tpu.vector_store %arg6[%swap3A_3401, %swap3A_3402], %broadcast_in_dim3A_1 {strides = array<i32>} : memref<64x512xf32, #tpu.memory_space<vmem>>, vector<16xf32>,
      %mul3A_3404 = arith.constant 2 : i32
      %mul3A_3405 = arith.muli %scan3A_2984, %mul3A_3404 : i32
      %add3A_3406 = arith.constant 1 : i32
      %add3A_3407 = arith.addi %mul3A_3405, %add3A_3406 : i32
      %swap3A_3408 = arith.index_cast %add3A_3407 : i32 to index
      %swap3A_3409 = arith.constant 448 : index
      %swap3A_3410 = tpu.vector_load %arg6[%swap3A_3408, %swap3A_3409] {strides = array<i32>} : memref<64x512xf32, #tpu.memory_space<vmem>>, vector<16xf32>,
      tpu.vector_store %arg6[%swap3A_3408, %swap3A_3409], %broadcast_in_dim3A_1 {strides = array<i32>} : memref<64x512xf32, #tpu.memory_space<vmem>>, vector<16xf32>,
      %mul3A_3411 = arith.constant 2 : i32
      %mul3A_3412 = arith.muli %scan3A_2984, %mul3A_3411 : i32
      %add3A_3413 = arith.constant 1 : i32
      %add3A_3414 = arith.addi %mul3A_3412, %add3A_3413 : i32
      %swap3A_3415 = arith.index_cast %add3A_3414 : i32 to index
      %swap3A_3416 = arith.constant 464 : index
      %swap3A_3417 = tpu.vector_load %arg6[%swap3A_3415, %swap3A_3416] {strides = array<i32>} : memref<64x512xf32, #tpu.memory_space<vmem>>, vector<16xf32>,
      tpu.vector_store %arg6[%swap3A_3415, %swap3A_3416], %broadcast_in_dim3A_1 {strides = array<i32>} : memref<64x512xf32, #tpu.memory_space<vmem>>, vector<16xf32>,
      %mul3A_3418 = arith.constant 2 : i32
      %mul3A_3419 = arith.muli %scan3A_2984, %mul3A_3418 : i32
      %add3A_3420 = arith.constant 1 : i32
      %add3A_3421 = arith.addi %mul3A_3419, %add3A_3420 : i32
      %swap3A_3422 = arith.index_cast %add3A_3421 : i32 to index
      %swap3A_3423 = arith.constant 480 : index
      %swap3A_3424 = tpu.vector_load %arg6[%swap3A_3422, %swap3A_3423] {strides = array<i32>} : memref<64x512xf32, #tpu.memory_space<vmem>>, vector<16xf32>,
      tpu.vector_store %arg6[%swap3A_3422, %swap3A_3423], %broadcast_in_dim3A_1 {strides = array<i32>} : memref<64x512xf32, #tpu.memory_space<vmem>>, vector<16xf32>,
      %mul3A_3425 = arith.constant 2 : i32
      %mul3A_3426 = arith.muli %scan3A_2984, %mul3A_3425 : i32
      %add3A_3427 = arith.constant 1 : i32
      %add3A_3428 = arith.addi %mul3A_3426, %add3A_3427 : i32
      %swap3A_3429 = arith.index_cast %add3A_3428 : i32 to index
      %swap3A_3430 = arith.constant 496 : index
      %swap3A_3431 = tpu.vector_load %arg6[%swap3A_3429, %swap3A_3430] {strides = array<i32>} : memref<64x512xf32, #tpu.memory_space<vmem>>, vector<16xf32>,
      tpu.vector_store %arg6[%swap3A_3429, %swap3A_3430], %broadcast_in_dim3A_1 {strides = array<i32>} : memref<64x512xf32, #tpu.memory_space<vmem>>, vector<16xf32>,
    }
    %scan3A_1057 = arith.constant 32 : i32
    %mul3A_1058 = arith.constant 32768 : i32
    %mul3A_1059 = arith.muli %select_n3A_1051, %mul3A_1058 : i32
    %get3A_1060 = arith.constant 1 : i32
    %get3A_1061 = arith.constant 0 : i32
    %get3A_1062 = arith.index_cast %get3A_1060 : i32 to index
    %get3A_1063 = arith.index_cast %get3A_1061 : i32 to index
    %get3A_1064 = arith.constant 0 : index
    %get3A_1065 = tpu.vector_load %arg7[%get3A_1062, %get3A_1063, %get3A_1064] {strides = array<i32>} : memref<4x8x256xf32, #tpu.memory_space<vmem>>, vector<16xf32>,
    %get3A_1066 = arith.constant 1 : i32
    %get3A_1067 = arith.constant 0 : i32
    %get3A_1068 = arith.index_cast %get3A_1066 : i32 to index
    %get3A_1069 = arith.index_cast %get3A_1067 : i32 to index
    %get3A_1070 = arith.constant 0 : index
    %get3A_1071 = tpu.vector_load %arg8[%get3A_1068, %get3A_1069, %get3A_1070] {strides = array<i32>} : memref<4x8x256xi32, #tpu.memory_space<vmem>>, vector<16xi32>,
    %sub3A_1072 = vector.broadcast %mul3A_1059 : i32 to vector<16xi32>
    %sub3A_1073 = arith.subi %get3A_1071, %sub3A_1072 : vector<16xi32>
    %ne3A_1074 = arith.constant 0.000000e+00 : f32
    %ne3A_1075 = vector.broadcast %ne3A_1074 : f32 to vector<16xf32>
    %ne3A_1076 = arith.cmpf one, %get3A_1065, %ne3A_1075 : vector<16xf32>
    %ge3A_1077 = arith.constant 0 : i32
    %ge3A_1078 = vector.broadcast %ge3A_1077 : i32 to vector<16xi32>
    %ge3A_1079 = arith.cmpi sge, %sub3A_1073, %ge3A_1078 : vector<16xi32>
    %and3A_1080 = arith.andi %ne3A_1076, %ge3A_1079 : vector<16xi1>
    %lt3A_1081 = arith.constant 32768 : i32
    %lt3A_1082 = vector.broadcast %lt3A_1081 : i32 to vector<16xi32>
    %lt3A_1083 = arith.cmpi slt, %sub3A_1073, %lt3A_1082 : vector<16xi32>
    %and3A_1084 = arith.andi %and3A_1080, %lt3A_1083 : vector<16xi1>
    %max3A_1085 = arith.constant 0 : i32
    %max3A_1086 = vector.broadcast %max3A_1085 : i32 to vector<16xi32>
    %max3A_1087 = arith.maxsi %sub3A_1073, %max3A_1086 : vector<16xi32>
    %min3A_1088 = arith.constant 32767 : i32
    %min3A_1089 = vector.broadcast %min3A_1088 : i32 to vector<16xi32>
    %min3A_1090 = arith.minsi %max3A_1087, %min3A_1089 : vector<16xi32>
    %shift_right_logical3A_1091 = arith.constant 9 : i32
    %shift_right_logical3A_1092 = vector.broadcast %shift_right_logical3A_1091 : i32 to vector<16xi32>
    %shift_right_logical3A_1093 = arith.shrui %min3A_1090, %shift_right_logical3A_1092 : vector<16xi32>
    %and3A_1094 = arith.constant 511 : i32
    %and3A_1095 = vector.broadcast %and3A_1094 : i32 to vector<16xi32>
    %and3A_1096 = arith.andi %min3A_1090, %and3A_1095 : vector<16xi32>
    tpu.vector_store_idx %arg6[%shift_right_logical3A_1093, %and3A_1096], %get3A_1065 masked %and3A_1084 {add = true} : memref<64x512xf32, #tpu.memory_space<vmem>>[vector<16xi32>, vector<16xi32>], vector<16xf32>, vector<16xi1>
    %get3A_1097 = arith.constant 1 : i32
    %get3A_1098 = arith.constant 0 : i32
    %get3A_1099 = arith.index_cast %get3A_1097 : i32 to index
    %get3A_1100 = arith.index_cast %get3A_1098 : i32 to index
    %get3A_1101 = arith.constant 16 : index
    %get3A_1102 = tpu.vector_load %arg7[%get3A_1099, %get3A_1100, %get3A_1101] {strides = array<i32>} : memref<4x8x256xf32, #tpu.memory_space<vmem>>, vector<16xf32>,
    %get3A_1103 = arith.constant 1 : i32
    %get3A_1104 = arith.constant 0 : i32
    %get3A_1105 = arith.index_cast %get3A_1103 : i32 to index
    %get3A_1106 = arith.index_cast %get3A_1104 : i32 to index
    %get3A_1107 = arith.constant 16 : index
    %get3A_1108 = tpu.vector_load %arg8[%get3A_1105, %get3A_1106, %get3A_1107] {strides = array<i32>} : memref<4x8x256xi32, #tpu.memory_space<vmem>>, vector<16xi32>,
    %sub3A_1109 = vector.broadcast %mul3A_1059 : i32 to vector<16xi32>
    %sub3A_1110 = arith.subi %get3A_1108, %sub3A_1109 : vector<16xi32>
    %ne3A_1111 = arith.constant 0.000000e+00 : f32
    %ne3A_1112 = vector.broadcast %ne3A_1111 : f32 to vector<16xf32>
    %ne3A_1113 = arith.cmpf one, %get3A_1102, %ne3A_1112 : vector<16xf32>
    %ge3A_1114 = arith.constant 0 : i32
    %ge3A_1115 = vector.broadcast %ge3A_1114 : i32 to vector<16xi32>
    %ge3A_1116 = arith.cmpi sge, %sub3A_1110, %ge3A_1115 : vector<16xi32>
    %and3A_1117 = arith.andi %ne3A_1113, %ge3A_1116 : vector<16xi1>
    %lt3A_1118 = arith.constant 32768 : i32
    %lt3A_1119 = vector.broadcast %lt3A_1118 : i32 to vector<16xi32>
    %lt3A_1120 = arith.cmpi slt, %sub3A_1110, %lt3A_1119 : vector<16xi32>
    %and3A_1121 = arith.andi %and3A_1117, %lt3A_1120 : vector<16xi1>
    %max3A_1122 = arith.constant 0 : i32
    %max3A_1123 = vector.broadcast %max3A_1122 : i32 to vector<16xi32>
    %max3A_1124 = arith.maxsi %sub3A_1110, %max3A_1123 : vector<16xi32>
    %min3A_1125 = arith.constant 32767 : i32
    %min3A_1126 = vector.broadcast %min3A_1125 : i32 to vector<16xi32>
    %min3A_1127 = arith.minsi %max3A_1124, %min3A_1126 : vector<16xi32>
    %shift_right_logical3A_1128 = arith.constant 9 : i32
    %shift_right_logical3A_1129 = vector.broadcast %shift_right_logical3A_1128 : i32 to vector<16xi32>
    %shift_right_logical3A_1130 = arith.shrui %min3A_1127, %shift_right_logical3A_1129 : vector<16xi32>
    %and3A_1131 = arith.constant 511 : i32
    %and3A_1132 = vector.broadcast %and3A_1131 : i32 to vector<16xi32>
    %and3A_1133 = arith.andi %min3A_1127, %and3A_1132 : vector<16xi32>
    tpu.vector_store_idx %arg6[%shift_right_logical3A_1130, %and3A_1133], %get3A_1102 masked %and3A_1121 {add = true} : memref<64x512xf32, #tpu.memory_space<vmem>>[vector<16xi32>, vector<16xi32>], vector<16xf32>, vector<16xi1>
    %get3A_1134 = arith.constant 1 : i32
    %get3A_1135 = arith.constant 0 : i32
    %get3A_1136 = arith.index_cast %get3A_1134 : i32 to index
    %get3A_1137 = arith.index_cast %get3A_1135 : i32 to index
    %get3A_1138 = arith.constant 32 : index
    %get3A_1139 = tpu.vector_load %arg7[%get3A_1136, %get3A_1137, %get3A_1138] {strides = array<i32>} : memref<4x8x256xf32, #tpu.memory_space<vmem>>, vector<16xf32>,
    %get3A_1140 = arith.constant 1 : i32
    %get3A_1141 = arith.constant 0 : i32
    %get3A_1142 = arith.index_cast %get3A_1140 : i32 to index
    %get3A_1143 = arith.index_cast %get3A_1141 : i32 to index
    %get3A_1144 = arith.constant 32 : index
    %get3A_1145 = tpu.vector_load %arg8[%get3A_1142, %get3A_1143, %get3A_1144] {strides = array<i32>} : memref<4x8x256xi32, #tpu.memory_space<vmem>>, vector<16xi32>,
    %sub3A_1146 = vector.broadcast %mul3A_1059 : i32 to vector<16xi32>
    %sub3A_1147 = arith.subi %get3A_1145, %sub3A_1146 : vector<16xi32>
    %ne3A_1148 = arith.constant 0.000000e+00 : f32
    %ne3A_1149 = vector.broadcast %ne3A_1148 : f32 to vector<16xf32>
    %ne3A_1150 = arith.cmpf one, %get3A_1139, %ne3A_1149 : vector<16xf32>
    %ge3A_1151 = arith.constant 0 : i32
    %ge3A_1152 = vector.broadcast %ge3A_1151 : i32 to vector<16xi32>
    %ge3A_1153 = arith.cmpi sge, %sub3A_1147, %ge3A_1152 : vector<16xi32>
    %and3A_1154 = arith.andi %ne3A_1150, %ge3A_1153 : vector<16xi1>
    %lt3A_1155 = arith.constant 32768 : i32
    %lt3A_1156 = vector.broadcast %lt3A_1155 : i32 to vector<16xi32>
    %lt3A_1157 = arith.cmpi slt, %sub3A_1147, %lt3A_1156 : vector<16xi32>
    %and3A_1158 = arith.andi %and3A_1154, %lt3A_1157 : vector<16xi1>
    %max3A_1159 = arith.constant 0 : i32
    %max3A_1160 = vector.broadcast %max3A_1159 : i32 to vector<16xi32>
    %max3A_1161 = arith.maxsi %sub3A_1147, %max3A_1160 : vector<16xi32>
    %min3A_1162 = arith.constant 32767 : i32
    %min3A_1163 = vector.broadcast %min3A_1162 : i32 to vector<16xi32>
    %min3A_1164 = arith.minsi %max3A_1161, %min3A_1163 : vector<16xi32>
    %shift_right_logical3A_1165 = arith.constant 9 : i32
    %shift_right_logical3A_1166 = vector.broadcast %shift_right_logical3A_1165 : i32 to vector<16xi32>
    %shift_right_logical3A_1167 = arith.shrui %min3A_1164, %shift_right_logical3A_1166 : vector<16xi32>
    %and3A_1168 = arith.constant 511 : i32
    %and3A_1169 = vector.broadcast %and3A_1168 : i32 to vector<16xi32>
    %and3A_1170 = arith.andi %min3A_1164, %and3A_1169 : vector<16xi32>
    tpu.vector_store_idx %arg6[%shift_right_logical3A_1167, %and3A_1170], %get3A_1139 masked %and3A_1158 {add = true} : memref<64x512xf32, #tpu.memory_space<vmem>>[vector<16xi32>, vector<16xi32>], vector<16xf32>, vector<16xi1>
    %get3A_1171 = arith.constant 1 : i32
    %get3A_1172 = arith.constant 0 : i32
    %get3A_1173 = arith.index_cast %get3A_1171 : i32 to index
    %get3A_1174 = arith.index_cast %get3A_1172 : i32 to index
    %get3A_1175 = arith.constant 48 : index
    %get3A_1176 = tpu.vector_load %arg7[%get3A_1173, %get3A_1174, %get3A_1175] {strides = array<i32>} : memref<4x8x256xf32, #tpu.memory_space<vmem>>, vector<16xf32>,
    %get3A_1177 = arith.constant 1 : i32
    %get3A_1178 = arith.constant 0 : i32
    %get3A_1179 = arith.index_cast %get3A_1177 : i32 to index
    %get3A_1180 = arith.index_cast %get3A_1178 : i32 to index
    %get3A_1181 = arith.constant 48 : index
    %get3A_1182 = tpu.vector_load %arg8[%get3A_1179, %get3A_1180, %get3A_1181] {strides = array<i32>} : memref<4x8x256xi32, #tpu.memory_space<vmem>>, vector<16xi32>,
    %sub3A_1183 = vector.broadcast %mul3A_1059 : i32 to vector<16xi32>
    %sub3A_1184 = arith.subi %get3A_1182, %sub3A_1183 : vector<16xi32>
    %ne3A_1185 = arith.constant 0.000000e+00 : f32
    %ne3A_1186 = vector.broadcast %ne3A_1185 : f32 to vector<16xf32>
    %ne3A_1187 = arith.cmpf one, %get3A_1176, %ne3A_1186 : vector<16xf32>
    %ge3A_1188 = arith.constant 0 : i32
    %ge3A_1189 = vector.broadcast %ge3A_1188 : i32 to vector<16xi32>
    %ge3A_1190 = arith.cmpi sge, %sub3A_1184, %ge3A_1189 : vector<16xi32>
    %and3A_1191 = arith.andi %ne3A_1187, %ge3A_1190 : vector<16xi1>
    %lt3A_1192 = arith.constant 32768 : i32
    %lt3A_1193 = vector.broadcast %lt3A_1192 : i32 to vector<16xi32>
    %lt3A_1194 = arith.cmpi slt, %sub3A_1184, %lt3A_1193 : vector<16xi32>
    %and3A_1195 = arith.andi %and3A_1191, %lt3A_1194 : vector<16xi1>
    %max3A_1196 = arith.constant 0 : i32
    %max3A_1197 = vector.broadcast %max3A_1196 : i32 to vector<16xi32>
    %max3A_1198 = arith.maxsi %sub3A_1184, %max3A_1197 : vector<16xi32>
    %min3A_1199 = arith.constant 32767 : i32
    %min3A_1200 = vector.broadcast %min3A_1199 : i32 to vector<16xi32>
    %min3A_1201 = arith.minsi %max3A_1198, %min3A_1200 : vector<16xi32>
    %shift_right_logical3A_1202 = arith.constant 9 : i32
    %shift_right_logical3A_1203 = vector.broadcast %shift_right_logical3A_1202 : i32 to vector<16xi32>
    %shift_right_logical3A_1204 = arith.shrui %min3A_1201, %shift_right_logical3A_1203 : vector<16xi32>
    %and3A_1205 = arith.constant 511 : i32
    %and3A_1206 = vector.broadcast %and3A_1205 : i32 to vector<16xi32>
    %and3A_1207 = arith.andi %min3A_1201, %and3A_1206 : vector<16xi32>
    tpu.vector_store_idx %arg6[%shift_right_logical3A_1204, %and3A_1207], %get3A_1176 masked %and3A_1195 {add = true} : memref<64x512xf32, #tpu.memory_space<vmem>>[vector<16xi32>, vector<16xi32>], vector<16xf32>, vector<16xi1>
    %get3A_1208 = arith.constant 1 : i32
    %get3A_1209 = arith.constant 0 : i32
    %get3A_1210 = arith.index_cast %get3A_1208 : i32 to index
    %get3A_1211 = arith.index_cast %get3A_1209 : i32 to index
    %get3A_1212 = arith.constant 64 : index
    %get3A_1213 = tpu.vector_load %arg7[%get3A_1210, %get3A_1211, %get3A_1212] {strides = array<i32>} : memref<4x8x256xf32, #tpu.memory_space<vmem>>, vector<16xf32>,
    %get3A_1214 = arith.constant 1 : i32
    %get3A_1215 = arith.constant 0 : i32
    %get3A_1216 = arith.index_cast %get3A_1214 : i32 to index
    %get3A_1217 = arith.index_cast %get3A_1215 : i32 to index
    %get3A_1218 = arith.constant 64 : index
    %get3A_1219 = tpu.vector_load %arg8[%get3A_1216, %get3A_1217, %get3A_1218] {strides = array<i32>} : memref<4x8x256xi32, #tpu.memory_space<vmem>>, vector<16xi32>,
    %sub3A_1220 = vector.broadcast %mul3A_1059 : i32 to vector<16xi32>
    %sub3A_1221 = arith.subi %get3A_1219, %sub3A_1220 : vector<16xi32>
    %ne3A_1222 = arith.constant 0.000000e+00 : f32
    %ne3A_1223 = vector.broadcast %ne3A_1222 : f32 to vector<16xf32>
    %ne3A_1224 = arith.cmpf one, %get3A_1213, %ne3A_1223 : vector<16xf32>
    %ge3A_1225 = arith.constant 0 : i32
    %ge3A_1226 = vector.broadcast %ge3A_1225 : i32 to vector<16xi32>
    %ge3A_1227 = arith.cmpi sge, %sub3A_1221, %ge3A_1226 : vector<16xi32>
    %and3A_1228 = arith.andi %ne3A_1224, %ge3A_1227 : vector<16xi1>
    %lt3A_1229 = arith.constant 32768 : i32
    %lt3A_1230 = vector.broadcast %lt3A_1229 : i32 to vector<16xi32>
    %lt3A_1231 = arith.cmpi slt, %sub3A_1221, %lt3A_1230 : vector<16xi32>
    %and3A_1232 = arith.andi %and3A_1228, %lt3A_1231 : vector<16xi1>
    %max3A_1233 = arith.constant 0 : i32
    %max3A_1234 = vector.broadcast %max3A_1233 : i32 to vector<16xi32>
    %max3A_1235 = arith.maxsi %sub3A_1221, %max3A_1234 : vector<16xi32>
    %min3A_1236 = arith.constant 32767 : i32
    %min3A_1237 = vector.broadcast %min3A_1236 : i32 to vector<16xi32>
    %min3A_1238 = arith.minsi %max3A_1235, %min3A_1237 : vector<16xi32>
    %shift_right_logical3A_1239 = arith.constant 9 : i32
    %shift_right_logical3A_1240 = vector.broadcast %shift_right_logical3A_1239 : i32 to vector<16xi32>
    %shift_right_logical3A_1241 = arith.shrui %min3A_1238, %shift_right_logical3A_1240 : vector<16xi32>
    %and3A_1242 = arith.constant 511 : i32
    %and3A_1243 = vector.broadcast %and3A_1242 : i32 to vector<16xi32>
    %and3A_1244 = arith.andi %min3A_1238, %and3A_1243 : vector<16xi32>
    tpu.vector_store_idx %arg6[%shift_right_logical3A_1241, %and3A_1244], %get3A_1213 masked %and3A_1232 {add = true} : memref<64x512xf32, #tpu.memory_space<vmem>>[vector<16xi32>, vector<16xi32>], vector<16xf32>, vector<16xi1>
    %get3A_1245 = arith.constant 1 : i32
    %get3A_1246 = arith.constant 0 : i32
    %get3A_1247 = arith.index_cast %get3A_1245 : i32 to index
    %get3A_1248 = arith.index_cast %get3A_1246 : i32 to index
    %get3A_1249 = arith.constant 80 : index
    %get3A_1250 = tpu.vector_load %arg7[%get3A_1247, %get3A_1248, %get3A_1249] {strides = array<i32>} : memref<4x8x256xf32, #tpu.memory_space<vmem>>, vector<16xf32>,
    %get3A_1251 = arith.constant 1 : i32
    %get3A_1252 = arith.constant 0 : i32
    %get3A_1253 = arith.index_cast %get3A_1251 : i32 to index
    %get3A_1254 = arith.index_cast %get3A_1252 : i32 to index
    %get3A_1255 = arith.constant 80 : index
    %get3A_1256 = tpu.vector_load %arg8[%get3A_1253, %get3A_1254, %get3A_1255] {strides = array<i32>} : memref<4x8x256xi32, #tpu.memory_space<vmem>>, vector<16xi32>,
    %sub3A_1257 = vector.broadcast %mul3A_1059 : i32 to vector<16xi32>
    %sub3A_1258 = arith.subi %get3A_1256, %sub3A_1257 : vector<16xi32>
    %ne3A_1259 = arith.constant 0.000000e+00 : f32
    %ne3A_1260 = vector.broadcast %ne3A_1259 : f32 to vector<16xf32>
    %ne3A_1261 = arith.cmpf one, %get3A_1250, %ne3A_1260 : vector<16xf32>
    %ge3A_1262 = arith.constant 0 : i32
    %ge3A_1263 = vector.broadcast %ge3A_1262 : i32 to vector<16xi32>
    %ge3A_1264 = arith.cmpi sge, %sub3A_1258, %ge3A_1263 : vector<16xi32>
    %and3A_1265 = arith.andi %ne3A_1261, %ge3A_1264 : vector<16xi1>
    %lt3A_1266 = arith.constant 32768 : i32
    %lt3A_1267 = vector.broadcast %lt3A_1266 : i32 to vector<16xi32>
    %lt3A_1268 = arith.cmpi slt, %sub3A_1258, %lt3A_1267 : vector<16xi32>
    %and3A_1269 = arith.andi %and3A_1265, %lt3A_1268 : vector<16xi1>
    %max3A_1270 = arith.constant 0 : i32
    %max3A_1271 = vector.broadcast %max3A_1270 : i32 to vector<16xi32>
    %max3A_1272 = arith.maxsi %sub3A_1258, %max3A_1271 : vector<16xi32>
    %min3A_1273 = arith.constant 32767 : i32
    %min3A_1274 = vector.broadcast %min3A_1273 : i32 to vector<16xi32>
    %min3A_1275 = arith.minsi %max3A_1272, %min3A_1274 : vector<16xi32>
    %shift_right_logical3A_1276 = arith.constant 9 : i32
    %shift_right_logical3A_1277 = vector.broadcast %shift_right_logical3A_1276 : i32 to vector<16xi32>
    %shift_right_logical3A_1278 = arith.shrui %min3A_1275, %shift_right_logical3A_1277 : vector<16xi32>
    %and3A_1279 = arith.constant 511 : i32
    %and3A_1280 = vector.broadcast %and3A_1279 : i32 to vector<16xi32>
    %and3A_1281 = arith.andi %min3A_1275, %and3A_1280 : vector<16xi32>
    tpu.vector_store_idx %arg6[%shift_right_logical3A_1278, %and3A_1281], %get3A_1250 masked %and3A_1269 {add = true} : memref<64x512xf32, #tpu.memory_space<vmem>>[vector<16xi32>, vector<16xi32>], vector<16xf32>, vector<16xi1>
    %get3A_1282 = arith.constant 1 : i32
    %get3A_1283 = arith.constant 0 : i32
    %get3A_1284 = arith.index_cast %get3A_1282 : i32 to index
    %get3A_1285 = arith.index_cast %get3A_1283 : i32 to index
    %get3A_1286 = arith.constant 96 : index
    %get3A_1287 = tpu.vector_load %arg7[%get3A_1284, %get3A_1285, %get3A_1286] {strides = array<i32>} : memref<4x8x256xf32, #tpu.memory_space<vmem>>, vector<16xf32>,
    %get3A_1288 = arith.constant 1 : i32
    %get3A_1289 = arith.constant 0 : i32
    %get3A_1290 = arith.index_cast %get3A_1288 : i32 to index
    %get3A_1291 = arith.index_cast %get3A_1289 : i32 to index
    %get3A_1292 = arith.constant 96 : index
    %get3A_1293 = tpu.vector_load %arg8[%get3A_1290, %get3A_1291, %get3A_1292] {strides = array<i32>} : memref<4x8x256xi32, #tpu.memory_space<vmem>>, vector<16xi32>,
    %sub3A_1294 = vector.broadcast %mul3A_1059 : i32 to vector<16xi32>
    %sub3A_1295 = arith.subi %get3A_1293, %sub3A_1294 : vector<16xi32>
    %ne3A_1296 = arith.constant 0.000000e+00 : f32
    %ne3A_1297 = vector.broadcast %ne3A_1296 : f32 to vector<16xf32>
    %ne3A_1298 = arith.cmpf one, %get3A_1287, %ne3A_1297 : vector<16xf32>
    %ge3A_1299 = arith.constant 0 : i32
    %ge3A_1300 = vector.broadcast %ge3A_1299 : i32 to vector<16xi32>
    %ge3A_1301 = arith.cmpi sge, %sub3A_1295, %ge3A_1300 : vector<16xi32>
    %and3A_1302 = arith.andi %ne3A_1298, %ge3A_1301 : vector<16xi1>
    %lt3A_1303 = arith.constant 32768 : i32
    %lt3A_1304 = vector.broadcast %lt3A_1303 : i32 to vector<16xi32>
    %lt3A_1305 = arith.cmpi slt, %sub3A_1295, %lt3A_1304 : vector<16xi32>
    %and3A_1306 = arith.andi %and3A_1302, %lt3A_1305 : vector<16xi1>
    %max3A_1307 = arith.constant 0 : i32
    %max3A_1308 = vector.broadcast %max3A_1307 : i32 to vector<16xi32>
    %max3A_1309 = arith.maxsi %sub3A_1295, %max3A_1308 : vector<16xi32>
    %min3A_1310 = arith.constant 32767 : i32
    %min3A_1311 = vector.broadcast %min3A_1310 : i32 to vector<16xi32>
    %min3A_1312 = arith.minsi %max3A_1309, %min3A_1311 : vector<16xi32>
    %shift_right_logical3A_1313 = arith.constant 9 : i32
    %shift_right_logical3A_1314 = vector.broadcast %shift_right_logical3A_1313 : i32 to vector<16xi32>
    %shift_right_logical3A_1315 = arith.shrui %min3A_1312, %shift_right_logical3A_1314 : vector<16xi32>
    %and3A_1316 = arith.constant 511 : i32
    %and3A_1317 = vector.broadcast %and3A_1316 : i32 to vector<16xi32>
    %and3A_1318 = arith.andi %min3A_1312, %and3A_1317 : vector<16xi32>
    tpu.vector_store_idx %arg6[%shift_right_logical3A_1315, %and3A_1318], %get3A_1287 masked %and3A_1306 {add = true} : memref<64x512xf32, #tpu.memory_space<vmem>>[vector<16xi32>, vector<16xi32>], vector<16xf32>, vector<16xi1>
    %get3A_1319 = arith.constant 1 : i32
    %get3A_1320 = arith.constant 0 : i32
    %get3A_1321 = arith.index_cast %get3A_1319 : i32 to index
    %get3A_1322 = arith.index_cast %get3A_1320 : i32 to index
    %get3A_1323 = arith.constant 112 : index
    %get3A_1324 = tpu.vector_load %arg7[%get3A_1321, %get3A_1322, %get3A_1323] {strides = array<i32>} : memref<4x8x256xf32, #tpu.memory_space<vmem>>, vector<16xf32>,
    %get3A_1325 = arith.constant 1 : i32
    %get3A_1326 = arith.constant 0 : i32
    %get3A_1327 = arith.index_cast %get3A_1325 : i32 to index
    %get3A_1328 = arith.index_cast %get3A_1326 : i32 to index
    %get3A_1329 = arith.constant 112 : index
    %get3A_1330 = tpu.vector_load %arg8[%get3A_1327, %get3A_1328, %get3A_1329] {strides = array<i32>} : memref<4x8x256xi32, #tpu.memory_space<vmem>>, vector<16xi32>,
    %sub3A_1331 = vector.broadcast %mul3A_1059 : i32 to vector<16xi32>
    %sub3A_1332 = arith.subi %get3A_1330, %sub3A_1331 : vector<16xi32>
    %ne3A_1333 = arith.constant 0.000000e+00 : f32
    %ne3A_1334 = vector.broadcast %ne3A_1333 : f32 to vector<16xf32>
    %ne3A_1335 = arith.cmpf one, %get3A_1324, %ne3A_1334 : vector<16xf32>
    %ge3A_1336 = arith.constant 0 : i32
    %ge3A_1337 = vector.broadcast %ge3A_1336 : i32 to vector<16xi32>
    %ge3A_1338 = arith.cmpi sge, %sub3A_1332, %ge3A_1337 : vector<16xi32>
    %and3A_1339 = arith.andi %ne3A_1335, %ge3A_1338 : vector<16xi1>
    %lt3A_1340 = arith.constant 32768 : i32
    %lt3A_1341 = vector.broadcast %lt3A_1340 : i32 to vector<16xi32>
    %lt3A_1342 = arith.cmpi slt, %sub3A_1332, %lt3A_1341 : vector<16xi32>
    %and3A_1343 = arith.andi %and3A_1339, %lt3A_1342 : vector<16xi1>
    %max3A_1344 = arith.constant 0 : i32
    %max3A_1345 = vector.broadcast %max3A_1344 : i32 to vector<16xi32>
    %max3A_1346 = arith.maxsi %sub3A_1332, %max3A_1345 : vector<16xi32>
    %min3A_1347 = arith.constant 32767 : i32
    %min3A_1348 = vector.broadcast %min3A_1347 : i32 to vector<16xi32>
    %min3A_1349 = arith.minsi %max3A_1346, %min3A_1348 : vector<16xi32>
    %shift_right_logical3A_1350 = arith.constant 9 : i32
    %shift_right_logical3A_1351 = vector.broadcast %shift_right_logical3A_1350 : i32 to vector<16xi32>
    %shift_right_logical3A_1352 = arith.shrui %min3A_1349, %shift_right_logical3A_1351 : vector<16xi32>
    %and3A_1353 = arith.constant 511 : i32
    %and3A_1354 = vector.broadcast %and3A_1353 : i32 to vector<16xi32>
    %and3A_1355 = arith.andi %min3A_1349, %and3A_1354 : vector<16xi32>
    tpu.vector_store_idx %arg6[%shift_right_logical3A_1352, %and3A_1355], %get3A_1324 masked %and3A_1343 {add = true} : memref<64x512xf32, #tpu.memory_space<vmem>>[vector<16xi32>, vector<16xi32>], vector<16xf32>, vector<16xi1>
    %get3A_1356 = arith.constant 1 : i32
    %get3A_1357 = arith.constant 0 : i32
    %get3A_1358 = arith.index_cast %get3A_1356 : i32 to index
    %get3A_1359 = arith.index_cast %get3A_1357 : i32 to index
    %get3A_1360 = arith.constant 128 : index
    %get3A_1361 = tpu.vector_load %arg7[%get3A_1358, %get3A_1359, %get3A_1360] {strides = array<i32>} : memref<4x8x256xf32, #tpu.memory_space<vmem>>, vector<16xf32>,
    %get3A_1362 = arith.constant 1 : i32
    %get3A_1363 = arith.constant 0 : i32
    %get3A_1364 = arith.index_cast %get3A_1362 : i32 to index
    %get3A_1365 = arith.index_cast %get3A_1363 : i32 to index
    %get3A_1366 = arith.constant 128 : index
    %get3A_1367 = tpu.vector_load %arg8[%get3A_1364, %get3A_1365, %get3A_1366] {strides = array<i32>} : memref<4x8x256xi32, #tpu.memory_space<vmem>>, vector<16xi32>,
    %sub3A_1368 = vector.broadcast %mul3A_1059 : i32 to vector<16xi32>
    %sub3A_1369 = arith.subi %get3A_1367, %sub3A_1368 : vector<16xi32>
    %ne3A_1370 = arith.constant 0.000000e+00 : f32
    %ne3A_1371 = vector.broadcast %ne3A_1370 : f32 to vector<16xf32>
    %ne3A_1372 = arith.cmpf one, %get3A_1361, %ne3A_1371 : vector<16xf32>
    %ge3A_1373 = arith.constant 0 : i32
    %ge3A_1374 = vector.broadcast %ge3A_1373 : i32 to vector<16xi32>
    %ge3A_1375 = arith.cmpi sge, %sub3A_1369, %ge3A_1374 : vector<16xi32>
    %and3A_1376 = arith.andi %ne3A_1372, %ge3A_1375 : vector<16xi1>
    %lt3A_1377 = arith.constant 32768 : i32
    %lt3A_1378 = vector.broadcast %lt3A_1377 : i32 to vector<16xi32>
    %lt3A_1379 = arith.cmpi slt, %sub3A_1369, %lt3A_1378 : vector<16xi32>
    %and3A_1380 = arith.andi %and3A_1376, %lt3A_1379 : vector<16xi1>
    %max3A_1381 = arith.constant 0 : i32
    %max3A_1382 = vector.broadcast %max3A_1381 : i32 to vector<16xi32>
    %max3A_1383 = arith.maxsi %sub3A_1369, %max3A_1382 : vector<16xi32>
    %min3A_1384 = arith.constant 32767 : i32
    %min3A_1385 = vector.broadcast %min3A_1384 : i32 to vector<16xi32>
    %min3A_1386 = arith.minsi %max3A_1383, %min3A_1385 : vector<16xi32>
    %shift_right_logical3A_1387 = arith.constant 9 : i32
    %shift_right_logical3A_1388 = vector.broadcast %shift_right_logical3A_1387 : i32 to vector<16xi32>
    %shift_right_logical3A_1389 = arith.shrui %min3A_1386, %shift_right_logical3A_1388 : vector<16xi32>
    %and3A_1390 = arith.constant 511 : i32
    %and3A_1391 = vector.broadcast %and3A_1390 : i32 to vector<16xi32>
    %and3A_1392 = arith.andi %min3A_1386, %and3A_1391 : vector<16xi32>
    tpu.vector_store_idx %arg6[%shift_right_logical3A_1389, %and3A_1392], %get3A_1361 masked %and3A_1380 {add = true} : memref<64x512xf32, #tpu.memory_space<vmem>>[vector<16xi32>, vector<16xi32>], vector<16xf32>, vector<16xi1>
    %get3A_1393 = arith.constant 1 : i32
    %get3A_1394 = arith.constant 0 : i32
    %get3A_1395 = arith.index_cast %get3A_1393 : i32 to index
    %get3A_1396 = arith.index_cast %get3A_1394 : i32 to index
    %get3A_1397 = arith.constant 144 : index
    %get3A_1398 = tpu.vector_load %arg7[%get3A_1395, %get3A_1396, %get3A_1397] {strides = array<i32>} : memref<4x8x256xf32, #tpu.memory_space<vmem>>, vector<16xf32>,
    %get3A_1399 = arith.constant 1 : i32
    %get3A_1400 = arith.constant 0 : i32
    %get3A_1401 = arith.index_cast %get3A_1399 : i32 to index
    %get3A_1402 = arith.index_cast %get3A_1400 : i32 to index
    %get3A_1403 = arith.constant 144 : index
    %get3A_1404 = tpu.vector_load %arg8[%get3A_1401, %get3A_1402, %get3A_1403] {strides = array<i32>} : memref<4x8x256xi32, #tpu.memory_space<vmem>>, vector<16xi32>,
    %sub3A_1405 = vector.broadcast %mul3A_1059 : i32 to vector<16xi32>
    %sub3A_1406 = arith.subi %get3A_1404, %sub3A_1405 : vector<16xi32>
    %ne3A_1407 = arith.constant 0.000000e+00 : f32
    %ne3A_1408 = vector.broadcast %ne3A_1407 : f32 to vector<16xf32>
    %ne3A_1409 = arith.cmpf one, %get3A_1398, %ne3A_1408 : vector<16xf32>
    %ge3A_1410 = arith.constant 0 : i32
    %ge3A_1411 = vector.broadcast %ge3A_1410 : i32 to vector<16xi32>
    %ge3A_1412 = arith.cmpi sge, %sub3A_1406, %ge3A_1411 : vector<16xi32>
    %and3A_1413 = arith.andi %ne3A_1409, %ge3A_1412 : vector<16xi1>
    %lt3A_1414 = arith.constant 32768 : i32
    %lt3A_1415 = vector.broadcast %lt3A_1414 : i32 to vector<16xi32>
    %lt3A_1416 = arith.cmpi slt, %sub3A_1406, %lt3A_1415 : vector<16xi32>
    %and3A_1417 = arith.andi %and3A_1413, %lt3A_1416 : vector<16xi1>
    %max3A_1418 = arith.constant 0 : i32
    %max3A_1419 = vector.broadcast %max3A_1418 : i32 to vector<16xi32>
    %max3A_1420 = arith.maxsi %sub3A_1406, %max3A_1419 : vector<16xi32>
    %min3A_1421 = arith.constant 32767 : i32
    %min3A_1422 = vector.broadcast %min3A_1421 : i32 to vector<16xi32>
    %min3A_1423 = arith.minsi %max3A_1420, %min3A_1422 : vector<16xi32>
    %shift_right_logical3A_1424 = arith.constant 9 : i32
    %shift_right_logical3A_1425 = vector.broadcast %shift_right_logical3A_1424 : i32 to vector<16xi32>
    %shift_right_logical3A_1426 = arith.shrui %min3A_1423, %shift_right_logical3A_1425 : vector<16xi32>
    %and3A_1427 = arith.constant 511 : i32
    %and3A_1428 = vector.broadcast %and3A_1427 : i32 to vector<16xi32>
    %and3A_1429 = arith.andi %min3A_1423, %and3A_1428 : vector<16xi32>
    tpu.vector_store_idx %arg6[%shift_right_logical3A_1426, %and3A_1429], %get3A_1398 masked %and3A_1417 {add = true} : memref<64x512xf32, #tpu.memory_space<vmem>>[vector<16xi32>, vector<16xi32>], vector<16xf32>, vector<16xi1>
    %get3A_1430 = arith.constant 1 : i32
    %get3A_1431 = arith.constant 0 : i32
    %get3A_1432 = arith.index_cast %get3A_1430 : i32 to index
    %get3A_1433 = arith.index_cast %get3A_1431 : i32 to index
    %get3A_1434 = arith.constant 160 : index
    %get3A_1435 = tpu.vector_load %arg7[%get3A_1432, %get3A_1433, %get3A_1434] {strides = array<i32>} : memref<4x8x256xf32, #tpu.memory_space<vmem>>, vector<16xf32>,
    %get3A_1436 = arith.constant 1 : i32
    %get3A_1437 = arith.constant 0 : i32
    %get3A_1438 = arith.index_cast %get3A_1436 : i32 to index
    %get3A_1439 = arith.index_cast %get3A_1437 : i32 to index
    %get3A_1440 = arith.constant 160 : index
    %get3A_1441 = tpu.vector_load %arg8[%get3A_1438, %get3A_1439, %get3A_1440] {strides = array<i32>} : memref<4x8x256xi32, #tpu.memory_space<vmem>>, vector<16xi32>,
    %sub3A_1442 = vector.broadcast %mul3A_1059 : i32 to vector<16xi32>
    %sub3A_1443 = arith.subi %get3A_1441, %sub3A_1442 : vector<16xi32>
    %ne3A_1444 = arith.constant 0.000000e+00 : f32
    %ne3A_1445 = vector.broadcast %ne3A_1444 : f32 to vector<16xf32>
    %ne3A_1446 = arith.cmpf one, %get3A_1435, %ne3A_1445 : vector<16xf32>
    %ge3A_1447 = arith.constant 0 : i32
    %ge3A_1448 = vector.broadcast %ge3A_1447 : i32 to vector<16xi32>
    %ge3A_1449 = arith.cmpi sge, %sub3A_1443, %ge3A_1448 : vector<16xi32>
    %and3A_1450 = arith.andi %ne3A_1446, %ge3A_1449 : vector<16xi1>
    %lt3A_1451 = arith.constant 32768 : i32
    %lt3A_1452 = vector.broadcast %lt3A_1451 : i32 to vector<16xi32>
    %lt3A_1453 = arith.cmpi slt, %sub3A_1443, %lt3A_1452 : vector<16xi32>
    %and3A_1454 = arith.andi %and3A_1450, %lt3A_1453 : vector<16xi1>
    %max3A_1455 = arith.constant 0 : i32
    %max3A_1456 = vector.broadcast %max3A_1455 : i32 to vector<16xi32>
    %max3A_1457 = arith.maxsi %sub3A_1443, %max3A_1456 : vector<16xi32>
    %min3A_1458 = arith.constant 32767 : i32
    %min3A_1459 = vector.broadcast %min3A_1458 : i32 to vector<16xi32>
    %min3A_1460 = arith.minsi %max3A_1457, %min3A_1459 : vector<16xi32>
    %shift_right_logical3A_1461 = arith.constant 9 : i32
    %shift_right_logical3A_1462 = vector.broadcast %shift_right_logical3A_1461 : i32 to vector<16xi32>
    %shift_right_logical3A_1463 = arith.shrui %min3A_1460, %shift_right_logical3A_1462 : vector<16xi32>
    %and3A_1464 = arith.constant 511 : i32
    %and3A_1465 = vector.broadcast %and3A_1464 : i32 to vector<16xi32>
    %and3A_1466 = arith.andi %min3A_1460, %and3A_1465 : vector<16xi32>
    tpu.vector_store_idx %arg6[%shift_right_logical3A_1463, %and3A_1466], %get3A_1435 masked %and3A_1454 {add = true} : memref<64x512xf32, #tpu.memory_space<vmem>>[vector<16xi32>, vector<16xi32>], vector<16xf32>, vector<16xi1>
    %get3A_1467 = arith.constant 1 : i32
    %get3A_1468 = arith.constant 0 : i32
    %get3A_1469 = arith.index_cast %get3A_1467 : i32 to index
    %get3A_1470 = arith.index_cast %get3A_1468 : i32 to index
    %get3A_1471 = arith.constant 176 : index
    %get3A_1472 = tpu.vector_load %arg7[%get3A_1469, %get3A_1470, %get3A_1471] {strides = array<i32>} : memref<4x8x256xf32, #tpu.memory_space<vmem>>, vector<16xf32>,
    %get3A_1473 = arith.constant 1 : i32
    %get3A_1474 = arith.constant 0 : i32
    %get3A_1475 = arith.index_cast %get3A_1473 : i32 to index
    %get3A_1476 = arith.index_cast %get3A_1474 : i32 to index
    %get3A_1477 = arith.constant 176 : index
    %get3A_1478 = tpu.vector_load %arg8[%get3A_1475, %get3A_1476, %get3A_1477] {strides = array<i32>} : memref<4x8x256xi32, #tpu.memory_space<vmem>>, vector<16xi32>,
    %sub3A_1479 = vector.broadcast %mul3A_1059 : i32 to vector<16xi32>
    %sub3A_1480 = arith.subi %get3A_1478, %sub3A_1479 : vector<16xi32>
    %ne3A_1481 = arith.constant 0.000000e+00 : f32
    %ne3A_1482 = vector.broadcast %ne3A_1481 : f32 to vector<16xf32>
    %ne3A_1483 = arith.cmpf one, %get3A_1472, %ne3A_1482 : vector<16xf32>
    %ge3A_1484 = arith.constant 0 : i32
    %ge3A_1485 = vector.broadcast %ge3A_1484 : i32 to vector<16xi32>
    %ge3A_1486 = arith.cmpi sge, %sub3A_1480, %ge3A_1485 : vector<16xi32>
    %and3A_1487 = arith.andi %ne3A_1483, %ge3A_1486 : vector<16xi1>
    %lt3A_1488 = arith.constant 32768 : i32
    %lt3A_1489 = vector.broadcast %lt3A_1488 : i32 to vector<16xi32>
    %lt3A_1490 = arith.cmpi slt, %sub3A_1480, %lt3A_1489 : vector<16xi32>
    %and3A_1491 = arith.andi %and3A_1487, %lt3A_1490 : vector<16xi1>
    %max3A_1492 = arith.constant 0 : i32
    %max3A_1493 = vector.broadcast %max3A_1492 : i32 to vector<16xi32>
    %max3A_1494 = arith.maxsi %sub3A_1480, %max3A_1493 : vector<16xi32>
    %min3A_1495 = arith.constant 32767 : i32
    %min3A_1496 = vector.broadcast %min3A_1495 : i32 to vector<16xi32>
    %min3A_1497 = arith.minsi %max3A_1494, %min3A_1496 : vector<16xi32>
    %shift_right_logical3A_1498 = arith.constant 9 : i32
    %shift_right_logical3A_1499 = vector.broadcast %shift_right_logical3A_1498 : i32 to vector<16xi32>
    %shift_right_logical3A_1500 = arith.shrui %min3A_1497, %shift_right_logical3A_1499 : vector<16xi32>
    %and3A_1501 = arith.constant 511 : i32
    %and3A_1502 = vector.broadcast %and3A_1501 : i32 to vector<16xi32>
    %and3A_1503 = arith.andi %min3A_1497, %and3A_1502 : vector<16xi32>
    tpu.vector_store_idx %arg6[%shift_right_logical3A_1500, %and3A_1503], %get3A_1472 masked %and3A_1491 {add = true} : memref<64x512xf32, #tpu.memory_space<vmem>>[vector<16xi32>, vector<16xi32>], vector<16xf32>, vector<16xi1>
    %get3A_1504 = arith.constant 1 : i32
    %get3A_1505 = arith.constant 0 : i32
    %get3A_1506 = arith.index_cast %get3A_1504 : i32 to index
    %get3A_1507 = arith.index_cast %get3A_1505 : i32 to index
    %get3A_1508 = arith.constant 192 : index
    %get3A_1509 = tpu.vector_load %arg7[%get3A_1506, %get3A_1507, %get3A_1508] {strides = array<i32>} : memref<4x8x256xf32, #tpu.memory_space<vmem>>, vector<16xf32>,
    %get3A_1510 = arith.constant 1 : i32
    %get3A_1511 = arith.constant 0 : i32
    %get3A_1512 = arith.index_cast %get3A_1510 : i32 to index
    %get3A_1513 = arith.index_cast %get3A_1511 : i32 to index
    %get3A_1514 = arith.constant 192 : index
    %get3A_1515 = tpu.vector_load %arg8[%get3A_1512, %get3A_1513, %get3A_1514] {strides = array<i32>} : memref<4x8x256xi32, #tpu.memory_space<vmem>>, vector<16xi32>,
    %sub3A_1516 = vector.broadcast %mul3A_1059 : i32 to vector<16xi32>
    %sub3A_1517 = arith.subi %get3A_1515, %sub3A_1516 : vector<16xi32>
    %ne3A_1518 = arith.constant 0.000000e+00 : f32
    %ne3A_1519 = vector.broadcast %ne3A_1518 : f32 to vector<16xf32>
    %ne3A_1520 = arith.cmpf one, %get3A_1509, %ne3A_1519 : vector<16xf32>
    %ge3A_1521 = arith.constant 0 : i32
    %ge3A_1522 = vector.broadcast %ge3A_1521 : i32 to vector<16xi32>
    %ge3A_1523 = arith.cmpi sge, %sub3A_1517, %ge3A_1522 : vector<16xi32>
    %and3A_1524 = arith.andi %ne3A_1520, %ge3A_1523 : vector<16xi1>
    %lt3A_1525 = arith.constant 32768 : i32
    %lt3A_1526 = vector.broadcast %lt3A_1525 : i32 to vector<16xi32>
    %lt3A_1527 = arith.cmpi slt, %sub3A_1517, %lt3A_1526 : vector<16xi32>
    %and3A_1528 = arith.andi %and3A_1524, %lt3A_1527 : vector<16xi1>
    %max3A_1529 = arith.constant 0 : i32
    %max3A_1530 = vector.broadcast %max3A_1529 : i32 to vector<16xi32>
    %max3A_1531 = arith.maxsi %sub3A_1517, %max3A_1530 : vector<16xi32>
    %min3A_1532 = arith.constant 32767 : i32
    %min3A_1533 = vector.broadcast %min3A_1532 : i32 to vector<16xi32>
    %min3A_1534 = arith.minsi %max3A_1531, %min3A_1533 : vector<16xi32>
    %shift_right_logical3A_1535 = arith.constant 9 : i32
    %shift_right_logical3A_1536 = vector.broadcast %shift_right_logical3A_1535 : i32 to vector<16xi32>
    %shift_right_logical3A_1537 = arith.shrui %min3A_1534, %shift_right_logical3A_1536 : vector<16xi32>
    %and3A_1538 = arith.constant 511 : i32
    %and3A_1539 = vector.broadcast %and3A_1538 : i32 to vector<16xi32>
    %and3A_1540 = arith.andi %min3A_1534, %and3A_1539 : vector<16xi32>
    tpu.vector_store_idx %arg6[%shift_right_logical3A_1537, %and3A_1540], %get3A_1509 masked %and3A_1528 {add = true} : memref<64x512xf32, #tpu.memory_space<vmem>>[vector<16xi32>, vector<16xi32>], vector<16xf32>, vector<16xi1>
    %get3A_1541 = arith.constant 1 : i32
    %get3A_1542 = arith.constant 0 : i32
    %get3A_1543 = arith.index_cast %get3A_1541 : i32 to index
    %get3A_1544 = arith.index_cast %get3A_1542 : i32 to index
    %get3A_1545 = arith.constant 208 : index
    %get3A_1546 = tpu.vector_load %arg7[%get3A_1543, %get3A_1544, %get3A_1545] {strides = array<i32>} : memref<4x8x256xf32, #tpu.memory_space<vmem>>, vector<16xf32>,
    %get3A_1547 = arith.constant 1 : i32
    %get3A_1548 = arith.constant 0 : i32
    %get3A_1549 = arith.index_cast %get3A_1547 : i32 to index
    %get3A_1550 = arith.index_cast %get3A_1548 : i32 to index
    %get3A_1551 = arith.constant 208 : index
    %get3A_1552 = tpu.vector_load %arg8[%get3A_1549, %get3A_1550, %get3A_1551] {strides = array<i32>} : memref<4x8x256xi32, #tpu.memory_space<vmem>>, vector<16xi32>,
    %sub3A_1553 = vector.broadcast %mul3A_1059 : i32 to vector<16xi32>
    %sub3A_1554 = arith.subi %get3A_1552, %sub3A_1553 : vector<16xi32>
    %ne3A_1555 = arith.constant 0.000000e+00 : f32
    %ne3A_1556 = vector.broadcast %ne3A_1555 : f32 to vector<16xf32>
    %ne3A_1557 = arith.cmpf one, %get3A_1546, %ne3A_1556 : vector<16xf32>
    %ge3A_1558 = arith.constant 0 : i32
    %ge3A_1559 = vector.broadcast %ge3A_1558 : i32 to vector<16xi32>
    %ge3A_1560 = arith.cmpi sge, %sub3A_1554, %ge3A_1559 : vector<16xi32>
    %and3A_1561 = arith.andi %ne3A_1557, %ge3A_1560 : vector<16xi1>
    %lt3A_1562 = arith.constant 32768 : i32
    %lt3A_1563 = vector.broadcast %lt3A_1562 : i32 to vector<16xi32>
    %lt3A_1564 = arith.cmpi slt, %sub3A_1554, %lt3A_1563 : vector<16xi32>
    %and3A_1565 = arith.andi %and3A_1561, %lt3A_1564 : vector<16xi1>
    %max3A_1566 = arith.constant 0 : i32
    %max3A_1567 = vector.broadcast %max3A_1566 : i32 to vector<16xi32>
    %max3A_1568 = arith.maxsi %sub3A_1554, %max3A_1567 : vector<16xi32>
    %min3A_1569 = arith.constant 32767 : i32
    %min3A_1570 = vector.broadcast %min3A_1569 : i32 to vector<16xi32>
    %min3A_1571 = arith.minsi %max3A_1568, %min3A_1570 : vector<16xi32>
    %shift_right_logical3A_1572 = arith.constant 9 : i32
    %shift_right_logical3A_1573 = vector.broadcast %shift_right_logical3A_1572 : i32 to vector<16xi32>
    %shift_right_logical3A_1574 = arith.shrui %min3A_1571, %shift_right_logical3A_1573 : vector<16xi32>
    %and3A_1575 = arith.constant 511 : i32
    %and3A_1576 = vector.broadcast %and3A_1575 : i32 to vector<16xi32>
    %and3A_1577 = arith.andi %min3A_1571, %and3A_1576 : vector<16xi32>
    tpu.vector_store_idx %arg6[%shift_right_logical3A_1574, %and3A_1577], %get3A_1546 masked %and3A_1565 {add = true} : memref<64x512xf32, #tpu.memory_space<vmem>>[vector<16xi32>, vector<16xi32>], vector<16xf32>, vector<16xi1>
    %get3A_1578 = arith.constant 1 : i32
    %get3A_1579 = arith.constant 0 : i32
    %get3A_1580 = arith.index_cast %get3A_1578 : i32 to index
    %get3A_1581 = arith.index_cast %get3A_1579 : i32 to index
    %get3A_1582 = arith.constant 224 : index
    %get3A_1583 = tpu.vector_load %arg7[%get3A_1580, %get3A_1581, %get3A_1582] {strides = array<i32>} : memref<4x8x256xf32, #tpu.memory_space<vmem>>, vector<16xf32>,
    %get3A_1584 = arith.constant 1 : i32
    %get3A_1585 = arith.constant 0 : i32
    %get3A_1586 = arith.index_cast %get3A_1584 : i32 to index
    %get3A_1587 = arith.index_cast %get3A_1585 : i32 to index
    %get3A_1588 = arith.constant 224 : index
    %get3A_1589 = tpu.vector_load %arg8[%get3A_1586, %get3A_1587, %get3A_1588] {strides = array<i32>} : memref<4x8x256xi32, #tpu.memory_space<vmem>>, vector<16xi32>,
    %sub3A_1590 = vector.broadcast %mul3A_1059 : i32 to vector<16xi32>
    %sub3A_1591 = arith.subi %get3A_1589, %sub3A_1590 : vector<16xi32>
    %ne3A_1592 = arith.constant 0.000000e+00 : f32
    %ne3A_1593 = vector.broadcast %ne3A_1592 : f32 to vector<16xf32>
    %ne3A_1594 = arith.cmpf one, %get3A_1583, %ne3A_1593 : vector<16xf32>
    %ge3A_1595 = arith.constant 0 : i32
    %ge3A_1596 = vector.broadcast %ge3A_1595 : i32 to vector<16xi32>
    %ge3A_1597 = arith.cmpi sge, %sub3A_1591, %ge3A_1596 : vector<16xi32>
    %and3A_1598 = arith.andi %ne3A_1594, %ge3A_1597 : vector<16xi1>
    %lt3A_1599 = arith.constant 32768 : i32
    %lt3A_1600 = vector.broadcast %lt3A_1599 : i32 to vector<16xi32>
    %lt3A_1601 = arith.cmpi slt, %sub3A_1591, %lt3A_1600 : vector<16xi32>
    %and3A_1602 = arith.andi %and3A_1598, %lt3A_1601 : vector<16xi1>
    %max3A_1603 = arith.constant 0 : i32
    %max3A_1604 = vector.broadcast %max3A_1603 : i32 to vector<16xi32>
    %max3A_1605 = arith.maxsi %sub3A_1591, %max3A_1604 : vector<16xi32>
    %min3A_1606 = arith.constant 32767 : i32
    %min3A_1607 = vector.broadcast %min3A_1606 : i32 to vector<16xi32>
    %min3A_1608 = arith.minsi %max3A_1605, %min3A_1607 : vector<16xi32>
    %shift_right_logical3A_1609 = arith.constant 9 : i32
    %shift_right_logical3A_1610 = vector.broadcast %shift_right_logical3A_1609 : i32 to vector<16xi32>
    %shift_right_logical3A_1611 = arith.shrui %min3A_1608, %shift_right_logical3A_1610 : vector<16xi32>
    %and3A_1612 = arith.constant 511 : i32
    %and3A_1613 = vector.broadcast %and3A_1612 : i32 to vector<16xi32>
    %and3A_1614 = arith.andi %min3A_1608, %and3A_1613 : vector<16xi32>
    tpu.vector_store_idx %arg6[%shift_right_logical3A_1611, %and3A_1614], %get3A_1583 masked %and3A_1602 {add = true} : memref<64x512xf32, #tpu.memory_space<vmem>>[vector<16xi32>, vector<16xi32>], vector<16xf32>, vector<16xi1>
    %get3A_1615 = arith.constant 1 : i32
    %get3A_1616 = arith.constant 0 : i32
    %get3A_1617 = arith.index_cast %get3A_1615 : i32 to index
    %get3A_1618 = arith.index_cast %get3A_1616 : i32 to index
    %get3A_1619 = arith.constant 240 : index
    %get3A_1620 = tpu.vector_load %arg7[%get3A_1617, %get3A_1618, %get3A_1619] {strides = array<i32>} : memref<4x8x256xf32, #tpu.memory_space<vmem>>, vector<16xf32>,
    %get3A_1621 = arith.constant 1 : i32
    %get3A_1622 = arith.constant 0 : i32
    %get3A_1623 = arith.index_cast %get3A_1621 : i32 to index
    %get3A_1624 = arith.index_cast %get3A_1622 : i32 to index
    %get3A_1625 = arith.constant 240 : index
    %get3A_1626 = tpu.vector_load %arg8[%get3A_1623, %get3A_1624, %get3A_1625] {strides = array<i32>} : memref<4x8x256xi32, #tpu.memory_space<vmem>>, vector<16xi32>,
    %sub3A_1627 = vector.broadcast %mul3A_1059 : i32 to vector<16xi32>
    %sub3A_1628 = arith.subi %get3A_1626, %sub3A_1627 : vector<16xi32>
    %ne3A_1629 = arith.constant 0.000000e+00 : f32
    %ne3A_1630 = vector.broadcast %ne3A_1629 : f32 to vector<16xf32>
    %ne3A_1631 = arith.cmpf one, %get3A_1620, %ne3A_1630 : vector<16xf32>
    %ge3A_1632 = arith.constant 0 : i32
    %ge3A_1633 = vector.broadcast %ge3A_1632 : i32 to vector<16xi32>
    %ge3A_1634 = arith.cmpi sge, %sub3A_1628, %ge3A_1633 : vector<16xi32>
    %and3A_1635 = arith.andi %ne3A_1631, %ge3A_1634 : vector<16xi1>
    %lt3A_1636 = arith.constant 32768 : i32
    %lt3A_1637 = vector.broadcast %lt3A_1636 : i32 to vector<16xi32>
    %lt3A_1638 = arith.cmpi slt, %sub3A_1628, %lt3A_1637 : vector<16xi32>
    %and3A_1639 = arith.andi %and3A_1635, %lt3A_1638 : vector<16xi1>
    %max3A_1640 = arith.constant 0 : i32
    %max3A_1641 = vector.broadcast %max3A_1640 : i32 to vector<16xi32>
    %max3A_1642 = arith.maxsi %sub3A_1628, %max3A_1641 : vector<16xi32>
    %min3A_1643 = arith.constant 32767 : i32
    %min3A_1644 = vector.broadcast %min3A_1643 : i32 to vector<16xi32>
    %min3A_1645 = arith.minsi %max3A_1642, %min3A_1644 : vector<16xi32>
    %shift_right_logical3A_1646 = arith.constant 9 : i32
    %shift_right_logical3A_1647 = vector.broadcast %shift_right_logical3A_1646 : i32 to vector<16xi32>
    %shift_right_logical3A_1648 = arith.shrui %min3A_1645, %shift_right_logical3A_1647 : vector<16xi32>
    %and3A_1649 = arith.constant 511 : i32
    %and3A_1650 = vector.broadcast %and3A_1649 : i32 to vector<16xi32>
    %and3A_1651 = arith.andi %min3A_1645, %and3A_1650 : vector<16xi32>
    tpu.vector_store_idx %arg6[%shift_right_logical3A_1648, %and3A_1651], %get3A_1620 masked %and3A_1639 {add = true} : memref<64x512xf32, #tpu.memory_space<vmem>>[vector<16xi32>, vector<16xi32>], vector<16xf32>, vector<16xi1>
    %mul3A_1652 = arith.constant 64 : i32
    %mul3A_1653 = arith.muli %select_n3A_1051, %mul3A_1652 : i32
    %dma_start3A_1654 = arith.constant 0 : i32
    %dma_start3A_1655 = tpu.memref_slice %arg4[%select_n3A_1035, %mul3A_1653, %dma_start3A_1654] : memref<16x512x512xf32, #tpu.memory_space<hbm>> -> memref<1x64x512xf32, #tpu.memory_space<hbm>>
    %dma_start3A_1656 = tpu.memref_squeeze %dma_start3A_1655 : memref<1x64x512xf32, #tpu.memory_space<hbm>> -> memref<64x512xf32, #tpu.memory_space<hbm>>
    %dma_start3A_1657 = arith.constant 0 : i32
    %dma_start3A_1658 = tpu.memref_slice %arg4[%select_n3A_1035, %mul3A_1653, %dma_start3A_1657] : memref<16x512x512xf32, #tpu.memory_space<hbm>> -> memref<1x64x512xf32, #tpu.memory_space<hbm>>
    %dma_start3A_1659 = tpu.memref_squeeze %dma_start3A_1658 : memref<1x64x512xf32, #tpu.memory_space<hbm>> -> memref<64x512xf32, #tpu.memory_space<hbm>>
    tpu.enqueue_dma source(%arg6 : memref<64x512xf32, #tpu.memory_space<vmem>>) target(%dma_start3A_1659 : memref<64x512xf32, #tpu.memory_space<hbm>>) target_semaphore(%arg11 : memref<!tpu.dma_semaphore, #tpu.memory_space<semaphore_mem>>)
    %dma_wait3A_1660 = arith.constant 0 : i32
    %dma_wait3A_1661 = tpu.memref_slice %arg4[%select_n3A_258, %mul3A_1003, %dma_wait3A_1660] : memref<16x512x512xf32, #tpu.memory_space<hbm>> -> memref<1x64x512xf32, #tpu.memory_space<hbm>>
    %dma_wait3A_1662 = tpu.memref_squeeze %dma_wait3A_1661 : memref<1x64x512xf32, #tpu.memory_space<hbm>> -> memref<64x512xf32, #tpu.memory_space<hbm>>
    %dma_wait3A_1663 = arith.constant 0 : i32
    %dma_wait3A_1664 = tpu.memref_slice %arg4[%select_n3A_258, %mul3A_1003, %dma_wait3A_1663] : memref<16x512x512xf32, #tpu.memory_space<hbm>> -> memref<1x64x512xf32, #tpu.memory_space<hbm>>
    %dma_wait3A_1665 = tpu.memref_squeeze %dma_wait3A_1664 : memref<1x64x512xf32, #tpu.memory_space<hbm>> -> memref<64x512xf32, #tpu.memory_space<hbm>>
    tpu.wait_dma2 semaphore(%arg10 : memref<!tpu.dma_semaphore, #tpu.memory_space<semaphore_mem>>) src(%arg5 : memref<64x512xf32, #tpu.memory_space<vmem>>) dst(%dma_wait3A_1665 : memref<64x512xf32, #tpu.memory_space<hbm>>)
    %add3A_1666 = arith.constant 64 : i32
    %add3A_1667 = arith.addi %add3A, %add3A_1666 : i32
    %jit3A_1668 = arith.constant 8 : i32
    %div3A_1669 = arith.divsi %add3A_1667, %jit3A_1668 : i32
    %sign3A_1670 = arith.constant 0 : i32
    %sign3A_1671 = arith.cmpi sgt, %add3A_1667, %sign3A_1670 : i32
    %sign3A_1672 = arith.extui %sign3A_1671 : i1 to i32
    %sign3A_1673 = arith.constant 0 : i32
    %sign3A_1674 = arith.cmpi slt, %add3A_1667, %sign3A_1673 : i32
    %sign3A_1675 = arith.extui %sign3A_1674 : i1 to i32
    %sign3A_1676 = arith.subi %sign3A_1672, %sign3A_1675 : i32
    %sign3A_1677 = arith.constant 0 : i32
    %sign3A_1678 = arith.cmpi sgt, %jit3A_1668, %sign3A_1677 : i32
    %sign3A_1679 = arith.extui %sign3A_1678 : i1 to i32
    %sign3A_1680 = arith.constant 0 : i32
    %sign3A_1681 = arith.cmpi slt, %jit3A_1668, %sign3A_1680 : i32
    %sign3A_1682 = arith.extui %sign3A_1681 : i1 to i32
    %sign3A_1683 = arith.subi %sign3A_1679, %sign3A_1682 : i32
    %ne3A_1684 = arith.cmpi ne, %sign3A_1676, %sign3A_1683 : i32
    %rem3A_1685 = arith.remsi %add3A_1667, %jit3A_1668 : i32
    %ne3A_1686 = arith.constant 0 : i32
    %ne3A_1687 = arith.cmpi ne, %rem3A_1685, %ne3A_1686 : i32
    %and3A_1688 = arith.andi %ne3A_1684, %ne3A_1687 : i1
    %sub3A_1689 = arith.constant 1 : i32
    %sub3A_1690 = arith.subi %div3A_1669, %sub3A_1689 : i32
    %select_n3A_1691 = arith.select %and3A_1688, %sub3A_1690, %div3A_1669 : i32
    %jit3A_1692 = arith.constant 8 : i32
    %eq3A_1693 = arith.constant 0 : i32
    %eq3A_1694 = arith.cmpi eq, %jit3A_1692, %eq3A_1693 : i32
    %jit3A_1695 = arith.constant 1 : i32
    %select_n3A_1696 = arith.select %eq3A_1694, %jit3A_1695, %jit3A_1692 : i32
    %rem3A_1697 = arith.remsi %add3A_1667, %select_n3A_1696 : i32
    %ne3A_1698 = arith.constant 0 : i32
    %ne3A_1699 = arith.cmpi ne, %rem3A_1697, %ne3A_1698 : i32
    %lt3A_1700 = arith.constant 0 : i32
    %lt3A_1701 = arith.cmpi slt, %rem3A_1697, %lt3A_1700 : i32
    %lt3A_1702 = arith.constant 0 : i32
    %lt3A_1703 = arith.cmpi slt, %select_n3A_1696, %lt3A_1702 : i32
    %ne3A_1704 = arith.xori %lt3A_1701, %lt3A_1703 : i1
    %and3A_1705 = arith.andi %ne3A_1704, %ne3A_1699 : i1
    %add3A_1706 = arith.addi %rem3A_1697, %select_n3A_1696 : i32
    %select_n3A_1707 = arith.select %and3A_1705, %add3A_1706, %rem3A_1697 : i32
    %scan3A_1708 = arith.constant 0 : i32
    %scan3A_1709 = arith.constant 0 : i32
    %scan3A_1710 = arith.constant 32 : i32
    %scan3A_1711 = arith.addi %scan3A_1709, %scan3A_1710 : i32
    %scan3A_1712 = arith.constant 1 : i32
    scf.for %scan3A_2984 = %scan3A_1709 to %scan3A_1711 step %scan3A_1712  : i32 {
      %mul3A_2985 = arith.constant 2 : i32
      %mul3A_2986 = arith.muli %scan3A_2984, %mul3A_2985 : i32
      %add3A_2987 = arith.constant 0 : i32
      %add3A_2988 = arith.addi %mul3A_2986, %add3A_2987 : i32
      %swap3A = arith.index_cast %add3A_2988 : i32 to index
      %swap3A_2989 = arith.constant 0 : index
      %swap3A_2990 = tpu.vector_load %arg5[%swap3A, %swap3A_2989] {strides = array<i32>} : memref<64x512xf32, #tpu.memory_space<vmem>>, vector<16xf32>,
      tpu.vector_store %arg5[%swap3A, %swap3A_2989], %broadcast_in_dim3A_1 {strides = array<i32>} : memref<64x512xf32, #tpu.memory_space<vmem>>, vector<16xf32>,
      %mul3A_2991 = arith.constant 2 : i32
      %mul3A_2992 = arith.muli %scan3A_2984, %mul3A_2991 : i32
      %add3A_2993 = arith.constant 0 : i32
      %add3A_2994 = arith.addi %mul3A_2992, %add3A_2993 : i32
      %swap3A_2995 = arith.index_cast %add3A_2994 : i32 to index
      %swap3A_2996 = arith.constant 16 : index
      %swap3A_2997 = tpu.vector_load %arg5[%swap3A_2995, %swap3A_2996] {strides = array<i32>} : memref<64x512xf32, #tpu.memory_space<vmem>>, vector<16xf32>,
      tpu.vector_store %arg5[%swap3A_2995, %swap3A_2996], %broadcast_in_dim3A_1 {strides = array<i32>} : memref<64x512xf32, #tpu.memory_space<vmem>>, vector<16xf32>,
      %mul3A_2998 = arith.constant 2 : i32
      %mul3A_2999 = arith.muli %scan3A_2984, %mul3A_2998 : i32
      %add3A_3000 = arith.constant 0 : i32
      %add3A_3001 = arith.addi %mul3A_2999, %add3A_3000 : i32
      %swap3A_3002 = arith.index_cast %add3A_3001 : i32 to index
      %swap3A_3003 = arith.constant 32 : index
      %swap3A_3004 = tpu.vector_load %arg5[%swap3A_3002, %swap3A_3003] {strides = array<i32>} : memref<64x512xf32, #tpu.memory_space<vmem>>, vector<16xf32>,
      tpu.vector_store %arg5[%swap3A_3002, %swap3A_3003], %broadcast_in_dim3A_1 {strides = array<i32>} : memref<64x512xf32, #tpu.memory_space<vmem>>, vector<16xf32>,
      %mul3A_3005 = arith.constant 2 : i32
      %mul3A_3006 = arith.muli %scan3A_2984, %mul3A_3005 : i32
      %add3A_3007 = arith.constant 0 : i32
      %add3A_3008 = arith.addi %mul3A_3006, %add3A_3007 : i32
      %swap3A_3009 = arith.index_cast %add3A_3008 : i32 to index
      %swap3A_3010 = arith.constant 48 : index
      %swap3A_3011 = tpu.vector_load %arg5[%swap3A_3009, %swap3A_3010] {strides = array<i32>} : memref<64x512xf32, #tpu.memory_space<vmem>>, vector<16xf32>,
      tpu.vector_store %arg5[%swap3A_3009, %swap3A_3010], %broadcast_in_dim3A_1 {strides = array<i32>} : memref<64x512xf32, #tpu.memory_space<vmem>>, vector<16xf32>,
      %mul3A_3012 = arith.constant 2 : i32
      %mul3A_3013 = arith.muli %scan3A_2984, %mul3A_3012 : i32
      %add3A_3014 = arith.constant 0 : i32
      %add3A_3015 = arith.addi %mul3A_3013, %add3A_3014 : i32
      %swap3A_3016 = arith.index_cast %add3A_3015 : i32 to index
      %swap3A_3017 = arith.constant 64 : index
      %swap3A_3018 = tpu.vector_load %arg5[%swap3A_3016, %swap3A_3017] {strides = array<i32>} : memref<64x512xf32, #tpu.memory_space<vmem>>, vector<16xf32>,
      tpu.vector_store %arg5[%swap3A_3016, %swap3A_3017], %broadcast_in_dim3A_1 {strides = array<i32>} : memref<64x512xf32, #tpu.memory_space<vmem>>, vector<16xf32>,
      %mul3A_3019 = arith.constant 2 : i32
      %mul3A_3020 = arith.muli %scan3A_2984, %mul3A_3019 : i32
      %add3A_3021 = arith.constant 0 : i32
      %add3A_3022 = arith.addi %mul3A_3020, %add3A_3021 : i32
      %swap3A_3023 = arith.index_cast %add3A_3022 : i32 to index
      %swap3A_3024 = arith.constant 80 : index
      %swap3A_3025 = tpu.vector_load %arg5[%swap3A_3023, %swap3A_3024] {strides = array<i32>} : memref<64x512xf32, #tpu.memory_space<vmem>>, vector<16xf32>,
      tpu.vector_store %arg5[%swap3A_3023, %swap3A_3024], %broadcast_in_dim3A_1 {strides = array<i32>} : memref<64x512xf32, #tpu.memory_space<vmem>>, vector<16xf32>,
      %mul3A_3026 = arith.constant 2 : i32
      %mul3A_3027 = arith.muli %scan3A_2984, %mul3A_3026 : i32
      %add3A_3028 = arith.constant 0 : i32
      %add3A_3029 = arith.addi %mul3A_3027, %add3A_3028 : i32
      %swap3A_3030 = arith.index_cast %add3A_3029 : i32 to index
      %swap3A_3031 = arith.constant 96 : index
      %swap3A_3032 = tpu.vector_load %arg5[%swap3A_3030, %swap3A_3031] {strides = array<i32>} : memref<64x512xf32, #tpu.memory_space<vmem>>, vector<16xf32>,
      tpu.vector_store %arg5[%swap3A_3030, %swap3A_3031], %broadcast_in_dim3A_1 {strides = array<i32>} : memref<64x512xf32, #tpu.memory_space<vmem>>, vector<16xf32>,
      %mul3A_3033 = arith.constant 2 : i32
      %mul3A_3034 = arith.muli %scan3A_2984, %mul3A_3033 : i32
      %add3A_3035 = arith.constant 0 : i32
      %add3A_3036 = arith.addi %mul3A_3034, %add3A_3035 : i32
      %swap3A_3037 = arith.index_cast %add3A_3036 : i32 to index
      %swap3A_3038 = arith.constant 112 : index
      %swap3A_3039 = tpu.vector_load %arg5[%swap3A_3037, %swap3A_3038] {strides = array<i32>} : memref<64x512xf32, #tpu.memory_space<vmem>>, vector<16xf32>,
      tpu.vector_store %arg5[%swap3A_3037, %swap3A_3038], %broadcast_in_dim3A_1 {strides = array<i32>} : memref<64x512xf32, #tpu.memory_space<vmem>>, vector<16xf32>,
      %mul3A_3040 = arith.constant 2 : i32
      %mul3A_3041 = arith.muli %scan3A_2984, %mul3A_3040 : i32
      %add3A_3042 = arith.constant 0 : i32
      %add3A_3043 = arith.addi %mul3A_3041, %add3A_3042 : i32
      %swap3A_3044 = arith.index_cast %add3A_3043 : i32 to index
      %swap3A_3045 = arith.constant 128 : index
      %swap3A_3046 = tpu.vector_load %arg5[%swap3A_3044, %swap3A_3045] {strides = array<i32>} : memref<64x512xf32, #tpu.memory_space<vmem>>, vector<16xf32>,
      tpu.vector_store %arg5[%swap3A_3044, %swap3A_3045], %broadcast_in_dim3A_1 {strides = array<i32>} : memref<64x512xf32, #tpu.memory_space<vmem>>, vector<16xf32>,
      %mul3A_3047 = arith.constant 2 : i32
      %mul3A_3048 = arith.muli %scan3A_2984, %mul3A_3047 : i32
      %add3A_3049 = arith.constant 0 : i32
      %add3A_3050 = arith.addi %mul3A_3048, %add3A_3049 : i32
      %swap3A_3051 = arith.index_cast %add3A_3050 : i32 to index
      %swap3A_3052 = arith.constant 144 : index
      %swap3A_3053 = tpu.vector_load %arg5[%swap3A_3051, %swap3A_3052] {strides = array<i32>} : memref<64x512xf32, #tpu.memory_space<vmem>>, vector<16xf32>,
      tpu.vector_store %arg5[%swap3A_3051, %swap3A_3052], %broadcast_in_dim3A_1 {strides = array<i32>} : memref<64x512xf32, #tpu.memory_space<vmem>>, vector<16xf32>,
      %mul3A_3054 = arith.constant 2 : i32
      %mul3A_3055 = arith.muli %scan3A_2984, %mul3A_3054 : i32
      %add3A_3056 = arith.constant 0 : i32
      %add3A_3057 = arith.addi %mul3A_3055, %add3A_3056 : i32
      %swap3A_3058 = arith.index_cast %add3A_3057 : i32 to index
      %swap3A_3059 = arith.constant 160 : index
      %swap3A_3060 = tpu.vector_load %arg5[%swap3A_3058, %swap3A_3059] {strides = array<i32>} : memref<64x512xf32, #tpu.memory_space<vmem>>, vector<16xf32>,
      tpu.vector_store %arg5[%swap3A_3058, %swap3A_3059], %broadcast_in_dim3A_1 {strides = array<i32>} : memref<64x512xf32, #tpu.memory_space<vmem>>, vector<16xf32>,
      %mul3A_3061 = arith.constant 2 : i32
      %mul3A_3062 = arith.muli %scan3A_2984, %mul3A_3061 : i32
      %add3A_3063 = arith.constant 0 : i32
      %add3A_3064 = arith.addi %mul3A_3062, %add3A_3063 : i32
      %swap3A_3065 = arith.index_cast %add3A_3064 : i32 to index
      %swap3A_3066 = arith.constant 176 : index
      %swap3A_3067 = tpu.vector_load %arg5[%swap3A_3065, %swap3A_3066] {strides = array<i32>} : memref<64x512xf32, #tpu.memory_space<vmem>>, vector<16xf32>,
      tpu.vector_store %arg5[%swap3A_3065, %swap3A_3066], %broadcast_in_dim3A_1 {strides = array<i32>} : memref<64x512xf32, #tpu.memory_space<vmem>>, vector<16xf32>,
      %mul3A_3068 = arith.constant 2 : i32
      %mul3A_3069 = arith.muli %scan3A_2984, %mul3A_3068 : i32
      %add3A_3070 = arith.constant 0 : i32
      %add3A_3071 = arith.addi %mul3A_3069, %add3A_3070 : i32
      %swap3A_3072 = arith.index_cast %add3A_3071 : i32 to index
      %swap3A_3073 = arith.constant 192 : index
      %swap3A_3074 = tpu.vector_load %arg5[%swap3A_3072, %swap3A_3073] {strides = array<i32>} : memref<64x512xf32, #tpu.memory_space<vmem>>, vector<16xf32>,
      tpu.vector_store %arg5[%swap3A_3072, %swap3A_3073], %broadcast_in_dim3A_1 {strides = array<i32>} : memref<64x512xf32, #tpu.memory_space<vmem>>, vector<16xf32>,
      %mul3A_3075 = arith.constant 2 : i32
      %mul3A_3076 = arith.muli %scan3A_2984, %mul3A_3075 : i32
      %add3A_3077 = arith.constant 0 : i32
      %add3A_3078 = arith.addi %mul3A_3076, %add3A_3077 : i32
      %swap3A_3079 = arith.index_cast %add3A_3078 : i32 to index
      %swap3A_3080 = arith.constant 208 : index
      %swap3A_3081 = tpu.vector_load %arg5[%swap3A_3079, %swap3A_3080] {strides = array<i32>} : memref<64x512xf32, #tpu.memory_space<vmem>>, vector<16xf32>,
      tpu.vector_store %arg5[%swap3A_3079, %swap3A_3080], %broadcast_in_dim3A_1 {strides = array<i32>} : memref<64x512xf32, #tpu.memory_space<vmem>>, vector<16xf32>,
      %mul3A_3082 = arith.constant 2 : i32
      %mul3A_3083 = arith.muli %scan3A_2984, %mul3A_3082 : i32
      %add3A_3084 = arith.constant 0 : i32
      %add3A_3085 = arith.addi %mul3A_3083, %add3A_3084 : i32
      %swap3A_3086 = arith.index_cast %add3A_3085 : i32 to index
      %swap3A_3087 = arith.constant 224 : index
      %swap3A_3088 = tpu.vector_load %arg5[%swap3A_3086, %swap3A_3087] {strides = array<i32>} : memref<64x512xf32, #tpu.memory_space<vmem>>, vector<16xf32>,
      tpu.vector_store %arg5[%swap3A_3086, %swap3A_3087], %broadcast_in_dim3A_1 {strides = array<i32>} : memref<64x512xf32, #tpu.memory_space<vmem>>, vector<16xf32>,
      %mul3A_3089 = arith.constant 2 : i32
      %mul3A_3090 = arith.muli %scan3A_2984, %mul3A_3089 : i32
      %add3A_3091 = arith.constant 0 : i32
      %add3A_3092 = arith.addi %mul3A_3090, %add3A_3091 : i32
      %swap3A_3093 = arith.index_cast %add3A_3092 : i32 to index
      %swap3A_3094 = arith.constant 240 : index
      %swap3A_3095 = tpu.vector_load %arg5[%swap3A_3093, %swap3A_3094] {strides = array<i32>} : memref<64x512xf32, #tpu.memory_space<vmem>>, vector<16xf32>,
      tpu.vector_store %arg5[%swap3A_3093, %swap3A_3094], %broadcast_in_dim3A_1 {strides = array<i32>} : memref<64x512xf32, #tpu.memory_space<vmem>>, vector<16xf32>,
      %mul3A_3096 = arith.constant 2 : i32
      %mul3A_3097 = arith.muli %scan3A_2984, %mul3A_3096 : i32
      %add3A_3098 = arith.constant 0 : i32
      %add3A_3099 = arith.addi %mul3A_3097, %add3A_3098 : i32
      %swap3A_3100 = arith.index_cast %add3A_3099 : i32 to index
      %swap3A_3101 = arith.constant 256 : index
      %swap3A_3102 = tpu.vector_load %arg5[%swap3A_3100, %swap3A_3101] {strides = array<i32>} : memref<64x512xf32, #tpu.memory_space<vmem>>, vector<16xf32>,
      tpu.vector_store %arg5[%swap3A_3100, %swap3A_3101], %broadcast_in_dim3A_1 {strides = array<i32>} : memref<64x512xf32, #tpu.memory_space<vmem>>, vector<16xf32>,
      %mul3A_3103 = arith.constant 2 : i32
      %mul3A_3104 = arith.muli %scan3A_2984, %mul3A_3103 : i32
      %add3A_3105 = arith.constant 0 : i32
      %add3A_3106 = arith.addi %mul3A_3104, %add3A_3105 : i32
      %swap3A_3107 = arith.index_cast %add3A_3106 : i32 to index
      %swap3A_3108 = arith.constant 272 : index
      %swap3A_3109 = tpu.vector_load %arg5[%swap3A_3107, %swap3A_3108] {strides = array<i32>} : memref<64x512xf32, #tpu.memory_space<vmem>>, vector<16xf32>,
      tpu.vector_store %arg5[%swap3A_3107, %swap3A_3108], %broadcast_in_dim3A_1 {strides = array<i32>} : memref<64x512xf32, #tpu.memory_space<vmem>>, vector<16xf32>,
      %mul3A_3110 = arith.constant 2 : i32
      %mul3A_3111 = arith.muli %scan3A_2984, %mul3A_3110 : i32
      %add3A_3112 = arith.constant 0 : i32
      %add3A_3113 = arith.addi %mul3A_3111, %add3A_3112 : i32
      %swap3A_3114 = arith.index_cast %add3A_3113 : i32 to index
      %swap3A_3115 = arith.constant 288 : index
      %swap3A_3116 = tpu.vector_load %arg5[%swap3A_3114, %swap3A_3115] {strides = array<i32>} : memref<64x512xf32, #tpu.memory_space<vmem>>, vector<16xf32>,
      tpu.vector_store %arg5[%swap3A_3114, %swap3A_3115], %broadcast_in_dim3A_1 {strides = array<i32>} : memref<64x512xf32, #tpu.memory_space<vmem>>, vector<16xf32>,
      %mul3A_3117 = arith.constant 2 : i32
      %mul3A_3118 = arith.muli %scan3A_2984, %mul3A_3117 : i32
      %add3A_3119 = arith.constant 0 : i32
      %add3A_3120 = arith.addi %mul3A_3118, %add3A_3119 : i32
      %swap3A_3121 = arith.index_cast %add3A_3120 : i32 to index
      %swap3A_3122 = arith.constant 304 : index
      %swap3A_3123 = tpu.vector_load %arg5[%swap3A_3121, %swap3A_3122] {strides = array<i32>} : memref<64x512xf32, #tpu.memory_space<vmem>>, vector<16xf32>,
      tpu.vector_store %arg5[%swap3A_3121, %swap3A_3122], %broadcast_in_dim3A_1 {strides = array<i32>} : memref<64x512xf32, #tpu.memory_space<vmem>>, vector<16xf32>,
      %mul3A_3124 = arith.constant 2 : i32
      %mul3A_3125 = arith.muli %scan3A_2984, %mul3A_3124 : i32
      %add3A_3126 = arith.constant 0 : i32
      %add3A_3127 = arith.addi %mul3A_3125, %add3A_3126 : i32
      %swap3A_3128 = arith.index_cast %add3A_3127 : i32 to index
      %swap3A_3129 = arith.constant 320 : index
      %swap3A_3130 = tpu.vector_load %arg5[%swap3A_3128, %swap3A_3129] {strides = array<i32>} : memref<64x512xf32, #tpu.memory_space<vmem>>, vector<16xf32>,
      tpu.vector_store %arg5[%swap3A_3128, %swap3A_3129], %broadcast_in_dim3A_1 {strides = array<i32>} : memref<64x512xf32, #tpu.memory_space<vmem>>, vector<16xf32>,
      %mul3A_3131 = arith.constant 2 : i32
      %mul3A_3132 = arith.muli %scan3A_2984, %mul3A_3131 : i32
      %add3A_3133 = arith.constant 0 : i32
      %add3A_3134 = arith.addi %mul3A_3132, %add3A_3133 : i32
      %swap3A_3135 = arith.index_cast %add3A_3134 : i32 to index
      %swap3A_3136 = arith.constant 336 : index
      %swap3A_3137 = tpu.vector_load %arg5[%swap3A_3135, %swap3A_3136] {strides = array<i32>} : memref<64x512xf32, #tpu.memory_space<vmem>>, vector<16xf32>,
      tpu.vector_store %arg5[%swap3A_3135, %swap3A_3136], %broadcast_in_dim3A_1 {strides = array<i32>} : memref<64x512xf32, #tpu.memory_space<vmem>>, vector<16xf32>,
      %mul3A_3138 = arith.constant 2 : i32
      %mul3A_3139 = arith.muli %scan3A_2984, %mul3A_3138 : i32
      %add3A_3140 = arith.constant 0 : i32
      %add3A_3141 = arith.addi %mul3A_3139, %add3A_3140 : i32
      %swap3A_3142 = arith.index_cast %add3A_3141 : i32 to index
      %swap3A_3143 = arith.constant 352 : index
      %swap3A_3144 = tpu.vector_load %arg5[%swap3A_3142, %swap3A_3143] {strides = array<i32>} : memref<64x512xf32, #tpu.memory_space<vmem>>, vector<16xf32>,
      tpu.vector_store %arg5[%swap3A_3142, %swap3A_3143], %broadcast_in_dim3A_1 {strides = array<i32>} : memref<64x512xf32, #tpu.memory_space<vmem>>, vector<16xf32>,
      %mul3A_3145 = arith.constant 2 : i32
      %mul3A_3146 = arith.muli %scan3A_2984, %mul3A_3145 : i32
      %add3A_3147 = arith.constant 0 : i32
      %add3A_3148 = arith.addi %mul3A_3146, %add3A_3147 : i32
      %swap3A_3149 = arith.index_cast %add3A_3148 : i32 to index
      %swap3A_3150 = arith.constant 368 : index
      %swap3A_3151 = tpu.vector_load %arg5[%swap3A_3149, %swap3A_3150] {strides = array<i32>} : memref<64x512xf32, #tpu.memory_space<vmem>>, vector<16xf32>,
      tpu.vector_store %arg5[%swap3A_3149, %swap3A_3150], %broadcast_in_dim3A_1 {strides = array<i32>} : memref<64x512xf32, #tpu.memory_space<vmem>>, vector<16xf32>,
      %mul3A_3152 = arith.constant 2 : i32
      %mul3A_3153 = arith.muli %scan3A_2984, %mul3A_3152 : i32
      %add3A_3154 = arith.constant 0 : i32
      %add3A_3155 = arith.addi %mul3A_3153, %add3A_3154 : i32
      %swap3A_3156 = arith.index_cast %add3A_3155 : i32 to index
      %swap3A_3157 = arith.constant 384 : index
      %swap3A_3158 = tpu.vector_load %arg5[%swap3A_3156, %swap3A_3157] {strides = array<i32>} : memref<64x512xf32, #tpu.memory_space<vmem>>, vector<16xf32>,
      tpu.vector_store %arg5[%swap3A_3156, %swap3A_3157], %broadcast_in_dim3A_1 {strides = array<i32>} : memref<64x512xf32, #tpu.memory_space<vmem>>, vector<16xf32>,
      %mul3A_3159 = arith.constant 2 : i32
      %mul3A_3160 = arith.muli %scan3A_2984, %mul3A_3159 : i32
      %add3A_3161 = arith.constant 0 : i32
      %add3A_3162 = arith.addi %mul3A_3160, %add3A_3161 : i32
      %swap3A_3163 = arith.index_cast %add3A_3162 : i32 to index
      %swap3A_3164 = arith.constant 400 : index
      %swap3A_3165 = tpu.vector_load %arg5[%swap3A_3163, %swap3A_3164] {strides = array<i32>} : memref<64x512xf32, #tpu.memory_space<vmem>>, vector<16xf32>,
      tpu.vector_store %arg5[%swap3A_3163, %swap3A_3164], %broadcast_in_dim3A_1 {strides = array<i32>} : memref<64x512xf32, #tpu.memory_space<vmem>>, vector<16xf32>,
      %mul3A_3166 = arith.constant 2 : i32
      %mul3A_3167 = arith.muli %scan3A_2984, %mul3A_3166 : i32
      %add3A_3168 = arith.constant 0 : i32
      %add3A_3169 = arith.addi %mul3A_3167, %add3A_3168 : i32
      %swap3A_3170 = arith.index_cast %add3A_3169 : i32 to index
      %swap3A_3171 = arith.constant 416 : index
      %swap3A_3172 = tpu.vector_load %arg5[%swap3A_3170, %swap3A_3171] {strides = array<i32>} : memref<64x512xf32, #tpu.memory_space<vmem>>, vector<16xf32>,
      tpu.vector_store %arg5[%swap3A_3170, %swap3A_3171], %broadcast_in_dim3A_1 {strides = array<i32>} : memref<64x512xf32, #tpu.memory_space<vmem>>, vector<16xf32>,
      %mul3A_3173 = arith.constant 2 : i32
      %mul3A_3174 = arith.muli %scan3A_2984, %mul3A_3173 : i32
      %add3A_3175 = arith.constant 0 : i32
      %add3A_3176 = arith.addi %mul3A_3174, %add3A_3175 : i32
      %swap3A_3177 = arith.index_cast %add3A_3176 : i32 to index
      %swap3A_3178 = arith.constant 432 : index
      %swap3A_3179 = tpu.vector_load %arg5[%swap3A_3177, %swap3A_3178] {strides = array<i32>} : memref<64x512xf32, #tpu.memory_space<vmem>>, vector<16xf32>,
      tpu.vector_store %arg5[%swap3A_3177, %swap3A_3178], %broadcast_in_dim3A_1 {strides = array<i32>} : memref<64x512xf32, #tpu.memory_space<vmem>>, vector<16xf32>,
      %mul3A_3180 = arith.constant 2 : i32
      %mul3A_3181 = arith.muli %scan3A_2984, %mul3A_3180 : i32
      %add3A_3182 = arith.constant 0 : i32
      %add3A_3183 = arith.addi %mul3A_3181, %add3A_3182 : i32
      %swap3A_3184 = arith.index_cast %add3A_3183 : i32 to index
      %swap3A_3185 = arith.constant 448 : index
      %swap3A_3186 = tpu.vector_load %arg5[%swap3A_3184, %swap3A_3185] {strides = array<i32>} : memref<64x512xf32, #tpu.memory_space<vmem>>, vector<16xf32>,
      tpu.vector_store %arg5[%swap3A_3184, %swap3A_3185], %broadcast_in_dim3A_1 {strides = array<i32>} : memref<64x512xf32, #tpu.memory_space<vmem>>, vector<16xf32>,
      %mul3A_3187 = arith.constant 2 : i32
      %mul3A_3188 = arith.muli %scan3A_2984, %mul3A_3187 : i32
      %add3A_3189 = arith.constant 0 : i32
      %add3A_3190 = arith.addi %mul3A_3188, %add3A_3189 : i32
      %swap3A_3191 = arith.index_cast %add3A_3190 : i32 to index
      %swap3A_3192 = arith.constant 464 : index
      %swap3A_3193 = tpu.vector_load %arg5[%swap3A_3191, %swap3A_3192] {strides = array<i32>} : memref<64x512xf32, #tpu.memory_space<vmem>>, vector<16xf32>,
      tpu.vector_store %arg5[%swap3A_3191, %swap3A_3192], %broadcast_in_dim3A_1 {strides = array<i32>} : memref<64x512xf32, #tpu.memory_space<vmem>>, vector<16xf32>,
      %mul3A_3194 = arith.constant 2 : i32
      %mul3A_3195 = arith.muli %scan3A_2984, %mul3A_3194 : i32
      %add3A_3196 = arith.constant 0 : i32
      %add3A_3197 = arith.addi %mul3A_3195, %add3A_3196 : i32
      %swap3A_3198 = arith.index_cast %add3A_3197 : i32 to index
      %swap3A_3199 = arith.constant 480 : index
      %swap3A_3200 = tpu.vector_load %arg5[%swap3A_3198, %swap3A_3199] {strides = array<i32>} : memref<64x512xf32, #tpu.memory_space<vmem>>, vector<16xf32>,
      tpu.vector_store %arg5[%swap3A_3198, %swap3A_3199], %broadcast_in_dim3A_1 {strides = array<i32>} : memref<64x512xf32, #tpu.memory_space<vmem>>, vector<16xf32>,
      %mul3A_3201 = arith.constant 2 : i32
      %mul3A_3202 = arith.muli %scan3A_2984, %mul3A_3201 : i32
      %add3A_3203 = arith.constant 0 : i32
      %add3A_3204 = arith.addi %mul3A_3202, %add3A_3203 : i32
      %swap3A_3205 = arith.index_cast %add3A_3204 : i32 to index
      %swap3A_3206 = arith.constant 496 : index
      %swap3A_3207 = tpu.vector_load %arg5[%swap3A_3205, %swap3A_3206] {strides = array<i32>} : memref<64x512xf32, #tpu.memory_space<vmem>>, vector<16xf32>,
      tpu.vector_store %arg5[%swap3A_3205, %swap3A_3206], %broadcast_in_dim3A_1 {strides = array<i32>} : memref<64x512xf32, #tpu.memory_space<vmem>>, vector<16xf32>,
      %mul3A_3208 = arith.constant 2 : i32
      %mul3A_3209 = arith.muli %scan3A_2984, %mul3A_3208 : i32
      %add3A_3210 = arith.constant 1 : i32
      %add3A_3211 = arith.addi %mul3A_3209, %add3A_3210 : i32
      %swap3A_3212 = arith.index_cast %add3A_3211 : i32 to index
      %swap3A_3213 = arith.constant 0 : index
      %swap3A_3214 = tpu.vector_load %arg5[%swap3A_3212, %swap3A_3213] {strides = array<i32>} : memref<64x512xf32, #tpu.memory_space<vmem>>, vector<16xf32>,
      tpu.vector_store %arg5[%swap3A_3212, %swap3A_3213], %broadcast_in_dim3A_1 {strides = array<i32>} : memref<64x512xf32, #tpu.memory_space<vmem>>, vector<16xf32>,
      %mul3A_3215 = arith.constant 2 : i32
      %mul3A_3216 = arith.muli %scan3A_2984, %mul3A_3215 : i32
      %add3A_3217 = arith.constant 1 : i32
      %add3A_3218 = arith.addi %mul3A_3216, %add3A_3217 : i32
      %swap3A_3219 = arith.index_cast %add3A_3218 : i32 to index
      %swap3A_3220 = arith.constant 16 : index
      %swap3A_3221 = tpu.vector_load %arg5[%swap3A_3219, %swap3A_3220] {strides = array<i32>} : memref<64x512xf32, #tpu.memory_space<vmem>>, vector<16xf32>,
      tpu.vector_store %arg5[%swap3A_3219, %swap3A_3220], %broadcast_in_dim3A_1 {strides = array<i32>} : memref<64x512xf32, #tpu.memory_space<vmem>>, vector<16xf32>,
      %mul3A_3222 = arith.constant 2 : i32
      %mul3A_3223 = arith.muli %scan3A_2984, %mul3A_3222 : i32
      %add3A_3224 = arith.constant 1 : i32
      %add3A_3225 = arith.addi %mul3A_3223, %add3A_3224 : i32
      %swap3A_3226 = arith.index_cast %add3A_3225 : i32 to index
      %swap3A_3227 = arith.constant 32 : index
      %swap3A_3228 = tpu.vector_load %arg5[%swap3A_3226, %swap3A_3227] {strides = array<i32>} : memref<64x512xf32, #tpu.memory_space<vmem>>, vector<16xf32>,
      tpu.vector_store %arg5[%swap3A_3226, %swap3A_3227], %broadcast_in_dim3A_1 {strides = array<i32>} : memref<64x512xf32, #tpu.memory_space<vmem>>, vector<16xf32>,
      %mul3A_3229 = arith.constant 2 : i32
      %mul3A_3230 = arith.muli %scan3A_2984, %mul3A_3229 : i32
      %add3A_3231 = arith.constant 1 : i32
      %add3A_3232 = arith.addi %mul3A_3230, %add3A_3231 : i32
      %swap3A_3233 = arith.index_cast %add3A_3232 : i32 to index
      %swap3A_3234 = arith.constant 48 : index
      %swap3A_3235 = tpu.vector_load %arg5[%swap3A_3233, %swap3A_3234] {strides = array<i32>} : memref<64x512xf32, #tpu.memory_space<vmem>>, vector<16xf32>,
      tpu.vector_store %arg5[%swap3A_3233, %swap3A_3234], %broadcast_in_dim3A_1 {strides = array<i32>} : memref<64x512xf32, #tpu.memory_space<vmem>>, vector<16xf32>,
      %mul3A_3236 = arith.constant 2 : i32
      %mul3A_3237 = arith.muli %scan3A_2984, %mul3A_3236 : i32
      %add3A_3238 = arith.constant 1 : i32
      %add3A_3239 = arith.addi %mul3A_3237, %add3A_3238 : i32
      %swap3A_3240 = arith.index_cast %add3A_3239 : i32 to index
      %swap3A_3241 = arith.constant 64 : index
      %swap3A_3242 = tpu.vector_load %arg5[%swap3A_3240, %swap3A_3241] {strides = array<i32>} : memref<64x512xf32, #tpu.memory_space<vmem>>, vector<16xf32>,
      tpu.vector_store %arg5[%swap3A_3240, %swap3A_3241], %broadcast_in_dim3A_1 {strides = array<i32>} : memref<64x512xf32, #tpu.memory_space<vmem>>, vector<16xf32>,
      %mul3A_3243 = arith.constant 2 : i32
      %mul3A_3244 = arith.muli %scan3A_2984, %mul3A_3243 : i32
      %add3A_3245 = arith.constant 1 : i32
      %add3A_3246 = arith.addi %mul3A_3244, %add3A_3245 : i32
      %swap3A_3247 = arith.index_cast %add3A_3246 : i32 to index
      %swap3A_3248 = arith.constant 80 : index
      %swap3A_3249 = tpu.vector_load %arg5[%swap3A_3247, %swap3A_3248] {strides = array<i32>} : memref<64x512xf32, #tpu.memory_space<vmem>>, vector<16xf32>,
      tpu.vector_store %arg5[%swap3A_3247, %swap3A_3248], %broadcast_in_dim3A_1 {strides = array<i32>} : memref<64x512xf32, #tpu.memory_space<vmem>>, vector<16xf32>,
      %mul3A_3250 = arith.constant 2 : i32
      %mul3A_3251 = arith.muli %scan3A_2984, %mul3A_3250 : i32
      %add3A_3252 = arith.constant 1 : i32
      %add3A_3253 = arith.addi %mul3A_3251, %add3A_3252 : i32
      %swap3A_3254 = arith.index_cast %add3A_3253 : i32 to index
      %swap3A_3255 = arith.constant 96 : index
      %swap3A_3256 = tpu.vector_load %arg5[%swap3A_3254, %swap3A_3255] {strides = array<i32>} : memref<64x512xf32, #tpu.memory_space<vmem>>, vector<16xf32>,
      tpu.vector_store %arg5[%swap3A_3254, %swap3A_3255], %broadcast_in_dim3A_1 {strides = array<i32>} : memref<64x512xf32, #tpu.memory_space<vmem>>, vector<16xf32>,
      %mul3A_3257 = arith.constant 2 : i32
      %mul3A_3258 = arith.muli %scan3A_2984, %mul3A_3257 : i32
      %add3A_3259 = arith.constant 1 : i32
      %add3A_3260 = arith.addi %mul3A_3258, %add3A_3259 : i32
      %swap3A_3261 = arith.index_cast %add3A_3260 : i32 to index
      %swap3A_3262 = arith.constant 112 : index
      %swap3A_3263 = tpu.vector_load %arg5[%swap3A_3261, %swap3A_3262] {strides = array<i32>} : memref<64x512xf32, #tpu.memory_space<vmem>>, vector<16xf32>,
      tpu.vector_store %arg5[%swap3A_3261, %swap3A_3262], %broadcast_in_dim3A_1 {strides = array<i32>} : memref<64x512xf32, #tpu.memory_space<vmem>>, vector<16xf32>,
      %mul3A_3264 = arith.constant 2 : i32
      %mul3A_3265 = arith.muli %scan3A_2984, %mul3A_3264 : i32
      %add3A_3266 = arith.constant 1 : i32
      %add3A_3267 = arith.addi %mul3A_3265, %add3A_3266 : i32
      %swap3A_3268 = arith.index_cast %add3A_3267 : i32 to index
      %swap3A_3269 = arith.constant 128 : index
      %swap3A_3270 = tpu.vector_load %arg5[%swap3A_3268, %swap3A_3269] {strides = array<i32>} : memref<64x512xf32, #tpu.memory_space<vmem>>, vector<16xf32>,
      tpu.vector_store %arg5[%swap3A_3268, %swap3A_3269], %broadcast_in_dim3A_1 {strides = array<i32>} : memref<64x512xf32, #tpu.memory_space<vmem>>, vector<16xf32>,
      %mul3A_3271 = arith.constant 2 : i32
      %mul3A_3272 = arith.muli %scan3A_2984, %mul3A_3271 : i32
      %add3A_3273 = arith.constant 1 : i32
      %add3A_3274 = arith.addi %mul3A_3272, %add3A_3273 : i32
      %swap3A_3275 = arith.index_cast %add3A_3274 : i32 to index
      %swap3A_3276 = arith.constant 144 : index
      %swap3A_3277 = tpu.vector_load %arg5[%swap3A_3275, %swap3A_3276] {strides = array<i32>} : memref<64x512xf32, #tpu.memory_space<vmem>>, vector<16xf32>,
      tpu.vector_store %arg5[%swap3A_3275, %swap3A_3276], %broadcast_in_dim3A_1 {strides = array<i32>} : memref<64x512xf32, #tpu.memory_space<vmem>>, vector<16xf32>,
      %mul3A_3278 = arith.constant 2 : i32
      %mul3A_3279 = arith.muli %scan3A_2984, %mul3A_3278 : i32
      %add3A_3280 = arith.constant 1 : i32
      %add3A_3281 = arith.addi %mul3A_3279, %add3A_3280 : i32
      %swap3A_3282 = arith.index_cast %add3A_3281 : i32 to index
      %swap3A_3283 = arith.constant 160 : index
      %swap3A_3284 = tpu.vector_load %arg5[%swap3A_3282, %swap3A_3283] {strides = array<i32>} : memref<64x512xf32, #tpu.memory_space<vmem>>, vector<16xf32>,
      tpu.vector_store %arg5[%swap3A_3282, %swap3A_3283], %broadcast_in_dim3A_1 {strides = array<i32>} : memref<64x512xf32, #tpu.memory_space<vmem>>, vector<16xf32>,
      %mul3A_3285 = arith.constant 2 : i32
      %mul3A_3286 = arith.muli %scan3A_2984, %mul3A_3285 : i32
      %add3A_3287 = arith.constant 1 : i32
      %add3A_3288 = arith.addi %mul3A_3286, %add3A_3287 : i32
      %swap3A_3289 = arith.index_cast %add3A_3288 : i32 to index
      %swap3A_3290 = arith.constant 176 : index
      %swap3A_3291 = tpu.vector_load %arg5[%swap3A_3289, %swap3A_3290] {strides = array<i32>} : memref<64x512xf32, #tpu.memory_space<vmem>>, vector<16xf32>,
      tpu.vector_store %arg5[%swap3A_3289, %swap3A_3290], %broadcast_in_dim3A_1 {strides = array<i32>} : memref<64x512xf32, #tpu.memory_space<vmem>>, vector<16xf32>,
      %mul3A_3292 = arith.constant 2 : i32
      %mul3A_3293 = arith.muli %scan3A_2984, %mul3A_3292 : i32
      %add3A_3294 = arith.constant 1 : i32
      %add3A_3295 = arith.addi %mul3A_3293, %add3A_3294 : i32
      %swap3A_3296 = arith.index_cast %add3A_3295 : i32 to index
      %swap3A_3297 = arith.constant 192 : index
      %swap3A_3298 = tpu.vector_load %arg5[%swap3A_3296, %swap3A_3297] {strides = array<i32>} : memref<64x512xf32, #tpu.memory_space<vmem>>, vector<16xf32>,
      tpu.vector_store %arg5[%swap3A_3296, %swap3A_3297], %broadcast_in_dim3A_1 {strides = array<i32>} : memref<64x512xf32, #tpu.memory_space<vmem>>, vector<16xf32>,
      %mul3A_3299 = arith.constant 2 : i32
      %mul3A_3300 = arith.muli %scan3A_2984, %mul3A_3299 : i32
      %add3A_3301 = arith.constant 1 : i32
      %add3A_3302 = arith.addi %mul3A_3300, %add3A_3301 : i32
      %swap3A_3303 = arith.index_cast %add3A_3302 : i32 to index
      %swap3A_3304 = arith.constant 208 : index
      %swap3A_3305 = tpu.vector_load %arg5[%swap3A_3303, %swap3A_3304] {strides = array<i32>} : memref<64x512xf32, #tpu.memory_space<vmem>>, vector<16xf32>,
      tpu.vector_store %arg5[%swap3A_3303, %swap3A_3304], %broadcast_in_dim3A_1 {strides = array<i32>} : memref<64x512xf32, #tpu.memory_space<vmem>>, vector<16xf32>,
      %mul3A_3306 = arith.constant 2 : i32
      %mul3A_3307 = arith.muli %scan3A_2984, %mul3A_3306 : i32
      %add3A_3308 = arith.constant 1 : i32
      %add3A_3309 = arith.addi %mul3A_3307, %add3A_3308 : i32
      %swap3A_3310 = arith.index_cast %add3A_3309 : i32 to index
      %swap3A_3311 = arith.constant 224 : index
      %swap3A_3312 = tpu.vector_load %arg5[%swap3A_3310, %swap3A_3311] {strides = array<i32>} : memref<64x512xf32, #tpu.memory_space<vmem>>, vector<16xf32>,
      tpu.vector_store %arg5[%swap3A_3310, %swap3A_3311], %broadcast_in_dim3A_1 {strides = array<i32>} : memref<64x512xf32, #tpu.memory_space<vmem>>, vector<16xf32>,
      %mul3A_3313 = arith.constant 2 : i32
      %mul3A_3314 = arith.muli %scan3A_2984, %mul3A_3313 : i32
      %add3A_3315 = arith.constant 1 : i32
      %add3A_3316 = arith.addi %mul3A_3314, %add3A_3315 : i32
      %swap3A_3317 = arith.index_cast %add3A_3316 : i32 to index
      %swap3A_3318 = arith.constant 240 : index
      %swap3A_3319 = tpu.vector_load %arg5[%swap3A_3317, %swap3A_3318] {strides = array<i32>} : memref<64x512xf32, #tpu.memory_space<vmem>>, vector<16xf32>,
      tpu.vector_store %arg5[%swap3A_3317, %swap3A_3318], %broadcast_in_dim3A_1 {strides = array<i32>} : memref<64x512xf32, #tpu.memory_space<vmem>>, vector<16xf32>,
      %mul3A_3320 = arith.constant 2 : i32
      %mul3A_3321 = arith.muli %scan3A_2984, %mul3A_3320 : i32
      %add3A_3322 = arith.constant 1 : i32
      %add3A_3323 = arith.addi %mul3A_3321, %add3A_3322 : i32
      %swap3A_3324 = arith.index_cast %add3A_3323 : i32 to index
      %swap3A_3325 = arith.constant 256 : index
      %swap3A_3326 = tpu.vector_load %arg5[%swap3A_3324, %swap3A_3325] {strides = array<i32>} : memref<64x512xf32, #tpu.memory_space<vmem>>, vector<16xf32>,
      tpu.vector_store %arg5[%swap3A_3324, %swap3A_3325], %broadcast_in_dim3A_1 {strides = array<i32>} : memref<64x512xf32, #tpu.memory_space<vmem>>, vector<16xf32>,
      %mul3A_3327 = arith.constant 2 : i32
      %mul3A_3328 = arith.muli %scan3A_2984, %mul3A_3327 : i32
      %add3A_3329 = arith.constant 1 : i32
      %add3A_3330 = arith.addi %mul3A_3328, %add3A_3329 : i32
      %swap3A_3331 = arith.index_cast %add3A_3330 : i32 to index
      %swap3A_3332 = arith.constant 272 : index
      %swap3A_3333 = tpu.vector_load %arg5[%swap3A_3331, %swap3A_3332] {strides = array<i32>} : memref<64x512xf32, #tpu.memory_space<vmem>>, vector<16xf32>,
      tpu.vector_store %arg5[%swap3A_3331, %swap3A_3332], %broadcast_in_dim3A_1 {strides = array<i32>} : memref<64x512xf32, #tpu.memory_space<vmem>>, vector<16xf32>,
      %mul3A_3334 = arith.constant 2 : i32
      %mul3A_3335 = arith.muli %scan3A_2984, %mul3A_3334 : i32
      %add3A_3336 = arith.constant 1 : i32
      %add3A_3337 = arith.addi %mul3A_3335, %add3A_3336 : i32
      %swap3A_3338 = arith.index_cast %add3A_3337 : i32 to index
      %swap3A_3339 = arith.constant 288 : index
      %swap3A_3340 = tpu.vector_load %arg5[%swap3A_3338, %swap3A_3339] {strides = array<i32>} : memref<64x512xf32, #tpu.memory_space<vmem>>, vector<16xf32>,
      tpu.vector_store %arg5[%swap3A_3338, %swap3A_3339], %broadcast_in_dim3A_1 {strides = array<i32>} : memref<64x512xf32, #tpu.memory_space<vmem>>, vector<16xf32>,
      %mul3A_3341 = arith.constant 2 : i32
      %mul3A_3342 = arith.muli %scan3A_2984, %mul3A_3341 : i32
      %add3A_3343 = arith.constant 1 : i32
      %add3A_3344 = arith.addi %mul3A_3342, %add3A_3343 : i32
      %swap3A_3345 = arith.index_cast %add3A_3344 : i32 to index
      %swap3A_3346 = arith.constant 304 : index
      %swap3A_3347 = tpu.vector_load %arg5[%swap3A_3345, %swap3A_3346] {strides = array<i32>} : memref<64x512xf32, #tpu.memory_space<vmem>>, vector<16xf32>,
      tpu.vector_store %arg5[%swap3A_3345, %swap3A_3346], %broadcast_in_dim3A_1 {strides = array<i32>} : memref<64x512xf32, #tpu.memory_space<vmem>>, vector<16xf32>,
      %mul3A_3348 = arith.constant 2 : i32
      %mul3A_3349 = arith.muli %scan3A_2984, %mul3A_3348 : i32
      %add3A_3350 = arith.constant 1 : i32
      %add3A_3351 = arith.addi %mul3A_3349, %add3A_3350 : i32
      %swap3A_3352 = arith.index_cast %add3A_3351 : i32 to index
      %swap3A_3353 = arith.constant 320 : index
      %swap3A_3354 = tpu.vector_load %arg5[%swap3A_3352, %swap3A_3353] {strides = array<i32>} : memref<64x512xf32, #tpu.memory_space<vmem>>, vector<16xf32>,
      tpu.vector_store %arg5[%swap3A_3352, %swap3A_3353], %broadcast_in_dim3A_1 {strides = array<i32>} : memref<64x512xf32, #tpu.memory_space<vmem>>, vector<16xf32>,
      %mul3A_3355 = arith.constant 2 : i32
      %mul3A_3356 = arith.muli %scan3A_2984, %mul3A_3355 : i32
      %add3A_3357 = arith.constant 1 : i32
      %add3A_3358 = arith.addi %mul3A_3356, %add3A_3357 : i32
      %swap3A_3359 = arith.index_cast %add3A_3358 : i32 to index
      %swap3A_3360 = arith.constant 336 : index
      %swap3A_3361 = tpu.vector_load %arg5[%swap3A_3359, %swap3A_3360] {strides = array<i32>} : memref<64x512xf32, #tpu.memory_space<vmem>>, vector<16xf32>,
      tpu.vector_store %arg5[%swap3A_3359, %swap3A_3360], %broadcast_in_dim3A_1 {strides = array<i32>} : memref<64x512xf32, #tpu.memory_space<vmem>>, vector<16xf32>,
      %mul3A_3362 = arith.constant 2 : i32
      %mul3A_3363 = arith.muli %scan3A_2984, %mul3A_3362 : i32
      %add3A_3364 = arith.constant 1 : i32
      %add3A_3365 = arith.addi %mul3A_3363, %add3A_3364 : i32
      %swap3A_3366 = arith.index_cast %add3A_3365 : i32 to index
      %swap3A_3367 = arith.constant 352 : index
      %swap3A_3368 = tpu.vector_load %arg5[%swap3A_3366, %swap3A_3367] {strides = array<i32>} : memref<64x512xf32, #tpu.memory_space<vmem>>, vector<16xf32>,
      tpu.vector_store %arg5[%swap3A_3366, %swap3A_3367], %broadcast_in_dim3A_1 {strides = array<i32>} : memref<64x512xf32, #tpu.memory_space<vmem>>, vector<16xf32>,
      %mul3A_3369 = arith.constant 2 : i32
      %mul3A_3370 = arith.muli %scan3A_2984, %mul3A_3369 : i32
      %add3A_3371 = arith.constant 1 : i32
      %add3A_3372 = arith.addi %mul3A_3370, %add3A_3371 : i32
      %swap3A_3373 = arith.index_cast %add3A_3372 : i32 to index
      %swap3A_3374 = arith.constant 368 : index
      %swap3A_3375 = tpu.vector_load %arg5[%swap3A_3373, %swap3A_3374] {strides = array<i32>} : memref<64x512xf32, #tpu.memory_space<vmem>>, vector<16xf32>,
      tpu.vector_store %arg5[%swap3A_3373, %swap3A_3374], %broadcast_in_dim3A_1 {strides = array<i32>} : memref<64x512xf32, #tpu.memory_space<vmem>>, vector<16xf32>,
      %mul3A_3376 = arith.constant 2 : i32
      %mul3A_3377 = arith.muli %scan3A_2984, %mul3A_3376 : i32
      %add3A_3378 = arith.constant 1 : i32
      %add3A_3379 = arith.addi %mul3A_3377, %add3A_3378 : i32
      %swap3A_3380 = arith.index_cast %add3A_3379 : i32 to index
      %swap3A_3381 = arith.constant 384 : index
      %swap3A_3382 = tpu.vector_load %arg5[%swap3A_3380, %swap3A_3381] {strides = array<i32>} : memref<64x512xf32, #tpu.memory_space<vmem>>, vector<16xf32>,
      tpu.vector_store %arg5[%swap3A_3380, %swap3A_3381], %broadcast_in_dim3A_1 {strides = array<i32>} : memref<64x512xf32, #tpu.memory_space<vmem>>, vector<16xf32>,
      %mul3A_3383 = arith.constant 2 : i32
      %mul3A_3384 = arith.muli %scan3A_2984, %mul3A_3383 : i32
      %add3A_3385 = arith.constant 1 : i32
      %add3A_3386 = arith.addi %mul3A_3384, %add3A_3385 : i32
      %swap3A_3387 = arith.index_cast %add3A_3386 : i32 to index
      %swap3A_3388 = arith.constant 400 : index
      %swap3A_3389 = tpu.vector_load %arg5[%swap3A_3387, %swap3A_3388] {strides = array<i32>} : memref<64x512xf32, #tpu.memory_space<vmem>>, vector<16xf32>,
      tpu.vector_store %arg5[%swap3A_3387, %swap3A_3388], %broadcast_in_dim3A_1 {strides = array<i32>} : memref<64x512xf32, #tpu.memory_space<vmem>>, vector<16xf32>,
      %mul3A_3390 = arith.constant 2 : i32
      %mul3A_3391 = arith.muli %scan3A_2984, %mul3A_3390 : i32
      %add3A_3392 = arith.constant 1 : i32
      %add3A_3393 = arith.addi %mul3A_3391, %add3A_3392 : i32
      %swap3A_3394 = arith.index_cast %add3A_3393 : i32 to index
      %swap3A_3395 = arith.constant 416 : index
      %swap3A_3396 = tpu.vector_load %arg5[%swap3A_3394, %swap3A_3395] {strides = array<i32>} : memref<64x512xf32, #tpu.memory_space<vmem>>, vector<16xf32>,
      tpu.vector_store %arg5[%swap3A_3394, %swap3A_3395], %broadcast_in_dim3A_1 {strides = array<i32>} : memref<64x512xf32, #tpu.memory_space<vmem>>, vector<16xf32>,
      %mul3A_3397 = arith.constant 2 : i32
      %mul3A_3398 = arith.muli %scan3A_2984, %mul3A_3397 : i32
      %add3A_3399 = arith.constant 1 : i32
      %add3A_3400 = arith.addi %mul3A_3398, %add3A_3399 : i32
      %swap3A_3401 = arith.index_cast %add3A_3400 : i32 to index
      %swap3A_3402 = arith.constant 432 : index
      %swap3A_3403 = tpu.vector_load %arg5[%swap3A_3401, %swap3A_3402] {strides = array<i32>} : memref<64x512xf32, #tpu.memory_space<vmem>>, vector<16xf32>,
      tpu.vector_store %arg5[%swap3A_3401, %swap3A_3402], %broadcast_in_dim3A_1 {strides = array<i32>} : memref<64x512xf32, #tpu.memory_space<vmem>>, vector<16xf32>,
      %mul3A_3404 = arith.constant 2 : i32
      %mul3A_3405 = arith.muli %scan3A_2984, %mul3A_3404 : i32
      %add3A_3406 = arith.constant 1 : i32
      %add3A_3407 = arith.addi %mul3A_3405, %add3A_3406 : i32
      %swap3A_3408 = arith.index_cast %add3A_3407 : i32 to index
      %swap3A_3409 = arith.constant 448 : index
      %swap3A_3410 = tpu.vector_load %arg5[%swap3A_3408, %swap3A_3409] {strides = array<i32>} : memref<64x512xf32, #tpu.memory_space<vmem>>, vector<16xf32>,
      tpu.vector_store %arg5[%swap3A_3408, %swap3A_3409], %broadcast_in_dim3A_1 {strides = array<i32>} : memref<64x512xf32, #tpu.memory_space<vmem>>, vector<16xf32>,
      %mul3A_3411 = arith.constant 2 : i32
      %mul3A_3412 = arith.muli %scan3A_2984, %mul3A_3411 : i32
      %add3A_3413 = arith.constant 1 : i32
      %add3A_3414 = arith.addi %mul3A_3412, %add3A_3413 : i32
      %swap3A_3415 = arith.index_cast %add3A_3414 : i32 to index
      %swap3A_3416 = arith.constant 464 : index
      %swap3A_3417 = tpu.vector_load %arg5[%swap3A_3415, %swap3A_3416] {strides = array<i32>} : memref<64x512xf32, #tpu.memory_space<vmem>>, vector<16xf32>,
      tpu.vector_store %arg5[%swap3A_3415, %swap3A_3416], %broadcast_in_dim3A_1 {strides = array<i32>} : memref<64x512xf32, #tpu.memory_space<vmem>>, vector<16xf32>,
      %mul3A_3418 = arith.constant 2 : i32
      %mul3A_3419 = arith.muli %scan3A_2984, %mul3A_3418 : i32
      %add3A_3420 = arith.constant 1 : i32
      %add3A_3421 = arith.addi %mul3A_3419, %add3A_3420 : i32
      %swap3A_3422 = arith.index_cast %add3A_3421 : i32 to index
      %swap3A_3423 = arith.constant 480 : index
      %swap3A_3424 = tpu.vector_load %arg5[%swap3A_3422, %swap3A_3423] {strides = array<i32>} : memref<64x512xf32, #tpu.memory_space<vmem>>, vector<16xf32>,
      tpu.vector_store %arg5[%swap3A_3422, %swap3A_3423], %broadcast_in_dim3A_1 {strides = array<i32>} : memref<64x512xf32, #tpu.memory_space<vmem>>, vector<16xf32>,
      %mul3A_3425 = arith.constant 2 : i32
      %mul3A_3426 = arith.muli %scan3A_2984, %mul3A_3425 : i32
      %add3A_3427 = arith.constant 1 : i32
      %add3A_3428 = arith.addi %mul3A_3426, %add3A_3427 : i32
      %swap3A_3429 = arith.index_cast %add3A_3428 : i32 to index
      %swap3A_3430 = arith.constant 496 : index
      %swap3A_3431 = tpu.vector_load %arg5[%swap3A_3429, %swap3A_3430] {strides = array<i32>} : memref<64x512xf32, #tpu.memory_space<vmem>>, vector<16xf32>,
      tpu.vector_store %arg5[%swap3A_3429, %swap3A_3430], %broadcast_in_dim3A_1 {strides = array<i32>} : memref<64x512xf32, #tpu.memory_space<vmem>>, vector<16xf32>,
    }
    %scan3A_1713 = arith.constant 32 : i32
    %mul3A_1714 = arith.constant 32768 : i32
    %mul3A_1715 = arith.muli %select_n3A_1707, %mul3A_1714 : i32
    %get3A_1716 = arith.constant 2 : i32
    %get3A_1717 = arith.constant 0 : i32
    %get3A_1718 = arith.index_cast %get3A_1716 : i32 to index
    %get3A_1719 = arith.index_cast %get3A_1717 : i32 to index
    %get3A_1720 = arith.constant 0 : index
    %get3A_1721 = tpu.vector_load %arg7[%get3A_1718, %get3A_1719, %get3A_1720] {strides = array<i32>} : memref<4x8x256xf32, #tpu.memory_space<vmem>>, vector<16xf32>,
    %get3A_1722 = arith.constant 2 : i32
    %get3A_1723 = arith.constant 0 : i32
    %get3A_1724 = arith.index_cast %get3A_1722 : i32 to index
    %get3A_1725 = arith.index_cast %get3A_1723 : i32 to index
    %get3A_1726 = arith.constant 0 : index
    %get3A_1727 = tpu.vector_load %arg8[%get3A_1724, %get3A_1725, %get3A_1726] {strides = array<i32>} : memref<4x8x256xi32, #tpu.memory_space<vmem>>, vector<16xi32>,
    %sub3A_1728 = vector.broadcast %mul3A_1715 : i32 to vector<16xi32>
    %sub3A_1729 = arith.subi %get3A_1727, %sub3A_1728 : vector<16xi32>
    %ne3A_1730 = arith.constant 0.000000e+00 : f32
    %ne3A_1731 = vector.broadcast %ne3A_1730 : f32 to vector<16xf32>
    %ne3A_1732 = arith.cmpf one, %get3A_1721, %ne3A_1731 : vector<16xf32>
    %ge3A_1733 = arith.constant 0 : i32
    %ge3A_1734 = vector.broadcast %ge3A_1733 : i32 to vector<16xi32>
    %ge3A_1735 = arith.cmpi sge, %sub3A_1729, %ge3A_1734 : vector<16xi32>
    %and3A_1736 = arith.andi %ne3A_1732, %ge3A_1735 : vector<16xi1>
    %lt3A_1737 = arith.constant 32768 : i32
    %lt3A_1738 = vector.broadcast %lt3A_1737 : i32 to vector<16xi32>
    %lt3A_1739 = arith.cmpi slt, %sub3A_1729, %lt3A_1738 : vector<16xi32>
    %and3A_1740 = arith.andi %and3A_1736, %lt3A_1739 : vector<16xi1>
    %max3A_1741 = arith.constant 0 : i32
    %max3A_1742 = vector.broadcast %max3A_1741 : i32 to vector<16xi32>
    %max3A_1743 = arith.maxsi %sub3A_1729, %max3A_1742 : vector<16xi32>
    %min3A_1744 = arith.constant 32767 : i32
    %min3A_1745 = vector.broadcast %min3A_1744 : i32 to vector<16xi32>
    %min3A_1746 = arith.minsi %max3A_1743, %min3A_1745 : vector<16xi32>
    %shift_right_logical3A_1747 = arith.constant 9 : i32
    %shift_right_logical3A_1748 = vector.broadcast %shift_right_logical3A_1747 : i32 to vector<16xi32>
    %shift_right_logical3A_1749 = arith.shrui %min3A_1746, %shift_right_logical3A_1748 : vector<16xi32>
    %and3A_1750 = arith.constant 511 : i32
    %and3A_1751 = vector.broadcast %and3A_1750 : i32 to vector<16xi32>
    %and3A_1752 = arith.andi %min3A_1746, %and3A_1751 : vector<16xi32>
    tpu.vector_store_idx %arg5[%shift_right_logical3A_1749, %and3A_1752], %get3A_1721 masked %and3A_1740 {add = true} : memref<64x512xf32, #tpu.memory_space<vmem>>[vector<16xi32>, vector<16xi32>], vector<16xf32>, vector<16xi1>
    %get3A_1753 = arith.constant 2 : i32
    %get3A_1754 = arith.constant 0 : i32
    %get3A_1755 = arith.index_cast %get3A_1753 : i32 to index
    %get3A_1756 = arith.index_cast %get3A_1754 : i32 to index
    %get3A_1757 = arith.constant 16 : index
    %get3A_1758 = tpu.vector_load %arg7[%get3A_1755, %get3A_1756, %get3A_1757] {strides = array<i32>} : memref<4x8x256xf32, #tpu.memory_space<vmem>>, vector<16xf32>,
    %get3A_1759 = arith.constant 2 : i32
    %get3A_1760 = arith.constant 0 : i32
    %get3A_1761 = arith.index_cast %get3A_1759 : i32 to index
    %get3A_1762 = arith.index_cast %get3A_1760 : i32 to index
    %get3A_1763 = arith.constant 16 : index
    %get3A_1764 = tpu.vector_load %arg8[%get3A_1761, %get3A_1762, %get3A_1763] {strides = array<i32>} : memref<4x8x256xi32, #tpu.memory_space<vmem>>, vector<16xi32>,
    %sub3A_1765 = vector.broadcast %mul3A_1715 : i32 to vector<16xi32>
    %sub3A_1766 = arith.subi %get3A_1764, %sub3A_1765 : vector<16xi32>
    %ne3A_1767 = arith.constant 0.000000e+00 : f32
    %ne3A_1768 = vector.broadcast %ne3A_1767 : f32 to vector<16xf32>
    %ne3A_1769 = arith.cmpf one, %get3A_1758, %ne3A_1768 : vector<16xf32>
    %ge3A_1770 = arith.constant 0 : i32
    %ge3A_1771 = vector.broadcast %ge3A_1770 : i32 to vector<16xi32>
    %ge3A_1772 = arith.cmpi sge, %sub3A_1766, %ge3A_1771 : vector<16xi32>
    %and3A_1773 = arith.andi %ne3A_1769, %ge3A_1772 : vector<16xi1>
    %lt3A_1774 = arith.constant 32768 : i32
    %lt3A_1775 = vector.broadcast %lt3A_1774 : i32 to vector<16xi32>
    %lt3A_1776 = arith.cmpi slt, %sub3A_1766, %lt3A_1775 : vector<16xi32>
    %and3A_1777 = arith.andi %and3A_1773, %lt3A_1776 : vector<16xi1>
    %max3A_1778 = arith.constant 0 : i32
    %max3A_1779 = vector.broadcast %max3A_1778 : i32 to vector<16xi32>
    %max3A_1780 = arith.maxsi %sub3A_1766, %max3A_1779 : vector<16xi32>
    %min3A_1781 = arith.constant 32767 : i32
    %min3A_1782 = vector.broadcast %min3A_1781 : i32 to vector<16xi32>
    %min3A_1783 = arith.minsi %max3A_1780, %min3A_1782 : vector<16xi32>
    %shift_right_logical3A_1784 = arith.constant 9 : i32
    %shift_right_logical3A_1785 = vector.broadcast %shift_right_logical3A_1784 : i32 to vector<16xi32>
    %shift_right_logical3A_1786 = arith.shrui %min3A_1783, %shift_right_logical3A_1785 : vector<16xi32>
    %and3A_1787 = arith.constant 511 : i32
    %and3A_1788 = vector.broadcast %and3A_1787 : i32 to vector<16xi32>
    %and3A_1789 = arith.andi %min3A_1783, %and3A_1788 : vector<16xi32>
    tpu.vector_store_idx %arg5[%shift_right_logical3A_1786, %and3A_1789], %get3A_1758 masked %and3A_1777 {add = true} : memref<64x512xf32, #tpu.memory_space<vmem>>[vector<16xi32>, vector<16xi32>], vector<16xf32>, vector<16xi1>
    %get3A_1790 = arith.constant 2 : i32
    %get3A_1791 = arith.constant 0 : i32
    %get3A_1792 = arith.index_cast %get3A_1790 : i32 to index
    %get3A_1793 = arith.index_cast %get3A_1791 : i32 to index
    %get3A_1794 = arith.constant 32 : index
    %get3A_1795 = tpu.vector_load %arg7[%get3A_1792, %get3A_1793, %get3A_1794] {strides = array<i32>} : memref<4x8x256xf32, #tpu.memory_space<vmem>>, vector<16xf32>,
    %get3A_1796 = arith.constant 2 : i32
    %get3A_1797 = arith.constant 0 : i32
    %get3A_1798 = arith.index_cast %get3A_1796 : i32 to index
    %get3A_1799 = arith.index_cast %get3A_1797 : i32 to index
    %get3A_1800 = arith.constant 32 : index
    %get3A_1801 = tpu.vector_load %arg8[%get3A_1798, %get3A_1799, %get3A_1800] {strides = array<i32>} : memref<4x8x256xi32, #tpu.memory_space<vmem>>, vector<16xi32>,
    %sub3A_1802 = vector.broadcast %mul3A_1715 : i32 to vector<16xi32>
    %sub3A_1803 = arith.subi %get3A_1801, %sub3A_1802 : vector<16xi32>
    %ne3A_1804 = arith.constant 0.000000e+00 : f32
    %ne3A_1805 = vector.broadcast %ne3A_1804 : f32 to vector<16xf32>
    %ne3A_1806 = arith.cmpf one, %get3A_1795, %ne3A_1805 : vector<16xf32>
    %ge3A_1807 = arith.constant 0 : i32
    %ge3A_1808 = vector.broadcast %ge3A_1807 : i32 to vector<16xi32>
    %ge3A_1809 = arith.cmpi sge, %sub3A_1803, %ge3A_1808 : vector<16xi32>
    %and3A_1810 = arith.andi %ne3A_1806, %ge3A_1809 : vector<16xi1>
    %lt3A_1811 = arith.constant 32768 : i32
    %lt3A_1812 = vector.broadcast %lt3A_1811 : i32 to vector<16xi32>
    %lt3A_1813 = arith.cmpi slt, %sub3A_1803, %lt3A_1812 : vector<16xi32>
    %and3A_1814 = arith.andi %and3A_1810, %lt3A_1813 : vector<16xi1>
    %max3A_1815 = arith.constant 0 : i32
    %max3A_1816 = vector.broadcast %max3A_1815 : i32 to vector<16xi32>
    %max3A_1817 = arith.maxsi %sub3A_1803, %max3A_1816 : vector<16xi32>
    %min3A_1818 = arith.constant 32767 : i32
    %min3A_1819 = vector.broadcast %min3A_1818 : i32 to vector<16xi32>
    %min3A_1820 = arith.minsi %max3A_1817, %min3A_1819 : vector<16xi32>
    %shift_right_logical3A_1821 = arith.constant 9 : i32
    %shift_right_logical3A_1822 = vector.broadcast %shift_right_logical3A_1821 : i32 to vector<16xi32>
    %shift_right_logical3A_1823 = arith.shrui %min3A_1820, %shift_right_logical3A_1822 : vector<16xi32>
    %and3A_1824 = arith.constant 511 : i32
    %and3A_1825 = vector.broadcast %and3A_1824 : i32 to vector<16xi32>
    %and3A_1826 = arith.andi %min3A_1820, %and3A_1825 : vector<16xi32>
    tpu.vector_store_idx %arg5[%shift_right_logical3A_1823, %and3A_1826], %get3A_1795 masked %and3A_1814 {add = true} : memref<64x512xf32, #tpu.memory_space<vmem>>[vector<16xi32>, vector<16xi32>], vector<16xf32>, vector<16xi1>
    %get3A_1827 = arith.constant 2 : i32
    %get3A_1828 = arith.constant 0 : i32
    %get3A_1829 = arith.index_cast %get3A_1827 : i32 to index
    %get3A_1830 = arith.index_cast %get3A_1828 : i32 to index
    %get3A_1831 = arith.constant 48 : index
    %get3A_1832 = tpu.vector_load %arg7[%get3A_1829, %get3A_1830, %get3A_1831] {strides = array<i32>} : memref<4x8x256xf32, #tpu.memory_space<vmem>>, vector<16xf32>,
    %get3A_1833 = arith.constant 2 : i32
    %get3A_1834 = arith.constant 0 : i32
    %get3A_1835 = arith.index_cast %get3A_1833 : i32 to index
    %get3A_1836 = arith.index_cast %get3A_1834 : i32 to index
    %get3A_1837 = arith.constant 48 : index
    %get3A_1838 = tpu.vector_load %arg8[%get3A_1835, %get3A_1836, %get3A_1837] {strides = array<i32>} : memref<4x8x256xi32, #tpu.memory_space<vmem>>, vector<16xi32>,
    %sub3A_1839 = vector.broadcast %mul3A_1715 : i32 to vector<16xi32>
    %sub3A_1840 = arith.subi %get3A_1838, %sub3A_1839 : vector<16xi32>
    %ne3A_1841 = arith.constant 0.000000e+00 : f32
    %ne3A_1842 = vector.broadcast %ne3A_1841 : f32 to vector<16xf32>
    %ne3A_1843 = arith.cmpf one, %get3A_1832, %ne3A_1842 : vector<16xf32>
    %ge3A_1844 = arith.constant 0 : i32
    %ge3A_1845 = vector.broadcast %ge3A_1844 : i32 to vector<16xi32>
    %ge3A_1846 = arith.cmpi sge, %sub3A_1840, %ge3A_1845 : vector<16xi32>
    %and3A_1847 = arith.andi %ne3A_1843, %ge3A_1846 : vector<16xi1>
    %lt3A_1848 = arith.constant 32768 : i32
    %lt3A_1849 = vector.broadcast %lt3A_1848 : i32 to vector<16xi32>
    %lt3A_1850 = arith.cmpi slt, %sub3A_1840, %lt3A_1849 : vector<16xi32>
    %and3A_1851 = arith.andi %and3A_1847, %lt3A_1850 : vector<16xi1>
    %max3A_1852 = arith.constant 0 : i32
    %max3A_1853 = vector.broadcast %max3A_1852 : i32 to vector<16xi32>
    %max3A_1854 = arith.maxsi %sub3A_1840, %max3A_1853 : vector<16xi32>
    %min3A_1855 = arith.constant 32767 : i32
    %min3A_1856 = vector.broadcast %min3A_1855 : i32 to vector<16xi32>
    %min3A_1857 = arith.minsi %max3A_1854, %min3A_1856 : vector<16xi32>
    %shift_right_logical3A_1858 = arith.constant 9 : i32
    %shift_right_logical3A_1859 = vector.broadcast %shift_right_logical3A_1858 : i32 to vector<16xi32>
    %shift_right_logical3A_1860 = arith.shrui %min3A_1857, %shift_right_logical3A_1859 : vector<16xi32>
    %and3A_1861 = arith.constant 511 : i32
    %and3A_1862 = vector.broadcast %and3A_1861 : i32 to vector<16xi32>
    %and3A_1863 = arith.andi %min3A_1857, %and3A_1862 : vector<16xi32>
    tpu.vector_store_idx %arg5[%shift_right_logical3A_1860, %and3A_1863], %get3A_1832 masked %and3A_1851 {add = true} : memref<64x512xf32, #tpu.memory_space<vmem>>[vector<16xi32>, vector<16xi32>], vector<16xf32>, vector<16xi1>
    %get3A_1864 = arith.constant 2 : i32
    %get3A_1865 = arith.constant 0 : i32
    %get3A_1866 = arith.index_cast %get3A_1864 : i32 to index
    %get3A_1867 = arith.index_cast %get3A_1865 : i32 to index
    %get3A_1868 = arith.constant 64 : index
    %get3A_1869 = tpu.vector_load %arg7[%get3A_1866, %get3A_1867, %get3A_1868] {strides = array<i32>} : memref<4x8x256xf32, #tpu.memory_space<vmem>>, vector<16xf32>,
    %get3A_1870 = arith.constant 2 : i32
    %get3A_1871 = arith.constant 0 : i32
    %get3A_1872 = arith.index_cast %get3A_1870 : i32 to index
    %get3A_1873 = arith.index_cast %get3A_1871 : i32 to index
    %get3A_1874 = arith.constant 64 : index
    %get3A_1875 = tpu.vector_load %arg8[%get3A_1872, %get3A_1873, %get3A_1874] {strides = array<i32>} : memref<4x8x256xi32, #tpu.memory_space<vmem>>, vector<16xi32>,
    %sub3A_1876 = vector.broadcast %mul3A_1715 : i32 to vector<16xi32>
    %sub3A_1877 = arith.subi %get3A_1875, %sub3A_1876 : vector<16xi32>
    %ne3A_1878 = arith.constant 0.000000e+00 : f32
    %ne3A_1879 = vector.broadcast %ne3A_1878 : f32 to vector<16xf32>
    %ne3A_1880 = arith.cmpf one, %get3A_1869, %ne3A_1879 : vector<16xf32>
    %ge3A_1881 = arith.constant 0 : i32
    %ge3A_1882 = vector.broadcast %ge3A_1881 : i32 to vector<16xi32>
    %ge3A_1883 = arith.cmpi sge, %sub3A_1877, %ge3A_1882 : vector<16xi32>
    %and3A_1884 = arith.andi %ne3A_1880, %ge3A_1883 : vector<16xi1>
    %lt3A_1885 = arith.constant 32768 : i32
    %lt3A_1886 = vector.broadcast %lt3A_1885 : i32 to vector<16xi32>
    %lt3A_1887 = arith.cmpi slt, %sub3A_1877, %lt3A_1886 : vector<16xi32>
    %and3A_1888 = arith.andi %and3A_1884, %lt3A_1887 : vector<16xi1>
    %max3A_1889 = arith.constant 0 : i32
    %max3A_1890 = vector.broadcast %max3A_1889 : i32 to vector<16xi32>
    %max3A_1891 = arith.maxsi %sub3A_1877, %max3A_1890 : vector<16xi32>
    %min3A_1892 = arith.constant 32767 : i32
    %min3A_1893 = vector.broadcast %min3A_1892 : i32 to vector<16xi32>
    %min3A_1894 = arith.minsi %max3A_1891, %min3A_1893 : vector<16xi32>
    %shift_right_logical3A_1895 = arith.constant 9 : i32
    %shift_right_logical3A_1896 = vector.broadcast %shift_right_logical3A_1895 : i32 to vector<16xi32>
    %shift_right_logical3A_1897 = arith.shrui %min3A_1894, %shift_right_logical3A_1896 : vector<16xi32>
    %and3A_1898 = arith.constant 511 : i32
    %and3A_1899 = vector.broadcast %and3A_1898 : i32 to vector<16xi32>
    %and3A_1900 = arith.andi %min3A_1894, %and3A_1899 : vector<16xi32>
    tpu.vector_store_idx %arg5[%shift_right_logical3A_1897, %and3A_1900], %get3A_1869 masked %and3A_1888 {add = true} : memref<64x512xf32, #tpu.memory_space<vmem>>[vector<16xi32>, vector<16xi32>], vector<16xf32>, vector<16xi1>
    %get3A_1901 = arith.constant 2 : i32
    %get3A_1902 = arith.constant 0 : i32
    %get3A_1903 = arith.index_cast %get3A_1901 : i32 to index
    %get3A_1904 = arith.index_cast %get3A_1902 : i32 to index
    %get3A_1905 = arith.constant 80 : index
    %get3A_1906 = tpu.vector_load %arg7[%get3A_1903, %get3A_1904, %get3A_1905] {strides = array<i32>} : memref<4x8x256xf32, #tpu.memory_space<vmem>>, vector<16xf32>,
    %get3A_1907 = arith.constant 2 : i32
    %get3A_1908 = arith.constant 0 : i32
    %get3A_1909 = arith.index_cast %get3A_1907 : i32 to index
    %get3A_1910 = arith.index_cast %get3A_1908 : i32 to index
    %get3A_1911 = arith.constant 80 : index
    %get3A_1912 = tpu.vector_load %arg8[%get3A_1909, %get3A_1910, %get3A_1911] {strides = array<i32>} : memref<4x8x256xi32, #tpu.memory_space<vmem>>, vector<16xi32>,
    %sub3A_1913 = vector.broadcast %mul3A_1715 : i32 to vector<16xi32>
    %sub3A_1914 = arith.subi %get3A_1912, %sub3A_1913 : vector<16xi32>
    %ne3A_1915 = arith.constant 0.000000e+00 : f32
    %ne3A_1916 = vector.broadcast %ne3A_1915 : f32 to vector<16xf32>
    %ne3A_1917 = arith.cmpf one, %get3A_1906, %ne3A_1916 : vector<16xf32>
    %ge3A_1918 = arith.constant 0 : i32
    %ge3A_1919 = vector.broadcast %ge3A_1918 : i32 to vector<16xi32>
    %ge3A_1920 = arith.cmpi sge, %sub3A_1914, %ge3A_1919 : vector<16xi32>
    %and3A_1921 = arith.andi %ne3A_1917, %ge3A_1920 : vector<16xi1>
    %lt3A_1922 = arith.constant 32768 : i32
    %lt3A_1923 = vector.broadcast %lt3A_1922 : i32 to vector<16xi32>
    %lt3A_1924 = arith.cmpi slt, %sub3A_1914, %lt3A_1923 : vector<16xi32>
    %and3A_1925 = arith.andi %and3A_1921, %lt3A_1924 : vector<16xi1>
    %max3A_1926 = arith.constant 0 : i32
    %max3A_1927 = vector.broadcast %max3A_1926 : i32 to vector<16xi32>
    %max3A_1928 = arith.maxsi %sub3A_1914, %max3A_1927 : vector<16xi32>
    %min3A_1929 = arith.constant 32767 : i32
    %min3A_1930 = vector.broadcast %min3A_1929 : i32 to vector<16xi32>
    %min3A_1931 = arith.minsi %max3A_1928, %min3A_1930 : vector<16xi32>
    %shift_right_logical3A_1932 = arith.constant 9 : i32
    %shift_right_logical3A_1933 = vector.broadcast %shift_right_logical3A_1932 : i32 to vector<16xi32>
    %shift_right_logical3A_1934 = arith.shrui %min3A_1931, %shift_right_logical3A_1933 : vector<16xi32>
    %and3A_1935 = arith.constant 511 : i32
    %and3A_1936 = vector.broadcast %and3A_1935 : i32 to vector<16xi32>
    %and3A_1937 = arith.andi %min3A_1931, %and3A_1936 : vector<16xi32>
    tpu.vector_store_idx %arg5[%shift_right_logical3A_1934, %and3A_1937], %get3A_1906 masked %and3A_1925 {add = true} : memref<64x512xf32, #tpu.memory_space<vmem>>[vector<16xi32>, vector<16xi32>], vector<16xf32>, vector<16xi1>
    %get3A_1938 = arith.constant 2 : i32
    %get3A_1939 = arith.constant 0 : i32
    %get3A_1940 = arith.index_cast %get3A_1938 : i32 to index
    %get3A_1941 = arith.index_cast %get3A_1939 : i32 to index
    %get3A_1942 = arith.constant 96 : index
    %get3A_1943 = tpu.vector_load %arg7[%get3A_1940, %get3A_1941, %get3A_1942] {strides = array<i32>} : memref<4x8x256xf32, #tpu.memory_space<vmem>>, vector<16xf32>,
    %get3A_1944 = arith.constant 2 : i32
    %get3A_1945 = arith.constant 0 : i32
    %get3A_1946 = arith.index_cast %get3A_1944 : i32 to index
    %get3A_1947 = arith.index_cast %get3A_1945 : i32 to index
    %get3A_1948 = arith.constant 96 : index
    %get3A_1949 = tpu.vector_load %arg8[%get3A_1946, %get3A_1947, %get3A_1948] {strides = array<i32>} : memref<4x8x256xi32, #tpu.memory_space<vmem>>, vector<16xi32>,
    %sub3A_1950 = vector.broadcast %mul3A_1715 : i32 to vector<16xi32>
    %sub3A_1951 = arith.subi %get3A_1949, %sub3A_1950 : vector<16xi32>
    %ne3A_1952 = arith.constant 0.000000e+00 : f32
    %ne3A_1953 = vector.broadcast %ne3A_1952 : f32 to vector<16xf32>
    %ne3A_1954 = arith.cmpf one, %get3A_1943, %ne3A_1953 : vector<16xf32>
    %ge3A_1955 = arith.constant 0 : i32
    %ge3A_1956 = vector.broadcast %ge3A_1955 : i32 to vector<16xi32>
    %ge3A_1957 = arith.cmpi sge, %sub3A_1951, %ge3A_1956 : vector<16xi32>
    %and3A_1958 = arith.andi %ne3A_1954, %ge3A_1957 : vector<16xi1>
    %lt3A_1959 = arith.constant 32768 : i32
    %lt3A_1960 = vector.broadcast %lt3A_1959 : i32 to vector<16xi32>
    %lt3A_1961 = arith.cmpi slt, %sub3A_1951, %lt3A_1960 : vector<16xi32>
    %and3A_1962 = arith.andi %and3A_1958, %lt3A_1961 : vector<16xi1>
    %max3A_1963 = arith.constant 0 : i32
    %max3A_1964 = vector.broadcast %max3A_1963 : i32 to vector<16xi32>
    %max3A_1965 = arith.maxsi %sub3A_1951, %max3A_1964 : vector<16xi32>
    %min3A_1966 = arith.constant 32767 : i32
    %min3A_1967 = vector.broadcast %min3A_1966 : i32 to vector<16xi32>
    %min3A_1968 = arith.minsi %max3A_1965, %min3A_1967 : vector<16xi32>
    %shift_right_logical3A_1969 = arith.constant 9 : i32
    %shift_right_logical3A_1970 = vector.broadcast %shift_right_logical3A_1969 : i32 to vector<16xi32>
    %shift_right_logical3A_1971 = arith.shrui %min3A_1968, %shift_right_logical3A_1970 : vector<16xi32>
    %and3A_1972 = arith.constant 511 : i32
    %and3A_1973 = vector.broadcast %and3A_1972 : i32 to vector<16xi32>
    %and3A_1974 = arith.andi %min3A_1968, %and3A_1973 : vector<16xi32>
    tpu.vector_store_idx %arg5[%shift_right_logical3A_1971, %and3A_1974], %get3A_1943 masked %and3A_1962 {add = true} : memref<64x512xf32, #tpu.memory_space<vmem>>[vector<16xi32>, vector<16xi32>], vector<16xf32>, vector<16xi1>
    %get3A_1975 = arith.constant 2 : i32
    %get3A_1976 = arith.constant 0 : i32
    %get3A_1977 = arith.index_cast %get3A_1975 : i32 to index
    %get3A_1978 = arith.index_cast %get3A_1976 : i32 to index
    %get3A_1979 = arith.constant 112 : index
    %get3A_1980 = tpu.vector_load %arg7[%get3A_1977, %get3A_1978, %get3A_1979] {strides = array<i32>} : memref<4x8x256xf32, #tpu.memory_space<vmem>>, vector<16xf32>,
    %get3A_1981 = arith.constant 2 : i32
    %get3A_1982 = arith.constant 0 : i32
    %get3A_1983 = arith.index_cast %get3A_1981 : i32 to index
    %get3A_1984 = arith.index_cast %get3A_1982 : i32 to index
    %get3A_1985 = arith.constant 112 : index
    %get3A_1986 = tpu.vector_load %arg8[%get3A_1983, %get3A_1984, %get3A_1985] {strides = array<i32>} : memref<4x8x256xi32, #tpu.memory_space<vmem>>, vector<16xi32>,
    %sub3A_1987 = vector.broadcast %mul3A_1715 : i32 to vector<16xi32>
    %sub3A_1988 = arith.subi %get3A_1986, %sub3A_1987 : vector<16xi32>
    %ne3A_1989 = arith.constant 0.000000e+00 : f32
    %ne3A_1990 = vector.broadcast %ne3A_1989 : f32 to vector<16xf32>
    %ne3A_1991 = arith.cmpf one, %get3A_1980, %ne3A_1990 : vector<16xf32>
    %ge3A_1992 = arith.constant 0 : i32
    %ge3A_1993 = vector.broadcast %ge3A_1992 : i32 to vector<16xi32>
    %ge3A_1994 = arith.cmpi sge, %sub3A_1988, %ge3A_1993 : vector<16xi32>
    %and3A_1995 = arith.andi %ne3A_1991, %ge3A_1994 : vector<16xi1>
    %lt3A_1996 = arith.constant 32768 : i32
    %lt3A_1997 = vector.broadcast %lt3A_1996 : i32 to vector<16xi32>
    %lt3A_1998 = arith.cmpi slt, %sub3A_1988, %lt3A_1997 : vector<16xi32>
    %and3A_1999 = arith.andi %and3A_1995, %lt3A_1998 : vector<16xi1>
    %max3A_2000 = arith.constant 0 : i32
    %max3A_2001 = vector.broadcast %max3A_2000 : i32 to vector<16xi32>
    %max3A_2002 = arith.maxsi %sub3A_1988, %max3A_2001 : vector<16xi32>
    %min3A_2003 = arith.constant 32767 : i32
    %min3A_2004 = vector.broadcast %min3A_2003 : i32 to vector<16xi32>
    %min3A_2005 = arith.minsi %max3A_2002, %min3A_2004 : vector<16xi32>
    %shift_right_logical3A_2006 = arith.constant 9 : i32
    %shift_right_logical3A_2007 = vector.broadcast %shift_right_logical3A_2006 : i32 to vector<16xi32>
    %shift_right_logical3A_2008 = arith.shrui %min3A_2005, %shift_right_logical3A_2007 : vector<16xi32>
    %and3A_2009 = arith.constant 511 : i32
    %and3A_2010 = vector.broadcast %and3A_2009 : i32 to vector<16xi32>
    %and3A_2011 = arith.andi %min3A_2005, %and3A_2010 : vector<16xi32>
    tpu.vector_store_idx %arg5[%shift_right_logical3A_2008, %and3A_2011], %get3A_1980 masked %and3A_1999 {add = true} : memref<64x512xf32, #tpu.memory_space<vmem>>[vector<16xi32>, vector<16xi32>], vector<16xf32>, vector<16xi1>
    %get3A_2012 = arith.constant 2 : i32
    %get3A_2013 = arith.constant 0 : i32
    %get3A_2014 = arith.index_cast %get3A_2012 : i32 to index
    %get3A_2015 = arith.index_cast %get3A_2013 : i32 to index
    %get3A_2016 = arith.constant 128 : index
    %get3A_2017 = tpu.vector_load %arg7[%get3A_2014, %get3A_2015, %get3A_2016] {strides = array<i32>} : memref<4x8x256xf32, #tpu.memory_space<vmem>>, vector<16xf32>,
    %get3A_2018 = arith.constant 2 : i32
    %get3A_2019 = arith.constant 0 : i32
    %get3A_2020 = arith.index_cast %get3A_2018 : i32 to index
    %get3A_2021 = arith.index_cast %get3A_2019 : i32 to index
    %get3A_2022 = arith.constant 128 : index
    %get3A_2023 = tpu.vector_load %arg8[%get3A_2020, %get3A_2021, %get3A_2022] {strides = array<i32>} : memref<4x8x256xi32, #tpu.memory_space<vmem>>, vector<16xi32>,
    %sub3A_2024 = vector.broadcast %mul3A_1715 : i32 to vector<16xi32>
    %sub3A_2025 = arith.subi %get3A_2023, %sub3A_2024 : vector<16xi32>
    %ne3A_2026 = arith.constant 0.000000e+00 : f32
    %ne3A_2027 = vector.broadcast %ne3A_2026 : f32 to vector<16xf32>
    %ne3A_2028 = arith.cmpf one, %get3A_2017, %ne3A_2027 : vector<16xf32>
    %ge3A_2029 = arith.constant 0 : i32
    %ge3A_2030 = vector.broadcast %ge3A_2029 : i32 to vector<16xi32>
    %ge3A_2031 = arith.cmpi sge, %sub3A_2025, %ge3A_2030 : vector<16xi32>
    %and3A_2032 = arith.andi %ne3A_2028, %ge3A_2031 : vector<16xi1>
    %lt3A_2033 = arith.constant 32768 : i32
    %lt3A_2034 = vector.broadcast %lt3A_2033 : i32 to vector<16xi32>
    %lt3A_2035 = arith.cmpi slt, %sub3A_2025, %lt3A_2034 : vector<16xi32>
    %and3A_2036 = arith.andi %and3A_2032, %lt3A_2035 : vector<16xi1>
    %max3A_2037 = arith.constant 0 : i32
    %max3A_2038 = vector.broadcast %max3A_2037 : i32 to vector<16xi32>
    %max3A_2039 = arith.maxsi %sub3A_2025, %max3A_2038 : vector<16xi32>
    %min3A_2040 = arith.constant 32767 : i32
    %min3A_2041 = vector.broadcast %min3A_2040 : i32 to vector<16xi32>
    %min3A_2042 = arith.minsi %max3A_2039, %min3A_2041 : vector<16xi32>
    %shift_right_logical3A_2043 = arith.constant 9 : i32
    %shift_right_logical3A_2044 = vector.broadcast %shift_right_logical3A_2043 : i32 to vector<16xi32>
    %shift_right_logical3A_2045 = arith.shrui %min3A_2042, %shift_right_logical3A_2044 : vector<16xi32>
    %and3A_2046 = arith.constant 511 : i32
    %and3A_2047 = vector.broadcast %and3A_2046 : i32 to vector<16xi32>
    %and3A_2048 = arith.andi %min3A_2042, %and3A_2047 : vector<16xi32>
    tpu.vector_store_idx %arg5[%shift_right_logical3A_2045, %and3A_2048], %get3A_2017 masked %and3A_2036 {add = true} : memref<64x512xf32, #tpu.memory_space<vmem>>[vector<16xi32>, vector<16xi32>], vector<16xf32>, vector<16xi1>
    %get3A_2049 = arith.constant 2 : i32
    %get3A_2050 = arith.constant 0 : i32
    %get3A_2051 = arith.index_cast %get3A_2049 : i32 to index
    %get3A_2052 = arith.index_cast %get3A_2050 : i32 to index
    %get3A_2053 = arith.constant 144 : index
    %get3A_2054 = tpu.vector_load %arg7[%get3A_2051, %get3A_2052, %get3A_2053] {strides = array<i32>} : memref<4x8x256xf32, #tpu.memory_space<vmem>>, vector<16xf32>,
    %get3A_2055 = arith.constant 2 : i32
    %get3A_2056 = arith.constant 0 : i32
    %get3A_2057 = arith.index_cast %get3A_2055 : i32 to index
    %get3A_2058 = arith.index_cast %get3A_2056 : i32 to index
    %get3A_2059 = arith.constant 144 : index
    %get3A_2060 = tpu.vector_load %arg8[%get3A_2057, %get3A_2058, %get3A_2059] {strides = array<i32>} : memref<4x8x256xi32, #tpu.memory_space<vmem>>, vector<16xi32>,
    %sub3A_2061 = vector.broadcast %mul3A_1715 : i32 to vector<16xi32>
    %sub3A_2062 = arith.subi %get3A_2060, %sub3A_2061 : vector<16xi32>
    %ne3A_2063 = arith.constant 0.000000e+00 : f32
    %ne3A_2064 = vector.broadcast %ne3A_2063 : f32 to vector<16xf32>
    %ne3A_2065 = arith.cmpf one, %get3A_2054, %ne3A_2064 : vector<16xf32>
    %ge3A_2066 = arith.constant 0 : i32
    %ge3A_2067 = vector.broadcast %ge3A_2066 : i32 to vector<16xi32>
    %ge3A_2068 = arith.cmpi sge, %sub3A_2062, %ge3A_2067 : vector<16xi32>
    %and3A_2069 = arith.andi %ne3A_2065, %ge3A_2068 : vector<16xi1>
    %lt3A_2070 = arith.constant 32768 : i32
    %lt3A_2071 = vector.broadcast %lt3A_2070 : i32 to vector<16xi32>
    %lt3A_2072 = arith.cmpi slt, %sub3A_2062, %lt3A_2071 : vector<16xi32>
    %and3A_2073 = arith.andi %and3A_2069, %lt3A_2072 : vector<16xi1>
    %max3A_2074 = arith.constant 0 : i32
    %max3A_2075 = vector.broadcast %max3A_2074 : i32 to vector<16xi32>
    %max3A_2076 = arith.maxsi %sub3A_2062, %max3A_2075 : vector<16xi32>
    %min3A_2077 = arith.constant 32767 : i32
    %min3A_2078 = vector.broadcast %min3A_2077 : i32 to vector<16xi32>
    %min3A_2079 = arith.minsi %max3A_2076, %min3A_2078 : vector<16xi32>
    %shift_right_logical3A_2080 = arith.constant 9 : i32
    %shift_right_logical3A_2081 = vector.broadcast %shift_right_logical3A_2080 : i32 to vector<16xi32>
    %shift_right_logical3A_2082 = arith.shrui %min3A_2079, %shift_right_logical3A_2081 : vector<16xi32>
    %and3A_2083 = arith.constant 511 : i32
    %and3A_2084 = vector.broadcast %and3A_2083 : i32 to vector<16xi32>
    %and3A_2085 = arith.andi %min3A_2079, %and3A_2084 : vector<16xi32>
    tpu.vector_store_idx %arg5[%shift_right_logical3A_2082, %and3A_2085], %get3A_2054 masked %and3A_2073 {add = true} : memref<64x512xf32, #tpu.memory_space<vmem>>[vector<16xi32>, vector<16xi32>], vector<16xf32>, vector<16xi1>
    %get3A_2086 = arith.constant 2 : i32
    %get3A_2087 = arith.constant 0 : i32
    %get3A_2088 = arith.index_cast %get3A_2086 : i32 to index
    %get3A_2089 = arith.index_cast %get3A_2087 : i32 to index
    %get3A_2090 = arith.constant 160 : index
    %get3A_2091 = tpu.vector_load %arg7[%get3A_2088, %get3A_2089, %get3A_2090] {strides = array<i32>} : memref<4x8x256xf32, #tpu.memory_space<vmem>>, vector<16xf32>,
    %get3A_2092 = arith.constant 2 : i32
    %get3A_2093 = arith.constant 0 : i32
    %get3A_2094 = arith.index_cast %get3A_2092 : i32 to index
    %get3A_2095 = arith.index_cast %get3A_2093 : i32 to index
    %get3A_2096 = arith.constant 160 : index
    %get3A_2097 = tpu.vector_load %arg8[%get3A_2094, %get3A_2095, %get3A_2096] {strides = array<i32>} : memref<4x8x256xi32, #tpu.memory_space<vmem>>, vector<16xi32>,
    %sub3A_2098 = vector.broadcast %mul3A_1715 : i32 to vector<16xi32>
    %sub3A_2099 = arith.subi %get3A_2097, %sub3A_2098 : vector<16xi32>
    %ne3A_2100 = arith.constant 0.000000e+00 : f32
    %ne3A_2101 = vector.broadcast %ne3A_2100 : f32 to vector<16xf32>
    %ne3A_2102 = arith.cmpf one, %get3A_2091, %ne3A_2101 : vector<16xf32>
    %ge3A_2103 = arith.constant 0 : i32
    %ge3A_2104 = vector.broadcast %ge3A_2103 : i32 to vector<16xi32>
    %ge3A_2105 = arith.cmpi sge, %sub3A_2099, %ge3A_2104 : vector<16xi32>
    %and3A_2106 = arith.andi %ne3A_2102, %ge3A_2105 : vector<16xi1>
    %lt3A_2107 = arith.constant 32768 : i32
    %lt3A_2108 = vector.broadcast %lt3A_2107 : i32 to vector<16xi32>
    %lt3A_2109 = arith.cmpi slt, %sub3A_2099, %lt3A_2108 : vector<16xi32>
    %and3A_2110 = arith.andi %and3A_2106, %lt3A_2109 : vector<16xi1>
    %max3A_2111 = arith.constant 0 : i32
    %max3A_2112 = vector.broadcast %max3A_2111 : i32 to vector<16xi32>
    %max3A_2113 = arith.maxsi %sub3A_2099, %max3A_2112 : vector<16xi32>
    %min3A_2114 = arith.constant 32767 : i32
    %min3A_2115 = vector.broadcast %min3A_2114 : i32 to vector<16xi32>
    %min3A_2116 = arith.minsi %max3A_2113, %min3A_2115 : vector<16xi32>
    %shift_right_logical3A_2117 = arith.constant 9 : i32
    %shift_right_logical3A_2118 = vector.broadcast %shift_right_logical3A_2117 : i32 to vector<16xi32>
    %shift_right_logical3A_2119 = arith.shrui %min3A_2116, %shift_right_logical3A_2118 : vector<16xi32>
    %and3A_2120 = arith.constant 511 : i32
    %and3A_2121 = vector.broadcast %and3A_2120 : i32 to vector<16xi32>
    %and3A_2122 = arith.andi %min3A_2116, %and3A_2121 : vector<16xi32>
    tpu.vector_store_idx %arg5[%shift_right_logical3A_2119, %and3A_2122], %get3A_2091 masked %and3A_2110 {add = true} : memref<64x512xf32, #tpu.memory_space<vmem>>[vector<16xi32>, vector<16xi32>], vector<16xf32>, vector<16xi1>
    %get3A_2123 = arith.constant 2 : i32
    %get3A_2124 = arith.constant 0 : i32
    %get3A_2125 = arith.index_cast %get3A_2123 : i32 to index
    %get3A_2126 = arith.index_cast %get3A_2124 : i32 to index
    %get3A_2127 = arith.constant 176 : index
    %get3A_2128 = tpu.vector_load %arg7[%get3A_2125, %get3A_2126, %get3A_2127] {strides = array<i32>} : memref<4x8x256xf32, #tpu.memory_space<vmem>>, vector<16xf32>,
    %get3A_2129 = arith.constant 2 : i32
    %get3A_2130 = arith.constant 0 : i32
    %get3A_2131 = arith.index_cast %get3A_2129 : i32 to index
    %get3A_2132 = arith.index_cast %get3A_2130 : i32 to index
    %get3A_2133 = arith.constant 176 : index
    %get3A_2134 = tpu.vector_load %arg8[%get3A_2131, %get3A_2132, %get3A_2133] {strides = array<i32>} : memref<4x8x256xi32, #tpu.memory_space<vmem>>, vector<16xi32>,
    %sub3A_2135 = vector.broadcast %mul3A_1715 : i32 to vector<16xi32>
    %sub3A_2136 = arith.subi %get3A_2134, %sub3A_2135 : vector<16xi32>
    %ne3A_2137 = arith.constant 0.000000e+00 : f32
    %ne3A_2138 = vector.broadcast %ne3A_2137 : f32 to vector<16xf32>
    %ne3A_2139 = arith.cmpf one, %get3A_2128, %ne3A_2138 : vector<16xf32>
    %ge3A_2140 = arith.constant 0 : i32
    %ge3A_2141 = vector.broadcast %ge3A_2140 : i32 to vector<16xi32>
    %ge3A_2142 = arith.cmpi sge, %sub3A_2136, %ge3A_2141 : vector<16xi32>
    %and3A_2143 = arith.andi %ne3A_2139, %ge3A_2142 : vector<16xi1>
    %lt3A_2144 = arith.constant 32768 : i32
    %lt3A_2145 = vector.broadcast %lt3A_2144 : i32 to vector<16xi32>
    %lt3A_2146 = arith.cmpi slt, %sub3A_2136, %lt3A_2145 : vector<16xi32>
    %and3A_2147 = arith.andi %and3A_2143, %lt3A_2146 : vector<16xi1>
    %max3A_2148 = arith.constant 0 : i32
    %max3A_2149 = vector.broadcast %max3A_2148 : i32 to vector<16xi32>
    %max3A_2150 = arith.maxsi %sub3A_2136, %max3A_2149 : vector<16xi32>
    %min3A_2151 = arith.constant 32767 : i32
    %min3A_2152 = vector.broadcast %min3A_2151 : i32 to vector<16xi32>
    %min3A_2153 = arith.minsi %max3A_2150, %min3A_2152 : vector<16xi32>
    %shift_right_logical3A_2154 = arith.constant 9 : i32
    %shift_right_logical3A_2155 = vector.broadcast %shift_right_logical3A_2154 : i32 to vector<16xi32>
    %shift_right_logical3A_2156 = arith.shrui %min3A_2153, %shift_right_logical3A_2155 : vector<16xi32>
    %and3A_2157 = arith.constant 511 : i32
    %and3A_2158 = vector.broadcast %and3A_2157 : i32 to vector<16xi32>
    %and3A_2159 = arith.andi %min3A_2153, %and3A_2158 : vector<16xi32>
    tpu.vector_store_idx %arg5[%shift_right_logical3A_2156, %and3A_2159], %get3A_2128 masked %and3A_2147 {add = true} : memref<64x512xf32, #tpu.memory_space<vmem>>[vector<16xi32>, vector<16xi32>], vector<16xf32>, vector<16xi1>
    %get3A_2160 = arith.constant 2 : i32
    %get3A_2161 = arith.constant 0 : i32
    %get3A_2162 = arith.index_cast %get3A_2160 : i32 to index
    %get3A_2163 = arith.index_cast %get3A_2161 : i32 to index
    %get3A_2164 = arith.constant 192 : index
    %get3A_2165 = tpu.vector_load %arg7[%get3A_2162, %get3A_2163, %get3A_2164] {strides = array<i32>} : memref<4x8x256xf32, #tpu.memory_space<vmem>>, vector<16xf32>,
    %get3A_2166 = arith.constant 2 : i32
    %get3A_2167 = arith.constant 0 : i32
    %get3A_2168 = arith.index_cast %get3A_2166 : i32 to index
    %get3A_2169 = arith.index_cast %get3A_2167 : i32 to index
    %get3A_2170 = arith.constant 192 : index
    %get3A_2171 = tpu.vector_load %arg8[%get3A_2168, %get3A_2169, %get3A_2170] {strides = array<i32>} : memref<4x8x256xi32, #tpu.memory_space<vmem>>, vector<16xi32>,
    %sub3A_2172 = vector.broadcast %mul3A_1715 : i32 to vector<16xi32>
    %sub3A_2173 = arith.subi %get3A_2171, %sub3A_2172 : vector<16xi32>
    %ne3A_2174 = arith.constant 0.000000e+00 : f32
    %ne3A_2175 = vector.broadcast %ne3A_2174 : f32 to vector<16xf32>
    %ne3A_2176 = arith.cmpf one, %get3A_2165, %ne3A_2175 : vector<16xf32>
    %ge3A_2177 = arith.constant 0 : i32
    %ge3A_2178 = vector.broadcast %ge3A_2177 : i32 to vector<16xi32>
    %ge3A_2179 = arith.cmpi sge, %sub3A_2173, %ge3A_2178 : vector<16xi32>
    %and3A_2180 = arith.andi %ne3A_2176, %ge3A_2179 : vector<16xi1>
    %lt3A_2181 = arith.constant 32768 : i32
    %lt3A_2182 = vector.broadcast %lt3A_2181 : i32 to vector<16xi32>
    %lt3A_2183 = arith.cmpi slt, %sub3A_2173, %lt3A_2182 : vector<16xi32>
    %and3A_2184 = arith.andi %and3A_2180, %lt3A_2183 : vector<16xi1>
    %max3A_2185 = arith.constant 0 : i32
    %max3A_2186 = vector.broadcast %max3A_2185 : i32 to vector<16xi32>
    %max3A_2187 = arith.maxsi %sub3A_2173, %max3A_2186 : vector<16xi32>
    %min3A_2188 = arith.constant 32767 : i32
    %min3A_2189 = vector.broadcast %min3A_2188 : i32 to vector<16xi32>
    %min3A_2190 = arith.minsi %max3A_2187, %min3A_2189 : vector<16xi32>
    %shift_right_logical3A_2191 = arith.constant 9 : i32
    %shift_right_logical3A_2192 = vector.broadcast %shift_right_logical3A_2191 : i32 to vector<16xi32>
    %shift_right_logical3A_2193 = arith.shrui %min3A_2190, %shift_right_logical3A_2192 : vector<16xi32>
    %and3A_2194 = arith.constant 511 : i32
    %and3A_2195 = vector.broadcast %and3A_2194 : i32 to vector<16xi32>
    %and3A_2196 = arith.andi %min3A_2190, %and3A_2195 : vector<16xi32>
    tpu.vector_store_idx %arg5[%shift_right_logical3A_2193, %and3A_2196], %get3A_2165 masked %and3A_2184 {add = true} : memref<64x512xf32, #tpu.memory_space<vmem>>[vector<16xi32>, vector<16xi32>], vector<16xf32>, vector<16xi1>
    %get3A_2197 = arith.constant 2 : i32
    %get3A_2198 = arith.constant 0 : i32
    %get3A_2199 = arith.index_cast %get3A_2197 : i32 to index
    %get3A_2200 = arith.index_cast %get3A_2198 : i32 to index
    %get3A_2201 = arith.constant 208 : index
    %get3A_2202 = tpu.vector_load %arg7[%get3A_2199, %get3A_2200, %get3A_2201] {strides = array<i32>} : memref<4x8x256xf32, #tpu.memory_space<vmem>>, vector<16xf32>,
    %get3A_2203 = arith.constant 2 : i32
    %get3A_2204 = arith.constant 0 : i32
    %get3A_2205 = arith.index_cast %get3A_2203 : i32 to index
    %get3A_2206 = arith.index_cast %get3A_2204 : i32 to index
    %get3A_2207 = arith.constant 208 : index
    %get3A_2208 = tpu.vector_load %arg8[%get3A_2205, %get3A_2206, %get3A_2207] {strides = array<i32>} : memref<4x8x256xi32, #tpu.memory_space<vmem>>, vector<16xi32>,
    %sub3A_2209 = vector.broadcast %mul3A_1715 : i32 to vector<16xi32>
    %sub3A_2210 = arith.subi %get3A_2208, %sub3A_2209 : vector<16xi32>
    %ne3A_2211 = arith.constant 0.000000e+00 : f32
    %ne3A_2212 = vector.broadcast %ne3A_2211 : f32 to vector<16xf32>
    %ne3A_2213 = arith.cmpf one, %get3A_2202, %ne3A_2212 : vector<16xf32>
    %ge3A_2214 = arith.constant 0 : i32
    %ge3A_2215 = vector.broadcast %ge3A_2214 : i32 to vector<16xi32>
    %ge3A_2216 = arith.cmpi sge, %sub3A_2210, %ge3A_2215 : vector<16xi32>
    %and3A_2217 = arith.andi %ne3A_2213, %ge3A_2216 : vector<16xi1>
    %lt3A_2218 = arith.constant 32768 : i32
    %lt3A_2219 = vector.broadcast %lt3A_2218 : i32 to vector<16xi32>
    %lt3A_2220 = arith.cmpi slt, %sub3A_2210, %lt3A_2219 : vector<16xi32>
    %and3A_2221 = arith.andi %and3A_2217, %lt3A_2220 : vector<16xi1>
    %max3A_2222 = arith.constant 0 : i32
    %max3A_2223 = vector.broadcast %max3A_2222 : i32 to vector<16xi32>
    %max3A_2224 = arith.maxsi %sub3A_2210, %max3A_2223 : vector<16xi32>
    %min3A_2225 = arith.constant 32767 : i32
    %min3A_2226 = vector.broadcast %min3A_2225 : i32 to vector<16xi32>
    %min3A_2227 = arith.minsi %max3A_2224, %min3A_2226 : vector<16xi32>
    %shift_right_logical3A_2228 = arith.constant 9 : i32
    %shift_right_logical3A_2229 = vector.broadcast %shift_right_logical3A_2228 : i32 to vector<16xi32>
    %shift_right_logical3A_2230 = arith.shrui %min3A_2227, %shift_right_logical3A_2229 : vector<16xi32>
    %and3A_2231 = arith.constant 511 : i32
    %and3A_2232 = vector.broadcast %and3A_2231 : i32 to vector<16xi32>
    %and3A_2233 = arith.andi %min3A_2227, %and3A_2232 : vector<16xi32>
    tpu.vector_store_idx %arg5[%shift_right_logical3A_2230, %and3A_2233], %get3A_2202 masked %and3A_2221 {add = true} : memref<64x512xf32, #tpu.memory_space<vmem>>[vector<16xi32>, vector<16xi32>], vector<16xf32>, vector<16xi1>
    %get3A_2234 = arith.constant 2 : i32
    %get3A_2235 = arith.constant 0 : i32
    %get3A_2236 = arith.index_cast %get3A_2234 : i32 to index
    %get3A_2237 = arith.index_cast %get3A_2235 : i32 to index
    %get3A_2238 = arith.constant 224 : index
    %get3A_2239 = tpu.vector_load %arg7[%get3A_2236, %get3A_2237, %get3A_2238] {strides = array<i32>} : memref<4x8x256xf32, #tpu.memory_space<vmem>>, vector<16xf32>,
    %get3A_2240 = arith.constant 2 : i32
    %get3A_2241 = arith.constant 0 : i32
    %get3A_2242 = arith.index_cast %get3A_2240 : i32 to index
    %get3A_2243 = arith.index_cast %get3A_2241 : i32 to index
    %get3A_2244 = arith.constant 224 : index
    %get3A_2245 = tpu.vector_load %arg8[%get3A_2242, %get3A_2243, %get3A_2244] {strides = array<i32>} : memref<4x8x256xi32, #tpu.memory_space<vmem>>, vector<16xi32>,
    %sub3A_2246 = vector.broadcast %mul3A_1715 : i32 to vector<16xi32>
    %sub3A_2247 = arith.subi %get3A_2245, %sub3A_2246 : vector<16xi32>
    %ne3A_2248 = arith.constant 0.000000e+00 : f32
    %ne3A_2249 = vector.broadcast %ne3A_2248 : f32 to vector<16xf32>
    %ne3A_2250 = arith.cmpf one, %get3A_2239, %ne3A_2249 : vector<16xf32>
    %ge3A_2251 = arith.constant 0 : i32
    %ge3A_2252 = vector.broadcast %ge3A_2251 : i32 to vector<16xi32>
    %ge3A_2253 = arith.cmpi sge, %sub3A_2247, %ge3A_2252 : vector<16xi32>
    %and3A_2254 = arith.andi %ne3A_2250, %ge3A_2253 : vector<16xi1>
    %lt3A_2255 = arith.constant 32768 : i32
    %lt3A_2256 = vector.broadcast %lt3A_2255 : i32 to vector<16xi32>
    %lt3A_2257 = arith.cmpi slt, %sub3A_2247, %lt3A_2256 : vector<16xi32>
    %and3A_2258 = arith.andi %and3A_2254, %lt3A_2257 : vector<16xi1>
    %max3A_2259 = arith.constant 0 : i32
    %max3A_2260 = vector.broadcast %max3A_2259 : i32 to vector<16xi32>
    %max3A_2261 = arith.maxsi %sub3A_2247, %max3A_2260 : vector<16xi32>
    %min3A_2262 = arith.constant 32767 : i32
    %min3A_2263 = vector.broadcast %min3A_2262 : i32 to vector<16xi32>
    %min3A_2264 = arith.minsi %max3A_2261, %min3A_2263 : vector<16xi32>
    %shift_right_logical3A_2265 = arith.constant 9 : i32
    %shift_right_logical3A_2266 = vector.broadcast %shift_right_logical3A_2265 : i32 to vector<16xi32>
    %shift_right_logical3A_2267 = arith.shrui %min3A_2264, %shift_right_logical3A_2266 : vector<16xi32>
    %and3A_2268 = arith.constant 511 : i32
    %and3A_2269 = vector.broadcast %and3A_2268 : i32 to vector<16xi32>
    %and3A_2270 = arith.andi %min3A_2264, %and3A_2269 : vector<16xi32>
    tpu.vector_store_idx %arg5[%shift_right_logical3A_2267, %and3A_2270], %get3A_2239 masked %and3A_2258 {add = true} : memref<64x512xf32, #tpu.memory_space<vmem>>[vector<16xi32>, vector<16xi32>], vector<16xf32>, vector<16xi1>
    %get3A_2271 = arith.constant 2 : i32
    %get3A_2272 = arith.constant 0 : i32
    %get3A_2273 = arith.index_cast %get3A_2271 : i32 to index
    %get3A_2274 = arith.index_cast %get3A_2272 : i32 to index
    %get3A_2275 = arith.constant 240 : index
    %get3A_2276 = tpu.vector_load %arg7[%get3A_2273, %get3A_2274, %get3A_2275] {strides = array<i32>} : memref<4x8x256xf32, #tpu.memory_space<vmem>>, vector<16xf32>,
    %get3A_2277 = arith.constant 2 : i32
    %get3A_2278 = arith.constant 0 : i32
    %get3A_2279 = arith.index_cast %get3A_2277 : i32 to index
    %get3A_2280 = arith.index_cast %get3A_2278 : i32 to index
    %get3A_2281 = arith.constant 240 : index
    %get3A_2282 = tpu.vector_load %arg8[%get3A_2279, %get3A_2280, %get3A_2281] {strides = array<i32>} : memref<4x8x256xi32, #tpu.memory_space<vmem>>, vector<16xi32>,
    %sub3A_2283 = vector.broadcast %mul3A_1715 : i32 to vector<16xi32>
    %sub3A_2284 = arith.subi %get3A_2282, %sub3A_2283 : vector<16xi32>
    %ne3A_2285 = arith.constant 0.000000e+00 : f32
    %ne3A_2286 = vector.broadcast %ne3A_2285 : f32 to vector<16xf32>
    %ne3A_2287 = arith.cmpf one, %get3A_2276, %ne3A_2286 : vector<16xf32>
    %ge3A_2288 = arith.constant 0 : i32
    %ge3A_2289 = vector.broadcast %ge3A_2288 : i32 to vector<16xi32>
    %ge3A_2290 = arith.cmpi sge, %sub3A_2284, %ge3A_2289 : vector<16xi32>
    %and3A_2291 = arith.andi %ne3A_2287, %ge3A_2290 : vector<16xi1>
    %lt3A_2292 = arith.constant 32768 : i32
    %lt3A_2293 = vector.broadcast %lt3A_2292 : i32 to vector<16xi32>
    %lt3A_2294 = arith.cmpi slt, %sub3A_2284, %lt3A_2293 : vector<16xi32>
    %and3A_2295 = arith.andi %and3A_2291, %lt3A_2294 : vector<16xi1>
    %max3A_2296 = arith.constant 0 : i32
    %max3A_2297 = vector.broadcast %max3A_2296 : i32 to vector<16xi32>
    %max3A_2298 = arith.maxsi %sub3A_2284, %max3A_2297 : vector<16xi32>
    %min3A_2299 = arith.constant 32767 : i32
    %min3A_2300 = vector.broadcast %min3A_2299 : i32 to vector<16xi32>
    %min3A_2301 = arith.minsi %max3A_2298, %min3A_2300 : vector<16xi32>
    %shift_right_logical3A_2302 = arith.constant 9 : i32
    %shift_right_logical3A_2303 = vector.broadcast %shift_right_logical3A_2302 : i32 to vector<16xi32>
    %shift_right_logical3A_2304 = arith.shrui %min3A_2301, %shift_right_logical3A_2303 : vector<16xi32>
    %and3A_2305 = arith.constant 511 : i32
    %and3A_2306 = vector.broadcast %and3A_2305 : i32 to vector<16xi32>
    %and3A_2307 = arith.andi %min3A_2301, %and3A_2306 : vector<16xi32>
    tpu.vector_store_idx %arg5[%shift_right_logical3A_2304, %and3A_2307], %get3A_2276 masked %and3A_2295 {add = true} : memref<64x512xf32, #tpu.memory_space<vmem>>[vector<16xi32>, vector<16xi32>], vector<16xf32>, vector<16xi1>
    %mul3A_2308 = arith.constant 64 : i32
    %mul3A_2309 = arith.muli %select_n3A_1707, %mul3A_2308 : i32
    %dma_start3A_2310 = arith.constant 0 : i32
    %dma_start3A_2311 = tpu.memref_slice %arg4[%select_n3A_1691, %mul3A_2309, %dma_start3A_2310] : memref<16x512x512xf32, #tpu.memory_space<hbm>> -> memref<1x64x512xf32, #tpu.memory_space<hbm>>
    %dma_start3A_2312 = tpu.memref_squeeze %dma_start3A_2311 : memref<1x64x512xf32, #tpu.memory_space<hbm>> -> memref<64x512xf32, #tpu.memory_space<hbm>>
    %dma_start3A_2313 = arith.constant 0 : i32
    %dma_start3A_2314 = tpu.memref_slice %arg4[%select_n3A_1691, %mul3A_2309, %dma_start3A_2313] : memref<16x512x512xf32, #tpu.memory_space<hbm>> -> memref<1x64x512xf32, #tpu.memory_space<hbm>>
    %dma_start3A_2315 = tpu.memref_squeeze %dma_start3A_2314 : memref<1x64x512xf32, #tpu.memory_space<hbm>> -> memref<64x512xf32, #tpu.memory_space<hbm>>
    tpu.enqueue_dma source(%arg5 : memref<64x512xf32, #tpu.memory_space<vmem>>) target(%dma_start3A_2315 : memref<64x512xf32, #tpu.memory_space<hbm>>) target_semaphore(%arg10 : memref<!tpu.dma_semaphore, #tpu.memory_space<semaphore_mem>>)
    %dma_wait3A_2316 = arith.constant 0 : i32
    %dma_wait3A_2317 = tpu.memref_slice %arg4[%select_n3A_1035, %mul3A_1653, %dma_wait3A_2316] : memref<16x512x512xf32, #tpu.memory_space<hbm>> -> memref<1x64x512xf32, #tpu.memory_space<hbm>>
    %dma_wait3A_2318 = tpu.memref_squeeze %dma_wait3A_2317 : memref<1x64x512xf32, #tpu.memory_space<hbm>> -> memref<64x512xf32, #tpu.memory_space<hbm>>
    %dma_wait3A_2319 = arith.constant 0 : i32
    %dma_wait3A_2320 = tpu.memref_slice %arg4[%select_n3A_1035, %mul3A_1653, %dma_wait3A_2319] : memref<16x512x512xf32, #tpu.memory_space<hbm>> -> memref<1x64x512xf32, #tpu.memory_space<hbm>>
    %dma_wait3A_2321 = tpu.memref_squeeze %dma_wait3A_2320 : memref<1x64x512xf32, #tpu.memory_space<hbm>> -> memref<64x512xf32, #tpu.memory_space<hbm>>
    tpu.wait_dma2 semaphore(%arg11 : memref<!tpu.dma_semaphore, #tpu.memory_space<semaphore_mem>>) src(%arg6 : memref<64x512xf32, #tpu.memory_space<vmem>>) dst(%dma_wait3A_2321 : memref<64x512xf32, #tpu.memory_space<hbm>>)
    %add3A_2322 = arith.constant 96 : i32
    %add3A_2323 = arith.addi %add3A, %add3A_2322 : i32
    %jit3A_2324 = arith.constant 8 : i32
    %div3A_2325 = arith.divsi %add3A_2323, %jit3A_2324 : i32
    %sign3A_2326 = arith.constant 0 : i32
    %sign3A_2327 = arith.cmpi sgt, %add3A_2323, %sign3A_2326 : i32
    %sign3A_2328 = arith.extui %sign3A_2327 : i1 to i32
    %sign3A_2329 = arith.constant 0 : i32
    %sign3A_2330 = arith.cmpi slt, %add3A_2323, %sign3A_2329 : i32
    %sign3A_2331 = arith.extui %sign3A_2330 : i1 to i32
    %sign3A_2332 = arith.subi %sign3A_2328, %sign3A_2331 : i32
    %sign3A_2333 = arith.constant 0 : i32
    %sign3A_2334 = arith.cmpi sgt, %jit3A_2324, %sign3A_2333 : i32
    %sign3A_2335 = arith.extui %sign3A_2334 : i1 to i32
    %sign3A_2336 = arith.constant 0 : i32
    %sign3A_2337 = arith.cmpi slt, %jit3A_2324, %sign3A_2336 : i32
    %sign3A_2338 = arith.extui %sign3A_2337 : i1 to i32
    %sign3A_2339 = arith.subi %sign3A_2335, %sign3A_2338 : i32
    %ne3A_2340 = arith.cmpi ne, %sign3A_2332, %sign3A_2339 : i32
    %rem3A_2341 = arith.remsi %add3A_2323, %jit3A_2324 : i32
    %ne3A_2342 = arith.constant 0 : i32
    %ne3A_2343 = arith.cmpi ne, %rem3A_2341, %ne3A_2342 : i32
    %and3A_2344 = arith.andi %ne3A_2340, %ne3A_2343 : i1
    %sub3A_2345 = arith.constant 1 : i32
    %sub3A_2346 = arith.subi %div3A_2325, %sub3A_2345 : i32
    %select_n3A_2347 = arith.select %and3A_2344, %sub3A_2346, %div3A_2325 : i32
    %jit3A_2348 = arith.constant 8 : i32
    %eq3A_2349 = arith.constant 0 : i32
    %eq3A_2350 = arith.cmpi eq, %jit3A_2348, %eq3A_2349 : i32
    %jit3A_2351 = arith.constant 1 : i32
    %select_n3A_2352 = arith.select %eq3A_2350, %jit3A_2351, %jit3A_2348 : i32
    %rem3A_2353 = arith.remsi %add3A_2323, %select_n3A_2352 : i32
    %ne3A_2354 = arith.constant 0 : i32
    %ne3A_2355 = arith.cmpi ne, %rem3A_2353, %ne3A_2354 : i32
    %lt3A_2356 = arith.constant 0 : i32
    %lt3A_2357 = arith.cmpi slt, %rem3A_2353, %lt3A_2356 : i32
    %lt3A_2358 = arith.constant 0 : i32
    %lt3A_2359 = arith.cmpi slt, %select_n3A_2352, %lt3A_2358 : i32
    %ne3A_2360 = arith.xori %lt3A_2357, %lt3A_2359 : i1
    %and3A_2361 = arith.andi %ne3A_2360, %ne3A_2355 : i1
    %add3A_2362 = arith.addi %rem3A_2353, %select_n3A_2352 : i32
    %select_n3A_2363 = arith.select %and3A_2361, %add3A_2362, %rem3A_2353 : i32
    %scan3A_2364 = arith.constant 0 : i32
    %scan3A_2365 = arith.constant 0 : i32
    %scan3A_2366 = arith.constant 32 : i32
    %scan3A_2367 = arith.addi %scan3A_2365, %scan3A_2366 : i32
    %scan3A_2368 = arith.constant 1 : i32
    scf.for %scan3A_2984 = %scan3A_2365 to %scan3A_2367 step %scan3A_2368  : i32 {
      %mul3A_2985 = arith.constant 2 : i32
      %mul3A_2986 = arith.muli %scan3A_2984, %mul3A_2985 : i32
      %add3A_2987 = arith.constant 0 : i32
      %add3A_2988 = arith.addi %mul3A_2986, %add3A_2987 : i32
      %swap3A = arith.index_cast %add3A_2988 : i32 to index
      %swap3A_2989 = arith.constant 0 : index
      %swap3A_2990 = tpu.vector_load %arg6[%swap3A, %swap3A_2989] {strides = array<i32>} : memref<64x512xf32, #tpu.memory_space<vmem>>, vector<16xf32>,
      tpu.vector_store %arg6[%swap3A, %swap3A_2989], %broadcast_in_dim3A_1 {strides = array<i32>} : memref<64x512xf32, #tpu.memory_space<vmem>>, vector<16xf32>,
      %mul3A_2991 = arith.constant 2 : i32
      %mul3A_2992 = arith.muli %scan3A_2984, %mul3A_2991 : i32
      %add3A_2993 = arith.constant 0 : i32
      %add3A_2994 = arith.addi %mul3A_2992, %add3A_2993 : i32
      %swap3A_2995 = arith.index_cast %add3A_2994 : i32 to index
      %swap3A_2996 = arith.constant 16 : index
      %swap3A_2997 = tpu.vector_load %arg6[%swap3A_2995, %swap3A_2996] {strides = array<i32>} : memref<64x512xf32, #tpu.memory_space<vmem>>, vector<16xf32>,
      tpu.vector_store %arg6[%swap3A_2995, %swap3A_2996], %broadcast_in_dim3A_1 {strides = array<i32>} : memref<64x512xf32, #tpu.memory_space<vmem>>, vector<16xf32>,
      %mul3A_2998 = arith.constant 2 : i32
      %mul3A_2999 = arith.muli %scan3A_2984, %mul3A_2998 : i32
      %add3A_3000 = arith.constant 0 : i32
      %add3A_3001 = arith.addi %mul3A_2999, %add3A_3000 : i32
      %swap3A_3002 = arith.index_cast %add3A_3001 : i32 to index
      %swap3A_3003 = arith.constant 32 : index
      %swap3A_3004 = tpu.vector_load %arg6[%swap3A_3002, %swap3A_3003] {strides = array<i32>} : memref<64x512xf32, #tpu.memory_space<vmem>>, vector<16xf32>,
      tpu.vector_store %arg6[%swap3A_3002, %swap3A_3003], %broadcast_in_dim3A_1 {strides = array<i32>} : memref<64x512xf32, #tpu.memory_space<vmem>>, vector<16xf32>,
      %mul3A_3005 = arith.constant 2 : i32
      %mul3A_3006 = arith.muli %scan3A_2984, %mul3A_3005 : i32
      %add3A_3007 = arith.constant 0 : i32
      %add3A_3008 = arith.addi %mul3A_3006, %add3A_3007 : i32
      %swap3A_3009 = arith.index_cast %add3A_3008 : i32 to index
      %swap3A_3010 = arith.constant 48 : index
      %swap3A_3011 = tpu.vector_load %arg6[%swap3A_3009, %swap3A_3010] {strides = array<i32>} : memref<64x512xf32, #tpu.memory_space<vmem>>, vector<16xf32>,
      tpu.vector_store %arg6[%swap3A_3009, %swap3A_3010], %broadcast_in_dim3A_1 {strides = array<i32>} : memref<64x512xf32, #tpu.memory_space<vmem>>, vector<16xf32>,
      %mul3A_3012 = arith.constant 2 : i32
      %mul3A_3013 = arith.muli %scan3A_2984, %mul3A_3012 : i32
      %add3A_3014 = arith.constant 0 : i32
      %add3A_3015 = arith.addi %mul3A_3013, %add3A_3014 : i32
      %swap3A_3016 = arith.index_cast %add3A_3015 : i32 to index
      %swap3A_3017 = arith.constant 64 : index
      %swap3A_3018 = tpu.vector_load %arg6[%swap3A_3016, %swap3A_3017] {strides = array<i32>} : memref<64x512xf32, #tpu.memory_space<vmem>>, vector<16xf32>,
      tpu.vector_store %arg6[%swap3A_3016, %swap3A_3017], %broadcast_in_dim3A_1 {strides = array<i32>} : memref<64x512xf32, #tpu.memory_space<vmem>>, vector<16xf32>,
      %mul3A_3019 = arith.constant 2 : i32
      %mul3A_3020 = arith.muli %scan3A_2984, %mul3A_3019 : i32
      %add3A_3021 = arith.constant 0 : i32
      %add3A_3022 = arith.addi %mul3A_3020, %add3A_3021 : i32
      %swap3A_3023 = arith.index_cast %add3A_3022 : i32 to index
      %swap3A_3024 = arith.constant 80 : index
      %swap3A_3025 = tpu.vector_load %arg6[%swap3A_3023, %swap3A_3024] {strides = array<i32>} : memref<64x512xf32, #tpu.memory_space<vmem>>, vector<16xf32>,
      tpu.vector_store %arg6[%swap3A_3023, %swap3A_3024], %broadcast_in_dim3A_1 {strides = array<i32>} : memref<64x512xf32, #tpu.memory_space<vmem>>, vector<16xf32>,
      %mul3A_3026 = arith.constant 2 : i32
      %mul3A_3027 = arith.muli %scan3A_2984, %mul3A_3026 : i32
      %add3A_3028 = arith.constant 0 : i32
      %add3A_3029 = arith.addi %mul3A_3027, %add3A_3028 : i32
      %swap3A_3030 = arith.index_cast %add3A_3029 : i32 to index
      %swap3A_3031 = arith.constant 96 : index
      %swap3A_3032 = tpu.vector_load %arg6[%swap3A_3030, %swap3A_3031] {strides = array<i32>} : memref<64x512xf32, #tpu.memory_space<vmem>>, vector<16xf32>,
      tpu.vector_store %arg6[%swap3A_3030, %swap3A_3031], %broadcast_in_dim3A_1 {strides = array<i32>} : memref<64x512xf32, #tpu.memory_space<vmem>>, vector<16xf32>,
      %mul3A_3033 = arith.constant 2 : i32
      %mul3A_3034 = arith.muli %scan3A_2984, %mul3A_3033 : i32
      %add3A_3035 = arith.constant 0 : i32
      %add3A_3036 = arith.addi %mul3A_3034, %add3A_3035 : i32
      %swap3A_3037 = arith.index_cast %add3A_3036 : i32 to index
      %swap3A_3038 = arith.constant 112 : index
      %swap3A_3039 = tpu.vector_load %arg6[%swap3A_3037, %swap3A_3038] {strides = array<i32>} : memref<64x512xf32, #tpu.memory_space<vmem>>, vector<16xf32>,
      tpu.vector_store %arg6[%swap3A_3037, %swap3A_3038], %broadcast_in_dim3A_1 {strides = array<i32>} : memref<64x512xf32, #tpu.memory_space<vmem>>, vector<16xf32>,
      %mul3A_3040 = arith.constant 2 : i32
      %mul3A_3041 = arith.muli %scan3A_2984, %mul3A_3040 : i32
      %add3A_3042 = arith.constant 0 : i32
      %add3A_3043 = arith.addi %mul3A_3041, %add3A_3042 : i32
      %swap3A_3044 = arith.index_cast %add3A_3043 : i32 to index
      %swap3A_3045 = arith.constant 128 : index
      %swap3A_3046 = tpu.vector_load %arg6[%swap3A_3044, %swap3A_3045] {strides = array<i32>} : memref<64x512xf32, #tpu.memory_space<vmem>>, vector<16xf32>,
      tpu.vector_store %arg6[%swap3A_3044, %swap3A_3045], %broadcast_in_dim3A_1 {strides = array<i32>} : memref<64x512xf32, #tpu.memory_space<vmem>>, vector<16xf32>,
      %mul3A_3047 = arith.constant 2 : i32
      %mul3A_3048 = arith.muli %scan3A_2984, %mul3A_3047 : i32
      %add3A_3049 = arith.constant 0 : i32
      %add3A_3050 = arith.addi %mul3A_3048, %add3A_3049 : i32
      %swap3A_3051 = arith.index_cast %add3A_3050 : i32 to index
      %swap3A_3052 = arith.constant 144 : index
      %swap3A_3053 = tpu.vector_load %arg6[%swap3A_3051, %swap3A_3052] {strides = array<i32>} : memref<64x512xf32, #tpu.memory_space<vmem>>, vector<16xf32>,
      tpu.vector_store %arg6[%swap3A_3051, %swap3A_3052], %broadcast_in_dim3A_1 {strides = array<i32>} : memref<64x512xf32, #tpu.memory_space<vmem>>, vector<16xf32>,
      %mul3A_3054 = arith.constant 2 : i32
      %mul3A_3055 = arith.muli %scan3A_2984, %mul3A_3054 : i32
      %add3A_3056 = arith.constant 0 : i32
      %add3A_3057 = arith.addi %mul3A_3055, %add3A_3056 : i32
      %swap3A_3058 = arith.index_cast %add3A_3057 : i32 to index
      %swap3A_3059 = arith.constant 160 : index
      %swap3A_3060 = tpu.vector_load %arg6[%swap3A_3058, %swap3A_3059] {strides = array<i32>} : memref<64x512xf32, #tpu.memory_space<vmem>>, vector<16xf32>,
      tpu.vector_store %arg6[%swap3A_3058, %swap3A_3059], %broadcast_in_dim3A_1 {strides = array<i32>} : memref<64x512xf32, #tpu.memory_space<vmem>>, vector<16xf32>,
      %mul3A_3061 = arith.constant 2 : i32
      %mul3A_3062 = arith.muli %scan3A_2984, %mul3A_3061 : i32
      %add3A_3063 = arith.constant 0 : i32
      %add3A_3064 = arith.addi %mul3A_3062, %add3A_3063 : i32
      %swap3A_3065 = arith.index_cast %add3A_3064 : i32 to index
      %swap3A_3066 = arith.constant 176 : index
      %swap3A_3067 = tpu.vector_load %arg6[%swap3A_3065, %swap3A_3066] {strides = array<i32>} : memref<64x512xf32, #tpu.memory_space<vmem>>, vector<16xf32>,
      tpu.vector_store %arg6[%swap3A_3065, %swap3A_3066], %broadcast_in_dim3A_1 {strides = array<i32>} : memref<64x512xf32, #tpu.memory_space<vmem>>, vector<16xf32>,
      %mul3A_3068 = arith.constant 2 : i32
      %mul3A_3069 = arith.muli %scan3A_2984, %mul3A_3068 : i32
      %add3A_3070 = arith.constant 0 : i32
      %add3A_3071 = arith.addi %mul3A_3069, %add3A_3070 : i32
      %swap3A_3072 = arith.index_cast %add3A_3071 : i32 to index
      %swap3A_3073 = arith.constant 192 : index
      %swap3A_3074 = tpu.vector_load %arg6[%swap3A_3072, %swap3A_3073] {strides = array<i32>} : memref<64x512xf32, #tpu.memory_space<vmem>>, vector<16xf32>,
      tpu.vector_store %arg6[%swap3A_3072, %swap3A_3073], %broadcast_in_dim3A_1 {strides = array<i32>} : memref<64x512xf32, #tpu.memory_space<vmem>>, vector<16xf32>,
      %mul3A_3075 = arith.constant 2 : i32
      %mul3A_3076 = arith.muli %scan3A_2984, %mul3A_3075 : i32
      %add3A_3077 = arith.constant 0 : i32
      %add3A_3078 = arith.addi %mul3A_3076, %add3A_3077 : i32
      %swap3A_3079 = arith.index_cast %add3A_3078 : i32 to index
      %swap3A_3080 = arith.constant 208 : index
      %swap3A_3081 = tpu.vector_load %arg6[%swap3A_3079, %swap3A_3080] {strides = array<i32>} : memref<64x512xf32, #tpu.memory_space<vmem>>, vector<16xf32>,
      tpu.vector_store %arg6[%swap3A_3079, %swap3A_3080], %broadcast_in_dim3A_1 {strides = array<i32>} : memref<64x512xf32, #tpu.memory_space<vmem>>, vector<16xf32>,
      %mul3A_3082 = arith.constant 2 : i32
      %mul3A_3083 = arith.muli %scan3A_2984, %mul3A_3082 : i32
      %add3A_3084 = arith.constant 0 : i32
      %add3A_3085 = arith.addi %mul3A_3083, %add3A_3084 : i32
      %swap3A_3086 = arith.index_cast %add3A_3085 : i32 to index
      %swap3A_3087 = arith.constant 224 : index
      %swap3A_3088 = tpu.vector_load %arg6[%swap3A_3086, %swap3A_3087] {strides = array<i32>} : memref<64x512xf32, #tpu.memory_space<vmem>>, vector<16xf32>,
      tpu.vector_store %arg6[%swap3A_3086, %swap3A_3087], %broadcast_in_dim3A_1 {strides = array<i32>} : memref<64x512xf32, #tpu.memory_space<vmem>>, vector<16xf32>,
      %mul3A_3089 = arith.constant 2 : i32
      %mul3A_3090 = arith.muli %scan3A_2984, %mul3A_3089 : i32
      %add3A_3091 = arith.constant 0 : i32
      %add3A_3092 = arith.addi %mul3A_3090, %add3A_3091 : i32
      %swap3A_3093 = arith.index_cast %add3A_3092 : i32 to index
      %swap3A_3094 = arith.constant 240 : index
      %swap3A_3095 = tpu.vector_load %arg6[%swap3A_3093, %swap3A_3094] {strides = array<i32>} : memref<64x512xf32, #tpu.memory_space<vmem>>, vector<16xf32>,
      tpu.vector_store %arg6[%swap3A_3093, %swap3A_3094], %broadcast_in_dim3A_1 {strides = array<i32>} : memref<64x512xf32, #tpu.memory_space<vmem>>, vector<16xf32>,
      %mul3A_3096 = arith.constant 2 : i32
      %mul3A_3097 = arith.muli %scan3A_2984, %mul3A_3096 : i32
      %add3A_3098 = arith.constant 0 : i32
      %add3A_3099 = arith.addi %mul3A_3097, %add3A_3098 : i32
      %swap3A_3100 = arith.index_cast %add3A_3099 : i32 to index
      %swap3A_3101 = arith.constant 256 : index
      %swap3A_3102 = tpu.vector_load %arg6[%swap3A_3100, %swap3A_3101] {strides = array<i32>} : memref<64x512xf32, #tpu.memory_space<vmem>>, vector<16xf32>,
      tpu.vector_store %arg6[%swap3A_3100, %swap3A_3101], %broadcast_in_dim3A_1 {strides = array<i32>} : memref<64x512xf32, #tpu.memory_space<vmem>>, vector<16xf32>,
      %mul3A_3103 = arith.constant 2 : i32
      %mul3A_3104 = arith.muli %scan3A_2984, %mul3A_3103 : i32
      %add3A_3105 = arith.constant 0 : i32
      %add3A_3106 = arith.addi %mul3A_3104, %add3A_3105 : i32
      %swap3A_3107 = arith.index_cast %add3A_3106 : i32 to index
      %swap3A_3108 = arith.constant 272 : index
      %swap3A_3109 = tpu.vector_load %arg6[%swap3A_3107, %swap3A_3108] {strides = array<i32>} : memref<64x512xf32, #tpu.memory_space<vmem>>, vector<16xf32>,
      tpu.vector_store %arg6[%swap3A_3107, %swap3A_3108], %broadcast_in_dim3A_1 {strides = array<i32>} : memref<64x512xf32, #tpu.memory_space<vmem>>, vector<16xf32>,
      %mul3A_3110 = arith.constant 2 : i32
      %mul3A_3111 = arith.muli %scan3A_2984, %mul3A_3110 : i32
      %add3A_3112 = arith.constant 0 : i32
      %add3A_3113 = arith.addi %mul3A_3111, %add3A_3112 : i32
      %swap3A_3114 = arith.index_cast %add3A_3113 : i32 to index
      %swap3A_3115 = arith.constant 288 : index
      %swap3A_3116 = tpu.vector_load %arg6[%swap3A_3114, %swap3A_3115] {strides = array<i32>} : memref<64x512xf32, #tpu.memory_space<vmem>>, vector<16xf32>,
      tpu.vector_store %arg6[%swap3A_3114, %swap3A_3115], %broadcast_in_dim3A_1 {strides = array<i32>} : memref<64x512xf32, #tpu.memory_space<vmem>>, vector<16xf32>,
      %mul3A_3117 = arith.constant 2 : i32
      %mul3A_3118 = arith.muli %scan3A_2984, %mul3A_3117 : i32
      %add3A_3119 = arith.constant 0 : i32
      %add3A_3120 = arith.addi %mul3A_3118, %add3A_3119 : i32
      %swap3A_3121 = arith.index_cast %add3A_3120 : i32 to index
      %swap3A_3122 = arith.constant 304 : index
      %swap3A_3123 = tpu.vector_load %arg6[%swap3A_3121, %swap3A_3122] {strides = array<i32>} : memref<64x512xf32, #tpu.memory_space<vmem>>, vector<16xf32>,
      tpu.vector_store %arg6[%swap3A_3121, %swap3A_3122], %broadcast_in_dim3A_1 {strides = array<i32>} : memref<64x512xf32, #tpu.memory_space<vmem>>, vector<16xf32>,
      %mul3A_3124 = arith.constant 2 : i32
      %mul3A_3125 = arith.muli %scan3A_2984, %mul3A_3124 : i32
      %add3A_3126 = arith.constant 0 : i32
      %add3A_3127 = arith.addi %mul3A_3125, %add3A_3126 : i32
      %swap3A_3128 = arith.index_cast %add3A_3127 : i32 to index
      %swap3A_3129 = arith.constant 320 : index
      %swap3A_3130 = tpu.vector_load %arg6[%swap3A_3128, %swap3A_3129] {strides = array<i32>} : memref<64x512xf32, #tpu.memory_space<vmem>>, vector<16xf32>,
      tpu.vector_store %arg6[%swap3A_3128, %swap3A_3129], %broadcast_in_dim3A_1 {strides = array<i32>} : memref<64x512xf32, #tpu.memory_space<vmem>>, vector<16xf32>,
      %mul3A_3131 = arith.constant 2 : i32
      %mul3A_3132 = arith.muli %scan3A_2984, %mul3A_3131 : i32
      %add3A_3133 = arith.constant 0 : i32
      %add3A_3134 = arith.addi %mul3A_3132, %add3A_3133 : i32
      %swap3A_3135 = arith.index_cast %add3A_3134 : i32 to index
      %swap3A_3136 = arith.constant 336 : index
      %swap3A_3137 = tpu.vector_load %arg6[%swap3A_3135, %swap3A_3136] {strides = array<i32>} : memref<64x512xf32, #tpu.memory_space<vmem>>, vector<16xf32>,
      tpu.vector_store %arg6[%swap3A_3135, %swap3A_3136], %broadcast_in_dim3A_1 {strides = array<i32>} : memref<64x512xf32, #tpu.memory_space<vmem>>, vector<16xf32>,
      %mul3A_3138 = arith.constant 2 : i32
      %mul3A_3139 = arith.muli %scan3A_2984, %mul3A_3138 : i32
      %add3A_3140 = arith.constant 0 : i32
      %add3A_3141 = arith.addi %mul3A_3139, %add3A_3140 : i32
      %swap3A_3142 = arith.index_cast %add3A_3141 : i32 to index
      %swap3A_3143 = arith.constant 352 : index
      %swap3A_3144 = tpu.vector_load %arg6[%swap3A_3142, %swap3A_3143] {strides = array<i32>} : memref<64x512xf32, #tpu.memory_space<vmem>>, vector<16xf32>,
      tpu.vector_store %arg6[%swap3A_3142, %swap3A_3143], %broadcast_in_dim3A_1 {strides = array<i32>} : memref<64x512xf32, #tpu.memory_space<vmem>>, vector<16xf32>,
      %mul3A_3145 = arith.constant 2 : i32
      %mul3A_3146 = arith.muli %scan3A_2984, %mul3A_3145 : i32
      %add3A_3147 = arith.constant 0 : i32
      %add3A_3148 = arith.addi %mul3A_3146, %add3A_3147 : i32
      %swap3A_3149 = arith.index_cast %add3A_3148 : i32 to index
      %swap3A_3150 = arith.constant 368 : index
      %swap3A_3151 = tpu.vector_load %arg6[%swap3A_3149, %swap3A_3150] {strides = array<i32>} : memref<64x512xf32, #tpu.memory_space<vmem>>, vector<16xf32>,
      tpu.vector_store %arg6[%swap3A_3149, %swap3A_3150], %broadcast_in_dim3A_1 {strides = array<i32>} : memref<64x512xf32, #tpu.memory_space<vmem>>, vector<16xf32>,
      %mul3A_3152 = arith.constant 2 : i32
      %mul3A_3153 = arith.muli %scan3A_2984, %mul3A_3152 : i32
      %add3A_3154 = arith.constant 0 : i32
      %add3A_3155 = arith.addi %mul3A_3153, %add3A_3154 : i32
      %swap3A_3156 = arith.index_cast %add3A_3155 : i32 to index
      %swap3A_3157 = arith.constant 384 : index
      %swap3A_3158 = tpu.vector_load %arg6[%swap3A_3156, %swap3A_3157] {strides = array<i32>} : memref<64x512xf32, #tpu.memory_space<vmem>>, vector<16xf32>,
      tpu.vector_store %arg6[%swap3A_3156, %swap3A_3157], %broadcast_in_dim3A_1 {strides = array<i32>} : memref<64x512xf32, #tpu.memory_space<vmem>>, vector<16xf32>,
      %mul3A_3159 = arith.constant 2 : i32
      %mul3A_3160 = arith.muli %scan3A_2984, %mul3A_3159 : i32
      %add3A_3161 = arith.constant 0 : i32
      %add3A_3162 = arith.addi %mul3A_3160, %add3A_3161 : i32
      %swap3A_3163 = arith.index_cast %add3A_3162 : i32 to index
      %swap3A_3164 = arith.constant 400 : index
      %swap3A_3165 = tpu.vector_load %arg6[%swap3A_3163, %swap3A_3164] {strides = array<i32>} : memref<64x512xf32, #tpu.memory_space<vmem>>, vector<16xf32>,
      tpu.vector_store %arg6[%swap3A_3163, %swap3A_3164], %broadcast_in_dim3A_1 {strides = array<i32>} : memref<64x512xf32, #tpu.memory_space<vmem>>, vector<16xf32>,
      %mul3A_3166 = arith.constant 2 : i32
      %mul3A_3167 = arith.muli %scan3A_2984, %mul3A_3166 : i32
      %add3A_3168 = arith.constant 0 : i32
      %add3A_3169 = arith.addi %mul3A_3167, %add3A_3168 : i32
      %swap3A_3170 = arith.index_cast %add3A_3169 : i32 to index
      %swap3A_3171 = arith.constant 416 : index
      %swap3A_3172 = tpu.vector_load %arg6[%swap3A_3170, %swap3A_3171] {strides = array<i32>} : memref<64x512xf32, #tpu.memory_space<vmem>>, vector<16xf32>,
      tpu.vector_store %arg6[%swap3A_3170, %swap3A_3171], %broadcast_in_dim3A_1 {strides = array<i32>} : memref<64x512xf32, #tpu.memory_space<vmem>>, vector<16xf32>,
      %mul3A_3173 = arith.constant 2 : i32
      %mul3A_3174 = arith.muli %scan3A_2984, %mul3A_3173 : i32
      %add3A_3175 = arith.constant 0 : i32
      %add3A_3176 = arith.addi %mul3A_3174, %add3A_3175 : i32
      %swap3A_3177 = arith.index_cast %add3A_3176 : i32 to index
      %swap3A_3178 = arith.constant 432 : index
      %swap3A_3179 = tpu.vector_load %arg6[%swap3A_3177, %swap3A_3178] {strides = array<i32>} : memref<64x512xf32, #tpu.memory_space<vmem>>, vector<16xf32>,
      tpu.vector_store %arg6[%swap3A_3177, %swap3A_3178], %broadcast_in_dim3A_1 {strides = array<i32>} : memref<64x512xf32, #tpu.memory_space<vmem>>, vector<16xf32>,
      %mul3A_3180 = arith.constant 2 : i32
      %mul3A_3181 = arith.muli %scan3A_2984, %mul3A_3180 : i32
      %add3A_3182 = arith.constant 0 : i32
      %add3A_3183 = arith.addi %mul3A_3181, %add3A_3182 : i32
      %swap3A_3184 = arith.index_cast %add3A_3183 : i32 to index
      %swap3A_3185 = arith.constant 448 : index
      %swap3A_3186 = tpu.vector_load %arg6[%swap3A_3184, %swap3A_3185] {strides = array<i32>} : memref<64x512xf32, #tpu.memory_space<vmem>>, vector<16xf32>,
      tpu.vector_store %arg6[%swap3A_3184, %swap3A_3185], %broadcast_in_dim3A_1 {strides = array<i32>} : memref<64x512xf32, #tpu.memory_space<vmem>>, vector<16xf32>,
      %mul3A_3187 = arith.constant 2 : i32
      %mul3A_3188 = arith.muli %scan3A_2984, %mul3A_3187 : i32
      %add3A_3189 = arith.constant 0 : i32
      %add3A_3190 = arith.addi %mul3A_3188, %add3A_3189 : i32
      %swap3A_3191 = arith.index_cast %add3A_3190 : i32 to index
      %swap3A_3192 = arith.constant 464 : index
      %swap3A_3193 = tpu.vector_load %arg6[%swap3A_3191, %swap3A_3192] {strides = array<i32>} : memref<64x512xf32, #tpu.memory_space<vmem>>, vector<16xf32>,
      tpu.vector_store %arg6[%swap3A_3191, %swap3A_3192], %broadcast_in_dim3A_1 {strides = array<i32>} : memref<64x512xf32, #tpu.memory_space<vmem>>, vector<16xf32>,
      %mul3A_3194 = arith.constant 2 : i32
      %mul3A_3195 = arith.muli %scan3A_2984, %mul3A_3194 : i32
      %add3A_3196 = arith.constant 0 : i32
      %add3A_3197 = arith.addi %mul3A_3195, %add3A_3196 : i32
      %swap3A_3198 = arith.index_cast %add3A_3197 : i32 to index
      %swap3A_3199 = arith.constant 480 : index
      %swap3A_3200 = tpu.vector_load %arg6[%swap3A_3198, %swap3A_3199] {strides = array<i32>} : memref<64x512xf32, #tpu.memory_space<vmem>>, vector<16xf32>,
      tpu.vector_store %arg6[%swap3A_3198, %swap3A_3199], %broadcast_in_dim3A_1 {strides = array<i32>} : memref<64x512xf32, #tpu.memory_space<vmem>>, vector<16xf32>,
      %mul3A_3201 = arith.constant 2 : i32
      %mul3A_3202 = arith.muli %scan3A_2984, %mul3A_3201 : i32
      %add3A_3203 = arith.constant 0 : i32
      %add3A_3204 = arith.addi %mul3A_3202, %add3A_3203 : i32
      %swap3A_3205 = arith.index_cast %add3A_3204 : i32 to index
      %swap3A_3206 = arith.constant 496 : index
      %swap3A_3207 = tpu.vector_load %arg6[%swap3A_3205, %swap3A_3206] {strides = array<i32>} : memref<64x512xf32, #tpu.memory_space<vmem>>, vector<16xf32>,
      tpu.vector_store %arg6[%swap3A_3205, %swap3A_3206], %broadcast_in_dim3A_1 {strides = array<i32>} : memref<64x512xf32, #tpu.memory_space<vmem>>, vector<16xf32>,
      %mul3A_3208 = arith.constant 2 : i32
      %mul3A_3209 = arith.muli %scan3A_2984, %mul3A_3208 : i32
      %add3A_3210 = arith.constant 1 : i32
      %add3A_3211 = arith.addi %mul3A_3209, %add3A_3210 : i32
      %swap3A_3212 = arith.index_cast %add3A_3211 : i32 to index
      %swap3A_3213 = arith.constant 0 : index
      %swap3A_3214 = tpu.vector_load %arg6[%swap3A_3212, %swap3A_3213] {strides = array<i32>} : memref<64x512xf32, #tpu.memory_space<vmem>>, vector<16xf32>,
      tpu.vector_store %arg6[%swap3A_3212, %swap3A_3213], %broadcast_in_dim3A_1 {strides = array<i32>} : memref<64x512xf32, #tpu.memory_space<vmem>>, vector<16xf32>,
      %mul3A_3215 = arith.constant 2 : i32
      %mul3A_3216 = arith.muli %scan3A_2984, %mul3A_3215 : i32
      %add3A_3217 = arith.constant 1 : i32
      %add3A_3218 = arith.addi %mul3A_3216, %add3A_3217 : i32
      %swap3A_3219 = arith.index_cast %add3A_3218 : i32 to index
      %swap3A_3220 = arith.constant 16 : index
      %swap3A_3221 = tpu.vector_load %arg6[%swap3A_3219, %swap3A_3220] {strides = array<i32>} : memref<64x512xf32, #tpu.memory_space<vmem>>, vector<16xf32>,
      tpu.vector_store %arg6[%swap3A_3219, %swap3A_3220], %broadcast_in_dim3A_1 {strides = array<i32>} : memref<64x512xf32, #tpu.memory_space<vmem>>, vector<16xf32>,
      %mul3A_3222 = arith.constant 2 : i32
      %mul3A_3223 = arith.muli %scan3A_2984, %mul3A_3222 : i32
      %add3A_3224 = arith.constant 1 : i32
      %add3A_3225 = arith.addi %mul3A_3223, %add3A_3224 : i32
      %swap3A_3226 = arith.index_cast %add3A_3225 : i32 to index
      %swap3A_3227 = arith.constant 32 : index
      %swap3A_3228 = tpu.vector_load %arg6[%swap3A_3226, %swap3A_3227] {strides = array<i32>} : memref<64x512xf32, #tpu.memory_space<vmem>>, vector<16xf32>,
      tpu.vector_store %arg6[%swap3A_3226, %swap3A_3227], %broadcast_in_dim3A_1 {strides = array<i32>} : memref<64x512xf32, #tpu.memory_space<vmem>>, vector<16xf32>,
      %mul3A_3229 = arith.constant 2 : i32
      %mul3A_3230 = arith.muli %scan3A_2984, %mul3A_3229 : i32
      %add3A_3231 = arith.constant 1 : i32
      %add3A_3232 = arith.addi %mul3A_3230, %add3A_3231 : i32
      %swap3A_3233 = arith.index_cast %add3A_3232 : i32 to index
      %swap3A_3234 = arith.constant 48 : index
      %swap3A_3235 = tpu.vector_load %arg6[%swap3A_3233, %swap3A_3234] {strides = array<i32>} : memref<64x512xf32, #tpu.memory_space<vmem>>, vector<16xf32>,
      tpu.vector_store %arg6[%swap3A_3233, %swap3A_3234], %broadcast_in_dim3A_1 {strides = array<i32>} : memref<64x512xf32, #tpu.memory_space<vmem>>, vector<16xf32>,
      %mul3A_3236 = arith.constant 2 : i32
      %mul3A_3237 = arith.muli %scan3A_2984, %mul3A_3236 : i32
      %add3A_3238 = arith.constant 1 : i32
      %add3A_3239 = arith.addi %mul3A_3237, %add3A_3238 : i32
      %swap3A_3240 = arith.index_cast %add3A_3239 : i32 to index
      %swap3A_3241 = arith.constant 64 : index
      %swap3A_3242 = tpu.vector_load %arg6[%swap3A_3240, %swap3A_3241] {strides = array<i32>} : memref<64x512xf32, #tpu.memory_space<vmem>>, vector<16xf32>,
      tpu.vector_store %arg6[%swap3A_3240, %swap3A_3241], %broadcast_in_dim3A_1 {strides = array<i32>} : memref<64x512xf32, #tpu.memory_space<vmem>>, vector<16xf32>,
      %mul3A_3243 = arith.constant 2 : i32
      %mul3A_3244 = arith.muli %scan3A_2984, %mul3A_3243 : i32
      %add3A_3245 = arith.constant 1 : i32
      %add3A_3246 = arith.addi %mul3A_3244, %add3A_3245 : i32
      %swap3A_3247 = arith.index_cast %add3A_3246 : i32 to index
      %swap3A_3248 = arith.constant 80 : index
      %swap3A_3249 = tpu.vector_load %arg6[%swap3A_3247, %swap3A_3248] {strides = array<i32>} : memref<64x512xf32, #tpu.memory_space<vmem>>, vector<16xf32>,
      tpu.vector_store %arg6[%swap3A_3247, %swap3A_3248], %broadcast_in_dim3A_1 {strides = array<i32>} : memref<64x512xf32, #tpu.memory_space<vmem>>, vector<16xf32>,
      %mul3A_3250 = arith.constant 2 : i32
      %mul3A_3251 = arith.muli %scan3A_2984, %mul3A_3250 : i32
      %add3A_3252 = arith.constant 1 : i32
      %add3A_3253 = arith.addi %mul3A_3251, %add3A_3252 : i32
      %swap3A_3254 = arith.index_cast %add3A_3253 : i32 to index
      %swap3A_3255 = arith.constant 96 : index
      %swap3A_3256 = tpu.vector_load %arg6[%swap3A_3254, %swap3A_3255] {strides = array<i32>} : memref<64x512xf32, #tpu.memory_space<vmem>>, vector<16xf32>,
      tpu.vector_store %arg6[%swap3A_3254, %swap3A_3255], %broadcast_in_dim3A_1 {strides = array<i32>} : memref<64x512xf32, #tpu.memory_space<vmem>>, vector<16xf32>,
      %mul3A_3257 = arith.constant 2 : i32
      %mul3A_3258 = arith.muli %scan3A_2984, %mul3A_3257 : i32
      %add3A_3259 = arith.constant 1 : i32
      %add3A_3260 = arith.addi %mul3A_3258, %add3A_3259 : i32
      %swap3A_3261 = arith.index_cast %add3A_3260 : i32 to index
      %swap3A_3262 = arith.constant 112 : index
      %swap3A_3263 = tpu.vector_load %arg6[%swap3A_3261, %swap3A_3262] {strides = array<i32>} : memref<64x512xf32, #tpu.memory_space<vmem>>, vector<16xf32>,
      tpu.vector_store %arg6[%swap3A_3261, %swap3A_3262], %broadcast_in_dim3A_1 {strides = array<i32>} : memref<64x512xf32, #tpu.memory_space<vmem>>, vector<16xf32>,
      %mul3A_3264 = arith.constant 2 : i32
      %mul3A_3265 = arith.muli %scan3A_2984, %mul3A_3264 : i32
      %add3A_3266 = arith.constant 1 : i32
      %add3A_3267 = arith.addi %mul3A_3265, %add3A_3266 : i32
      %swap3A_3268 = arith.index_cast %add3A_3267 : i32 to index
      %swap3A_3269 = arith.constant 128 : index
      %swap3A_3270 = tpu.vector_load %arg6[%swap3A_3268, %swap3A_3269] {strides = array<i32>} : memref<64x512xf32, #tpu.memory_space<vmem>>, vector<16xf32>,
      tpu.vector_store %arg6[%swap3A_3268, %swap3A_3269], %broadcast_in_dim3A_1 {strides = array<i32>} : memref<64x512xf32, #tpu.memory_space<vmem>>, vector<16xf32>,
      %mul3A_3271 = arith.constant 2 : i32
      %mul3A_3272 = arith.muli %scan3A_2984, %mul3A_3271 : i32
      %add3A_3273 = arith.constant 1 : i32
      %add3A_3274 = arith.addi %mul3A_3272, %add3A_3273 : i32
      %swap3A_3275 = arith.index_cast %add3A_3274 : i32 to index
      %swap3A_3276 = arith.constant 144 : index
      %swap3A_3277 = tpu.vector_load %arg6[%swap3A_3275, %swap3A_3276] {strides = array<i32>} : memref<64x512xf32, #tpu.memory_space<vmem>>, vector<16xf32>,
      tpu.vector_store %arg6[%swap3A_3275, %swap3A_3276], %broadcast_in_dim3A_1 {strides = array<i32>} : memref<64x512xf32, #tpu.memory_space<vmem>>, vector<16xf32>,
      %mul3A_3278 = arith.constant 2 : i32
      %mul3A_3279 = arith.muli %scan3A_2984, %mul3A_3278 : i32
      %add3A_3280 = arith.constant 1 : i32
      %add3A_3281 = arith.addi %mul3A_3279, %add3A_3280 : i32
      %swap3A_3282 = arith.index_cast %add3A_3281 : i32 to index
      %swap3A_3283 = arith.constant 160 : index
      %swap3A_3284 = tpu.vector_load %arg6[%swap3A_3282, %swap3A_3283] {strides = array<i32>} : memref<64x512xf32, #tpu.memory_space<vmem>>, vector<16xf32>,
      tpu.vector_store %arg6[%swap3A_3282, %swap3A_3283], %broadcast_in_dim3A_1 {strides = array<i32>} : memref<64x512xf32, #tpu.memory_space<vmem>>, vector<16xf32>,
      %mul3A_3285 = arith.constant 2 : i32
      %mul3A_3286 = arith.muli %scan3A_2984, %mul3A_3285 : i32
      %add3A_3287 = arith.constant 1 : i32
      %add3A_3288 = arith.addi %mul3A_3286, %add3A_3287 : i32
      %swap3A_3289 = arith.index_cast %add3A_3288 : i32 to index
      %swap3A_3290 = arith.constant 176 : index
      %swap3A_3291 = tpu.vector_load %arg6[%swap3A_3289, %swap3A_3290] {strides = array<i32>} : memref<64x512xf32, #tpu.memory_space<vmem>>, vector<16xf32>,
      tpu.vector_store %arg6[%swap3A_3289, %swap3A_3290], %broadcast_in_dim3A_1 {strides = array<i32>} : memref<64x512xf32, #tpu.memory_space<vmem>>, vector<16xf32>,
      %mul3A_3292 = arith.constant 2 : i32
      %mul3A_3293 = arith.muli %scan3A_2984, %mul3A_3292 : i32
      %add3A_3294 = arith.constant 1 : i32
      %add3A_3295 = arith.addi %mul3A_3293, %add3A_3294 : i32
      %swap3A_3296 = arith.index_cast %add3A_3295 : i32 to index
      %swap3A_3297 = arith.constant 192 : index
      %swap3A_3298 = tpu.vector_load %arg6[%swap3A_3296, %swap3A_3297] {strides = array<i32>} : memref<64x512xf32, #tpu.memory_space<vmem>>, vector<16xf32>,
      tpu.vector_store %arg6[%swap3A_3296, %swap3A_3297], %broadcast_in_dim3A_1 {strides = array<i32>} : memref<64x512xf32, #tpu.memory_space<vmem>>, vector<16xf32>,
      %mul3A_3299 = arith.constant 2 : i32
      %mul3A_3300 = arith.muli %scan3A_2984, %mul3A_3299 : i32
      %add3A_3301 = arith.constant 1 : i32
      %add3A_3302 = arith.addi %mul3A_3300, %add3A_3301 : i32
      %swap3A_3303 = arith.index_cast %add3A_3302 : i32 to index
      %swap3A_3304 = arith.constant 208 : index
      %swap3A_3305 = tpu.vector_load %arg6[%swap3A_3303, %swap3A_3304] {strides = array<i32>} : memref<64x512xf32, #tpu.memory_space<vmem>>, vector<16xf32>,
      tpu.vector_store %arg6[%swap3A_3303, %swap3A_3304], %broadcast_in_dim3A_1 {strides = array<i32>} : memref<64x512xf32, #tpu.memory_space<vmem>>, vector<16xf32>,
      %mul3A_3306 = arith.constant 2 : i32
      %mul3A_3307 = arith.muli %scan3A_2984, %mul3A_3306 : i32
      %add3A_3308 = arith.constant 1 : i32
      %add3A_3309 = arith.addi %mul3A_3307, %add3A_3308 : i32
      %swap3A_3310 = arith.index_cast %add3A_3309 : i32 to index
      %swap3A_3311 = arith.constant 224 : index
      %swap3A_3312 = tpu.vector_load %arg6[%swap3A_3310, %swap3A_3311] {strides = array<i32>} : memref<64x512xf32, #tpu.memory_space<vmem>>, vector<16xf32>,
      tpu.vector_store %arg6[%swap3A_3310, %swap3A_3311], %broadcast_in_dim3A_1 {strides = array<i32>} : memref<64x512xf32, #tpu.memory_space<vmem>>, vector<16xf32>,
      %mul3A_3313 = arith.constant 2 : i32
      %mul3A_3314 = arith.muli %scan3A_2984, %mul3A_3313 : i32
      %add3A_3315 = arith.constant 1 : i32
      %add3A_3316 = arith.addi %mul3A_3314, %add3A_3315 : i32
      %swap3A_3317 = arith.index_cast %add3A_3316 : i32 to index
      %swap3A_3318 = arith.constant 240 : index
      %swap3A_3319 = tpu.vector_load %arg6[%swap3A_3317, %swap3A_3318] {strides = array<i32>} : memref<64x512xf32, #tpu.memory_space<vmem>>, vector<16xf32>,
      tpu.vector_store %arg6[%swap3A_3317, %swap3A_3318], %broadcast_in_dim3A_1 {strides = array<i32>} : memref<64x512xf32, #tpu.memory_space<vmem>>, vector<16xf32>,
      %mul3A_3320 = arith.constant 2 : i32
      %mul3A_3321 = arith.muli %scan3A_2984, %mul3A_3320 : i32
      %add3A_3322 = arith.constant 1 : i32
      %add3A_3323 = arith.addi %mul3A_3321, %add3A_3322 : i32
      %swap3A_3324 = arith.index_cast %add3A_3323 : i32 to index
      %swap3A_3325 = arith.constant 256 : index
      %swap3A_3326 = tpu.vector_load %arg6[%swap3A_3324, %swap3A_3325] {strides = array<i32>} : memref<64x512xf32, #tpu.memory_space<vmem>>, vector<16xf32>,
      tpu.vector_store %arg6[%swap3A_3324, %swap3A_3325], %broadcast_in_dim3A_1 {strides = array<i32>} : memref<64x512xf32, #tpu.memory_space<vmem>>, vector<16xf32>,
      %mul3A_3327 = arith.constant 2 : i32
      %mul3A_3328 = arith.muli %scan3A_2984, %mul3A_3327 : i32
      %add3A_3329 = arith.constant 1 : i32
      %add3A_3330 = arith.addi %mul3A_3328, %add3A_3329 : i32
      %swap3A_3331 = arith.index_cast %add3A_3330 : i32 to index
      %swap3A_3332 = arith.constant 272 : index
      %swap3A_3333 = tpu.vector_load %arg6[%swap3A_3331, %swap3A_3332] {strides = array<i32>} : memref<64x512xf32, #tpu.memory_space<vmem>>, vector<16xf32>,
      tpu.vector_store %arg6[%swap3A_3331, %swap3A_3332], %broadcast_in_dim3A_1 {strides = array<i32>} : memref<64x512xf32, #tpu.memory_space<vmem>>, vector<16xf32>,
      %mul3A_3334 = arith.constant 2 : i32
      %mul3A_3335 = arith.muli %scan3A_2984, %mul3A_3334 : i32
      %add3A_3336 = arith.constant 1 : i32
      %add3A_3337 = arith.addi %mul3A_3335, %add3A_3336 : i32
      %swap3A_3338 = arith.index_cast %add3A_3337 : i32 to index
      %swap3A_3339 = arith.constant 288 : index
      %swap3A_3340 = tpu.vector_load %arg6[%swap3A_3338, %swap3A_3339] {strides = array<i32>} : memref<64x512xf32, #tpu.memory_space<vmem>>, vector<16xf32>,
      tpu.vector_store %arg6[%swap3A_3338, %swap3A_3339], %broadcast_in_dim3A_1 {strides = array<i32>} : memref<64x512xf32, #tpu.memory_space<vmem>>, vector<16xf32>,
      %mul3A_3341 = arith.constant 2 : i32
      %mul3A_3342 = arith.muli %scan3A_2984, %mul3A_3341 : i32
      %add3A_3343 = arith.constant 1 : i32
      %add3A_3344 = arith.addi %mul3A_3342, %add3A_3343 : i32
      %swap3A_3345 = arith.index_cast %add3A_3344 : i32 to index
      %swap3A_3346 = arith.constant 304 : index
      %swap3A_3347 = tpu.vector_load %arg6[%swap3A_3345, %swap3A_3346] {strides = array<i32>} : memref<64x512xf32, #tpu.memory_space<vmem>>, vector<16xf32>,
      tpu.vector_store %arg6[%swap3A_3345, %swap3A_3346], %broadcast_in_dim3A_1 {strides = array<i32>} : memref<64x512xf32, #tpu.memory_space<vmem>>, vector<16xf32>,
      %mul3A_3348 = arith.constant 2 : i32
      %mul3A_3349 = arith.muli %scan3A_2984, %mul3A_3348 : i32
      %add3A_3350 = arith.constant 1 : i32
      %add3A_3351 = arith.addi %mul3A_3349, %add3A_3350 : i32
      %swap3A_3352 = arith.index_cast %add3A_3351 : i32 to index
      %swap3A_3353 = arith.constant 320 : index
      %swap3A_3354 = tpu.vector_load %arg6[%swap3A_3352, %swap3A_3353] {strides = array<i32>} : memref<64x512xf32, #tpu.memory_space<vmem>>, vector<16xf32>,
      tpu.vector_store %arg6[%swap3A_3352, %swap3A_3353], %broadcast_in_dim3A_1 {strides = array<i32>} : memref<64x512xf32, #tpu.memory_space<vmem>>, vector<16xf32>,
      %mul3A_3355 = arith.constant 2 : i32
      %mul3A_3356 = arith.muli %scan3A_2984, %mul3A_3355 : i32
      %add3A_3357 = arith.constant 1 : i32
      %add3A_3358 = arith.addi %mul3A_3356, %add3A_3357 : i32
      %swap3A_3359 = arith.index_cast %add3A_3358 : i32 to index
      %swap3A_3360 = arith.constant 336 : index
      %swap3A_3361 = tpu.vector_load %arg6[%swap3A_3359, %swap3A_3360] {strides = array<i32>} : memref<64x512xf32, #tpu.memory_space<vmem>>, vector<16xf32>,
      tpu.vector_store %arg6[%swap3A_3359, %swap3A_3360], %broadcast_in_dim3A_1 {strides = array<i32>} : memref<64x512xf32, #tpu.memory_space<vmem>>, vector<16xf32>,
      %mul3A_3362 = arith.constant 2 : i32
      %mul3A_3363 = arith.muli %scan3A_2984, %mul3A_3362 : i32
      %add3A_3364 = arith.constant 1 : i32
      %add3A_3365 = arith.addi %mul3A_3363, %add3A_3364 : i32
      %swap3A_3366 = arith.index_cast %add3A_3365 : i32 to index
      %swap3A_3367 = arith.constant 352 : index
      %swap3A_3368 = tpu.vector_load %arg6[%swap3A_3366, %swap3A_3367] {strides = array<i32>} : memref<64x512xf32, #tpu.memory_space<vmem>>, vector<16xf32>,
      tpu.vector_store %arg6[%swap3A_3366, %swap3A_3367], %broadcast_in_dim3A_1 {strides = array<i32>} : memref<64x512xf32, #tpu.memory_space<vmem>>, vector<16xf32>,
      %mul3A_3369 = arith.constant 2 : i32
      %mul3A_3370 = arith.muli %scan3A_2984, %mul3A_3369 : i32
      %add3A_3371 = arith.constant 1 : i32
      %add3A_3372 = arith.addi %mul3A_3370, %add3A_3371 : i32
      %swap3A_3373 = arith.index_cast %add3A_3372 : i32 to index
      %swap3A_3374 = arith.constant 368 : index
      %swap3A_3375 = tpu.vector_load %arg6[%swap3A_3373, %swap3A_3374] {strides = array<i32>} : memref<64x512xf32, #tpu.memory_space<vmem>>, vector<16xf32>,
      tpu.vector_store %arg6[%swap3A_3373, %swap3A_3374], %broadcast_in_dim3A_1 {strides = array<i32>} : memref<64x512xf32, #tpu.memory_space<vmem>>, vector<16xf32>,
      %mul3A_3376 = arith.constant 2 : i32
      %mul3A_3377 = arith.muli %scan3A_2984, %mul3A_3376 : i32
      %add3A_3378 = arith.constant 1 : i32
      %add3A_3379 = arith.addi %mul3A_3377, %add3A_3378 : i32
      %swap3A_3380 = arith.index_cast %add3A_3379 : i32 to index
      %swap3A_3381 = arith.constant 384 : index
      %swap3A_3382 = tpu.vector_load %arg6[%swap3A_3380, %swap3A_3381] {strides = array<i32>} : memref<64x512xf32, #tpu.memory_space<vmem>>, vector<16xf32>,
      tpu.vector_store %arg6[%swap3A_3380, %swap3A_3381], %broadcast_in_dim3A_1 {strides = array<i32>} : memref<64x512xf32, #tpu.memory_space<vmem>>, vector<16xf32>,
      %mul3A_3383 = arith.constant 2 : i32
      %mul3A_3384 = arith.muli %scan3A_2984, %mul3A_3383 : i32
      %add3A_3385 = arith.constant 1 : i32
      %add3A_3386 = arith.addi %mul3A_3384, %add3A_3385 : i32
      %swap3A_3387 = arith.index_cast %add3A_3386 : i32 to index
      %swap3A_3388 = arith.constant 400 : index
      %swap3A_3389 = tpu.vector_load %arg6[%swap3A_3387, %swap3A_3388] {strides = array<i32>} : memref<64x512xf32, #tpu.memory_space<vmem>>, vector<16xf32>,
      tpu.vector_store %arg6[%swap3A_3387, %swap3A_3388], %broadcast_in_dim3A_1 {strides = array<i32>} : memref<64x512xf32, #tpu.memory_space<vmem>>, vector<16xf32>,
      %mul3A_3390 = arith.constant 2 : i32
      %mul3A_3391 = arith.muli %scan3A_2984, %mul3A_3390 : i32
      %add3A_3392 = arith.constant 1 : i32
      %add3A_3393 = arith.addi %mul3A_3391, %add3A_3392 : i32
      %swap3A_3394 = arith.index_cast %add3A_3393 : i32 to index
      %swap3A_3395 = arith.constant 416 : index
      %swap3A_3396 = tpu.vector_load %arg6[%swap3A_3394, %swap3A_3395] {strides = array<i32>} : memref<64x512xf32, #tpu.memory_space<vmem>>, vector<16xf32>,
      tpu.vector_store %arg6[%swap3A_3394, %swap3A_3395], %broadcast_in_dim3A_1 {strides = array<i32>} : memref<64x512xf32, #tpu.memory_space<vmem>>, vector<16xf32>,
      %mul3A_3397 = arith.constant 2 : i32
      %mul3A_3398 = arith.muli %scan3A_2984, %mul3A_3397 : i32
      %add3A_3399 = arith.constant 1 : i32
      %add3A_3400 = arith.addi %mul3A_3398, %add3A_3399 : i32
      %swap3A_3401 = arith.index_cast %add3A_3400 : i32 to index
      %swap3A_3402 = arith.constant 432 : index
      %swap3A_3403 = tpu.vector_load %arg6[%swap3A_3401, %swap3A_3402] {strides = array<i32>} : memref<64x512xf32, #tpu.memory_space<vmem>>, vector<16xf32>,
      tpu.vector_store %arg6[%swap3A_3401, %swap3A_3402], %broadcast_in_dim3A_1 {strides = array<i32>} : memref<64x512xf32, #tpu.memory_space<vmem>>, vector<16xf32>,
      %mul3A_3404 = arith.constant 2 : i32
      %mul3A_3405 = arith.muli %scan3A_2984, %mul3A_3404 : i32
      %add3A_3406 = arith.constant 1 : i32
      %add3A_3407 = arith.addi %mul3A_3405, %add3A_3406 : i32
      %swap3A_3408 = arith.index_cast %add3A_3407 : i32 to index
      %swap3A_3409 = arith.constant 448 : index
      %swap3A_3410 = tpu.vector_load %arg6[%swap3A_3408, %swap3A_3409] {strides = array<i32>} : memref<64x512xf32, #tpu.memory_space<vmem>>, vector<16xf32>,
      tpu.vector_store %arg6[%swap3A_3408, %swap3A_3409], %broadcast_in_dim3A_1 {strides = array<i32>} : memref<64x512xf32, #tpu.memory_space<vmem>>, vector<16xf32>,
      %mul3A_3411 = arith.constant 2 : i32
      %mul3A_3412 = arith.muli %scan3A_2984, %mul3A_3411 : i32
      %add3A_3413 = arith.constant 1 : i32
      %add3A_3414 = arith.addi %mul3A_3412, %add3A_3413 : i32
      %swap3A_3415 = arith.index_cast %add3A_3414 : i32 to index
      %swap3A_3416 = arith.constant 464 : index
      %swap3A_3417 = tpu.vector_load %arg6[%swap3A_3415, %swap3A_3416] {strides = array<i32>} : memref<64x512xf32, #tpu.memory_space<vmem>>, vector<16xf32>,
      tpu.vector_store %arg6[%swap3A_3415, %swap3A_3416], %broadcast_in_dim3A_1 {strides = array<i32>} : memref<64x512xf32, #tpu.memory_space<vmem>>, vector<16xf32>,
      %mul3A_3418 = arith.constant 2 : i32
      %mul3A_3419 = arith.muli %scan3A_2984, %mul3A_3418 : i32
      %add3A_3420 = arith.constant 1 : i32
      %add3A_3421 = arith.addi %mul3A_3419, %add3A_3420 : i32
      %swap3A_3422 = arith.index_cast %add3A_3421 : i32 to index
      %swap3A_3423 = arith.constant 480 : index
      %swap3A_3424 = tpu.vector_load %arg6[%swap3A_3422, %swap3A_3423] {strides = array<i32>} : memref<64x512xf32, #tpu.memory_space<vmem>>, vector<16xf32>,
      tpu.vector_store %arg6[%swap3A_3422, %swap3A_3423], %broadcast_in_dim3A_1 {strides = array<i32>} : memref<64x512xf32, #tpu.memory_space<vmem>>, vector<16xf32>,
      %mul3A_3425 = arith.constant 2 : i32
      %mul3A_3426 = arith.muli %scan3A_2984, %mul3A_3425 : i32
      %add3A_3427 = arith.constant 1 : i32
      %add3A_3428 = arith.addi %mul3A_3426, %add3A_3427 : i32
      %swap3A_3429 = arith.index_cast %add3A_3428 : i32 to index
      %swap3A_3430 = arith.constant 496 : index
      %swap3A_3431 = tpu.vector_load %arg6[%swap3A_3429, %swap3A_3430] {strides = array<i32>} : memref<64x512xf32, #tpu.memory_space<vmem>>, vector<16xf32>,
      tpu.vector_store %arg6[%swap3A_3429, %swap3A_3430], %broadcast_in_dim3A_1 {strides = array<i32>} : memref<64x512xf32, #tpu.memory_space<vmem>>, vector<16xf32>,
    }
    %scan3A_2369 = arith.constant 32 : i32
    %mul3A_2370 = arith.constant 32768 : i32
    %mul3A_2371 = arith.muli %select_n3A_2363, %mul3A_2370 : i32
    %get3A_2372 = arith.constant 3 : i32
    %get3A_2373 = arith.constant 0 : i32
    %get3A_2374 = arith.index_cast %get3A_2372 : i32 to index
    %get3A_2375 = arith.index_cast %get3A_2373 : i32 to index
    %get3A_2376 = arith.constant 0 : index
    %get3A_2377 = tpu.vector_load %arg7[%get3A_2374, %get3A_2375, %get3A_2376] {strides = array<i32>} : memref<4x8x256xf32, #tpu.memory_space<vmem>>, vector<16xf32>,
    %get3A_2378 = arith.constant 3 : i32
    %get3A_2379 = arith.constant 0 : i32
    %get3A_2380 = arith.index_cast %get3A_2378 : i32 to index
    %get3A_2381 = arith.index_cast %get3A_2379 : i32 to index
    %get3A_2382 = arith.constant 0 : index
    %get3A_2383 = tpu.vector_load %arg8[%get3A_2380, %get3A_2381, %get3A_2382] {strides = array<i32>} : memref<4x8x256xi32, #tpu.memory_space<vmem>>, vector<16xi32>,
    %sub3A_2384 = vector.broadcast %mul3A_2371 : i32 to vector<16xi32>
    %sub3A_2385 = arith.subi %get3A_2383, %sub3A_2384 : vector<16xi32>
    %ne3A_2386 = arith.constant 0.000000e+00 : f32
    %ne3A_2387 = vector.broadcast %ne3A_2386 : f32 to vector<16xf32>
    %ne3A_2388 = arith.cmpf one, %get3A_2377, %ne3A_2387 : vector<16xf32>
    %ge3A_2389 = arith.constant 0 : i32
    %ge3A_2390 = vector.broadcast %ge3A_2389 : i32 to vector<16xi32>
    %ge3A_2391 = arith.cmpi sge, %sub3A_2385, %ge3A_2390 : vector<16xi32>
    %and3A_2392 = arith.andi %ne3A_2388, %ge3A_2391 : vector<16xi1>
    %lt3A_2393 = arith.constant 32768 : i32
    %lt3A_2394 = vector.broadcast %lt3A_2393 : i32 to vector<16xi32>
    %lt3A_2395 = arith.cmpi slt, %sub3A_2385, %lt3A_2394 : vector<16xi32>
    %and3A_2396 = arith.andi %and3A_2392, %lt3A_2395 : vector<16xi1>
    %max3A_2397 = arith.constant 0 : i32
    %max3A_2398 = vector.broadcast %max3A_2397 : i32 to vector<16xi32>
    %max3A_2399 = arith.maxsi %sub3A_2385, %max3A_2398 : vector<16xi32>
    %min3A_2400 = arith.constant 32767 : i32
    %min3A_2401 = vector.broadcast %min3A_2400 : i32 to vector<16xi32>
    %min3A_2402 = arith.minsi %max3A_2399, %min3A_2401 : vector<16xi32>
    %shift_right_logical3A_2403 = arith.constant 9 : i32
    %shift_right_logical3A_2404 = vector.broadcast %shift_right_logical3A_2403 : i32 to vector<16xi32>
    %shift_right_logical3A_2405 = arith.shrui %min3A_2402, %shift_right_logical3A_2404 : vector<16xi32>
    %and3A_2406 = arith.constant 511 : i32
    %and3A_2407 = vector.broadcast %and3A_2406 : i32 to vector<16xi32>
    %and3A_2408 = arith.andi %min3A_2402, %and3A_2407 : vector<16xi32>
    tpu.vector_store_idx %arg6[%shift_right_logical3A_2405, %and3A_2408], %get3A_2377 masked %and3A_2396 {add = true} : memref<64x512xf32, #tpu.memory_space<vmem>>[vector<16xi32>, vector<16xi32>], vector<16xf32>, vector<16xi1>
    %get3A_2409 = arith.constant 3 : i32
    %get3A_2410 = arith.constant 0 : i32
    %get3A_2411 = arith.index_cast %get3A_2409 : i32 to index
    %get3A_2412 = arith.index_cast %get3A_2410 : i32 to index
    %get3A_2413 = arith.constant 16 : index
    %get3A_2414 = tpu.vector_load %arg7[%get3A_2411, %get3A_2412, %get3A_2413] {strides = array<i32>} : memref<4x8x256xf32, #tpu.memory_space<vmem>>, vector<16xf32>,
    %get3A_2415 = arith.constant 3 : i32
    %get3A_2416 = arith.constant 0 : i32
    %get3A_2417 = arith.index_cast %get3A_2415 : i32 to index
    %get3A_2418 = arith.index_cast %get3A_2416 : i32 to index
    %get3A_2419 = arith.constant 16 : index
    %get3A_2420 = tpu.vector_load %arg8[%get3A_2417, %get3A_2418, %get3A_2419] {strides = array<i32>} : memref<4x8x256xi32, #tpu.memory_space<vmem>>, vector<16xi32>,
    %sub3A_2421 = vector.broadcast %mul3A_2371 : i32 to vector<16xi32>
    %sub3A_2422 = arith.subi %get3A_2420, %sub3A_2421 : vector<16xi32>
    %ne3A_2423 = arith.constant 0.000000e+00 : f32
    %ne3A_2424 = vector.broadcast %ne3A_2423 : f32 to vector<16xf32>
    %ne3A_2425 = arith.cmpf one, %get3A_2414, %ne3A_2424 : vector<16xf32>
    %ge3A_2426 = arith.constant 0 : i32
    %ge3A_2427 = vector.broadcast %ge3A_2426 : i32 to vector<16xi32>
    %ge3A_2428 = arith.cmpi sge, %sub3A_2422, %ge3A_2427 : vector<16xi32>
    %and3A_2429 = arith.andi %ne3A_2425, %ge3A_2428 : vector<16xi1>
    %lt3A_2430 = arith.constant 32768 : i32
    %lt3A_2431 = vector.broadcast %lt3A_2430 : i32 to vector<16xi32>
    %lt3A_2432 = arith.cmpi slt, %sub3A_2422, %lt3A_2431 : vector<16xi32>
    %and3A_2433 = arith.andi %and3A_2429, %lt3A_2432 : vector<16xi1>
    %max3A_2434 = arith.constant 0 : i32
    %max3A_2435 = vector.broadcast %max3A_2434 : i32 to vector<16xi32>
    %max3A_2436 = arith.maxsi %sub3A_2422, %max3A_2435 : vector<16xi32>
    %min3A_2437 = arith.constant 32767 : i32
    %min3A_2438 = vector.broadcast %min3A_2437 : i32 to vector<16xi32>
    %min3A_2439 = arith.minsi %max3A_2436, %min3A_2438 : vector<16xi32>
    %shift_right_logical3A_2440 = arith.constant 9 : i32
    %shift_right_logical3A_2441 = vector.broadcast %shift_right_logical3A_2440 : i32 to vector<16xi32>
    %shift_right_logical3A_2442 = arith.shrui %min3A_2439, %shift_right_logical3A_2441 : vector<16xi32>
    %and3A_2443 = arith.constant 511 : i32
    %and3A_2444 = vector.broadcast %and3A_2443 : i32 to vector<16xi32>
    %and3A_2445 = arith.andi %min3A_2439, %and3A_2444 : vector<16xi32>
    tpu.vector_store_idx %arg6[%shift_right_logical3A_2442, %and3A_2445], %get3A_2414 masked %and3A_2433 {add = true} : memref<64x512xf32, #tpu.memory_space<vmem>>[vector<16xi32>, vector<16xi32>], vector<16xf32>, vector<16xi1>
    %get3A_2446 = arith.constant 3 : i32
    %get3A_2447 = arith.constant 0 : i32
    %get3A_2448 = arith.index_cast %get3A_2446 : i32 to index
    %get3A_2449 = arith.index_cast %get3A_2447 : i32 to index
    %get3A_2450 = arith.constant 32 : index
    %get3A_2451 = tpu.vector_load %arg7[%get3A_2448, %get3A_2449, %get3A_2450] {strides = array<i32>} : memref<4x8x256xf32, #tpu.memory_space<vmem>>, vector<16xf32>,
    %get3A_2452 = arith.constant 3 : i32
    %get3A_2453 = arith.constant 0 : i32
    %get3A_2454 = arith.index_cast %get3A_2452 : i32 to index
    %get3A_2455 = arith.index_cast %get3A_2453 : i32 to index
    %get3A_2456 = arith.constant 32 : index
    %get3A_2457 = tpu.vector_load %arg8[%get3A_2454, %get3A_2455, %get3A_2456] {strides = array<i32>} : memref<4x8x256xi32, #tpu.memory_space<vmem>>, vector<16xi32>,
    %sub3A_2458 = vector.broadcast %mul3A_2371 : i32 to vector<16xi32>
    %sub3A_2459 = arith.subi %get3A_2457, %sub3A_2458 : vector<16xi32>
    %ne3A_2460 = arith.constant 0.000000e+00 : f32
    %ne3A_2461 = vector.broadcast %ne3A_2460 : f32 to vector<16xf32>
    %ne3A_2462 = arith.cmpf one, %get3A_2451, %ne3A_2461 : vector<16xf32>
    %ge3A_2463 = arith.constant 0 : i32
    %ge3A_2464 = vector.broadcast %ge3A_2463 : i32 to vector<16xi32>
    %ge3A_2465 = arith.cmpi sge, %sub3A_2459, %ge3A_2464 : vector<16xi32>
    %and3A_2466 = arith.andi %ne3A_2462, %ge3A_2465 : vector<16xi1>
    %lt3A_2467 = arith.constant 32768 : i32
    %lt3A_2468 = vector.broadcast %lt3A_2467 : i32 to vector<16xi32>
    %lt3A_2469 = arith.cmpi slt, %sub3A_2459, %lt3A_2468 : vector<16xi32>
    %and3A_2470 = arith.andi %and3A_2466, %lt3A_2469 : vector<16xi1>
    %max3A_2471 = arith.constant 0 : i32
    %max3A_2472 = vector.broadcast %max3A_2471 : i32 to vector<16xi32>
    %max3A_2473 = arith.maxsi %sub3A_2459, %max3A_2472 : vector<16xi32>
    %min3A_2474 = arith.constant 32767 : i32
    %min3A_2475 = vector.broadcast %min3A_2474 : i32 to vector<16xi32>
    %min3A_2476 = arith.minsi %max3A_2473, %min3A_2475 : vector<16xi32>
    %shift_right_logical3A_2477 = arith.constant 9 : i32
    %shift_right_logical3A_2478 = vector.broadcast %shift_right_logical3A_2477 : i32 to vector<16xi32>
    %shift_right_logical3A_2479 = arith.shrui %min3A_2476, %shift_right_logical3A_2478 : vector<16xi32>
    %and3A_2480 = arith.constant 511 : i32
    %and3A_2481 = vector.broadcast %and3A_2480 : i32 to vector<16xi32>
    %and3A_2482 = arith.andi %min3A_2476, %and3A_2481 : vector<16xi32>
    tpu.vector_store_idx %arg6[%shift_right_logical3A_2479, %and3A_2482], %get3A_2451 masked %and3A_2470 {add = true} : memref<64x512xf32, #tpu.memory_space<vmem>>[vector<16xi32>, vector<16xi32>], vector<16xf32>, vector<16xi1>
    %get3A_2483 = arith.constant 3 : i32
    %get3A_2484 = arith.constant 0 : i32
    %get3A_2485 = arith.index_cast %get3A_2483 : i32 to index
    %get3A_2486 = arith.index_cast %get3A_2484 : i32 to index
    %get3A_2487 = arith.constant 48 : index
    %get3A_2488 = tpu.vector_load %arg7[%get3A_2485, %get3A_2486, %get3A_2487] {strides = array<i32>} : memref<4x8x256xf32, #tpu.memory_space<vmem>>, vector<16xf32>,
    %get3A_2489 = arith.constant 3 : i32
    %get3A_2490 = arith.constant 0 : i32
    %get3A_2491 = arith.index_cast %get3A_2489 : i32 to index
    %get3A_2492 = arith.index_cast %get3A_2490 : i32 to index
    %get3A_2493 = arith.constant 48 : index
    %get3A_2494 = tpu.vector_load %arg8[%get3A_2491, %get3A_2492, %get3A_2493] {strides = array<i32>} : memref<4x8x256xi32, #tpu.memory_space<vmem>>, vector<16xi32>,
    %sub3A_2495 = vector.broadcast %mul3A_2371 : i32 to vector<16xi32>
    %sub3A_2496 = arith.subi %get3A_2494, %sub3A_2495 : vector<16xi32>
    %ne3A_2497 = arith.constant 0.000000e+00 : f32
    %ne3A_2498 = vector.broadcast %ne3A_2497 : f32 to vector<16xf32>
    %ne3A_2499 = arith.cmpf one, %get3A_2488, %ne3A_2498 : vector<16xf32>
    %ge3A_2500 = arith.constant 0 : i32
    %ge3A_2501 = vector.broadcast %ge3A_2500 : i32 to vector<16xi32>
    %ge3A_2502 = arith.cmpi sge, %sub3A_2496, %ge3A_2501 : vector<16xi32>
    %and3A_2503 = arith.andi %ne3A_2499, %ge3A_2502 : vector<16xi1>
    %lt3A_2504 = arith.constant 32768 : i32
    %lt3A_2505 = vector.broadcast %lt3A_2504 : i32 to vector<16xi32>
    %lt3A_2506 = arith.cmpi slt, %sub3A_2496, %lt3A_2505 : vector<16xi32>
    %and3A_2507 = arith.andi %and3A_2503, %lt3A_2506 : vector<16xi1>
    %max3A_2508 = arith.constant 0 : i32
    %max3A_2509 = vector.broadcast %max3A_2508 : i32 to vector<16xi32>
    %max3A_2510 = arith.maxsi %sub3A_2496, %max3A_2509 : vector<16xi32>
    %min3A_2511 = arith.constant 32767 : i32
    %min3A_2512 = vector.broadcast %min3A_2511 : i32 to vector<16xi32>
    %min3A_2513 = arith.minsi %max3A_2510, %min3A_2512 : vector<16xi32>
    %shift_right_logical3A_2514 = arith.constant 9 : i32
    %shift_right_logical3A_2515 = vector.broadcast %shift_right_logical3A_2514 : i32 to vector<16xi32>
    %shift_right_logical3A_2516 = arith.shrui %min3A_2513, %shift_right_logical3A_2515 : vector<16xi32>
    %and3A_2517 = arith.constant 511 : i32
    %and3A_2518 = vector.broadcast %and3A_2517 : i32 to vector<16xi32>
    %and3A_2519 = arith.andi %min3A_2513, %and3A_2518 : vector<16xi32>
    tpu.vector_store_idx %arg6[%shift_right_logical3A_2516, %and3A_2519], %get3A_2488 masked %and3A_2507 {add = true} : memref<64x512xf32, #tpu.memory_space<vmem>>[vector<16xi32>, vector<16xi32>], vector<16xf32>, vector<16xi1>
    %get3A_2520 = arith.constant 3 : i32
    %get3A_2521 = arith.constant 0 : i32
    %get3A_2522 = arith.index_cast %get3A_2520 : i32 to index
    %get3A_2523 = arith.index_cast %get3A_2521 : i32 to index
    %get3A_2524 = arith.constant 64 : index
    %get3A_2525 = tpu.vector_load %arg7[%get3A_2522, %get3A_2523, %get3A_2524] {strides = array<i32>} : memref<4x8x256xf32, #tpu.memory_space<vmem>>, vector<16xf32>,
    %get3A_2526 = arith.constant 3 : i32
    %get3A_2527 = arith.constant 0 : i32
    %get3A_2528 = arith.index_cast %get3A_2526 : i32 to index
    %get3A_2529 = arith.index_cast %get3A_2527 : i32 to index
    %get3A_2530 = arith.constant 64 : index
    %get3A_2531 = tpu.vector_load %arg8[%get3A_2528, %get3A_2529, %get3A_2530] {strides = array<i32>} : memref<4x8x256xi32, #tpu.memory_space<vmem>>, vector<16xi32>,
    %sub3A_2532 = vector.broadcast %mul3A_2371 : i32 to vector<16xi32>
    %sub3A_2533 = arith.subi %get3A_2531, %sub3A_2532 : vector<16xi32>
    %ne3A_2534 = arith.constant 0.000000e+00 : f32
    %ne3A_2535 = vector.broadcast %ne3A_2534 : f32 to vector<16xf32>
    %ne3A_2536 = arith.cmpf one, %get3A_2525, %ne3A_2535 : vector<16xf32>
    %ge3A_2537 = arith.constant 0 : i32
    %ge3A_2538 = vector.broadcast %ge3A_2537 : i32 to vector<16xi32>
    %ge3A_2539 = arith.cmpi sge, %sub3A_2533, %ge3A_2538 : vector<16xi32>
    %and3A_2540 = arith.andi %ne3A_2536, %ge3A_2539 : vector<16xi1>
    %lt3A_2541 = arith.constant 32768 : i32
    %lt3A_2542 = vector.broadcast %lt3A_2541 : i32 to vector<16xi32>
    %lt3A_2543 = arith.cmpi slt, %sub3A_2533, %lt3A_2542 : vector<16xi32>
    %and3A_2544 = arith.andi %and3A_2540, %lt3A_2543 : vector<16xi1>
    %max3A_2545 = arith.constant 0 : i32
    %max3A_2546 = vector.broadcast %max3A_2545 : i32 to vector<16xi32>
    %max3A_2547 = arith.maxsi %sub3A_2533, %max3A_2546 : vector<16xi32>
    %min3A_2548 = arith.constant 32767 : i32
    %min3A_2549 = vector.broadcast %min3A_2548 : i32 to vector<16xi32>
    %min3A_2550 = arith.minsi %max3A_2547, %min3A_2549 : vector<16xi32>
    %shift_right_logical3A_2551 = arith.constant 9 : i32
    %shift_right_logical3A_2552 = vector.broadcast %shift_right_logical3A_2551 : i32 to vector<16xi32>
    %shift_right_logical3A_2553 = arith.shrui %min3A_2550, %shift_right_logical3A_2552 : vector<16xi32>
    %and3A_2554 = arith.constant 511 : i32
    %and3A_2555 = vector.broadcast %and3A_2554 : i32 to vector<16xi32>
    %and3A_2556 = arith.andi %min3A_2550, %and3A_2555 : vector<16xi32>
    tpu.vector_store_idx %arg6[%shift_right_logical3A_2553, %and3A_2556], %get3A_2525 masked %and3A_2544 {add = true} : memref<64x512xf32, #tpu.memory_space<vmem>>[vector<16xi32>, vector<16xi32>], vector<16xf32>, vector<16xi1>
    %get3A_2557 = arith.constant 3 : i32
    %get3A_2558 = arith.constant 0 : i32
    %get3A_2559 = arith.index_cast %get3A_2557 : i32 to index
    %get3A_2560 = arith.index_cast %get3A_2558 : i32 to index
    %get3A_2561 = arith.constant 80 : index
    %get3A_2562 = tpu.vector_load %arg7[%get3A_2559, %get3A_2560, %get3A_2561] {strides = array<i32>} : memref<4x8x256xf32, #tpu.memory_space<vmem>>, vector<16xf32>,
    %get3A_2563 = arith.constant 3 : i32
    %get3A_2564 = arith.constant 0 : i32
    %get3A_2565 = arith.index_cast %get3A_2563 : i32 to index
    %get3A_2566 = arith.index_cast %get3A_2564 : i32 to index
    %get3A_2567 = arith.constant 80 : index
    %get3A_2568 = tpu.vector_load %arg8[%get3A_2565, %get3A_2566, %get3A_2567] {strides = array<i32>} : memref<4x8x256xi32, #tpu.memory_space<vmem>>, vector<16xi32>,
    %sub3A_2569 = vector.broadcast %mul3A_2371 : i32 to vector<16xi32>
    %sub3A_2570 = arith.subi %get3A_2568, %sub3A_2569 : vector<16xi32>
    %ne3A_2571 = arith.constant 0.000000e+00 : f32
    %ne3A_2572 = vector.broadcast %ne3A_2571 : f32 to vector<16xf32>
    %ne3A_2573 = arith.cmpf one, %get3A_2562, %ne3A_2572 : vector<16xf32>
    %ge3A_2574 = arith.constant 0 : i32
    %ge3A_2575 = vector.broadcast %ge3A_2574 : i32 to vector<16xi32>
    %ge3A_2576 = arith.cmpi sge, %sub3A_2570, %ge3A_2575 : vector<16xi32>
    %and3A_2577 = arith.andi %ne3A_2573, %ge3A_2576 : vector<16xi1>
    %lt3A_2578 = arith.constant 32768 : i32
    %lt3A_2579 = vector.broadcast %lt3A_2578 : i32 to vector<16xi32>
    %lt3A_2580 = arith.cmpi slt, %sub3A_2570, %lt3A_2579 : vector<16xi32>
    %and3A_2581 = arith.andi %and3A_2577, %lt3A_2580 : vector<16xi1>
    %max3A_2582 = arith.constant 0 : i32
    %max3A_2583 = vector.broadcast %max3A_2582 : i32 to vector<16xi32>
    %max3A_2584 = arith.maxsi %sub3A_2570, %max3A_2583 : vector<16xi32>
    %min3A_2585 = arith.constant 32767 : i32
    %min3A_2586 = vector.broadcast %min3A_2585 : i32 to vector<16xi32>
    %min3A_2587 = arith.minsi %max3A_2584, %min3A_2586 : vector<16xi32>
    %shift_right_logical3A_2588 = arith.constant 9 : i32
    %shift_right_logical3A_2589 = vector.broadcast %shift_right_logical3A_2588 : i32 to vector<16xi32>
    %shift_right_logical3A_2590 = arith.shrui %min3A_2587, %shift_right_logical3A_2589 : vector<16xi32>
    %and3A_2591 = arith.constant 511 : i32
    %and3A_2592 = vector.broadcast %and3A_2591 : i32 to vector<16xi32>
    %and3A_2593 = arith.andi %min3A_2587, %and3A_2592 : vector<16xi32>
    tpu.vector_store_idx %arg6[%shift_right_logical3A_2590, %and3A_2593], %get3A_2562 masked %and3A_2581 {add = true} : memref<64x512xf32, #tpu.memory_space<vmem>>[vector<16xi32>, vector<16xi32>], vector<16xf32>, vector<16xi1>
    %get3A_2594 = arith.constant 3 : i32
    %get3A_2595 = arith.constant 0 : i32
    %get3A_2596 = arith.index_cast %get3A_2594 : i32 to index
    %get3A_2597 = arith.index_cast %get3A_2595 : i32 to index
    %get3A_2598 = arith.constant 96 : index
    %get3A_2599 = tpu.vector_load %arg7[%get3A_2596, %get3A_2597, %get3A_2598] {strides = array<i32>} : memref<4x8x256xf32, #tpu.memory_space<vmem>>, vector<16xf32>,
    %get3A_2600 = arith.constant 3 : i32
    %get3A_2601 = arith.constant 0 : i32
    %get3A_2602 = arith.index_cast %get3A_2600 : i32 to index
    %get3A_2603 = arith.index_cast %get3A_2601 : i32 to index
    %get3A_2604 = arith.constant 96 : index
    %get3A_2605 = tpu.vector_load %arg8[%get3A_2602, %get3A_2603, %get3A_2604] {strides = array<i32>} : memref<4x8x256xi32, #tpu.memory_space<vmem>>, vector<16xi32>,
    %sub3A_2606 = vector.broadcast %mul3A_2371 : i32 to vector<16xi32>
    %sub3A_2607 = arith.subi %get3A_2605, %sub3A_2606 : vector<16xi32>
    %ne3A_2608 = arith.constant 0.000000e+00 : f32
    %ne3A_2609 = vector.broadcast %ne3A_2608 : f32 to vector<16xf32>
    %ne3A_2610 = arith.cmpf one, %get3A_2599, %ne3A_2609 : vector<16xf32>
    %ge3A_2611 = arith.constant 0 : i32
    %ge3A_2612 = vector.broadcast %ge3A_2611 : i32 to vector<16xi32>
    %ge3A_2613 = arith.cmpi sge, %sub3A_2607, %ge3A_2612 : vector<16xi32>
    %and3A_2614 = arith.andi %ne3A_2610, %ge3A_2613 : vector<16xi1>
    %lt3A_2615 = arith.constant 32768 : i32
    %lt3A_2616 = vector.broadcast %lt3A_2615 : i32 to vector<16xi32>
    %lt3A_2617 = arith.cmpi slt, %sub3A_2607, %lt3A_2616 : vector<16xi32>
    %and3A_2618 = arith.andi %and3A_2614, %lt3A_2617 : vector<16xi1>
    %max3A_2619 = arith.constant 0 : i32
    %max3A_2620 = vector.broadcast %max3A_2619 : i32 to vector<16xi32>
    %max3A_2621 = arith.maxsi %sub3A_2607, %max3A_2620 : vector<16xi32>
    %min3A_2622 = arith.constant 32767 : i32
    %min3A_2623 = vector.broadcast %min3A_2622 : i32 to vector<16xi32>
    %min3A_2624 = arith.minsi %max3A_2621, %min3A_2623 : vector<16xi32>
    %shift_right_logical3A_2625 = arith.constant 9 : i32
    %shift_right_logical3A_2626 = vector.broadcast %shift_right_logical3A_2625 : i32 to vector<16xi32>
    %shift_right_logical3A_2627 = arith.shrui %min3A_2624, %shift_right_logical3A_2626 : vector<16xi32>
    %and3A_2628 = arith.constant 511 : i32
    %and3A_2629 = vector.broadcast %and3A_2628 : i32 to vector<16xi32>
    %and3A_2630 = arith.andi %min3A_2624, %and3A_2629 : vector<16xi32>
    tpu.vector_store_idx %arg6[%shift_right_logical3A_2627, %and3A_2630], %get3A_2599 masked %and3A_2618 {add = true} : memref<64x512xf32, #tpu.memory_space<vmem>>[vector<16xi32>, vector<16xi32>], vector<16xf32>, vector<16xi1>
    %get3A_2631 = arith.constant 3 : i32
    %get3A_2632 = arith.constant 0 : i32
    %get3A_2633 = arith.index_cast %get3A_2631 : i32 to index
    %get3A_2634 = arith.index_cast %get3A_2632 : i32 to index
    %get3A_2635 = arith.constant 112 : index
    %get3A_2636 = tpu.vector_load %arg7[%get3A_2633, %get3A_2634, %get3A_2635] {strides = array<i32>} : memref<4x8x256xf32, #tpu.memory_space<vmem>>, vector<16xf32>,
    %get3A_2637 = arith.constant 3 : i32
    %get3A_2638 = arith.constant 0 : i32
    %get3A_2639 = arith.index_cast %get3A_2637 : i32 to index
    %get3A_2640 = arith.index_cast %get3A_2638 : i32 to index
    %get3A_2641 = arith.constant 112 : index
    %get3A_2642 = tpu.vector_load %arg8[%get3A_2639, %get3A_2640, %get3A_2641] {strides = array<i32>} : memref<4x8x256xi32, #tpu.memory_space<vmem>>, vector<16xi32>,
    %sub3A_2643 = vector.broadcast %mul3A_2371 : i32 to vector<16xi32>
    %sub3A_2644 = arith.subi %get3A_2642, %sub3A_2643 : vector<16xi32>
    %ne3A_2645 = arith.constant 0.000000e+00 : f32
    %ne3A_2646 = vector.broadcast %ne3A_2645 : f32 to vector<16xf32>
    %ne3A_2647 = arith.cmpf one, %get3A_2636, %ne3A_2646 : vector<16xf32>
    %ge3A_2648 = arith.constant 0 : i32
    %ge3A_2649 = vector.broadcast %ge3A_2648 : i32 to vector<16xi32>
    %ge3A_2650 = arith.cmpi sge, %sub3A_2644, %ge3A_2649 : vector<16xi32>
    %and3A_2651 = arith.andi %ne3A_2647, %ge3A_2650 : vector<16xi1>
    %lt3A_2652 = arith.constant 32768 : i32
    %lt3A_2653 = vector.broadcast %lt3A_2652 : i32 to vector<16xi32>
    %lt3A_2654 = arith.cmpi slt, %sub3A_2644, %lt3A_2653 : vector<16xi32>
    %and3A_2655 = arith.andi %and3A_2651, %lt3A_2654 : vector<16xi1>
    %max3A_2656 = arith.constant 0 : i32
    %max3A_2657 = vector.broadcast %max3A_2656 : i32 to vector<16xi32>
    %max3A_2658 = arith.maxsi %sub3A_2644, %max3A_2657 : vector<16xi32>
    %min3A_2659 = arith.constant 32767 : i32
    %min3A_2660 = vector.broadcast %min3A_2659 : i32 to vector<16xi32>
    %min3A_2661 = arith.minsi %max3A_2658, %min3A_2660 : vector<16xi32>
    %shift_right_logical3A_2662 = arith.constant 9 : i32
    %shift_right_logical3A_2663 = vector.broadcast %shift_right_logical3A_2662 : i32 to vector<16xi32>
    %shift_right_logical3A_2664 = arith.shrui %min3A_2661, %shift_right_logical3A_2663 : vector<16xi32>
    %and3A_2665 = arith.constant 511 : i32
    %and3A_2666 = vector.broadcast %and3A_2665 : i32 to vector<16xi32>
    %and3A_2667 = arith.andi %min3A_2661, %and3A_2666 : vector<16xi32>
    tpu.vector_store_idx %arg6[%shift_right_logical3A_2664, %and3A_2667], %get3A_2636 masked %and3A_2655 {add = true} : memref<64x512xf32, #tpu.memory_space<vmem>>[vector<16xi32>, vector<16xi32>], vector<16xf32>, vector<16xi1>
    %get3A_2668 = arith.constant 3 : i32
    %get3A_2669 = arith.constant 0 : i32
    %get3A_2670 = arith.index_cast %get3A_2668 : i32 to index
    %get3A_2671 = arith.index_cast %get3A_2669 : i32 to index
    %get3A_2672 = arith.constant 128 : index
    %get3A_2673 = tpu.vector_load %arg7[%get3A_2670, %get3A_2671, %get3A_2672] {strides = array<i32>} : memref<4x8x256xf32, #tpu.memory_space<vmem>>, vector<16xf32>,
    %get3A_2674 = arith.constant 3 : i32
    %get3A_2675 = arith.constant 0 : i32
    %get3A_2676 = arith.index_cast %get3A_2674 : i32 to index
    %get3A_2677 = arith.index_cast %get3A_2675 : i32 to index
    %get3A_2678 = arith.constant 128 : index
    %get3A_2679 = tpu.vector_load %arg8[%get3A_2676, %get3A_2677, %get3A_2678] {strides = array<i32>} : memref<4x8x256xi32, #tpu.memory_space<vmem>>, vector<16xi32>,
    %sub3A_2680 = vector.broadcast %mul3A_2371 : i32 to vector<16xi32>
    %sub3A_2681 = arith.subi %get3A_2679, %sub3A_2680 : vector<16xi32>
    %ne3A_2682 = arith.constant 0.000000e+00 : f32
    %ne3A_2683 = vector.broadcast %ne3A_2682 : f32 to vector<16xf32>
    %ne3A_2684 = arith.cmpf one, %get3A_2673, %ne3A_2683 : vector<16xf32>
    %ge3A_2685 = arith.constant 0 : i32
    %ge3A_2686 = vector.broadcast %ge3A_2685 : i32 to vector<16xi32>
    %ge3A_2687 = arith.cmpi sge, %sub3A_2681, %ge3A_2686 : vector<16xi32>
    %and3A_2688 = arith.andi %ne3A_2684, %ge3A_2687 : vector<16xi1>
    %lt3A_2689 = arith.constant 32768 : i32
    %lt3A_2690 = vector.broadcast %lt3A_2689 : i32 to vector<16xi32>
    %lt3A_2691 = arith.cmpi slt, %sub3A_2681, %lt3A_2690 : vector<16xi32>
    %and3A_2692 = arith.andi %and3A_2688, %lt3A_2691 : vector<16xi1>
    %max3A_2693 = arith.constant 0 : i32
    %max3A_2694 = vector.broadcast %max3A_2693 : i32 to vector<16xi32>
    %max3A_2695 = arith.maxsi %sub3A_2681, %max3A_2694 : vector<16xi32>
    %min3A_2696 = arith.constant 32767 : i32
    %min3A_2697 = vector.broadcast %min3A_2696 : i32 to vector<16xi32>
    %min3A_2698 = arith.minsi %max3A_2695, %min3A_2697 : vector<16xi32>
    %shift_right_logical3A_2699 = arith.constant 9 : i32
    %shift_right_logical3A_2700 = vector.broadcast %shift_right_logical3A_2699 : i32 to vector<16xi32>
    %shift_right_logical3A_2701 = arith.shrui %min3A_2698, %shift_right_logical3A_2700 : vector<16xi32>
    %and3A_2702 = arith.constant 511 : i32
    %and3A_2703 = vector.broadcast %and3A_2702 : i32 to vector<16xi32>
    %and3A_2704 = arith.andi %min3A_2698, %and3A_2703 : vector<16xi32>
    tpu.vector_store_idx %arg6[%shift_right_logical3A_2701, %and3A_2704], %get3A_2673 masked %and3A_2692 {add = true} : memref<64x512xf32, #tpu.memory_space<vmem>>[vector<16xi32>, vector<16xi32>], vector<16xf32>, vector<16xi1>
    %get3A_2705 = arith.constant 3 : i32
    %get3A_2706 = arith.constant 0 : i32
    %get3A_2707 = arith.index_cast %get3A_2705 : i32 to index
    %get3A_2708 = arith.index_cast %get3A_2706 : i32 to index
    %get3A_2709 = arith.constant 144 : index
    %get3A_2710 = tpu.vector_load %arg7[%get3A_2707, %get3A_2708, %get3A_2709] {strides = array<i32>} : memref<4x8x256xf32, #tpu.memory_space<vmem>>, vector<16xf32>,
    %get3A_2711 = arith.constant 3 : i32
    %get3A_2712 = arith.constant 0 : i32
    %get3A_2713 = arith.index_cast %get3A_2711 : i32 to index
    %get3A_2714 = arith.index_cast %get3A_2712 : i32 to index
    %get3A_2715 = arith.constant 144 : index
    %get3A_2716 = tpu.vector_load %arg8[%get3A_2713, %get3A_2714, %get3A_2715] {strides = array<i32>} : memref<4x8x256xi32, #tpu.memory_space<vmem>>, vector<16xi32>,
    %sub3A_2717 = vector.broadcast %mul3A_2371 : i32 to vector<16xi32>
    %sub3A_2718 = arith.subi %get3A_2716, %sub3A_2717 : vector<16xi32>
    %ne3A_2719 = arith.constant 0.000000e+00 : f32
    %ne3A_2720 = vector.broadcast %ne3A_2719 : f32 to vector<16xf32>
    %ne3A_2721 = arith.cmpf one, %get3A_2710, %ne3A_2720 : vector<16xf32>
    %ge3A_2722 = arith.constant 0 : i32
    %ge3A_2723 = vector.broadcast %ge3A_2722 : i32 to vector<16xi32>
    %ge3A_2724 = arith.cmpi sge, %sub3A_2718, %ge3A_2723 : vector<16xi32>
    %and3A_2725 = arith.andi %ne3A_2721, %ge3A_2724 : vector<16xi1>
    %lt3A_2726 = arith.constant 32768 : i32
    %lt3A_2727 = vector.broadcast %lt3A_2726 : i32 to vector<16xi32>
    %lt3A_2728 = arith.cmpi slt, %sub3A_2718, %lt3A_2727 : vector<16xi32>
    %and3A_2729 = arith.andi %and3A_2725, %lt3A_2728 : vector<16xi1>
    %max3A_2730 = arith.constant 0 : i32
    %max3A_2731 = vector.broadcast %max3A_2730 : i32 to vector<16xi32>
    %max3A_2732 = arith.maxsi %sub3A_2718, %max3A_2731 : vector<16xi32>
    %min3A_2733 = arith.constant 32767 : i32
    %min3A_2734 = vector.broadcast %min3A_2733 : i32 to vector<16xi32>
    %min3A_2735 = arith.minsi %max3A_2732, %min3A_2734 : vector<16xi32>
    %shift_right_logical3A_2736 = arith.constant 9 : i32
    %shift_right_logical3A_2737 = vector.broadcast %shift_right_logical3A_2736 : i32 to vector<16xi32>
    %shift_right_logical3A_2738 = arith.shrui %min3A_2735, %shift_right_logical3A_2737 : vector<16xi32>
    %and3A_2739 = arith.constant 511 : i32
    %and3A_2740 = vector.broadcast %and3A_2739 : i32 to vector<16xi32>
    %and3A_2741 = arith.andi %min3A_2735, %and3A_2740 : vector<16xi32>
    tpu.vector_store_idx %arg6[%shift_right_logical3A_2738, %and3A_2741], %get3A_2710 masked %and3A_2729 {add = true} : memref<64x512xf32, #tpu.memory_space<vmem>>[vector<16xi32>, vector<16xi32>], vector<16xf32>, vector<16xi1>
    %get3A_2742 = arith.constant 3 : i32
    %get3A_2743 = arith.constant 0 : i32
    %get3A_2744 = arith.index_cast %get3A_2742 : i32 to index
    %get3A_2745 = arith.index_cast %get3A_2743 : i32 to index
    %get3A_2746 = arith.constant 160 : index
    %get3A_2747 = tpu.vector_load %arg7[%get3A_2744, %get3A_2745, %get3A_2746] {strides = array<i32>} : memref<4x8x256xf32, #tpu.memory_space<vmem>>, vector<16xf32>,
    %get3A_2748 = arith.constant 3 : i32
    %get3A_2749 = arith.constant 0 : i32
    %get3A_2750 = arith.index_cast %get3A_2748 : i32 to index
    %get3A_2751 = arith.index_cast %get3A_2749 : i32 to index
    %get3A_2752 = arith.constant 160 : index
    %get3A_2753 = tpu.vector_load %arg8[%get3A_2750, %get3A_2751, %get3A_2752] {strides = array<i32>} : memref<4x8x256xi32, #tpu.memory_space<vmem>>, vector<16xi32>,
    %sub3A_2754 = vector.broadcast %mul3A_2371 : i32 to vector<16xi32>
    %sub3A_2755 = arith.subi %get3A_2753, %sub3A_2754 : vector<16xi32>
    %ne3A_2756 = arith.constant 0.000000e+00 : f32
    %ne3A_2757 = vector.broadcast %ne3A_2756 : f32 to vector<16xf32>
    %ne3A_2758 = arith.cmpf one, %get3A_2747, %ne3A_2757 : vector<16xf32>
    %ge3A_2759 = arith.constant 0 : i32
    %ge3A_2760 = vector.broadcast %ge3A_2759 : i32 to vector<16xi32>
    %ge3A_2761 = arith.cmpi sge, %sub3A_2755, %ge3A_2760 : vector<16xi32>
    %and3A_2762 = arith.andi %ne3A_2758, %ge3A_2761 : vector<16xi1>
    %lt3A_2763 = arith.constant 32768 : i32
    %lt3A_2764 = vector.broadcast %lt3A_2763 : i32 to vector<16xi32>
    %lt3A_2765 = arith.cmpi slt, %sub3A_2755, %lt3A_2764 : vector<16xi32>
    %and3A_2766 = arith.andi %and3A_2762, %lt3A_2765 : vector<16xi1>
    %max3A_2767 = arith.constant 0 : i32
    %max3A_2768 = vector.broadcast %max3A_2767 : i32 to vector<16xi32>
    %max3A_2769 = arith.maxsi %sub3A_2755, %max3A_2768 : vector<16xi32>
    %min3A_2770 = arith.constant 32767 : i32
    %min3A_2771 = vector.broadcast %min3A_2770 : i32 to vector<16xi32>
    %min3A_2772 = arith.minsi %max3A_2769, %min3A_2771 : vector<16xi32>
    %shift_right_logical3A_2773 = arith.constant 9 : i32
    %shift_right_logical3A_2774 = vector.broadcast %shift_right_logical3A_2773 : i32 to vector<16xi32>
    %shift_right_logical3A_2775 = arith.shrui %min3A_2772, %shift_right_logical3A_2774 : vector<16xi32>
    %and3A_2776 = arith.constant 511 : i32
    %and3A_2777 = vector.broadcast %and3A_2776 : i32 to vector<16xi32>
    %and3A_2778 = arith.andi %min3A_2772, %and3A_2777 : vector<16xi32>
    tpu.vector_store_idx %arg6[%shift_right_logical3A_2775, %and3A_2778], %get3A_2747 masked %and3A_2766 {add = true} : memref<64x512xf32, #tpu.memory_space<vmem>>[vector<16xi32>, vector<16xi32>], vector<16xf32>, vector<16xi1>
    %get3A_2779 = arith.constant 3 : i32
    %get3A_2780 = arith.constant 0 : i32
    %get3A_2781 = arith.index_cast %get3A_2779 : i32 to index
    %get3A_2782 = arith.index_cast %get3A_2780 : i32 to index
    %get3A_2783 = arith.constant 176 : index
    %get3A_2784 = tpu.vector_load %arg7[%get3A_2781, %get3A_2782, %get3A_2783] {strides = array<i32>} : memref<4x8x256xf32, #tpu.memory_space<vmem>>, vector<16xf32>,
    %get3A_2785 = arith.constant 3 : i32
    %get3A_2786 = arith.constant 0 : i32
    %get3A_2787 = arith.index_cast %get3A_2785 : i32 to index
    %get3A_2788 = arith.index_cast %get3A_2786 : i32 to index
    %get3A_2789 = arith.constant 176 : index
    %get3A_2790 = tpu.vector_load %arg8[%get3A_2787, %get3A_2788, %get3A_2789] {strides = array<i32>} : memref<4x8x256xi32, #tpu.memory_space<vmem>>, vector<16xi32>,
    %sub3A_2791 = vector.broadcast %mul3A_2371 : i32 to vector<16xi32>
    %sub3A_2792 = arith.subi %get3A_2790, %sub3A_2791 : vector<16xi32>
    %ne3A_2793 = arith.constant 0.000000e+00 : f32
    %ne3A_2794 = vector.broadcast %ne3A_2793 : f32 to vector<16xf32>
    %ne3A_2795 = arith.cmpf one, %get3A_2784, %ne3A_2794 : vector<16xf32>
    %ge3A_2796 = arith.constant 0 : i32
    %ge3A_2797 = vector.broadcast %ge3A_2796 : i32 to vector<16xi32>
    %ge3A_2798 = arith.cmpi sge, %sub3A_2792, %ge3A_2797 : vector<16xi32>
    %and3A_2799 = arith.andi %ne3A_2795, %ge3A_2798 : vector<16xi1>
    %lt3A_2800 = arith.constant 32768 : i32
    %lt3A_2801 = vector.broadcast %lt3A_2800 : i32 to vector<16xi32>
    %lt3A_2802 = arith.cmpi slt, %sub3A_2792, %lt3A_2801 : vector<16xi32>
    %and3A_2803 = arith.andi %and3A_2799, %lt3A_2802 : vector<16xi1>
    %max3A_2804 = arith.constant 0 : i32
    %max3A_2805 = vector.broadcast %max3A_2804 : i32 to vector<16xi32>
    %max3A_2806 = arith.maxsi %sub3A_2792, %max3A_2805 : vector<16xi32>
    %min3A_2807 = arith.constant 32767 : i32
    %min3A_2808 = vector.broadcast %min3A_2807 : i32 to vector<16xi32>
    %min3A_2809 = arith.minsi %max3A_2806, %min3A_2808 : vector<16xi32>
    %shift_right_logical3A_2810 = arith.constant 9 : i32
    %shift_right_logical3A_2811 = vector.broadcast %shift_right_logical3A_2810 : i32 to vector<16xi32>
    %shift_right_logical3A_2812 = arith.shrui %min3A_2809, %shift_right_logical3A_2811 : vector<16xi32>
    %and3A_2813 = arith.constant 511 : i32
    %and3A_2814 = vector.broadcast %and3A_2813 : i32 to vector<16xi32>
    %and3A_2815 = arith.andi %min3A_2809, %and3A_2814 : vector<16xi32>
    tpu.vector_store_idx %arg6[%shift_right_logical3A_2812, %and3A_2815], %get3A_2784 masked %and3A_2803 {add = true} : memref<64x512xf32, #tpu.memory_space<vmem>>[vector<16xi32>, vector<16xi32>], vector<16xf32>, vector<16xi1>
    %get3A_2816 = arith.constant 3 : i32
    %get3A_2817 = arith.constant 0 : i32
    %get3A_2818 = arith.index_cast %get3A_2816 : i32 to index
    %get3A_2819 = arith.index_cast %get3A_2817 : i32 to index
    %get3A_2820 = arith.constant 192 : index
    %get3A_2821 = tpu.vector_load %arg7[%get3A_2818, %get3A_2819, %get3A_2820] {strides = array<i32>} : memref<4x8x256xf32, #tpu.memory_space<vmem>>, vector<16xf32>,
    %get3A_2822 = arith.constant 3 : i32
    %get3A_2823 = arith.constant 0 : i32
    %get3A_2824 = arith.index_cast %get3A_2822 : i32 to index
    %get3A_2825 = arith.index_cast %get3A_2823 : i32 to index
    %get3A_2826 = arith.constant 192 : index
    %get3A_2827 = tpu.vector_load %arg8[%get3A_2824, %get3A_2825, %get3A_2826] {strides = array<i32>} : memref<4x8x256xi32, #tpu.memory_space<vmem>>, vector<16xi32>,
    %sub3A_2828 = vector.broadcast %mul3A_2371 : i32 to vector<16xi32>
    %sub3A_2829 = arith.subi %get3A_2827, %sub3A_2828 : vector<16xi32>
    %ne3A_2830 = arith.constant 0.000000e+00 : f32
    %ne3A_2831 = vector.broadcast %ne3A_2830 : f32 to vector<16xf32>
    %ne3A_2832 = arith.cmpf one, %get3A_2821, %ne3A_2831 : vector<16xf32>
    %ge3A_2833 = arith.constant 0 : i32
    %ge3A_2834 = vector.broadcast %ge3A_2833 : i32 to vector<16xi32>
    %ge3A_2835 = arith.cmpi sge, %sub3A_2829, %ge3A_2834 : vector<16xi32>
    %and3A_2836 = arith.andi %ne3A_2832, %ge3A_2835 : vector<16xi1>
    %lt3A_2837 = arith.constant 32768 : i32
    %lt3A_2838 = vector.broadcast %lt3A_2837 : i32 to vector<16xi32>
    %lt3A_2839 = arith.cmpi slt, %sub3A_2829, %lt3A_2838 : vector<16xi32>
    %and3A_2840 = arith.andi %and3A_2836, %lt3A_2839 : vector<16xi1>
    %max3A_2841 = arith.constant 0 : i32
    %max3A_2842 = vector.broadcast %max3A_2841 : i32 to vector<16xi32>
    %max3A_2843 = arith.maxsi %sub3A_2829, %max3A_2842 : vector<16xi32>
    %min3A_2844 = arith.constant 32767 : i32
    %min3A_2845 = vector.broadcast %min3A_2844 : i32 to vector<16xi32>
    %min3A_2846 = arith.minsi %max3A_2843, %min3A_2845 : vector<16xi32>
    %shift_right_logical3A_2847 = arith.constant 9 : i32
    %shift_right_logical3A_2848 = vector.broadcast %shift_right_logical3A_2847 : i32 to vector<16xi32>
    %shift_right_logical3A_2849 = arith.shrui %min3A_2846, %shift_right_logical3A_2848 : vector<16xi32>
    %and3A_2850 = arith.constant 511 : i32
    %and3A_2851 = vector.broadcast %and3A_2850 : i32 to vector<16xi32>
    %and3A_2852 = arith.andi %min3A_2846, %and3A_2851 : vector<16xi32>
    tpu.vector_store_idx %arg6[%shift_right_logical3A_2849, %and3A_2852], %get3A_2821 masked %and3A_2840 {add = true} : memref<64x512xf32, #tpu.memory_space<vmem>>[vector<16xi32>, vector<16xi32>], vector<16xf32>, vector<16xi1>
    %get3A_2853 = arith.constant 3 : i32
    %get3A_2854 = arith.constant 0 : i32
    %get3A_2855 = arith.index_cast %get3A_2853 : i32 to index
    %get3A_2856 = arith.index_cast %get3A_2854 : i32 to index
    %get3A_2857 = arith.constant 208 : index
    %get3A_2858 = tpu.vector_load %arg7[%get3A_2855, %get3A_2856, %get3A_2857] {strides = array<i32>} : memref<4x8x256xf32, #tpu.memory_space<vmem>>, vector<16xf32>,
    %get3A_2859 = arith.constant 3 : i32
    %get3A_2860 = arith.constant 0 : i32
    %get3A_2861 = arith.index_cast %get3A_2859 : i32 to index
    %get3A_2862 = arith.index_cast %get3A_2860 : i32 to index
    %get3A_2863 = arith.constant 208 : index
    %get3A_2864 = tpu.vector_load %arg8[%get3A_2861, %get3A_2862, %get3A_2863] {strides = array<i32>} : memref<4x8x256xi32, #tpu.memory_space<vmem>>, vector<16xi32>,
    %sub3A_2865 = vector.broadcast %mul3A_2371 : i32 to vector<16xi32>
    %sub3A_2866 = arith.subi %get3A_2864, %sub3A_2865 : vector<16xi32>
    %ne3A_2867 = arith.constant 0.000000e+00 : f32
    %ne3A_2868 = vector.broadcast %ne3A_2867 : f32 to vector<16xf32>
    %ne3A_2869 = arith.cmpf one, %get3A_2858, %ne3A_2868 : vector<16xf32>
    %ge3A_2870 = arith.constant 0 : i32
    %ge3A_2871 = vector.broadcast %ge3A_2870 : i32 to vector<16xi32>
    %ge3A_2872 = arith.cmpi sge, %sub3A_2866, %ge3A_2871 : vector<16xi32>
    %and3A_2873 = arith.andi %ne3A_2869, %ge3A_2872 : vector<16xi1>
    %lt3A_2874 = arith.constant 32768 : i32
    %lt3A_2875 = vector.broadcast %lt3A_2874 : i32 to vector<16xi32>
    %lt3A_2876 = arith.cmpi slt, %sub3A_2866, %lt3A_2875 : vector<16xi32>
    %and3A_2877 = arith.andi %and3A_2873, %lt3A_2876 : vector<16xi1>
    %max3A_2878 = arith.constant 0 : i32
    %max3A_2879 = vector.broadcast %max3A_2878 : i32 to vector<16xi32>
    %max3A_2880 = arith.maxsi %sub3A_2866, %max3A_2879 : vector<16xi32>
    %min3A_2881 = arith.constant 32767 : i32
    %min3A_2882 = vector.broadcast %min3A_2881 : i32 to vector<16xi32>
    %min3A_2883 = arith.minsi %max3A_2880, %min3A_2882 : vector<16xi32>
    %shift_right_logical3A_2884 = arith.constant 9 : i32
    %shift_right_logical3A_2885 = vector.broadcast %shift_right_logical3A_2884 : i32 to vector<16xi32>
    %shift_right_logical3A_2886 = arith.shrui %min3A_2883, %shift_right_logical3A_2885 : vector<16xi32>
    %and3A_2887 = arith.constant 511 : i32
    %and3A_2888 = vector.broadcast %and3A_2887 : i32 to vector<16xi32>
    %and3A_2889 = arith.andi %min3A_2883, %and3A_2888 : vector<16xi32>
    tpu.vector_store_idx %arg6[%shift_right_logical3A_2886, %and3A_2889], %get3A_2858 masked %and3A_2877 {add = true} : memref<64x512xf32, #tpu.memory_space<vmem>>[vector<16xi32>, vector<16xi32>], vector<16xf32>, vector<16xi1>
    %get3A_2890 = arith.constant 3 : i32
    %get3A_2891 = arith.constant 0 : i32
    %get3A_2892 = arith.index_cast %get3A_2890 : i32 to index
    %get3A_2893 = arith.index_cast %get3A_2891 : i32 to index
    %get3A_2894 = arith.constant 224 : index
    %get3A_2895 = tpu.vector_load %arg7[%get3A_2892, %get3A_2893, %get3A_2894] {strides = array<i32>} : memref<4x8x256xf32, #tpu.memory_space<vmem>>, vector<16xf32>,
    %get3A_2896 = arith.constant 3 : i32
    %get3A_2897 = arith.constant 0 : i32
    %get3A_2898 = arith.index_cast %get3A_2896 : i32 to index
    %get3A_2899 = arith.index_cast %get3A_2897 : i32 to index
    %get3A_2900 = arith.constant 224 : index
    %get3A_2901 = tpu.vector_load %arg8[%get3A_2898, %get3A_2899, %get3A_2900] {strides = array<i32>} : memref<4x8x256xi32, #tpu.memory_space<vmem>>, vector<16xi32>,
    %sub3A_2902 = vector.broadcast %mul3A_2371 : i32 to vector<16xi32>
    %sub3A_2903 = arith.subi %get3A_2901, %sub3A_2902 : vector<16xi32>
    %ne3A_2904 = arith.constant 0.000000e+00 : f32
    %ne3A_2905 = vector.broadcast %ne3A_2904 : f32 to vector<16xf32>
    %ne3A_2906 = arith.cmpf one, %get3A_2895, %ne3A_2905 : vector<16xf32>
    %ge3A_2907 = arith.constant 0 : i32
    %ge3A_2908 = vector.broadcast %ge3A_2907 : i32 to vector<16xi32>
    %ge3A_2909 = arith.cmpi sge, %sub3A_2903, %ge3A_2908 : vector<16xi32>
    %and3A_2910 = arith.andi %ne3A_2906, %ge3A_2909 : vector<16xi1>
    %lt3A_2911 = arith.constant 32768 : i32
    %lt3A_2912 = vector.broadcast %lt3A_2911 : i32 to vector<16xi32>
    %lt3A_2913 = arith.cmpi slt, %sub3A_2903, %lt3A_2912 : vector<16xi32>
    %and3A_2914 = arith.andi %and3A_2910, %lt3A_2913 : vector<16xi1>
    %max3A_2915 = arith.constant 0 : i32
    %max3A_2916 = vector.broadcast %max3A_2915 : i32 to vector<16xi32>
    %max3A_2917 = arith.maxsi %sub3A_2903, %max3A_2916 : vector<16xi32>
    %min3A_2918 = arith.constant 32767 : i32
    %min3A_2919 = vector.broadcast %min3A_2918 : i32 to vector<16xi32>
    %min3A_2920 = arith.minsi %max3A_2917, %min3A_2919 : vector<16xi32>
    %shift_right_logical3A_2921 = arith.constant 9 : i32
    %shift_right_logical3A_2922 = vector.broadcast %shift_right_logical3A_2921 : i32 to vector<16xi32>
    %shift_right_logical3A_2923 = arith.shrui %min3A_2920, %shift_right_logical3A_2922 : vector<16xi32>
    %and3A_2924 = arith.constant 511 : i32
    %and3A_2925 = vector.broadcast %and3A_2924 : i32 to vector<16xi32>
    %and3A_2926 = arith.andi %min3A_2920, %and3A_2925 : vector<16xi32>
    tpu.vector_store_idx %arg6[%shift_right_logical3A_2923, %and3A_2926], %get3A_2895 masked %and3A_2914 {add = true} : memref<64x512xf32, #tpu.memory_space<vmem>>[vector<16xi32>, vector<16xi32>], vector<16xf32>, vector<16xi1>
    %get3A_2927 = arith.constant 3 : i32
    %get3A_2928 = arith.constant 0 : i32
    %get3A_2929 = arith.index_cast %get3A_2927 : i32 to index
    %get3A_2930 = arith.index_cast %get3A_2928 : i32 to index
    %get3A_2931 = arith.constant 240 : index
    %get3A_2932 = tpu.vector_load %arg7[%get3A_2929, %get3A_2930, %get3A_2931] {strides = array<i32>} : memref<4x8x256xf32, #tpu.memory_space<vmem>>, vector<16xf32>,
    %get3A_2933 = arith.constant 3 : i32
    %get3A_2934 = arith.constant 0 : i32
    %get3A_2935 = arith.index_cast %get3A_2933 : i32 to index
    %get3A_2936 = arith.index_cast %get3A_2934 : i32 to index
    %get3A_2937 = arith.constant 240 : index
    %get3A_2938 = tpu.vector_load %arg8[%get3A_2935, %get3A_2936, %get3A_2937] {strides = array<i32>} : memref<4x8x256xi32, #tpu.memory_space<vmem>>, vector<16xi32>,
    %sub3A_2939 = vector.broadcast %mul3A_2371 : i32 to vector<16xi32>
    %sub3A_2940 = arith.subi %get3A_2938, %sub3A_2939 : vector<16xi32>
    %ne3A_2941 = arith.constant 0.000000e+00 : f32
    %ne3A_2942 = vector.broadcast %ne3A_2941 : f32 to vector<16xf32>
    %ne3A_2943 = arith.cmpf one, %get3A_2932, %ne3A_2942 : vector<16xf32>
    %ge3A_2944 = arith.constant 0 : i32
    %ge3A_2945 = vector.broadcast %ge3A_2944 : i32 to vector<16xi32>
    %ge3A_2946 = arith.cmpi sge, %sub3A_2940, %ge3A_2945 : vector<16xi32>
    %and3A_2947 = arith.andi %ne3A_2943, %ge3A_2946 : vector<16xi1>
    %lt3A_2948 = arith.constant 32768 : i32
    %lt3A_2949 = vector.broadcast %lt3A_2948 : i32 to vector<16xi32>
    %lt3A_2950 = arith.cmpi slt, %sub3A_2940, %lt3A_2949 : vector<16xi32>
    %and3A_2951 = arith.andi %and3A_2947, %lt3A_2950 : vector<16xi1>
    %max3A_2952 = arith.constant 0 : i32
    %max3A_2953 = vector.broadcast %max3A_2952 : i32 to vector<16xi32>
    %max3A_2954 = arith.maxsi %sub3A_2940, %max3A_2953 : vector<16xi32>
    %min3A_2955 = arith.constant 32767 : i32
    %min3A_2956 = vector.broadcast %min3A_2955 : i32 to vector<16xi32>
    %min3A_2957 = arith.minsi %max3A_2954, %min3A_2956 : vector<16xi32>
    %shift_right_logical3A_2958 = arith.constant 9 : i32
    %shift_right_logical3A_2959 = vector.broadcast %shift_right_logical3A_2958 : i32 to vector<16xi32>
    %shift_right_logical3A_2960 = arith.shrui %min3A_2957, %shift_right_logical3A_2959 : vector<16xi32>
    %and3A_2961 = arith.constant 511 : i32
    %and3A_2962 = vector.broadcast %and3A_2961 : i32 to vector<16xi32>
    %and3A_2963 = arith.andi %min3A_2957, %and3A_2962 : vector<16xi32>
    tpu.vector_store_idx %arg6[%shift_right_logical3A_2960, %and3A_2963], %get3A_2932 masked %and3A_2951 {add = true} : memref<64x512xf32, #tpu.memory_space<vmem>>[vector<16xi32>, vector<16xi32>], vector<16xf32>, vector<16xi1>
    %mul3A_2964 = arith.constant 64 : i32
    %mul3A_2965 = arith.muli %select_n3A_2363, %mul3A_2964 : i32
    %dma_start3A_2966 = arith.constant 0 : i32
    %dma_start3A_2967 = tpu.memref_slice %arg4[%select_n3A_2347, %mul3A_2965, %dma_start3A_2966] : memref<16x512x512xf32, #tpu.memory_space<hbm>> -> memref<1x64x512xf32, #tpu.memory_space<hbm>>
    %dma_start3A_2968 = tpu.memref_squeeze %dma_start3A_2967 : memref<1x64x512xf32, #tpu.memory_space<hbm>> -> memref<64x512xf32, #tpu.memory_space<hbm>>
    %dma_start3A_2969 = arith.constant 0 : i32
    %dma_start3A_2970 = tpu.memref_slice %arg4[%select_n3A_2347, %mul3A_2965, %dma_start3A_2969] : memref<16x512x512xf32, #tpu.memory_space<hbm>> -> memref<1x64x512xf32, #tpu.memory_space<hbm>>
    %dma_start3A_2971 = tpu.memref_squeeze %dma_start3A_2970 : memref<1x64x512xf32, #tpu.memory_space<hbm>> -> memref<64x512xf32, #tpu.memory_space<hbm>>
    tpu.enqueue_dma source(%arg6 : memref<64x512xf32, #tpu.memory_space<vmem>>) target(%dma_start3A_2971 : memref<64x512xf32, #tpu.memory_space<hbm>>) target_semaphore(%arg11 : memref<!tpu.dma_semaphore, #tpu.memory_space<semaphore_mem>>)
    %dma_wait3A_2972 = arith.constant 0 : i32
    %dma_wait3A_2973 = tpu.memref_slice %arg4[%select_n3A_1691, %mul3A_2309, %dma_wait3A_2972] : memref<16x512x512xf32, #tpu.memory_space<hbm>> -> memref<1x64x512xf32, #tpu.memory_space<hbm>>
    %dma_wait3A_2974 = tpu.memref_squeeze %dma_wait3A_2973 : memref<1x64x512xf32, #tpu.memory_space<hbm>> -> memref<64x512xf32, #tpu.memory_space<hbm>>
    %dma_wait3A_2975 = arith.constant 0 : i32
    %dma_wait3A_2976 = tpu.memref_slice %arg4[%select_n3A_1691, %mul3A_2309, %dma_wait3A_2975] : memref<16x512x512xf32, #tpu.memory_space<hbm>> -> memref<1x64x512xf32, #tpu.memory_space<hbm>>
    %dma_wait3A_2977 = tpu.memref_squeeze %dma_wait3A_2976 : memref<1x64x512xf32, #tpu.memory_space<hbm>> -> memref<64x512xf32, #tpu.memory_space<hbm>>
    tpu.wait_dma2 semaphore(%arg10 : memref<!tpu.dma_semaphore, #tpu.memory_space<semaphore_mem>>) src(%arg5 : memref<64x512xf32, #tpu.memory_space<vmem>>) dst(%dma_wait3A_2977 : memref<64x512xf32, #tpu.memory_space<hbm>>)
    %dma_wait3A_2978 = arith.constant 0 : i32
    %dma_wait3A_2979 = tpu.memref_slice %arg4[%select_n3A_2347, %mul3A_2965, %dma_wait3A_2978] : memref<16x512x512xf32, #tpu.memory_space<hbm>> -> memref<1x64x512xf32, #tpu.memory_space<hbm>>
    %dma_wait3A_2980 = tpu.memref_squeeze %dma_wait3A_2979 : memref<1x64x512xf32, #tpu.memory_space<hbm>> -> memref<64x512xf32, #tpu.memory_space<hbm>>
    %dma_wait3A_2981 = arith.constant 0 : i32
    %dma_wait3A_2982 = tpu.memref_slice %arg4[%select_n3A_2347, %mul3A_2965, %dma_wait3A_2981] : memref<16x512x512xf32, #tpu.memory_space<hbm>> -> memref<1x64x512xf32, #tpu.memory_space<hbm>>
    %dma_wait3A_2983 = tpu.memref_squeeze %dma_wait3A_2982 : memref<1x64x512xf32, #tpu.memory_space<hbm>> -> memref<64x512xf32, #tpu.memory_space<hbm>>
    tpu.wait_dma2 semaphore(%arg11 : memref<!tpu.dma_semaphore, #tpu.memory_space<semaphore_mem>>) src(%arg6 : memref<64x512xf32, #tpu.memory_space<vmem>>) dst(%dma_wait3A_2983 : memref<64x512xf32, #tpu.memory_space<hbm>>)
    return
  }
}

module attributes {stable_mosaic.version = 14 : i64} {
  func.func @_tc_body(%arg0: i32, %arg1: memref<1x2x256xf32, #tpu.memory_space<vmem>>, %arg2: memref<1x1x256xf32, #tpu.memory_space<vmem>>, %arg3: memref<1x2x512x512xf32, #tpu.memory_space<vmem>>, %arg4: memref<1x512x512xf32, #tpu.memory_space<vmem>>, %arg5: memref<1x8x256xf32, #tpu.memory_space<vmem>>, %arg6: memref<1x8x256xi32, #tpu.memory_space<vmem>>) attributes {dimension_semantics = [#tpu.dimension_semantics<arbitrary>], iteration_bounds = array<i64: 16>, scalar_prefetch = 0 : i64, scratch_operands = 0 : i64, tpu.core_type = #tpu.core_type<tc>, window_params = [{pipeline_mode = #tpu.pipeline_mode<synchronous>, transform_indices = @transform_0, window_bounds = array<i64: 1, 2, 256>}, {transform_indices = @transform_1, window_bounds = array<i64: 1, 1, 256>}, {transform_indices = @transform_2, window_bounds = array<i64: 1, 2, 512, 512>}, {transform_indices = @transform_3, window_bounds = array<i64: 1, 512, 512>}, {transform_indices = @transform_4, window_bounds = array<i64: 1, 8, 256>}, {transform_indices = @transform_5, window_bounds = array<i64: 1, 8, 256>}]} {
    %get3A = arith.constant 0 : index
    %get3A_0 = arith.constant 0 : index
    %get3A_1 = arith.constant 0 : index
    %get3A_2 = arith.constant 0 : index
    %get3A_3 = vector.load %arg3[%get3A, %get3A_0, %get3A_1, %get3A_2] : memref<1x2x512x512xf32, #tpu.memory_space<vmem>>, vector<1x2x512x512xf32>
    %get3A_4 = vector.shape_cast %get3A_3 : vector<1x2x512x512xf32> to vector<2x512x512xf32>
    %slice3A = vector.extract_strided_slice %get3A_4 {offsets = [0, 0, 0], sizes = [1, 512, 512], strides = [1, 1, 1]} : vector<2x512x512xf32> to vector<1x512x512xf32>
    %squeeze3A = vector.shape_cast %slice3A : vector<1x512x512xf32> to vector<512x512xf32>
    %reduce_min3A = vector.shape_cast %squeeze3A : vector<512x512xf32> to vector<1x512x512xf32>
    %reduce_min3A_5 = arith.constant dense<0x7F800000> : vector<1xf32>
    %reduce_min3A_6 = vector.multi_reduction <minimumf>, %reduce_min3A, %reduce_min3A_5 [1, 2] : vector<1x512x512xf32> to vector<1xf32>
    %reduce_min3A_7 = vector.shape_cast %reduce_min3A_6 : vector<1xf32> to vector<1x1x1xf32>
    %reduce_min3A_8 = vector.extract %reduce_min3A_7[0, 0, 0] : f32 from vector<1x1x1xf32>
    %slice3A_9 = vector.extract_strided_slice %get3A_4 {offsets = [0, 0, 0], sizes = [1, 512, 512], strides = [1, 1, 1]} : vector<2x512x512xf32> to vector<1x512x512xf32>
    %squeeze3A_10 = vector.shape_cast %slice3A_9 : vector<1x512x512xf32> to vector<512x512xf32>
    %reduce_max3A = vector.shape_cast %squeeze3A_10 : vector<512x512xf32> to vector<1x512x512xf32>
    %reduce_max3A_11 = arith.constant dense<0xFF800000> : vector<1xf32>
    %reduce_max3A_12 = vector.multi_reduction <maximumf>, %reduce_max3A, %reduce_max3A_11 [1, 2] : vector<1x512x512xf32> to vector<1xf32>
    %reduce_max3A_13 = vector.shape_cast %reduce_max3A_12 : vector<1xf32> to vector<1x1x1xf32>
    %reduce_max3A_14 = vector.extract %reduce_max3A_13[0, 0, 0] : f32 from vector<1x1x1xf32>
    %slice3A_15 = vector.extract_strided_slice %get3A_4 {offsets = [1, 0, 0], sizes = [1, 512, 512], strides = [1, 1, 1]} : vector<2x512x512xf32> to vector<1x512x512xf32>
    %squeeze3A_16 = vector.shape_cast %slice3A_15 : vector<1x512x512xf32> to vector<512x512xf32>
    %reduce_min3A_17 = vector.shape_cast %squeeze3A_16 : vector<512x512xf32> to vector<1x512x512xf32>
    %reduce_min3A_18 = arith.constant dense<0x7F800000> : vector<1xf32>
    %reduce_min3A_19 = vector.multi_reduction <minimumf>, %reduce_min3A_17, %reduce_min3A_18 [1, 2] : vector<1x512x512xf32> to vector<1xf32>
    %reduce_min3A_20 = vector.shape_cast %reduce_min3A_19 : vector<1xf32> to vector<1x1x1xf32>
    %reduce_min3A_21 = vector.extract %reduce_min3A_20[0, 0, 0] : f32 from vector<1x1x1xf32>
    %slice3A_22 = vector.extract_strided_slice %get3A_4 {offsets = [1, 0, 0], sizes = [1, 512, 512], strides = [1, 1, 1]} : vector<2x512x512xf32> to vector<1x512x512xf32>
    %squeeze3A_23 = vector.shape_cast %slice3A_22 : vector<1x512x512xf32> to vector<512x512xf32>
    %reduce_max3A_24 = vector.shape_cast %squeeze3A_23 : vector<512x512xf32> to vector<1x512x512xf32>
    %reduce_max3A_25 = arith.constant dense<0xFF800000> : vector<1xf32>
    %reduce_max3A_26 = vector.multi_reduction <maximumf>, %reduce_max3A_24, %reduce_max3A_25 [1, 2] : vector<1x512x512xf32> to vector<1xf32>
    %reduce_max3A_27 = vector.shape_cast %reduce_max3A_26 : vector<1xf32> to vector<1x1x1xf32>
    %reduce_max3A_28 = vector.extract %reduce_max3A_27[0, 0, 0] : f32 from vector<1x1x1xf32>
    %get3A_29 = arith.constant 0 : index
    %get3A_30 = arith.constant 0 : index
    %get3A_31 = arith.constant 0 : index
    %get3A_32 = vector.load %arg1[%get3A_29, %get3A_30, %get3A_31] : memref<1x2x256xf32, #tpu.memory_space<vmem>>, vector<1x2x256xf32>
    %get3A_33 = vector.shape_cast %get3A_32 : vector<1x2x256xf32> to vector<2x256xf32>
    %slice3A_34 = vector.extract_strided_slice %get3A_33 {offsets = [0, 0], sizes = [1, 256], strides = [1, 1]} : vector<2x256xf32> to vector<1x256xf32>
    %slice3A_35 = vector.extract_strided_slice %get3A_33 {offsets = [1, 0], sizes = [1, 256], strides = [1, 1]} : vector<2x256xf32> to vector<1x256xf32>
    %sub3A = vector.broadcast %reduce_min3A_8 : f32 to vector<1x256xf32>
    %sub3A_36 = arith.subf %slice3A_34, %sub3A : vector<1x256xf32>
    %sub3A_37 = arith.subf %reduce_max3A_14, %reduce_min3A_8 : f32
    %div3A = vector.broadcast %sub3A_37 : f32 to vector<1x256xf32>
    %div3A_38 = arith.divf %sub3A_36, %div3A : vector<1x256xf32>
    %sub3A_39 = vector.broadcast %reduce_min3A_21 : f32 to vector<1x256xf32>
    %sub3A_40 = arith.subf %slice3A_35, %sub3A_39 : vector<1x256xf32>
    %sub3A_41 = arith.subf %reduce_max3A_28, %reduce_min3A_21 : f32
    %div3A_42 = vector.broadcast %sub3A_41 : f32 to vector<1x256xf32>
    %div3A_43 = arith.divf %sub3A_40, %div3A_42 : vector<1x256xf32>
    %mul3A = arith.constant 5.110000e+02 : f32
    %mul3A_44 = vector.broadcast %mul3A : f32 to vector<1x256xf32>
    %mul3A_45 = arith.mulf %div3A_38, %mul3A_44 : vector<1x256xf32>
    %round3A = math.roundeven %mul3A_45 : vector<1x256xf32>
    %jit3A = arith.constant 0.000000e+00 : f32
    %jit3A_46 = arith.constant 511 : i32
    %max3A = vector.broadcast %jit3A : f32 to vector<1x256xf32>
    %max3A_47 = arith.maximumf %max3A, %round3A : vector<1x256xf32>
    %convert_element_type3A = arith.sitofp %jit3A_46 : i32 to f32
    %min3A = vector.broadcast %convert_element_type3A : f32 to vector<1x256xf32>
    %min3A_48 = arith.minimumf %min3A, %max3A_47 : vector<1x256xf32>
    %mul3A_49 = arith.constant 5.110000e+02 : f32
    %mul3A_50 = vector.broadcast %mul3A_49 : f32 to vector<1x256xf32>
    %mul3A_51 = arith.mulf %div3A_43, %mul3A_50 : vector<1x256xf32>
    %round3A_52 = math.roundeven %mul3A_51 : vector<1x256xf32>
    %jit3A_53 = arith.constant 0.000000e+00 : f32
    %jit3A_54 = arith.constant 511 : i32
    %max3A_55 = vector.broadcast %jit3A_53 : f32 to vector<1x256xf32>
    %max3A_56 = arith.maximumf %max3A_55, %round3A_52 : vector<1x256xf32>
    %convert_element_type3A_57 = arith.sitofp %jit3A_54 : i32 to f32
    %min3A_58 = vector.broadcast %convert_element_type3A_57 : f32 to vector<1x256xf32>
    %min3A_59 = arith.minimumf %min3A_58, %max3A_56 : vector<1x256xf32>
    %convert_element_type3A_60 = arith.fptosi %min3A_48 : vector<1x256xf32> to vector<1x256xi32>
    %convert_element_type3A_61 = arith.fptosi %min3A_59 : vector<1x256xf32> to vector<1x256xi32>
    %ge3A = vector.broadcast %reduce_min3A_8 : f32 to vector<1x256xf32>
    %ge3A_62 = arith.cmpf oge, %slice3A_34, %ge3A : vector<1x256xf32>
    %le3A = vector.broadcast %reduce_max3A_14 : f32 to vector<1x256xf32>
    %le3A_63 = arith.cmpf ole, %slice3A_34, %le3A : vector<1x256xf32>
    %and3A = arith.andi %ge3A_62, %le3A_63 : vector<1x256xi1>
    %ge3A_64 = vector.broadcast %reduce_min3A_21 : f32 to vector<1x256xf32>
    %ge3A_65 = arith.cmpf oge, %slice3A_35, %ge3A_64 : vector<1x256xf32>
    %and3A_66 = arith.andi %and3A, %ge3A_65 : vector<1x256xi1>
    %le3A_67 = vector.broadcast %reduce_max3A_28 : f32 to vector<1x256xf32>
    %le3A_68 = arith.cmpf ole, %slice3A_35, %le3A_67 : vector<1x256xf32>
    %and3A_69 = arith.andi %and3A_66, %le3A_68 : vector<1x256xi1>
    %iota3A = tpu.iota {dimensions = array<i32: 0>} : vector<512x256xi32>
    %iota3A_70 = tpu.iota {dimensions = array<i32: 0>} : vector<512x256xi32>
    %eq3A = vector.broadcast %convert_element_type3A_61 : vector<1x256xi32> to vector<512x256xi32>
    %eq3A_71 = arith.cmpi eq, %iota3A, %eq3A : vector<512x256xi32>
    %convert_element_type3A_72 = arith.extui %eq3A_71 : vector<512x256xi1> to vector<512x256xi32>
    %convert_element_type3A_73 = arith.sitofp %convert_element_type3A_72 : vector<512x256xi32> to vector<512x256xf32>
    %eq3A_74 = vector.broadcast %convert_element_type3A_60 : vector<1x256xi32> to vector<512x256xi32>
    %eq3A_75 = arith.cmpi eq, %iota3A_70, %eq3A_74 : vector<512x256xi32>
    %convert_element_type3A_76 = arith.extui %eq3A_75 : vector<512x256xi1> to vector<512x256xi32>
    %convert_element_type3A_77 = arith.sitofp %convert_element_type3A_76 : vector<512x256xi32> to vector<512x256xf32>
    %get3A_78 = arith.constant 0 : index
    %get3A_79 = arith.constant 0 : index
    %get3A_80 = arith.constant 0 : index
    %get3A_81 = vector.load %arg4[%get3A_78, %get3A_79, %get3A_80] : memref<1x512x512xf32, #tpu.memory_space<vmem>>, vector<1x512x512xf32>
    %get3A_82 = vector.shape_cast %get3A_81 : vector<1x512x512xf32> to vector<512x512xf32>
    %dot_general3A = arith.constant dense<0.000000e+00> : vector<512x256xf32>
    %dot_general3A_83 = tpu.matmul %get3A_82, %convert_element_type3A_73, %dot_general3A {dimension_numbers = #tpu.dot_dimension_numbers<[0], [0], [1], [1], [0, 1, 1, 1], [], []>, transpose_lhs_hint = false} : vector<512x512xf32>, vector<512x256xf32>, vector<512x256xf32> -> vector<512x256xf32>
    %mul3A_84 = arith.mulf %dot_general3A_83, %convert_element_type3A_77 : vector<512x256xf32>
    %reduce_sum3A = arith.constant dense<0.000000e+00> : vector<256xf32>
    %reduce_sum3A_85 = vector.multi_reduction <add>, %mul3A_84, %reduce_sum3A [0] : vector<512x256xf32> to vector<256xf32>
    %broadcast_in_dim3A = vector.shape_cast %reduce_sum3A_85 : vector<256xf32> to vector<1x256xf32>
    %get3A_86 = arith.constant 0 : index
    %get3A_87 = arith.constant 0 : index
    %get3A_88 = arith.constant 0 : index
    %get3A_89 = vector.load %arg2[%get3A_86, %get3A_87, %get3A_88] : memref<1x1x256xf32, #tpu.memory_space<vmem>>, vector<1x1x256xf32>
    %get3A_90 = vector.shape_cast %get3A_89 : vector<1x1x256xf32> to vector<1x256xf32>
    %mul3A_91 = arith.mulf %get3A_90, %broadcast_in_dim3A : vector<1x256xf32>
    %convert_element_type3A_92 = arith.extui %and3A_69 : vector<1x256xi1> to vector<1x256xi32>
    %convert_element_type3A_93 = arith.sitofp %convert_element_type3A_92 : vector<1x256xi32> to vector<1x256xf32>
    %mul3A_94 = arith.mulf %mul3A_91, %convert_element_type3A_93 : vector<1x256xf32>
    %mul3A_95 = arith.constant 512 : i32
    %mul3A_96 = vector.broadcast %mul3A_95 : i32 to vector<1x256xi32>
    %mul3A_97 = arith.muli %convert_element_type3A_61, %mul3A_96 : vector<1x256xi32>
    %add3A = arith.addi %mul3A_97, %convert_element_type3A_60 : vector<1x256xi32>
    %broadcast_in_dim3A_98 = vector.shape_cast %mul3A_94 : vector<1x256xf32> to vector<1x256xf32>
    %broadcast_in_dim3A_99 = vector.broadcast %broadcast_in_dim3A_98 : vector<1x256xf32> to vector<8x256xf32>
    %swap3A = arith.constant 0 : index
    %swap3A_100 = arith.constant 0 : index
    %swap3A_101 = arith.constant 0 : index
    %swap3A_102 = vector.load %arg5[%swap3A, %swap3A_100, %swap3A_101] : memref<1x8x256xf32, #tpu.memory_space<vmem>>, vector<1x8x256xf32>
    %swap3A_103 = vector.shape_cast %swap3A_102 : vector<1x8x256xf32> to vector<8x256xf32>
    %swap3A_104 = vector.shape_cast %broadcast_in_dim3A_99 : vector<8x256xf32> to vector<1x8x256xf32>
    tpu.vector_store %arg5[%swap3A, %swap3A_100, %swap3A_101], %swap3A_104 {strides = array<i32>} : memref<1x8x256xf32, #tpu.memory_space<vmem>>, vector<1x8x256xf32>,
    %broadcast_in_dim3A_105 = vector.shape_cast %add3A : vector<1x256xi32> to vector<1x256xi32>
    %broadcast_in_dim3A_106 = vector.broadcast %broadcast_in_dim3A_105 : vector<1x256xi32> to vector<8x256xi32>
    %swap3A_107 = arith.constant 0 : index
    %swap3A_108 = arith.constant 0 : index
    %swap3A_109 = arith.constant 0 : index
    %swap3A_110 = vector.load %arg6[%swap3A_107, %swap3A_108, %swap3A_109] : memref<1x8x256xi32, #tpu.memory_space<vmem>>, vector<1x8x256xi32>
    %swap3A_111 = vector.shape_cast %swap3A_110 : vector<1x8x256xi32> to vector<8x256xi32>
    %swap3A_112 = vector.shape_cast %broadcast_in_dim3A_106 : vector<8x256xi32> to vector<1x8x256xi32>
    tpu.vector_store %arg6[%swap3A_107, %swap3A_108, %swap3A_109], %swap3A_112 {strides = array<i32>} : memref<1x8x256xi32, #tpu.memory_space<vmem>>, vector<1x8x256xi32>,
    return
  }
  func.func @transform_0(%arg0: i32) -> (i32, i32, i32) {
    %c0_i32 = arith.constant 0 : i32
    %c0_i32_0 = arith.constant 0 : i32
    %c0_i32_1 = arith.constant 0 : i32
    %c0_i32_2 = arith.constant 0 : i32
    return %c0_i32, %c0_i32_0, %c0_i32_1 : i32, i32, i32
  }
  func.func @transform_1(%arg0: i32) -> (i32, i32, i32) {
    %c0_i32 = arith.constant 0 : i32
    %c0_i32_0 = arith.constant 0 : i32
    %c0_i32_1 = arith.constant 0 : i32
    return %arg0, %c0_i32, %c0_i32_0 : i32, i32, i32
  }
  func.func @transform_2(%arg0: i32) -> (i32, i32, i32, i32) {
    %c0_i32 = arith.constant 0 : i32
    %c0_i32_0 = arith.constant 0 : i32
    %c0_i32_1 = arith.constant 0 : i32
    %c0_i32_2 = arith.constant 0 : i32
    return %arg0, %c0_i32, %c0_i32_0, %c0_i32_1 : i32, i32, i32, i32
  }
  func.func @transform_3(%arg0: i32) -> (i32, i32, i32) {
    %c0_i32 = arith.constant 0 : i32
    %c0_i32_0 = arith.constant 0 : i32
    %c0_i32_1 = arith.constant 0 : i32
    return %arg0, %c0_i32, %c0_i32_0 : i32, i32, i32
  }
  func.func @transform_4(%arg0: i32) -> (i32, i32, i32) {
    %c0_i32 = arith.constant 0 : i32
    %c0_i32_0 = arith.constant 0 : i32
    %c0_i32_1 = arith.constant 0 : i32
    return %arg0, %c0_i32, %c0_i32_0 : i32, i32, i32
  }
  func.func @transform_5(%arg0: i32) -> (i32, i32, i32) {
    %c0_i32 = arith.constant 0 : i32
    %c0_i32_0 = arith.constant 0 : i32
    %c0_i32_1 = arith.constant 0 : i32
    return %arg0, %c0_i32, %c0_i32_0 : i32, i32, i32
  }
}

</mosaic_0001>

<sc_bundles>
// kernel: kernel.4.cloned.1.call-start
scs
__scs_entry_jumppad:
0x0: {  	(pc) =	sbr.rel $0x88, $3  }
0x1: {  	(tag) =	ssettag $0x0;
	lr =	simm.s32 $0x1  }
0x2: {  	[smem:$0x3F9D] =	sst lr;
	_ =	strace $0xD0000000  }
0x3: {  	_ = 	snop  }
0x4: {  	_ = 	snop  }
0x5: {  	_ = 	snop  }
0x6: {  	_ = 	snop  }
0x7: {  	_ = 	snop  }
__scs_overlays_trampoline_lowered:
0x8: {  	[smem:$0x3FAC] =	sst s0  }
0x9: {  	[smem:$0x3FAD] =	sst s1  }
0xa: {  	[smem:$0x3FAE] =	sst s2  }
0xb: {  	[smem:$0x3FAF] =	sst s3  }
0xc: {  	[smem:$0x3FB0] =	sst s4  }
0xd: {  	[smem:$0x3FB1] =	sst s5  }
0xe: {  	[smem:$0x3FB2] =	sst s6  }
0xf: {  	[smem:$0x3FB3] =	sst s7  }
0x10: {  	[smem:$0x3FB4] =	sst s8  }
0x11: {  	[smem:$0x3FB5] =	sst s9;
	s0 =	simm.s32 @!p0 $0x0  }
0x12: {  	s1 =	sld [smem:$0x3F9B];
	s0 =	simm.s32 @p0 $0x1  }
0x13: {  	[smem:$0x3FB6] =	sst s0;
	s0 =	simm.s32 @!p1 $0x0  }
0x14: {  	s2 =	sld [smem:$0x3F9A];
	s0 =	simm.s32 @p1 $0x1  }
0x15: {  	[smem:$0x3FB7] =	sst s0;
	s0 =	simm.s32 @!p2 $0x0  }
0x16: {  	s3 =	sld [smem:$0x3FDB];
	s0 =	simm.s32 @p2 $0x1  }
0x17: {  	s4 =	simm.s32 $0x1BF5;
	[smem:$0x3FB9] =	sst s0  }
0x18: {  	s0 =	sld [smem:$0x3F9C];
	_ =	swait.ge [sflag:s4], $0x0  }
0x19: {  	s7 =	sld [smem:$0x3F9D]  }
0x1a: {  	s8 =	sadd.s32 $0xFFFFE003, lr  }
0x1b: {  	s9 =	sadd.s32 $0xFFFFFEF7, lr;
	s5 =	simm.s32 $0xFFFFFFFF;
	p2 =	slt.u32 s8, $0xFFFFF086  }
0x1c: {  	p1 =	slt.u32 s9, $0xF7A;
	s5 =	simm.s32 @!p2 $0x0  }
0x1d: {  	s5 =	simm.s32 @p1 $0x1;
	p0 =	seq.s32 s7, s2  }
0x1e: {  	s7 =	smul.u32 @!p0 $0xF7A, s2;
	p2 =	seq.s32 @!p0 s5, $0x0  }
0x1f: {  	s9 =	smul.u32 $0xF7A, s1;
	s8 =	simm.s32 @!p0 $0x1BF5;
	p2 =	por !p2, p0  }
0x20: {  	[sflag:s8] =	ssyncset.s32 @!p0 $0xFFFFF086;
	s6 =	sadd.s32 @!p0 s3, s7;
	s7 =	simm.s32 @!p0 $0x108  }
0x21: {  	s3 =	sadd.s32 s3, s9;
	s6 =	sadd.s32 @!p0 $0x88, s6;
	s7 =	simm.s32 @p2 $0x1082  }
0x22: {  	[simem:s7], [sflag:s8] =	dma.local @!p0 [hbm:s6], $0xF7A  }
0x23: {  	s9 =	sor.u32 $0xD0000000, s2;
	s6 =	simm.s32 $0x108;
	_ =	swait.ge @!p0 [sflag:s8], $0x0  }
0x24: {  	s3 =	sadd.s32 $0x88, s3;
	s6 =	simm.s32 @!p1 $0x1082;
	[sflag:s4] =	ssyncset.s32 $0xFFFFF086  }
0x25: {  	[simem:s6], [sflag:s4] =	dma.local [hbm:s3], $0xF7A  }
0x26: {  	[smem:$0x3F9D] =	sst s1;
	(tag) =	ssettag s2;
	_ =	strace s9  }
0x27: {  	s1 =	sld [smem:$0x3FAD]  }
0x28: {  	s2 =	sld [smem:$0x3FAE]  }
0x29: {  	s4 =	sld [smem:$0x3FB0]  }
0x2a: {  	p0 =	seq.s32 s5, $0x0;
	s5 =	sld [smem:$0x3FB1]  }
0x2b: {  	s6 =	sld [smem:$0x3FB2]  }
0x2c: {  	s7 =	sld [smem:$0x3FB3]  }
0x2d: {  	s3 =	simm.s32 $0x108;
	s8 =	sld [smem:$0x3FB4]  }
0x2e: {  	s3 =	simm.s32 @!p0 $0x1082;
	s9 =	sld [smem:$0x3FB5]  }
0x2f: {  	lr =	sadd.s32 s0, s3;
	s0 =	sld [smem:$0x3FAC]  }
0x30: {  	s3 =	sld [smem:$0x3FAF]  }
0x31: {  	[smem:$0x3FB8] =	sst s10  }
0x32: {  	s10 =	sld [smem:$0x3FB6];
	_ =	sdelay $0x3  }
0x33: {  	p0 =	seq.s32 s10, $0x1;
	s10 =	sld [smem:$0x3FB8];
	_ =	sdelay $0x3  }
0x34: {  	[smem:$0x3FB8] =	sst s10  }
0x35: {  	s10 =	sld [smem:$0x3FB7];
	_ =	sdelay $0x3  }
0x36: {  	p1 =	seq.s32 s10, $0x1;
	s10 =	sld [smem:$0x3FB8];
	_ =	sdelay $0x3  }
0x37: {  	[smem:$0x3FB8] =	sst s10  }
0x38: {  	s10 =	sld [smem:$0x3FB9]  }
0x39: {  	_ = 	snop;
	(pc) =	sbr.ind lr, $3  }
0x3a: {  	_ = 	snop  }
0x3b: {  	_ = 	snop  }
0x3c: {  	p2 =	seq.s32 s10, $0x1;
	s10 =	sld [smem:$0x3FB8]  }
0x3d: {  	_ =	shalt  }
0x3e: {  	_ =	shalt  }
0x3f: {  	_ =	shalt  }
0x40: {  	_ =	shalt  }
0x41: {  	_ =	shalt  }
0x42: {  	_ =	shalt  }
0x43: {  	_ =	shalt  }
0x44: {  	_ =	shalt  }
0x45: {  	_ =	shalt  }
0x46: {  	_ =	shalt  }
0x47: {  	_ =	shalt  }
0x48: {  	_ =	shalt  }
0x49: {  	_ =	shalt  }
0x4a: {  	_ =	shalt  }
0x4b: {  	_ =	shalt  }
0x4c: {  	_ =	shalt  }
0x4d: {  	_ =	shalt  }
0x4e: {  	_ =	shalt  }
0x4f: {  	_ =	shalt  }
0x50: {  	_ =	shalt  }
0x51: {  	_ =	shalt  }
0x52: {  	_ =	shalt  }
0x53: {  	_ =	shalt  }
0x54: {  	_ =	shalt  }
0x55: {  	_ =	shalt  }
0x56: {  	_ =	shalt  }
0x57: {  	_ =	shalt  }
0x58: {  	_ =	shalt  }
0x59: {  	_ =	shalt  }
0x5a: {  	_ =	shalt  }
0x5b: {  	_ =	shalt  }
0x5c: {  	_ =	shalt  }
0x5d: {  	_ =	shalt  }
0x5e: {  	_ =	shalt  }
0x5f: {  	_ =	shalt  }
0x60: {  	_ =	shalt  }
0x61: {  	_ =	shalt  }
0x62: {  	_ =	shalt  }
0x63: {  	_ =	shalt  }
0x64: {  	_ =	shalt  }
0x65: {  	_ =	shalt  }
0x66: {  	_ =	shalt  }
0x67: {  	_ =	shalt  }
0x68: {  	_ =	shalt  }
0x69: {  	_ =	shalt  }
0x6a: {  	_ =	shalt  }
0x6b: {  	_ =	shalt  }
0x6c: {  	_ =	shalt  }
0x6d: {  	_ =	shalt  }
0x6e: {  	_ =	shalt  }
0x6f: {  	_ =	shalt  }
0x70: {  	_ =	shalt  }
0x71: {  	_ =	shalt  }
0x72: {  	_ =	shalt  }
0x73: {  	_ =	shalt  }
0x74: {  	_ =	shalt  }
0x75: {  	_ =	shalt  }
0x76: {  	_ =	shalt  }
0x77: {  	_ =	shalt  }
0x78: {  	_ =	shalt  }
0x79: {  	_ =	shalt  }
0x7a: {  	_ =	shalt  }
0x7b: {  	_ =	shalt  }
0x7c: {  	_ =	shalt  }
0x7d: {  	_ =	shalt  }
0x7e: {  	_ =	shalt  }
0x7f: {  	_ =	shalt  }
0x80: {  	_ =	shalt  }
0x81: {  	_ =	shalt  }
0x82: {  	_ =	shalt  }
0x83: {  	_ =	shalt  }
0x84: {  	_ =	shalt  }
0x85: {  	_ =	shalt  }
0x86: {  	_ =	shalt  }
0x87: {  	_ =	shalt  }
.Lfunc_end0:
.L_simem_size_0:
called_computation_lowered:
.L_overlay_start_0:
0x88: {  	s2 =	sld [smem:$0x3FD9]  }
0x89: {  	s3 =	sld [smem:$0x3FFE];
	_ =	sdelay $0x1  }
0x8a: {  	s1 =	srdreg.scid  }
0x8b: {  	s0 =	sand.u32 $0x1, s1  }
0x8c: {  	s17 =	sshll.u32 s0, $0xA;
	s2 =	sadd.s32 s3, s2  }
0x8d: {  	s2 =	sadd.s32 s2, s17  }
0x8e: {  	[smem:$0x3FC4] =	sst s2  }
0x8f: {  	_ = 	snop  }
0x90: {  	s2 =	sld [smem:$0x3FD0];
	(tm) =	ssettm $0x1  }
0x91: {  	s18 =	sld [smem:$0x3FFB];
	_ =	sdelay $0x3  }
0x92: {  	_ =	strace s18  }
0x93: {  	s3 =	sld [smem:$0x3FFC];
	_ =	sdelay $0x3  }
0x94: {  	_ =	strace s3  }
0x95: {  	s3 =	sld [smem:$0x3FFD];
	_ =	sdelay $0x3  }
0x96: {  	_ =	strace s3  }
0x97: {  	_ =	strace $0x8FFFFFFF  }
0x98: {  	s19 =	sld [smem:$0x3FDB];
	_ =	sdelay $0x1  }
0x99: {  	s4 =	simm.s32 $_scs_section_size  }
0x9a: {  	s5 =	simm.s32 $_size__tile_overlayer_lowered;
	s6 =	simm.s32 $_tile_overlayer_lowered  }
0x9b: {  	s22 =	simm.s32 $0x1BFF;
	s21 =	sshll.u32 s6, $0x1;
	s3 =	sadd.s32 s4, s19  }
0x9c: {  	s7 =	simm.s32 $0x0;
	s20 =	sshll.u32 s5, $0x1;
	s5 =	sadd.s32 s21, s3  }
0x9d: {  	[timem:s7], [sflag:s22] =	dma.local [hbm:s5], s20  }
0x9e: {  	_ =	swait.ge [sflag:s22], s20  }
0x9f: {  	s4 =	ssub.s32 $0x0, s20;
	[sflag:s22] =	ssyncset.done $0x0  }
0xa0: {  	[sflag:s22] =	ssyncadd.s32 s4;
	_ =	sdelay $0x1  }
0xa1: {  	s23 =	simm.s32 $0x1B8B  }
0xa2: {  	_ =	swait.ge [sflag:s23], $0x1  }
0xa3: {  	[sflag:s23] =	ssyncset.done $0x0  }
0xa4: {  	s25 =	simm.s32 $0x1B8E;
	s24 =	sld [smem:$0x3FFE];
	[sflag:s23] =	ssyncadd.s32 $0xFFFFFFFF  }
0xa5: {  	s26 =	simm.s32 $execute0_lowered;
	[smem:$0x3FD2] =	sst s25  }
0xa6: {  	s5 =	sshll.u32 s26, $0x1;
	_ =	strace $0x80000046;
	[dreg:$0x1] =	wrdreg $0xFFFFFFFF  }
0xa7: {  	s28 =	simm.s32 $_size_execute0_lowered;
	s3 =	sadd.s32 s3, s5;
	[dreg:$0x0] =	wrdreg $0x0  }
0xa8: {  	s5 =	sshll.u32 s28, $0x1;
	[dreg:$0x2] =	wrdreg s3  }
0xa9: {  	[dreg:$0x3] =	wrdreg s5  }
0xaa: {  	[dreg:$0x4] =	wrdreg $0xC0  }
0xab: {  	_ =	task [dreg:s7], $0x5FFFF  }
0xac: {  	[dreg:$0x1] =	wrdreg $0xFFFFFFFF  }
0xad: {  	[dreg:$0x0] =	wrdreg $0x60  }
0xae: {  	[dreg:$0x2] =	wrdreg s24  }
0xaf: {  	[dreg:$0x3] =	wrdreg s2  }
0xb0: {  	[dreg:$0x4] =	wrdreg $0x9  }
0xb1: {  	_ =	task.clear_ibuf [dreg:s7], $0x5FFFF;
	_ =	strace $0x90000046  }
0xb2: {  	s29 =	simm.s32 $0x9;
	_ =	strace $0x80000048  }
0xb3: {  	_ =	swait.ge [sflag:s29], $0x1  }
0xb4: {  	[sflag:s29] =	ssyncadd.s32 $0xFFFFFFFF  }
0xb5: {  	_ =	strace $0x90000048  }
0xb6: {  	_ =	sfence  }
0xb7: {  	s30 =	sld [smem:$0x0];
	_ =	sdelay $0x2  }
0xb8: {  	s31 =	sshll.u32 s1, $0xD;
	s1 =	sshrl.u32 s1, $0x2  }
0xb9: {  	s3 =	sand.u32 $0x4000, s31;
	s1 =	sadd.s32 s1, s30  }
0xba: {  	s0 =	sor.u32 s3, s0;
	s1 =	sshll.u32 s1, $0x11  }
0xbb: {  	s0 =	sor.u32 s1, s0  }
0xbc: {  	s0 =	sadd.s32 $0x8F2B, s0  }
0xbd: {  	[sflag:s0] =	ssyncadd.remote.s32 $0x1  }
0xbe: {  	_ =	sfence.sel $0xFFFF  }
0xbf: {  	[dreg:$0x0] =	wrdreg $0xFFFFFFFF;
	(pc) =	sbr.abs _section_cstart, $3  }
0xc0: {  	[dreg:$0x1] =	wrdreg $0xFFFFFFFF  }
0xc1: {  	_ =	task.clear_ibuf [dreg:s7], $0x2FFFF;
	_ =	strace $0x9FFFFFFF  }
0xc2: {  	(tm) =	ssettm $0x7FFFFFFF  }
0xc3: {  	_ =	shalt  }
tec
execute0_lowered:
.L_overlay_start_1:
0x0: {  	(tag) =	ssettag $0x1  }
0x1: {  	s0 =	rddreg [dreg:$0x0]  }
0x2: {  	s2 =	rddreg [dreg:$0x1]  }
0x3: {  	s1 =	simm.s32 $0x0;
	s3 =	srdreg.scid;
	s7 =	stileid.u32  }
0x4: {  	s28 =	simm.s32 $0x3;
	s29 =	simm.s32 $0x0;
	[smem:$0x7FF] =	sst s1  }
0x5: {  	s9 =	sadd.s32 $0xE00, s0;
	s3 =	sand.u32 $0x1, s3;
	s0 =	sadd.s32 $0x1E00, s0  }
0x6: {  	s5 =	sshll.u32 s7, $0x1;
	s8 =	sshrl.u32 s7, $0x2;
	_ =	strace $0x80000047  }
0x7: {  	s4 =	ssub.s32 $0x2, s3;
	s5 =	sand.u32 $0x6, s5;
	s18 =	sshll.u32 s8, $0x8  }
0x8: {  	s12 =	sor.u32 $0x4, s8;
	s13 =	sor.u32 $0x8, s8;
	s14 =	sor.u32 $0xC, s8  }
0x9: {  	s20 =	sshll.u32 s8, $0x12;
	s6 =	sshrl.u32 s4, $0x1;
	s10 =	sor.u32 s3, s5  }
0xa: {  	s3 =	sadd.s32 s9, s18;
	s19 =	sshll.u32 s12, $0x8;
	s11 =	sshll.u32 s13, $0x8  }
0xb: {  	s21 =	sshll.u32 s14, $0x8;
	s23 =	sshll.u32 s12, $0x12;
	s24 =	sshll.u32 s13, $0x12  }
0xc: {  	s25 =	sshll.u32 s14, $0x12;
	s15 =	ssub.s32 s4, s6;
	s4 =	sadd.s32 s0, s18  }
0xd: {  	s5 =	sadd.s32 s9, s19;
	s6 =	sadd.s32 s0, s19;
	s7 =	sadd.s32 s9, s11  }
0xe: {  	s16 =	sshll.u32 s10, $0xF;
	s8 =	sadd.s32 s0, s11;
	s9 =	sadd.s32 s9, s21  }
0xf: {  	s10 =	sadd.s32 s0, s21;
	s17 =	sor.u32 s20, s16;
	s0 =	sor.u32 s23, s16  }
0x10: {  	s12 =	sor.u32 s24, s16;
	s30 =	sor.u32 s25, s16;
	s15 =	smax.u32 s15, $0x1  }
0x11: {  	s23 =	simm.s32 $0x13800;
	s24 =	simm.s32 $0x1;
	s25 =	simm.s32 $0x8000  }
0x12: {  	s22 =	sshrl.u32 s17, $0x3;
	s0 =	sshrl.u32 s0, $0x3;
	s26 =	sshrl.u32 s12, $0x3  }
0x13: {  	s31 =	sshrl.u32 s30, $0x3;
	s11 =	sadd.s32 s2, s22;
	s12 =	sadd.s32 s2, s0  }
0x14: {  	v1 =	vimm.f32 $0.0e+00;
	v0 =	vmov s16;
	s13 =	sadd.s32 s2, s26;
	s14 =	sadd.s32 s2, s31;
	s26 =	simm.s32 $0x2  }
.LBB2_1:
0x15: {  	s0 =	simm.s32 $0x10000  }
0x16: {  	[tilespmem:s0], [sflag:$0x1] =	stream.linear.gather [hbm4b:s3+s1], $0x800, $0x38;
	[tilespmem:$0x14000] =	vst v63  }
0x17: {  	s18 =	simm.s32 $0x12000  }
0x18: {  	[tilespmem:s18], [sflag:$0x1] =	stream.linear.gather [hbm4b:s4+s1], $0x800, $0x38;
	[tilespmem:$0x14000] =	vst v63  }
0x19: {  	s19 =	simm.s32 $0x10800  }
0x1a: {  	[tilespmem:s19], [sflag:$0x1] =	stream.linear.gather [hbm4b:s5+s1], $0x800, $0x38;
	[tilespmem:$0x14000] =	vst v63  }
0x1b: {  	s20 =	simm.s32 $0x12800  }
0x1c: {  	[tilespmem:s20], [sflag:$0x1] =	stream.linear.gather [hbm4b:s6+s1], $0x800, $0x38;
	[tilespmem:$0x14000] =	vst v63  }
0x1d: {  	s21 =	simm.s32 $0x11000  }
0x1e: {  	[tilespmem:s21], [sflag:$0x1] =	stream.linear.gather [hbm4b:s7+s1], $0x800, $0x38;
	[tilespmem:$0x14000] =	vst v63  }
0x1f: {  	s22 =	simm.s32 $0x13000  }
0x20: {  	[tilespmem:s22], [sflag:$0x1] =	stream.linear.gather [hbm4b:s8+s1], $0x800, $0x38;
	[tilespmem:$0x14000] =	vst v63  }
0x21: {  	s2 =	simm.s32 $0x11800  }
0x22: {  	[tilespmem:s2], [sflag:$0x1] =	stream.linear.gather [hbm4b:s9+s1], $0x800, $0x38;
	[tilespmem:$0x14000] =	vst v63  }
0x23: {  	s16 =	sand.u32 $0x7000, s1;
	s2 =	sand.u32 $0x300, s1  }
0x24: {  	s0 =	sor.u32 s2, s16  }
0x25: {  	[tilespmem:s23], [sflag:$0x1] =	stream.linear.gather [hbm4b:s10+s1], $0x800, $0x38;
	[tilespmem:$0x14000] =	vst v63  }
0x26: {  	[tilespmem:s0+$0x850] =	vst v1  }
0x27: {  	[tilespmem:s0+$0x860] =	vst v1  }
0x28: {  	[tilespmem:s0+$0x870] =	vst v1  }
0x29: {  	[tilespmem:s0+$0x840] =	vst v1  }
0x2a: {  	[tilespmem:s0+$0x470] =	vst v1  }
0x2b: {  	[tilespmem:s0+$0x460] =	vst v1  }
0x2c: {  	[tilespmem:s0+$0x70] =	vst v1  }
0x2d: {  	[tilespmem:s0+$0x450] =	vst v1  }
0x2e: {  	[tilespmem:s0+$0x50] =	vst v1  }
0x2f: {  	[tilespmem:s0+$0x440] =	vst v1  }
0x30: {  	[tilespmem:s0+$0x60] =	vst v1  }
0x31: {  	[tilespmem:s0+$0x830] =	vst v1  }
0x32: {  	[tilespmem:s0+$0x40] =	vst v1  }
0x33: {  	[tilespmem:s0+$0x820] =	vst v1  }
0x34: {  	[tilespmem:s0+$0x810] =	vst v1  }
0x35: {  	[tilespmem:s0+$0x800] =	vst v1  }
0x36: {  	[tilespmem:s0+$0x430] =	vst v1  }
0x37: {  	[tilespmem:s0+$0x420] =	vst v1  }
0x38: {  	[tilespmem:s0+$0x400] =	vst v1  }
0x39: {  	[tilespmem:s0+$0x30] =	vst v1  }
0x3a: {  	s17 =	sand.u32 $0x3, s1;
	[tilespmem:s0+$0x20] =	vst v1  }
0x3b: {  	s2 =	sshll.u32 s17, $0x8;
	[tilespmem:s0+$0x10] =	vst v1  }
0x3c: {  	s2 =	sadd.s32 $0x0, s2;
	[tilespmem:s0+$0x0] =	vst v1  }
0x3d: {  	s16 =	sor.u32 $0xC00, s2;
	[tilespmem:s0+$0x410] =	vst v1  }
0x3e: {  	s17 =	sor.u32 $0xC10, s2;
	[tilespmem:s16+$0x0] =	vst v1  }
0x3f: {  	s18 =	sor.u32 $0xC20, s2;
	[tilespmem:s17+$0x0] =	vst v1  }
0x40: {  	s19 =	sor.u32 $0xC30, s2;
	[tilespmem:s18+$0x0] =	vst v1  }
0x41: {  	s20 =	sor.u32 $0xC40, s2;
	[tilespmem:s19+$0x0] =	vst v1  }
0x42: {  	s21 =	sor.u32 $0xC50, s2;
	[tilespmem:s20+$0x0] =	vst v1  }
0x43: {  	s22 =	sor.u32 $0xC60, s2;
	[tilespmem:s21+$0x0] =	vst v1  }
0x44: {  	s17 =	sor.u32 $0xC70, s2;
	[tilespmem:s22+$0x0] =	vst v1  }
0x45: {  	[tilespmem:s17+$0x0] =	vst v1  }
0x46: {  	[tilespmem:s0+$0x8C0] =	vst v1  }
0x47: {  	[tilespmem:s0+$0x4C0] =	vst v1  }
0x48: {  	[tilespmem:s0+$0x8F0] =	vst v1  }
0x49: {  	[tilespmem:s0+$0xC0] =	vst v1  }
0x4a: {  	[tilespmem:s0+$0x8D0] =	vst v1  }
0x4b: {  	[tilespmem:s0+$0x8E0] =	vst v1  }
0x4c: {  	[tilespmem:s0+$0x8B0] =	vst v1  }
0x4d: {  	[tilespmem:s0+$0x8A0] =	vst v1  }
0x4e: {  	[tilespmem:s0+$0x890] =	vst v1  }
0x4f: {  	[tilespmem:s0+$0x4F0] =	vst v1  }
0x50: {  	[tilespmem:s0+$0x880] =	vst v1  }
0x51: {  	[tilespmem:s0+$0x4D0] =	vst v1  }
0x52: {  	[tilespmem:s0+$0x4E0] =	vst v1  }
0x53: {  	[tilespmem:s0+$0x4B0] =	vst v1  }
0x54: {  	[tilespmem:s0+$0x4A0] =	vst v1  }
0x55: {  	[tilespmem:s0+$0x490] =	vst v1  }
0x56: {  	[tilespmem:s0+$0xE0] =	vst v1  }
0x57: {  	[tilespmem:s0+$0x480] =	vst v1  }
0x58: {  	[tilespmem:s0+$0xD0] =	vst v1  }
0x59: {  	[tilespmem:s0+$0xB0] =	vst v1  }
0x5a: {  	[tilespmem:s0+$0x90] =	vst v1  }
0x5b: {  	[tilespmem:s0+$0xF0] =	vst v1  }
0x5c: {  	s16 =	sadd.s32 $0x80, s2;
	[tilespmem:s0+$0xA0] =	vst v1  }
0x5d: {  	s2 =	sor.u32 $0xC00, s16;
	[tilespmem:s0+$0x80] =	vst v1  }
0x5e: {  	s18 =	sor.u32 $0xC10, s16;
	[tilespmem:s2+$0x0] =	vst v1  }
0x5f: {  	s19 =	sor.u32 $0xC20, s16;
	[tilespmem:s18+$0x0] =	vst v1  }
0x60: {  	s20 =	sor.u32 $0xC30, s16;
	[tilespmem:s19+$0x0] =	vst v1  }
0x61: {  	s21 =	sor.u32 $0xC40, s16;
	[tilespmem:s20+$0x0] =	vst v1  }
0x62: {  	s30 =	simm.s32 $0x400;
	s31 =	simm.s32 $0x1;
	s22 =	sor.u32 $0xC50, s16;
	[tilespmem:s21+$0x0] =	vst v1  }
0x63: {  	s0 =	simm.s32 $0x100;
	s2 =	sor.u32 $0xC60, s16;
	s16 =	sor.u32 $0xC70, s16;
	[tilespmem:s22+$0x0] =	vst v1  }
.LBB2_2:
0x64: {  	s18 =	sand.u32 $0x7000, s30  }
0x65: {  	s19 =	sand.u32 $0x300, s0;
	[tilespmem:s2+$0x0] =	vst v1;
	s2 =	smov.u32 s0;
	s17 =	sadd.s32 $0x100, s0  }
0x66: {  	p0 =	sne.s32 s0, $0x1F00;
	s2 =	sor.u32 s19, s18;
	[tilespmem:s16+$0x0] =	vst v1  }
0x67: {  	[tilespmem:s2+$0x850] =	vst v1  }
0x68: {  	[tilespmem:s2+$0x860] =	vst v1  }
0x69: {  	[tilespmem:s2+$0x870] =	vst v1  }
0x6a: {  	[tilespmem:s2+$0x840] =	vst v1  }
0x6b: {  	[tilespmem:s2+$0x470] =	vst v1  }
0x6c: {  	[tilespmem:s2+$0x460] =	vst v1  }
0x6d: {  	[tilespmem:s2+$0x70] =	vst v1  }
0x6e: {  	[tilespmem:s2+$0x450] =	vst v1  }
0x6f: {  	s0 =	sand.u32 $0x3, s31;
	[tilespmem:s2+$0x50] =	vst v1  }
0x70: {  	s0 =	sshll.u32 s0, $0x8;
	[tilespmem:s2+$0x440] =	vst v1  }
0x71: {  	s0 =	sadd.s32 s0, s30;
	[tilespmem:s2+$0x60] =	vst v1  }
0x72: {  	s18 =	sor.u32 $0xC00, s0;
	s19 =	sor.u32 $0xC10, s0;
	s16 =	sadd.s32 $0x80, s0;
	[tilespmem:s2+$0x830] =	vst v1  }
0x73: {  	[tilespmem:s2+$0x40] =	vst v1  }
0x74: {  	s20 =	sor.u32 $0xC20, s0;
	[tilespmem:s2+$0x820] =	vst v1  }
0x75: {  	s21 =	sor.u32 $0xC30, s0;
	[tilespmem:s2+$0x810] =	vst v1  }
0x76: {  	s22 =	sor.u32 $0xC40, s0;
	[tilespmem:s2+$0x800] =	vst v1  }
0x77: {  	[tilespmem:s2+$0x430] =	vst v1  }
0x78: {  	[tilespmem:s2+$0x420] =	vst v1  }
0x79: {  	[tilespmem:s2+$0x400] =	vst v1  }
0x7a: {  	[tilespmem:s2+$0x30] =	vst v1  }
0x7b: {  	[tilespmem:s2+$0x20] =	vst v1  }
0x7c: {  	[tilespmem:s2+$0x10] =	vst v1  }
0x7d: {  	[tilespmem:s2+$0x0] =	vst v1  }
0x7e: {  	[tilespmem:s2+$0x410] =	vst v1  }
0x7f: {  	[tilespmem:s18+$0x0] =	vst v1  }
0x80: {  	[tilespmem:s19+$0x0] =	vst v1  }
0x81: {  	[tilespmem:s20+$0x0] =	vst v1  }
0x82: {  	[tilespmem:s21+$0x0] =	vst v1  }
0x83: {  	s18 =	sor.u32 $0xC50, s0;
	[tilespmem:s22+$0x0] =	vst v1  }
0x84: {  	[tilespmem:s18+$0x0] =	vst v1;
	s18 =	sor.u32 $0xC60, s0  }
0x85: {  	s0 =	sor.u32 $0xC70, s0;
	[tilespmem:s18+$0x0] =	vst v1  }
0x86: {  	[tilespmem:s0+$0x0] =	vst v1  }
0x87: {  	[tilespmem:s2+$0x8C0] =	vst v1  }
0x88: {  	[tilespmem:s2+$0x4C0] =	vst v1  }
0x89: {  	[tilespmem:s2+$0x8F0] =	vst v1  }
0x8a: {  	[tilespmem:s2+$0xC0] =	vst v1  }
0x8b: {  	[tilespmem:s2+$0x8D0] =	vst v1  }
0x8c: {  	[tilespmem:s2+$0x8E0] =	vst v1  }
0x8d: {  	[tilespmem:s2+$0x8B0] =	vst v1  }
0x8e: {  	[tilespmem:s2+$0x8A0] =	vst v1  }
0x8f: {  	[tilespmem:s2+$0x890] =	vst v1  }
0x90: {  	[tilespmem:s2+$0x4F0] =	vst v1  }
0x91: {  	[tilespmem:s2+$0x880] =	vst v1  }
0x92: {  	[tilespmem:s2+$0x4D0] =	vst v1  }
0x93: {  	[tilespmem:s2+$0x4E0] =	vst v1  }
0x94: {  	[tilespmem:s2+$0x4B0] =	vst v1  }
0x95: {  	[tilespmem:s2+$0x4A0] =	vst v1  }
0x96: {  	[tilespmem:s2+$0x490] =	vst v1  }
0x97: {  	[tilespmem:s2+$0xE0] =	vst v1  }
0x98: {  	[tilespmem:s2+$0x480] =	vst v1  }
0x99: {  	[tilespmem:s2+$0xD0] =	vst v1  }
0x9a: {  	[tilespmem:s2+$0xB0] =	vst v1  }
0x9b: {  	[tilespmem:s2+$0x90] =	vst v1  }
0x9c: {  	[tilespmem:s2+$0xF0] =	vst v1  }
0x9d: {  	s0 =	sor.u32 $0xC00, s16;
	[tilespmem:s2+$0xA0] =	vst v1  }
0x9e: {  	[tilespmem:s2+$0x80] =	vst v1;
	s2 =	sor.u32 $0xC10, s16  }
0x9f: {  	[tilespmem:s0+$0x0] =	vst v1;
	s0 =	sor.u32 $0xC20, s16  }
.Ltmp0:
0xa0: {  	[tilespmem:s2+$0x0] =	vst v1;
	s2 =	sor.u32 $0xC30, s16;
	(pc) =	sbr.rel @p0 .LBB2_2-.Ltmp0, $4  }
0xa1: {  	[tilespmem:s0+$0x0] =	vst v1;
	s0 =	sor.u32 $0xC40, s16  }
0xa2: {  	s18 =	sor.u32 $0xC50, s16;
	[tilespmem:s2+$0x0] =	vst v1  }
0xa3: {  	s31 =	sadd.s32 $0x1, s31;
	s2 =	sor.u32 $0xC60, s16;
	[tilespmem:s0+$0x0] =	vst v1  }
0xa4: {  	s30 =	sadd.s32 $0x400, s30;
	s16 =	sor.u32 $0xC70, s16;
	s0 =	smov.u32 s17;
	[tilespmem:s18+$0x0] =	vst v1  }
0xa5: {  	[tilespmem:s2+$0x0] =	vst v1  }
0xa6: {  	[tilespmem:s16+$0x0] =	vst v1  }
0xa7: {  	_ =	swait.ge [sflag:s24], $0x800  }
0xa8: {  	[sflag:s24] =	ssyncset.done $0x0  }
0xa9: {  	[sflag:s24] =	ssyncadd.s32 $0xFFFFF800  }
0xaa: {  	_ =	swait.ge [sflag:s24], $0x800  }
0xab: {  	[sflag:s24] =	ssyncset.done $0x0  }
0xac: {  	[sflag:s24] =	ssyncadd.s32 $0xFFFFF800  }
0xad: {  	_ =	swait.ge [sflag:s24], $0x800  }
0xae: {  	[sflag:s24] =	ssyncset.done $0x0  }
0xaf: {  	[sflag:s24] =	ssyncadd.s32 $0xFFFFF800  }
0xb0: {  	_ =	swait.ge [sflag:s24], $0x800  }
0xb1: {  	[sflag:s24] =	ssyncset.done $0x0  }
0xb2: {  	[sflag:s24] =	ssyncadd.s32 $0xFFFFF800  }
0xb3: {  	_ =	swait.ge [sflag:s24], $0x800  }
0xb4: {  	[sflag:s24] =	ssyncset.done $0x0  }
0xb5: {  	[sflag:s24] =	ssyncadd.s32 $0xFFFFF800  }
0xb6: {  	_ =	swait.ge [sflag:s24], $0x800  }
0xb7: {  	[sflag:s24] =	ssyncset.done $0x0  }
0xb8: {  	[sflag:s24] =	ssyncadd.s32 $0xFFFFF800  }
0xb9: {  	_ =	swait.ge [sflag:s24], $0x800  }
0xba: {  	[sflag:s24] =	ssyncset.done $0x0  }
0xbb: {  	[sflag:s24] =	ssyncadd.s32 $0xFFFFF800  }
0xbc: {  	_ =	swait.ge [sflag:s24], $0x800  }
0xbd: {  	[sflag:s24] =	ssyncset.done $0x0  }
0xbe: {  	[sflag:s24] =	ssyncadd.s32 $0xFFFFF800  }
0xbf: {  	v2 =	vld [tilespmem:$0x12000];
	_ =	sdelay $0x2  }
0xc0: {  	v3 =	vld [tilespmem:$0x10000];
	_ =	sdelay $0x1  }
0xc1: {  	v2 =	vsub.s32 v2, v0  }
0xc2: {  	vm0 =	vgt.s32 v2, $0x0  }
0xc3: {  	v4 =	vnsel vm0, $0x0, v2  }
0xc4: {  	vm14 =	vlt.f32 v3, $0.0e+00;
	vm1 =	vgt.f32 v3, $0.0e+00;
	v4 =	vmin.u32 v4, $0x7FFF  }
0xc5: {  	vm15 =	vlt.u32 v2, $0x8000;
	vm0 =	vmor vm1, vm14;
	v2 =	vshll.u32 v4, $0x3  }
0xc6: {  	v5 =	vshrl.u32 v4, $0x2;
	v4 =	vand.u32 $0x707F, v4;
	v2 =	vand.u32 $0xC00, v2  }
0xc7: {  	vm0 =	vmand vm0, vm15;
	v5 =	vand.u32 $0x380, v5;
	v2 =	vor.u32 v2, v4  }
0xc8: {  	v2 =	vor.u32 v5, v2;
	_ =	sdelay $0x3  }
0xc9: {  	s30 =	simm.s32 $0x0  }
0xca: {  	[tilespmem:v2+s30+$0x0] =	vst.idx.add.f32.msk vm0, v3  }
0xcb: {  	v2 =	vld [tilespmem:$0x12010];
	_ =	sdelay $0x2  }
0xcc: {  	v3 =	vld [tilespmem:$0x10010];
	_ =	sdelay $0x1  }
0xcd: {  	v2 =	vsub.s32 v2, v0  }
0xce: {  	vm4 =	vgt.s32 v2, $0x0  }
0xcf: {  	v34 =	vnsel vm4, $0x0, v2  }
0xd0: {  	vm5 =	vlt.f32 v3, $0.0e+00;
	vm6 =	vgt.f32 v3, $0.0e+00;
	v4 =	vmin.u32 v34, $0x7FFF  }
0xd1: {  	vm0 =	vmor vm6, vm5;
	vm7 =	vlt.u32 v2, $0x8000;
	v2 =	vshll.u32 v4, $0x3  }
0xd2: {  	v35 =	vshrl.u32 v4, $0x2;
	v4 =	vand.u32 $0x707F, v4;
	v2 =	vand.u32 $0xC00, v2  }
0xd3: {  	vm0 =	vmand vm0, vm7;
	v5 =	vand.u32 $0x380, v35;
	v2 =	vor.u32 v2, v4  }
0xd4: {  	v2 =	vor.u32 v5, v2;
	_ =	sdelay $0x4  }
0xd5: {  	[tilespmem:v2+s30+$0x0] =	vst.idx.add.f32.msk vm0, v3  }
0xd6: {  	v2 =	vld [tilespmem:$0x12020];
	_ =	sdelay $0x2  }
0xd7: {  	v3 =	vld [tilespmem:$0x10020];
	_ =	sdelay $0x1  }
0xd8: {  	v2 =	vsub.s32 v2, v0  }
0xd9: {  	vm8 =	vgt.s32 v2, $0x0  }
0xda: {  	v36 =	vnsel vm8, $0x0, v2  }
0xdb: {  	vm9 =	vlt.f32 v3, $0.0e+00;
	vm10 =	vgt.f32 v3, $0.0e+00;
	v4 =	vmin.u32 v36, $0x7FFF  }
0xdc: {  	vm0 =	vmor vm10, vm9;
	vm11 =	vlt.u32 v2, $0x8000;
	v2 =	vshll.u32 v4, $0x3  }
0xdd: {  	v37 =	vshrl.u32 v4, $0x2;
	v4 =	vand.u32 $0x707F, v4;
	v2 =	vand.u32 $0xC00, v2  }
0xde: {  	vm0 =	vmand vm0, vm11;
	v5 =	vand.u32 $0x380, v37;
	v2 =	vor.u32 v2, v4  }
0xdf: {  	v2 =	vor.u32 v5, v2;
	_ =	sdelay $0x4  }
0xe0: {  	[tilespmem:v2+s30+$0x0] =	vst.idx.add.f32.msk vm0, v3  }
0xe1: {  	v2 =	vld [tilespmem:$0x12030];
	_ =	sdelay $0x2  }
0xe2: {  	v3 =	vld [tilespmem:$0x10030];
	_ =	sdelay $0x1  }
0xe3: {  	v2 =	vsub.s32 v2, v0  }
0xe4: {  	vm12 =	vgt.s32 v2, $0x0  }
0xe5: {  	v38 =	vnsel vm12, $0x0, v2  }
0xe6: {  	vm13 =	vlt.f32 v3, $0.0e+00;
	vm14 =	vgt.f32 v3, $0.0e+00;
	v4 =	vmin.u32 v38, $0x7FFF  }
0xe7: {  	vm0 =	vmor vm14, vm13;
	vm15 =	vlt.u32 v2, $0x8000;
	v2 =	vshll.u32 v4, $0x3  }
0xe8: {  	v39 =	vshrl.u32 v4, $0x2;
	v4 =	vand.u32 $0x707F, v4;
	v2 =	vand.u32 $0xC00, v2  }
0xe9: {  	vm0 =	vmand vm0, vm15;
	v5 =	vand.u32 $0x380, v39;
	v2 =	vor.u32 v2, v4  }
0xea: {  	v2 =	vor.u32 v5, v2;
	_ =	sdelay $0x4  }
0xeb: {  	[tilespmem:v2+s30+$0x0] =	vst.idx.add.f32.msk vm0, v3  }
0xec: {  	v2 =	vld [tilespmem:$0x12040];
	_ =	sdelay $0x2  }
0xed: {  	v3 =	vld [tilespmem:$0x10040];
	_ =	sdelay $0x1  }
0xee: {  	v2 =	vsub.s32 v2, v0  }
0xef: {  	vm4 =	vgt.s32 v2, $0x0  }
0xf0: {  	v40 =	vnsel vm4, $0x0, v2  }
0xf1: {  	vm5 =	vlt.f32 v3, $0.0e+00;
	vm6 =	vgt.f32 v3, $0.0e+00;
	v4 =	vmin.u32 v40, $0x7FFF  }
0xf2: {  	vm0 =	vmor vm6, vm5;
	vm7 =	vlt.u32 v2, $0x8000;
	v2 =	vshll.u32 v4, $0x3  }
0xf3: {  	v41 =	vshrl.u32 v4, $0x2;
	v4 =	vand.u32 $0x707F, v4;
	v2 =	vand.u32 $0xC00, v2  }
0xf4: {  	vm0 =	vmand vm0, vm7;
	v5 =	vand.u32 $0x380, v41;
	v2 =	vor.u32 v2, v4  }
0xf5: {  	v2 =	vor.u32 v5, v2;
	_ =	sdelay $0x4  }
0xf6: {  	[tilespmem:v2+s30+$0x0] =	vst.idx.add.f32.msk vm0, v3  }
0xf7: {  	v2 =	vld [tilespmem:$0x12050];
	_ =	sdelay $0x2  }
0xf8: {  	v3 =	vld [tilespmem:$0x10050];
	_ =	sdelay $0x1  }
0xf9: {  	v2 =	vsub.s32 v2, v0  }
0xfa: {  	vm8 =	vgt.s32 v2, $0x0  }
0xfb: {  	v42 =	vnsel vm8, $0x0, v2  }
0xfc: {  	vm9 =	vlt.f32 v3, $0.0e+00;
	vm10 =	vgt.f32 v3, $0.0e+00;
	v4 =	vmin.u32 v42, $0x7FFF  }
0xfd: {  	vm0 =	vmor vm10, vm9;
	vm11 =	vlt.u32 v2, $0x8000;
	v2 =	vshll.u32 v4, $0x3  }
0xfe: {  	v43 =	vshrl.u32 v4, $0x2;
	v4 =	vand.u32 $0x707F, v4;
	v2 =	vand.u32 $0xC00, v2  }
0xff: {  	vm0 =	vmand vm0, vm11;
	v5 =	vand.u32 $0x380, v43;
	v2 =	vor.u32 v2, v4  }
0x100: {  	v2 =	vor.u32 v5, v2;
	_ =	sdelay $0x4  }
0x101: {  	[tilespmem:v2+s30+$0x0] =	vst.idx.add.f32.msk vm0, v3  }
0x102: {  	v2 =	vld [tilespmem:$0x12060];
	_ =	sdelay $0x2  }
0x103: {  	v3 =	vld [tilespmem:$0x10060];
	_ =	sdelay $0x1  }
0x104: {  	v2 =	vsub.s32 v2, v0  }
0x105: {  	vm12 =	vgt.s32 v2, $0x0  }
0x106: {  	v44 =	vnsel vm12, $0x0, v2  }
0x107: {  	vm13 =	vlt.f32 v3, $0.0e+00;
	vm14 =	vgt.f32 v3, $0.0e+00;
	v4 =	vmin.u32 v44, $0x7FFF  }
0x108: {  	vm0 =	vmor vm14, vm13;
	vm15 =	vlt.u32 v2, $0x8000;
	v2 =	vshll.u32 v4, $0x3  }
0x109: {  	v45 =	vshrl.u32 v4, $0x2;
	v4 =	vand.u32 $0x707F, v4;
	v2 =	vand.u32 $0xC00, v2  }
0x10a: {  	vm0 =	vmand vm0, vm15;
	v5 =	vand.u32 $0x380, v45;
	v2 =	vor.u32 v2, v4  }
0x10b: {  	v2 =	vor.u32 v5, v2;
	_ =	sdelay $0x4  }
0x10c: {  	[tilespmem:v2+s30+$0x0] =	vst.idx.add.f32.msk vm0, v3  }
0x10d: {  	v2 =	vld [tilespmem:$0x12070];
	_ =	sdelay $0x2  }
0x10e: {  	v3 =	vld [tilespmem:$0x10070];
	_ =	sdelay $0x1  }
0x10f: {  	v2 =	vsub.s32 v2, v0  }
0x110: {  	vm4 =	vgt.s32 v2, $0x0  }
0x111: {  	v46 =	vnsel vm4, $0x0, v2  }
0x112: {  	vm5 =	vlt.f32 v3, $0.0e+00;
	vm6 =	vgt.f32 v3, $0.0e+00;
	v4 =	vmin.u32 v46, $0x7FFF  }
0x113: {  	vm0 =	vmor vm6, vm5;
	vm7 =	vlt.u32 v2, $0x8000;
	v2 =	vshll.u32 v4, $0x3  }
0x114: {  	v47 =	vshrl.u32 v4, $0x2;
	v4 =	vand.u32 $0x707F, v4;
	v2 =	vand.u32 $0xC00, v2  }
0x115: {  	vm0 =	vmand vm0, vm7;
	v5 =	vand.u32 $0x380, v47;
	v2 =	vor.u32 v2, v4  }
0x116: {  	v2 =	vor.u32 v5, v2;
	_ =	sdelay $0x4  }
0x117: {  	[tilespmem:v2+s30+$0x0] =	vst.idx.add.f32.msk vm0, v3  }
0x118: {  	v2 =	vld [tilespmem:$0x12400];
	_ =	sdelay $0x2  }
0x119: {  	v3 =	vld [tilespmem:$0x10400];
	_ =	sdelay $0x1  }
0x11a: {  	v2 =	vsub.s32 v2, v0  }
0x11b: {  	vm8 =	vgt.s32 v2, $0x0  }
0x11c: {  	v48 =	vnsel vm8, $0x0, v2  }
0x11d: {  	vm9 =	vlt.f32 v3, $0.0e+00;
	vm10 =	vgt.f32 v3, $0.0e+00;
	v4 =	vmin.u32 v48, $0x7FFF  }
0x11e: {  	vm0 =	vmor vm10, vm9;
	vm11 =	vlt.u32 v2, $0x8000;
	v2 =	vshll.u32 v4, $0x3  }
0x11f: {  	v49 =	vshrl.u32 v4, $0x2;
	v4 =	vand.u32 $0x707F, v4;
	v2 =	vand.u32 $0xC00, v2  }
0x120: {  	vm0 =	vmand vm0, vm11;
	v5 =	vand.u32 $0x380, v49;
	v2 =	vor.u32 v2, v4  }
0x121: {  	v2 =	vor.u32 v5, v2;
	_ =	sdelay $0x4  }
0x122: {  	[tilespmem:v2+s30+$0x0] =	vst.idx.add.f32.msk vm0, v3  }
0x123: {  	v2 =	vld [tilespmem:$0x12410];
	_ =	sdelay $0x2  }
0x124: {  	v3 =	vld [tilespmem:$0x10410];
	_ =	sdelay $0x1  }
0x125: {  	v2 =	vsub.s32 v2, v0  }
0x126: {  	vm12 =	vgt.s32 v2, $0x0  }
0x127: {  	v50 =	vnsel vm12, $0x0, v2  }
0x128: {  	vm13 =	vlt.f32 v3, $0.0e+00;
	vm14 =	vgt.f32 v3, $0.0e+00;
	v4 =	vmin.u32 v50, $0x7FFF  }
0x129: {  	vm0 =	vmor vm14, vm13;
	vm15 =	vlt.u32 v2, $0x8000;
	v2 =	vshll.u32 v4, $0x3  }
0x12a: {  	v51 =	vshrl.u32 v4, $0x2;
	v4 =	vand.u32 $0x707F, v4;
	v2 =	vand.u32 $0xC00, v2  }
0x12b: {  	vm0 =	vmand vm0, vm15;
	v5 =	vand.u32 $0x380, v51;
	v2 =	vor.u32 v2, v4  }
0x12c: {  	v2 =	vor.u32 v5, v2;
	_ =	sdelay $0x4  }
0x12d: {  	[tilespmem:v2+s30+$0x0] =	vst.idx.add.f32.msk vm0, v3  }
0x12e: {  	v2 =	vld [tilespmem:$0x12420];
	_ =	sdelay $0x2  }
0x12f: {  	v3 =	vld [tilespmem:$0x10420];
	_ =	sdelay $0x1  }
0x130: {  	v2 =	vsub.s32 v2, v0  }
0x131: {  	vm4 =	vgt.s32 v2, $0x0  }
0x132: {  	v52 =	vnsel vm4, $0x0, v2  }
0x133: {  	vm5 =	vlt.f32 v3, $0.0e+00;
	vm6 =	vgt.f32 v3, $0.0e+00;
	v4 =	vmin.u32 v52, $0x7FFF  }
0x134: {  	vm0 =	vmor vm6, vm5;
	vm7 =	vlt.u32 v2, $0x8000;
	v2 =	vshll.u32 v4, $0x3  }
0x135: {  	v53 =	vshrl.u32 v4, $0x2;
	v4 =	vand.u32 $0x707F, v4;
	v2 =	vand.u32 $0xC00, v2  }
0x136: {  	vm0 =	vmand vm0, vm7;
	v5 =	vand.u32 $0x380, v53;
	v2 =	vor.u32 v2, v4  }
0x137: {  	v2 =	vor.u32 v5, v2;
	_ =	sdelay $0x4  }
0x138: {  	[tilespmem:v2+s30+$0x0] =	vst.idx.add.f32.msk vm0, v3  }
0x139: {  	v2 =	vld [tilespmem:$0x12430];
	_ =	sdelay $0x2  }
0x13a: {  	v3 =	vld [tilespmem:$0x10430];
	_ =	sdelay $0x1  }
0x13b: {  	v2 =	vsub.s32 v2, v0  }
0x13c: {  	vm8 =	vgt.s32 v2, $0x0  }
0x13d: {  	v54 =	vnsel vm8, $0x0, v2  }
0x13e: {  	vm9 =	vlt.f32 v3, $0.0e+00;
	vm10 =	vgt.f32 v3, $0.0e+00;
	v4 =	vmin.u32 v54, $0x7FFF  }
0x13f: {  	vm0 =	vmor vm10, vm9;
	vm11 =	vlt.u32 v2, $0x8000;
	v2 =	vshll.u32 v4, $0x3  }
0x140: {  	v55 =	vshrl.u32 v4, $0x2;
	v4 =	vand.u32 $0x707F, v4;
	v2 =	vand.u32 $0xC00, v2  }
0x141: {  	vm0 =	vmand vm0, vm11;
	v5 =	vand.u32 $0x380, v55;
	v2 =	vor.u32 v2, v4  }
0x142: {  	v2 =	vor.u32 v5, v2;
	_ =	sdelay $0x4  }
0x143: {  	[tilespmem:v2+s30+$0x0] =	vst.idx.add.f32.msk vm0, v3  }
0x144: {  	v2 =	vld [tilespmem:$0x12440];
	_ =	sdelay $0x2  }
0x145: {  	v3 =	vld [tilespmem:$0x10440];
	_ =	sdelay $0x1  }
0x146: {  	v2 =	vsub.s32 v2, v0  }
0x147: {  	vm12 =	vgt.s32 v2, $0x0  }
0x148: {  	v56 =	vnsel vm12, $0x0, v2  }
0x149: {  	vm13 =	vlt.f32 v3, $0.0e+00;
	vm14 =	vgt.f32 v3, $0.0e+00;
	v4 =	vmin.u32 v56, $0x7FFF  }
0x14a: {  	vm0 =	vmor vm14, vm13;
	vm15 =	vlt.u32 v2, $0x8000;
	v2 =	vshll.u32 v4, $0x3  }
0x14b: {  	v57 =	vshrl.u32 v4, $0x2;
	v4 =	vand.u32 $0x707F, v4;
	v2 =	vand.u32 $0xC00, v2  }
0x14c: {  	vm0 =	vmand vm0, vm15;
	v5 =	vand.u32 $0x380, v57;
	v2 =	vor.u32 v2, v4  }
0x14d: {  	v2 =	vor.u32 v5, v2;
	_ =	sdelay $0x4  }
0x14e: {  	[tilespmem:v2+s30+$0x0] =	vst.idx.add.f32.msk vm0, v3  }
0x14f: {  	v2 =	vld [tilespmem:$0x12450];
	_ =	sdelay $0x2  }
0x150: {  	v3 =	vld [tilespmem:$0x10450];
	_ =	sdelay $0x1  }
0x151: {  	v2 =	vsub.s32 v2, v0  }
0x152: {  	vm4 =	vgt.s32 v2, $0x0  }
0x153: {  	v58 =	vnsel vm4, $0x0, v2  }
0x154: {  	vm5 =	vlt.f32 v3, $0.0e+00;
	vm6 =	vgt.f32 v3, $0.0e+00;
	v4 =	vmin.u32 v58, $0x7FFF  }
0x155: {  	vm0 =	vmor vm6, vm5;
	vm7 =	vlt.u32 v2, $0x8000;
	v2 =	vshll.u32 v4, $0x3  }
0x156: {  	v59 =	vshrl.u32 v4, $0x2;
	v4 =	vand.u32 $0x707F, v4;
	v2 =	vand.u32 $0xC00, v2  }
0x157: {  	vm0 =	vmand vm0, vm7;
	v5 =	vand.u32 $0x380, v59;
	v2 =	vor.u32 v2, v4  }
0x158: {  	v2 =	vor.u32 v5, v2;
	_ =	sdelay $0x4  }
0x159: {  	[tilespmem:v2+s30+$0x0] =	vst.idx.add.f32.msk vm0, v3  }
0x15a: {  	v2 =	vld [tilespmem:$0x12460];
	_ =	sdelay $0x2  }
0x15b: {  	v3 =	vld [tilespmem:$0x10460];
	_ =	sdelay $0x1  }
0x15c: {  	v2 =	vsub.s32 v2, v0  }
0x15d: {  	vm8 =	vgt.s32 v2, $0x0  }
0x15e: {  	v60 =	vnsel vm8, $0x0, v2  }
0x15f: {  	vm9 =	vlt.f32 v3, $0.0e+00;
	vm10 =	vgt.f32 v3, $0.0e+00;
	v4 =	vmin.u32 v60, $0x7FFF  }
0x160: {  	vm0 =	vmor vm10, vm9;
	vm11 =	vlt.u32 v2, $0x8000;
	v2 =	vshll.u32 v4, $0x3  }
0x161: {  	v61 =	vshrl.u32 v4, $0x2;
	v4 =	vand.u32 $0x707F, v4;
	v2 =	vand.u32 $0xC00, v2  }
0x162: {  	vm0 =	vmand vm0, vm11;
	v5 =	vand.u32 $0x380, v61;
	v2 =	vor.u32 v2, v4  }
0x163: {  	v2 =	vor.u32 v5, v2;
	_ =	sdelay $0x4  }
0x164: {  	[tilespmem:v2+s30+$0x0] =	vst.idx.add.f32.msk vm0, v3  }
0x165: {  	v2 =	vld [tilespmem:$0x12470];
	_ =	sdelay $0x2  }
0x166: {  	v3 =	vld [tilespmem:$0x10470];
	_ =	sdelay $0x1  }
0x167: {  	v2 =	vsub.s32 v2, v0  }
0x168: {  	vm12 =	vgt.s32 v2, $0x0  }
0x169: {  	v62 =	vnsel vm12, $0x0, v2  }
0x16a: {  	vm13 =	vlt.f32 v3, $0.0e+00;
	vm14 =	vgt.f32 v3, $0.0e+00;
	v4 =	vmin.u32 v62, $0x7FFF  }
0x16b: {  	vm0 =	vmor vm14, vm13;
	vm15 =	vlt.u32 v2, $0x8000;
	v2 =	vshll.u32 v4, $0x3  }
0x16c: {  	v63 =	vshrl.u32 v4, $0x2;
	v4 =	vand.u32 $0x707F, v4;
	v2 =	vand.u32 $0xC00, v2  }
0x16d: {  	vm0 =	vmand vm0, vm15;
	v5 =	vand.u32 $0x380, v63;
	v2 =	vor.u32 v2, v4  }
0x16e: {  	v2 =	vor.u32 v5, v2;
	_ =	sdelay $0x3  }
0x16f: {  	s0 =	sand.u32 $0x7000, s30;
	s20 =	sand.u32 $0x300, s30  }
0x170: {  	s0 =	sor.u32 s20, s0;
	[tilespmem:v2+s30+$0x0] =	vst.idx.add.f32.msk vm0, v3  }
0x171: {  	[hbm4b:s11+s30] =	stream.linear.scatter [tilespmem:s30], [sflag:$0x2], $0x8000, $0x38;
	[tilespmem:$0x14000] =	vst v63  }
0x172: {  	[tilespmem:s0+$0x8850] =	vst v1  }
0x173: {  	[tilespmem:s0+$0x8860] =	vst v1  }
0x174: {  	[tilespmem:s0+$0x8870] =	vst v1  }
0x175: {  	[tilespmem:s0+$0x8840] =	vst v1  }
0x176: {  	[tilespmem:s0+$0x8470] =	vst v1  }
0x177: {  	[tilespmem:s0+$0x8460] =	vst v1  }
0x178: {  	[tilespmem:s0+$0x8070] =	vst v1  }
0x179: {  	[tilespmem:s0+$0x8450] =	vst v1  }
0x17a: {  	[tilespmem:s0+$0x8050] =	vst v1  }
0x17b: {  	[tilespmem:s0+$0x8440] =	vst v1  }
0x17c: {  	[tilespmem:s0+$0x8060] =	vst v1  }
0x17d: {  	[tilespmem:s0+$0x8830] =	vst v1  }
0x17e: {  	[tilespmem:s0+$0x8040] =	vst v1  }
0x17f: {  	[tilespmem:s0+$0x8820] =	vst v1  }
0x180: {  	[tilespmem:s0+$0x8810] =	vst v1  }
0x181: {  	[tilespmem:s0+$0x8800] =	vst v1  }
0x182: {  	[tilespmem:s0+$0x8430] =	vst v1  }
0x183: {  	[tilespmem:s0+$0x8420] =	vst v1  }
0x184: {  	[tilespmem:s0+$0x8400] =	vst v1  }
0x185: {  	[tilespmem:s0+$0x8030] =	vst v1  }
0x186: {  	s21 =	sand.u32 $0x3, s30;
	[tilespmem:s0+$0x8020] =	vst v1  }
0x187: {  	s2 =	sshll.u32 s21, $0x8;
	[tilespmem:s0+$0x8010] =	vst v1  }
0x188: {  	s2 =	sadd.s32 $0x0, s2;
	[tilespmem:s0+$0x8000] =	vst v1  }
0x189: {  	s22 =	sor.u32 $0xC00, s2;
	[tilespmem:s0+$0x8410] =	vst v1  }
0x18a: {  	s17 =	sor.u32 $0xC10, s2;
	[tilespmem:s22+$0x8000] =	vst v1  }
0x18b: {  	s18 =	sor.u32 $0xC20, s2;
	[tilespmem:s17+$0x8000] =	vst v1  }
0x18c: {  	s19 =	sor.u32 $0xC30, s2;
	[tilespmem:s18+$0x8000] =	vst v1  }
0x18d: {  	s20 =	sor.u32 $0xC40, s2;
	[tilespmem:s19+$0x8000] =	vst v1  }
0x18e: {  	s21 =	sor.u32 $0xC50, s2;
	[tilespmem:s20+$0x8000] =	vst v1  }
0x18f: {  	s22 =	sor.u32 $0xC60, s2;
	[tilespmem:s21+$0x8000] =	vst v1  }
0x190: {  	s17 =	sor.u32 $0xC70, s2;
	[tilespmem:s22+$0x8000] =	vst v1  }
0x191: {  	[tilespmem:s17+$0x8000] =	vst v1  }
0x192: {  	[tilespmem:s0+$0x88C0] =	vst v1  }
0x193: {  	[tilespmem:s0+$0x84C0] =	vst v1  }
0x194: {  	[tilespmem:s0+$0x88F0] =	vst v1  }
0x195: {  	[tilespmem:s0+$0x80C0] =	vst v1  }
0x196: {  	[tilespmem:s0+$0x88D0] =	vst v1  }
0x197: {  	[tilespmem:s0+$0x88E0] =	vst v1  }
0x198: {  	[tilespmem:s0+$0x88B0] =	vst v1  }
0x199: {  	[tilespmem:s0+$0x88A0] =	vst v1  }
0x19a: {  	[tilespmem:s0+$0x8890] =	vst v1  }
0x19b: {  	[tilespmem:s0+$0x84F0] =	vst v1  }
0x19c: {  	[tilespmem:s0+$0x8880] =	vst v1  }
0x19d: {  	[tilespmem:s0+$0x84D0] =	vst v1  }
0x19e: {  	[tilespmem:s0+$0x84E0] =	vst v1  }
0x19f: {  	[tilespmem:s0+$0x84B0] =	vst v1  }
0x1a0: {  	[tilespmem:s0+$0x84A0] =	vst v1  }
0x1a1: {  	[tilespmem:s0+$0x8490] =	vst v1  }
0x1a2: {  	[tilespmem:s0+$0x80E0] =	vst v1  }
0x1a3: {  	[tilespmem:s0+$0x8480] =	vst v1  }
0x1a4: {  	[tilespmem:s0+$0x80D0] =	vst v1  }
0x1a5: {  	[tilespmem:s0+$0x80B0] =	vst v1  }
0x1a6: {  	[tilespmem:s0+$0x8090] =	vst v1  }
0x1a7: {  	[tilespmem:s0+$0x80F0] =	vst v1  }
0x1a8: {  	s16 =	sadd.s32 $0x80, s2;
	[tilespmem:s0+$0x80A0] =	vst v1  }
0x1a9: {  	s2 =	sor.u32 $0xC00, s16;
	[tilespmem:s0+$0x8080] =	vst v1  }
0x1aa: {  	s18 =	sor.u32 $0xC10, s16;
	[tilespmem:s2+$0x8000] =	vst v1  }
0x1ab: {  	s19 =	sor.u32 $0xC20, s16;
	[tilespmem:s18+$0x8000] =	vst v1  }
0x1ac: {  	s20 =	sor.u32 $0xC30, s16;
	[tilespmem:s19+$0x8000] =	vst v1  }
0x1ad: {  	s21 =	sor.u32 $0xC40, s16;
	[tilespmem:s20+$0x8000] =	vst v1  }
0x1ae: {  	s31 =	simm.s32 $0x1;
	s30 =	simm.s32 $0x400;
	s22 =	sor.u32 $0xC50, s16;
	[tilespmem:s21+$0x8000] =	vst v1  }
0x1af: {  	s17 =	simm.s32 $0x100;
	s2 =	sor.u32 $0xC60, s16;
	s16 =	sor.u32 $0xC70, s16;
	[tilespmem:s22+$0x8000] =	vst v1  }
.LBB2_4:
0x1b0: {  	s0 =	smov.u32 s17  }
0x1b1: {  	s18 =	sand.u32 $0x7000, s30;
	s19 =	sand.u32 $0x300, s17;
	[tilespmem:s2+$0x8000] =	vst v1;
	s0 =	sadd.s32 $0x100, s17  }
0x1b2: {  	p0 =	sne.s32 s17, $0x1F00;
	s2 =	sor.u32 s19, s18;
	[tilespmem:s16+$0x8000] =	vst v1  }
0x1b3: {  	[tilespmem:s2+$0x8850] =	vst v1  }
0x1b4: {  	[tilespmem:s2+$0x8860] =	vst v1  }
0x1b5: {  	[tilespmem:s2+$0x8870] =	vst v1  }
0x1b6: {  	[tilespmem:s2+$0x8840] =	vst v1  }
0x1b7: {  	[tilespmem:s2+$0x8470] =	vst v1  }
0x1b8: {  	[tilespmem:s2+$0x8460] =	vst v1  }
0x1b9: {  	[tilespmem:s2+$0x8070] =	vst v1  }
0x1ba: {  	[tilespmem:s2+$0x8450] =	vst v1  }
0x1bb: {  	s16 =	sand.u32 $0x3, s31;
	[tilespmem:s2+$0x8050] =	vst v1  }
0x1bc: {  	s16 =	sshll.u32 s16, $0x8;
	[tilespmem:s2+$0x8440] =	vst v1  }
0x1bd: {  	s17 =	sadd.s32 s16, s30;
	[tilespmem:s2+$0x8060] =	vst v1  }
0x1be: {  	s18 =	sor.u32 $0xC00, s17;
	s19 =	sor.u32 $0xC10, s17;
	s16 =	sadd.s32 $0x80, s17;
	[tilespmem:s2+$0x8830] =	vst v1  }
0x1bf: {  	[tilespmem:s2+$0x8040] =	vst v1  }
0x1c0: {  	s20 =	sor.u32 $0xC20, s17;
	[tilespmem:s2+$0x8820] =	vst v1  }
0x1c1: {  	s21 =	sor.u32 $0xC30, s17;
	[tilespmem:s2+$0x8810] =	vst v1  }
0x1c2: {  	s22 =	sor.u32 $0xC40, s17;
	[tilespmem:s2+$0x8800] =	vst v1  }
0x1c3: {  	[tilespmem:s2+$0x8430] =	vst v1  }
0x1c4: {  	[tilespmem:s2+$0x8420] =	vst v1  }
0x1c5: {  	[tilespmem:s2+$0x8400] =	vst v1  }
0x1c6: {  	[tilespmem:s2+$0x8030] =	vst v1  }
0x1c7: {  	[tilespmem:s2+$0x8020] =	vst v1  }
0x1c8: {  	[tilespmem:s2+$0x8010] =	vst v1  }
0x1c9: {  	[tilespmem:s2+$0x8000] =	vst v1  }
0x1ca: {  	[tilespmem:s2+$0x8410] =	vst v1  }
0x1cb: {  	[tilespmem:s18+$0x8000] =	vst v1  }
0x1cc: {  	[tilespmem:s19+$0x8000] =	vst v1  }
0x1cd: {  	[tilespmem:s20+$0x8000] =	vst v1  }
0x1ce: {  	[tilespmem:s21+$0x8000] =	vst v1  }
0x1cf: {  	s18 =	sor.u32 $0xC50, s17;
	[tilespmem:s22+$0x8000] =	vst v1  }
0x1d0: {  	[tilespmem:s18+$0x8000] =	vst v1;
	s18 =	sor.u32 $0xC60, s17  }
0x1d1: {  	s17 =	sor.u32 $0xC70, s17;
	[tilespmem:s18+$0x8000] =	vst v1  }
0x1d2: {  	[tilespmem:s17+$0x8000] =	vst v1  }
0x1d3: {  	[tilespmem:s2+$0x88C0] =	vst v1  }
0x1d4: {  	[tilespmem:s2+$0x84C0] =	vst v1  }
0x1d5: {  	[tilespmem:s2+$0x88F0] =	vst v1  }
0x1d6: {  	[tilespmem:s2+$0x80C0] =	vst v1  }
0x1d7: {  	[tilespmem:s2+$0x88D0] =	vst v1  }
0x1d8: {  	[tilespmem:s2+$0x88E0] =	vst v1  }
0x1d9: {  	[tilespmem:s2+$0x88B0] =	vst v1  }
0x1da: {  	[tilespmem:s2+$0x88A0] =	vst v1  }
0x1db: {  	[tilespmem:s2+$0x8890] =	vst v1  }
0x1dc: {  	[tilespmem:s2+$0x84F0] =	vst v1  }
0x1dd: {  	[tilespmem:s2+$0x8880] =	vst v1  }
0x1de: {  	[tilespmem:s2+$0x84D0] =	vst v1  }
0x1df: {  	[tilespmem:s2+$0x84E0] =	vst v1  }
0x1e0: {  	[tilespmem:s2+$0x84B0] =	vst v1  }
0x1e1: {  	[tilespmem:s2+$0x84A0] =	vst v1  }
0x1e2: {  	[tilespmem:s2+$0x8490] =	vst v1  }
0x1e3: {  	[tilespmem:s2+$0x80E0] =	vst v1  }
0x1e4: {  	[tilespmem:s2+$0x8480] =	vst v1  }
0x1e5: {  	[tilespmem:s2+$0x80D0] =	vst v1  }
0x1e6: {  	[tilespmem:s2+$0x80B0] =	vst v1  }
0x1e7: {  	[tilespmem:s2+$0x8090] =	vst v1  }
0x1e8: {  	[tilespmem:s2+$0x80F0] =	vst v1  }
0x1e9: {  	s17 =	sor.u32 $0xC00, s16;
	[tilespmem:s2+$0x80A0] =	vst v1  }
0x1ea: {  	[tilespmem:s2+$0x8080] =	vst v1;
	s2 =	sor.u32 $0xC10, s16  }
0x1eb: {  	[tilespmem:s17+$0x8000] =	vst v1;
	s17 =	sor.u32 $0xC20, s16  }
.Ltmp1:
0x1ec: {  	[tilespmem:s2+$0x8000] =	vst v1;
	s2 =	sor.u32 $0xC30, s16;
	(pc) =	sbr.rel @p0 .LBB2_4-.Ltmp1, $4  }
0x1ed: {  	[tilespmem:s17+$0x8000] =	vst v1;
	s17 =	sor.u32 $0xC40, s16  }
0x1ee: {  	s18 =	sor.u32 $0xC50, s16;
	[tilespmem:s2+$0x8000] =	vst v1  }
0x1ef: {  	s31 =	sadd.s32 $0x1, s31;
	s2 =	sor.u32 $0xC60, s16;
	[tilespmem:s17+$0x8000] =	vst v1  }
0x1f0: {  	s30 =	sadd.s32 $0x400, s30;
	s16 =	sor.u32 $0xC70, s16;
	s17 =	smov.u32 s0;
	[tilespmem:s18+$0x8000] =	vst v1  }
0x1f1: {  	[tilespmem:s2+$0x8000] =	vst v1  }
0x1f2: {  	[tilespmem:s16+$0x8000] =	vst v1  }
0x1f3: {  	v2 =	vld [tilespmem:$0x12800];
	_ =	sdelay $0x2  }
0x1f4: {  	v3 =	vld [tilespmem:$0x10800];
	_ =	sdelay $0x1  }
0x1f5: {  	v2 =	vsub.s32 v2, v0  }
0x1f6: {  	vm0 =	vgt.s32 v2, $0x0  }
0x1f7: {  	v4 =	vnsel vm0, $0x0, v2  }
0x1f8: {  	vm14 =	vlt.f32 v3, $0.0e+00;
	vm1 =	vgt.f32 v3, $0.0e+00;
	v4 =	vmin.u32 v4, $0x7FFF  }
0x1f9: {  	vm15 =	vlt.u32 v2, $0x8000;
	vm0 =	vmor vm1, vm14;
	v2 =	vshll.u32 v4, $0x3  }
0x1fa: {  	v5 =	vshrl.u32 v4, $0x2;
	v4 =	vand.u32 $0x707F, v4;
	v2 =	vand.u32 $0xC00, v2  }
0x1fb: {  	vm0 =	vmand vm0, vm15;
	v5 =	vand.u32 $0x380, v5;
	v2 =	vor.u32 v2, v4  }
0x1fc: {  	v2 =	vor.u32 v5, v2;
	_ =	sdelay $0x4  }
0x1fd: {  	[tilespmem:v2+s25+$0x0] =	vst.idx.add.f32.msk vm0, v3  }
0x1fe: {  	v2 =	vld [tilespmem:$0x12810];
	_ =	sdelay $0x2  }
0x1ff: {  	v3 =	vld [tilespmem:$0x10810];
	_ =	sdelay $0x1  }
0x200: {  	v2 =	vsub.s32 v2, v0  }
0x201: {  	vm4 =	vgt.s32 v2, $0x0  }
0x202: {  	v34 =	vnsel vm4, $0x0, v2  }
0x203: {  	vm5 =	vlt.f32 v3, $0.0e+00;
	vm6 =	vgt.f32 v3, $0.0e+00;
	v4 =	vmin.u32 v34, $0x7FFF  }
0x204: {  	vm0 =	vmor vm6, vm5;
	vm7 =	vlt.u32 v2, $0x8000;
	v2 =	vshll.u32 v4, $0x3  }
0x205: {  	v35 =	vshrl.u32 v4, $0x2;
	v4 =	vand.u32 $0x707F, v4;
	v2 =	vand.u32 $0xC00, v2  }
0x206: {  	vm0 =	vmand vm0, vm7;
	v5 =	vand.u32 $0x380, v35;
	v2 =	vor.u32 v2, v4  }
0x207: {  	v2 =	vor.u32 v5, v2;
	_ =	sdelay $0x4  }
0x208: {  	[tilespmem:v2+s25+$0x0] =	vst.idx.add.f32.msk vm0, v3  }
0x209: {  	v2 =	vld [tilespmem:$0x12820];
	_ =	sdelay $0x2  }
0x20a: {  	v3 =	vld [tilespmem:$0x10820];
	_ =	sdelay $0x1  }
0x20b: {  	v2 =	vsub.s32 v2, v0  }
0x20c: {  	vm8 =	vgt.s32 v2, $0x0  }
0x20d: {  	v36 =	vnsel vm8, $0x0, v2  }
0x20e: {  	vm9 =	vlt.f32 v3, $0.0e+00;
	vm10 =	vgt.f32 v3, $0.0e+00;
	v4 =	vmin.u32 v36, $0x7FFF  }
0x20f: {  	vm0 =	vmor vm10, vm9;
	vm11 =	vlt.u32 v2, $0x8000;
	v2 =	vshll.u32 v4, $0x3  }
0x210: {  	v37 =	vshrl.u32 v4, $0x2;
	v4 =	vand.u32 $0x707F, v4;
	v2 =	vand.u32 $0xC00, v2  }
0x211: {  	vm0 =	vmand vm0, vm11;
	v5 =	vand.u32 $0x380, v37;
	v2 =	vor.u32 v2, v4  }
0x212: {  	v2 =	vor.u32 v5, v2;
	_ =	sdelay $0x4  }
0x213: {  	[tilespmem:v2+s25+$0x0] =	vst.idx.add.f32.msk vm0, v3  }
0x214: {  	v2 =	vld [tilespmem:$0x12830];
	_ =	sdelay $0x2  }
0x215: {  	v3 =	vld [tilespmem:$0x10830];
	_ =	sdelay $0x1  }
0x216: {  	v2 =	vsub.s32 v2, v0  }
0x217: {  	vm12 =	vgt.s32 v2, $0x0  }
0x218: {  	v38 =	vnsel vm12, $0x0, v2  }
0x219: {  	vm13 =	vlt.f32 v3, $0.0e+00;
	vm14 =	vgt.f32 v3, $0.0e+00;
	v4 =	vmin.u32 v38, $0x7FFF  }
0x21a: {  	vm0 =	vmor vm14, vm13;
	vm15 =	vlt.u32 v2, $0x8000;
	v2 =	vshll.u32 v4, $0x3  }
0x21b: {  	v39 =	vshrl.u32 v4, $0x2;
	v4 =	vand.u32 $0x707F, v4;
	v2 =	vand.u32 $0xC00, v2  }
0x21c: {  	vm0 =	vmand vm0, vm15;
	v5 =	vand.u32 $0x380, v39;
	v2 =	vor.u32 v2, v4  }
0x21d: {  	v2 =	vor.u32 v5, v2;
	_ =	sdelay $0x4  }
0x21e: {  	[tilespmem:v2+s25+$0x0] =	vst.idx.add.f32.msk vm0, v3  }
0x21f: {  	v2 =	vld [tilespmem:$0x12840];
	_ =	sdelay $0x2  }
0x220: {  	v3 =	vld [tilespmem:$0x10840];
	_ =	sdelay $0x1  }
0x221: {  	v2 =	vsub.s32 v2, v0  }
0x222: {  	vm4 =	vgt.s32 v2, $0x0  }
0x223: {  	v40 =	vnsel vm4, $0x0, v2  }
0x224: {  	vm5 =	vlt.f32 v3, $0.0e+00;
	vm6 =	vgt.f32 v3, $0.0e+00;
	v4 =	vmin.u32 v40, $0x7FFF  }
0x225: {  	vm0 =	vmor vm6, vm5;
	vm7 =	vlt.u32 v2, $0x8000;
	v2 =	vshll.u32 v4, $0x3  }
0x226: {  	v41 =	vshrl.u32 v4, $0x2;
	v4 =	vand.u32 $0x707F, v4;
	v2 =	vand.u32 $0xC00, v2  }
0x227: {  	vm0 =	vmand vm0, vm7;
	v5 =	vand.u32 $0x380, v41;
	v2 =	vor.u32 v2, v4  }
0x228: {  	v2 =	vor.u32 v5, v2;
	_ =	sdelay $0x4  }
0x229: {  	[tilespmem:v2+s25+$0x0] =	vst.idx.add.f32.msk vm0, v3  }
0x22a: {  	v2 =	vld [tilespmem:$0x12850];
	_ =	sdelay $0x2  }
0x22b: {  	v3 =	vld [tilespmem:$0x10850];
	_ =	sdelay $0x1  }
0x22c: {  	v2 =	vsub.s32 v2, v0  }
0x22d: {  	vm8 =	vgt.s32 v2, $0x0  }
0x22e: {  	v42 =	vnsel vm8, $0x0, v2  }
0x22f: {  	vm9 =	vlt.f32 v3, $0.0e+00;
	vm10 =	vgt.f32 v3, $0.0e+00;
	v4 =	vmin.u32 v42, $0x7FFF  }
0x230: {  	vm0 =	vmor vm10, vm9;
	vm11 =	vlt.u32 v2, $0x8000;
	v2 =	vshll.u32 v4, $0x3  }
0x231: {  	v43 =	vshrl.u32 v4, $0x2;
	v4 =	vand.u32 $0x707F, v4;
	v2 =	vand.u32 $0xC00, v2  }
0x232: {  	vm0 =	vmand vm0, vm11;
	v5 =	vand.u32 $0x380, v43;
	v2 =	vor.u32 v2, v4  }
0x233: {  	v2 =	vor.u32 v5, v2;
	_ =	sdelay $0x4  }
0x234: {  	[tilespmem:v2+s25+$0x0] =	vst.idx.add.f32.msk vm0, v3  }
0x235: {  	v2 =	vld [tilespmem:$0x12860];
	_ =	sdelay $0x2  }
0x236: {  	v3 =	vld [tilespmem:$0x10860];
	_ =	sdelay $0x1  }
0x237: {  	v2 =	vsub.s32 v2, v0  }
0x238: {  	vm12 =	vgt.s32 v2, $0x0  }
0x239: {  	v44 =	vnsel vm12, $0x0, v2  }
0x23a: {  	vm13 =	vlt.f32 v3, $0.0e+00;
	vm14 =	vgt.f32 v3, $0.0e+00;
	v4 =	vmin.u32 v44, $0x7FFF  }
0x23b: {  	vm0 =	vmor vm14, vm13;
	vm15 =	vlt.u32 v2, $0x8000;
	v2 =	vshll.u32 v4, $0x3  }
0x23c: {  	v45 =	vshrl.u32 v4, $0x2;
	v4 =	vand.u32 $0x707F, v4;
	v2 =	vand.u32 $0xC00, v2  }
0x23d: {  	vm0 =	vmand vm0, vm15;
	v5 =	vand.u32 $0x380, v45;
	v2 =	vor.u32 v2, v4  }
0x23e: {  	v2 =	vor.u32 v5, v2;
	_ =	sdelay $0x4  }
0x23f: {  	[tilespmem:v2+s25+$0x0] =	vst.idx.add.f32.msk vm0, v3  }
0x240: {  	v2 =	vld [tilespmem:$0x12870];
	_ =	sdelay $0x2  }
0x241: {  	v3 =	vld [tilespmem:$0x10870];
	_ =	sdelay $0x1  }
0x242: {  	v2 =	vsub.s32 v2, v0  }
0x243: {  	vm4 =	vgt.s32 v2, $0x0  }
0x244: {  	v46 =	vnsel vm4, $0x0, v2  }
0x245: {  	vm5 =	vlt.f32 v3, $0.0e+00;
	vm6 =	vgt.f32 v3, $0.0e+00;
	v4 =	vmin.u32 v46, $0x7FFF  }
0x246: {  	vm0 =	vmor vm6, vm5;
	vm7 =	vlt.u32 v2, $0x8000;
	v2 =	vshll.u32 v4, $0x3  }
0x247: {  	v47 =	vshrl.u32 v4, $0x2;
	v4 =	vand.u32 $0x707F, v4;
	v2 =	vand.u32 $0xC00, v2  }
0x248: {  	vm0 =	vmand vm0, vm7;
	v5 =	vand.u32 $0x380, v47;
	v2 =	vor.u32 v2, v4  }
0x249: {  	v2 =	vor.u32 v5, v2;
	_ =	sdelay $0x4  }
0x24a: {  	[tilespmem:v2+s25+$0x0] =	vst.idx.add.f32.msk vm0, v3  }
0x24b: {  	v2 =	vld [tilespmem:$0x12C00];
	_ =	sdelay $0x2  }
0x24c: {  	v3 =	vld [tilespmem:$0x10C00];
	_ =	sdelay $0x1  }
0x24d: {  	v2 =	vsub.s32 v2, v0  }
0x24e: {  	vm8 =	vgt.s32 v2, $0x0  }
0x24f: {  	v48 =	vnsel vm8, $0x0, v2  }
0x250: {  	vm9 =	vlt.f32 v3, $0.0e+00;
	vm10 =	vgt.f32 v3, $0.0e+00;
	v4 =	vmin.u32 v48, $0x7FFF  }
0x251: {  	vm0 =	vmor vm10, vm9;
	vm11 =	vlt.u32 v2, $0x8000;
	v2 =	vshll.u32 v4, $0x3  }
0x252: {  	v49 =	vshrl.u32 v4, $0x2;
	v4 =	vand.u32 $0x707F, v4;
	v2 =	vand.u32 $0xC00, v2  }
0x253: {  	vm0 =	vmand vm0, vm11;
	v5 =	vand.u32 $0x380, v49;
	v2 =	vor.u32 v2, v4  }
0x254: {  	v2 =	vor.u32 v5, v2;
	_ =	sdelay $0x4  }
0x255: {  	[tilespmem:v2+s25+$0x0] =	vst.idx.add.f32.msk vm0, v3  }
0x256: {  	v2 =	vld [tilespmem:$0x12C10];
	_ =	sdelay $0x2  }
0x257: {  	v3 =	vld [tilespmem:$0x10C10];
	_ =	sdelay $0x1  }
0x258: {  	v2 =	vsub.s32 v2, v0  }
0x259: {  	vm12 =	vgt.s32 v2, $0x0  }
0x25a: {  	v50 =	vnsel vm12, $0x0, v2  }
0x25b: {  	vm13 =	vlt.f32 v3, $0.0e+00;
	vm14 =	vgt.f32 v3, $0.0e+00;
	v4 =	vmin.u32 v50, $0x7FFF  }
0x25c: {  	vm0 =	vmor vm14, vm13;
	vm15 =	vlt.u32 v2, $0x8000;
	v2 =	vshll.u32 v4, $0x3  }
0x25d: {  	v51 =	vshrl.u32 v4, $0x2;
	v4 =	vand.u32 $0x707F, v4;
	v2 =	vand.u32 $0xC00, v2  }
0x25e: {  	vm0 =	vmand vm0, vm15;
	v5 =	vand.u32 $0x380, v51;
	v2 =	vor.u32 v2, v4  }
0x25f: {  	v2 =	vor.u32 v5, v2;
	_ =	sdelay $0x4  }
0x260: {  	[tilespmem:v2+s25+$0x0] =	vst.idx.add.f32.msk vm0, v3  }
0x261: {  	v2 =	vld [tilespmem:$0x12C20];
	_ =	sdelay $0x2  }
0x262: {  	v3 =	vld [tilespmem:$0x10C20];
	_ =	sdelay $0x1  }
0x263: {  	v2 =	vsub.s32 v2, v0  }
0x264: {  	vm4 =	vgt.s32 v2, $0x0  }
0x265: {  	v52 =	vnsel vm4, $0x0, v2  }
0x266: {  	vm5 =	vlt.f32 v3, $0.0e+00;
	vm6 =	vgt.f32 v3, $0.0e+00;
	v4 =	vmin.u32 v52, $0x7FFF  }
0x267: {  	vm0 =	vmor vm6, vm5;
	vm7 =	vlt.u32 v2, $0x8000;
	v2 =	vshll.u32 v4, $0x3  }
0x268: {  	v53 =	vshrl.u32 v4, $0x2;
	v4 =	vand.u32 $0x707F, v4;
	v2 =	vand.u32 $0xC00, v2  }
0x269: {  	vm0 =	vmand vm0, vm7;
	v5 =	vand.u32 $0x380, v53;
	v2 =	vor.u32 v2, v4  }
0x26a: {  	v2 =	vor.u32 v5, v2;
	_ =	sdelay $0x4  }
0x26b: {  	[tilespmem:v2+s25+$0x0] =	vst.idx.add.f32.msk vm0, v3  }
0x26c: {  	v2 =	vld [tilespmem:$0x12C30];
	_ =	sdelay $0x2  }
0x26d: {  	v3 =	vld [tilespmem:$0x10C30];
	_ =	sdelay $0x1  }
0x26e: {  	v2 =	vsub.s32 v2, v0  }
0x26f: {  	vm8 =	vgt.s32 v2, $0x0  }
0x270: {  	v54 =	vnsel vm8, $0x0, v2  }
0x271: {  	vm9 =	vlt.f32 v3, $0.0e+00;
	vm10 =	vgt.f32 v3, $0.0e+00;
	v4 =	vmin.u32 v54, $0x7FFF  }
0x272: {  	vm0 =	vmor vm10, vm9;
	vm11 =	vlt.u32 v2, $0x8000;
	v2 =	vshll.u32 v4, $0x3  }
0x273: {  	v55 =	vshrl.u32 v4, $0x2;
	v4 =	vand.u32 $0x707F, v4;
	v2 =	vand.u32 $0xC00, v2  }
0x274: {  	vm0 =	vmand vm0, vm11;
	v5 =	vand.u32 $0x380, v55;
	v2 =	vor.u32 v2, v4  }
0x275: {  	v2 =	vor.u32 v5, v2;
	_ =	sdelay $0x4  }
0x276: {  	[tilespmem:v2+s25+$0x0] =	vst.idx.add.f32.msk vm0, v3  }
0x277: {  	v2 =	vld [tilespmem:$0x12C40];
	_ =	sdelay $0x2  }
0x278: {  	v3 =	vld [tilespmem:$0x10C40];
	_ =	sdelay $0x1  }
0x279: {  	v2 =	vsub.s32 v2, v0  }
0x27a: {  	vm12 =	vgt.s32 v2, $0x0  }
0x27b: {  	v56 =	vnsel vm12, $0x0, v2  }
0x27c: {  	vm13 =	vlt.f32 v3, $0.0e+00;
	vm14 =	vgt.f32 v3, $0.0e+00;
	v4 =	vmin.u32 v56, $0x7FFF  }
0x27d: {  	vm0 =	vmor vm14, vm13;
	vm15 =	vlt.u32 v2, $0x8000;
	v2 =	vshll.u32 v4, $0x3  }
0x27e: {  	v57 =	vshrl.u32 v4, $0x2;
	v4 =	vand.u32 $0x707F, v4;
	v2 =	vand.u32 $0xC00, v2  }
0x27f: {  	vm0 =	vmand vm0, vm15;
	v5 =	vand.u32 $0x380, v57;
	v2 =	vor.u32 v2, v4  }
0x280: {  	v2 =	vor.u32 v5, v2;
	_ =	sdelay $0x4  }
0x281: {  	[tilespmem:v2+s25+$0x0] =	vst.idx.add.f32.msk vm0, v3  }
0x282: {  	v2 =	vld [tilespmem:$0x12C50];
	_ =	sdelay $0x2  }
0x283: {  	v3 =	vld [tilespmem:$0x10C50];
	_ =	sdelay $0x1  }
0x284: {  	v2 =	vsub.s32 v2, v0  }
0x285: {  	vm4 =	vgt.s32 v2, $0x0  }
0x286: {  	v58 =	vnsel vm4, $0x0, v2  }
0x287: {  	vm5 =	vlt.f32 v3, $0.0e+00;
	vm6 =	vgt.f32 v3, $0.0e+00;
	v4 =	vmin.u32 v58, $0x7FFF  }
0x288: {  	vm0 =	vmor vm6, vm5;
	vm7 =	vlt.u32 v2, $0x8000;
	v2 =	vshll.u32 v4, $0x3  }
0x289: {  	v59 =	vshrl.u32 v4, $0x2;
	v4 =	vand.u32 $0x707F, v4;
	v2 =	vand.u32 $0xC00, v2  }
0x28a: {  	vm0 =	vmand vm0, vm7;
	v5 =	vand.u32 $0x380, v59;
	v2 =	vor.u32 v2, v4  }
0x28b: {  	v2 =	vor.u32 v5, v2;
	_ =	sdelay $0x4  }
0x28c: {  	[tilespmem:v2+s25+$0x0] =	vst.idx.add.f32.msk vm0, v3  }
0x28d: {  	v2 =	vld [tilespmem:$0x12C60];
	_ =	sdelay $0x2  }
0x28e: {  	v3 =	vld [tilespmem:$0x10C60];
	_ =	sdelay $0x1  }
0x28f: {  	v2 =	vsub.s32 v2, v0  }
0x290: {  	vm8 =	vgt.s32 v2, $0x0  }
0x291: {  	v60 =	vnsel vm8, $0x0, v2  }
0x292: {  	vm9 =	vlt.f32 v3, $0.0e+00;
	vm10 =	vgt.f32 v3, $0.0e+00;
	v4 =	vmin.u32 v60, $0x7FFF  }
0x293: {  	vm0 =	vmor vm10, vm9;
	vm11 =	vlt.u32 v2, $0x8000;
	v2 =	vshll.u32 v4, $0x3  }
0x294: {  	v61 =	vshrl.u32 v4, $0x2;
	v4 =	vand.u32 $0x707F, v4;
	v2 =	vand.u32 $0xC00, v2  }
0x295: {  	vm0 =	vmand vm0, vm11;
	v5 =	vand.u32 $0x380, v61;
	v2 =	vor.u32 v2, v4  }
0x296: {  	v2 =	vor.u32 v5, v2;
	_ =	sdelay $0x4  }
0x297: {  	[tilespmem:v2+s25+$0x0] =	vst.idx.add.f32.msk vm0, v3  }
0x298: {  	v2 =	vld [tilespmem:$0x12C70];
	_ =	sdelay $0x2  }
0x299: {  	v3 =	vld [tilespmem:$0x10C70];
	_ =	sdelay $0x1  }
0x29a: {  	v2 =	vsub.s32 v2, v0  }
0x29b: {  	vm12 =	vgt.s32 v2, $0x0  }
0x29c: {  	v62 =	vnsel vm12, $0x0, v2  }
0x29d: {  	vm13 =	vlt.f32 v3, $0.0e+00;
	vm14 =	vgt.f32 v3, $0.0e+00;
	v4 =	vmin.u32 v62, $0x7FFF  }
0x29e: {  	vm0 =	vmor vm14, vm13;
	vm15 =	vlt.u32 v2, $0x8000;
	v2 =	vshll.u32 v4, $0x3  }
0x29f: {  	v63 =	vshrl.u32 v4, $0x2;
	v4 =	vand.u32 $0x707F, v4;
	v2 =	vand.u32 $0xC00, v2  }
0x2a0: {  	vm0 =	vmand vm0, vm15;
	v5 =	vand.u32 $0x380, v63;
	v2 =	vor.u32 v2, v4  }
0x2a1: {  	v2 =	vor.u32 v5, v2;
	_ =	sdelay $0x4  }
0x2a2: {  	s20 =	simm.s32 $0x0;
	[tilespmem:v2+s25+$0x0] =	vst.idx.add.f32.msk vm0, v3  }
0x2a3: {  	[hbm4b:s12+s20] =	stream.linear.scatter [tilespmem:s25], [sflag:$0x3], $0x8000, $0x38;
	[tilespmem:$0x14000] =	vst v63  }
0x2a4: {  	_ =	swait.ge [sflag:s26], $0x8000  }
0x2a5: {  	s0 =	sand.u32 $0x7000, s20;
	s21 =	sand.u32 $0x300, s20;
	[sflag:s26] =	ssyncset.done $0x0  }
0x2a6: {  	s0 =	sor.u32 s21, s0;
	[sflag:s26] =	ssyncadd.s32 $0xFFFF8000  }
0x2a7: {  	[tilespmem:s0+$0x850] =	vst v1  }
0x2a8: {  	[tilespmem:s0+$0x860] =	vst v1  }
0x2a9: {  	[tilespmem:s0+$0x870] =	vst v1  }
0x2aa: {  	[tilespmem:s0+$0x840] =	vst v1  }
0x2ab: {  	[tilespmem:s0+$0x470] =	vst v1  }
0x2ac: {  	[tilespmem:s0+$0x460] =	vst v1  }
0x2ad: {  	[tilespmem:s0+$0x70] =	vst v1  }
0x2ae: {  	[tilespmem:s0+$0x450] =	vst v1  }
0x2af: {  	[tilespmem:s0+$0x50] =	vst v1  }
0x2b0: {  	[tilespmem:s0+$0x440] =	vst v1  }
0x2b1: {  	[tilespmem:s0+$0x60] =	vst v1  }
0x2b2: {  	[tilespmem:s0+$0x830] =	vst v1  }
0x2b3: {  	[tilespmem:s0+$0x40] =	vst v1  }
0x2b4: {  	[tilespmem:s0+$0x820] =	vst v1  }
0x2b5: {  	[tilespmem:s0+$0x810] =	vst v1  }
0x2b6: {  	[tilespmem:s0+$0x800] =	vst v1  }
0x2b7: {  	[tilespmem:s0+$0x430] =	vst v1  }
0x2b8: {  	[tilespmem:s0+$0x420] =	vst v1  }
0x2b9: {  	[tilespmem:s0+$0x400] =	vst v1  }
0x2ba: {  	[tilespmem:s0+$0x30] =	vst v1  }
0x2bb: {  	s2 =	sand.u32 $0x3, s20;
	[tilespmem:s0+$0x20] =	vst v1  }
0x2bc: {  	s2 =	sshll.u32 s2, $0x8;
	[tilespmem:s0+$0x10] =	vst v1  }
0x2bd: {  	s2 =	sadd.s32 $0x0, s2;
	[tilespmem:s0+$0x0] =	vst v1  }
0x2be: {  	s22 =	sor.u32 $0xC00, s2;
	[tilespmem:s0+$0x410] =	vst v1  }
0x2bf: {  	s17 =	sor.u32 $0xC10, s2;
	[tilespmem:s22+$0x0] =	vst v1  }
0x2c0: {  	s18 =	sor.u32 $0xC20, s2;
	[tilespmem:s17+$0x0] =	vst v1  }
0x2c1: {  	s19 =	sor.u32 $0xC30, s2;
	[tilespmem:s18+$0x0] =	vst v1  }
0x2c2: {  	s20 =	sor.u32 $0xC40, s2;
	[tilespmem:s19+$0x0] =	vst v1  }
0x2c3: {  	s21 =	sor.u32 $0xC50, s2;
	[tilespmem:s20+$0x0] =	vst v1  }
0x2c4: {  	s22 =	sor.u32 $0xC60, s2;
	[tilespmem:s21+$0x0] =	vst v1  }
0x2c5: {  	s17 =	sor.u32 $0xC70, s2;
	[tilespmem:s22+$0x0] =	vst v1  }
0x2c6: {  	[tilespmem:s17+$0x0] =	vst v1  }
0x2c7: {  	[tilespmem:s0+$0x8C0] =	vst v1  }
0x2c8: {  	[tilespmem:s0+$0x4C0] =	vst v1  }
0x2c9: {  	[tilespmem:s0+$0x8F0] =	vst v1  }
0x2ca: {  	[tilespmem:s0+$0xC0] =	vst v1  }
0x2cb: {  	[tilespmem:s0+$0x8D0] =	vst v1  }
0x2cc: {  	[tilespmem:s0+$0x8E0] =	vst v1  }
0x2cd: {  	[tilespmem:s0+$0x8B0] =	vst v1  }
0x2ce: {  	[tilespmem:s0+$0x8A0] =	vst v1  }
0x2cf: {  	[tilespmem:s0+$0x890] =	vst v1  }
0x2d0: {  	[tilespmem:s0+$0x4F0] =	vst v1  }
0x2d1: {  	[tilespmem:s0+$0x880] =	vst v1  }
0x2d2: {  	[tilespmem:s0+$0x4D0] =	vst v1  }
0x2d3: {  	[tilespmem:s0+$0x4E0] =	vst v1  }
0x2d4: {  	[tilespmem:s0+$0x4B0] =	vst v1  }
0x2d5: {  	[tilespmem:s0+$0x4A0] =	vst v1  }
0x2d6: {  	[tilespmem:s0+$0x490] =	vst v1  }
0x2d7: {  	[tilespmem:s0+$0xE0] =	vst v1  }
0x2d8: {  	[tilespmem:s0+$0x480] =	vst v1  }
0x2d9: {  	[tilespmem:s0+$0xD0] =	vst v1  }
0x2da: {  	[tilespmem:s0+$0xB0] =	vst v1  }
0x2db: {  	[tilespmem:s0+$0x90] =	vst v1  }
0x2dc: {  	[tilespmem:s0+$0xF0] =	vst v1  }
0x2dd: {  	s16 =	sadd.s32 $0x80, s2;
	[tilespmem:s0+$0xA0] =	vst v1  }
0x2de: {  	s2 =	sor.u32 $0xC00, s16;
	[tilespmem:s0+$0x80] =	vst v1  }
0x2df: {  	s18 =	sor.u32 $0xC10, s16;
	[tilespmem:s2+$0x0] =	vst v1  }
0x2e0: {  	s19 =	sor.u32 $0xC20, s16;
	[tilespmem:s18+$0x0] =	vst v1  }
0x2e1: {  	s20 =	sor.u32 $0xC30, s16;
	[tilespmem:s19+$0x0] =	vst v1  }
0x2e2: {  	s21 =	sor.u32 $0xC40, s16;
	[tilespmem:s20+$0x0] =	vst v1  }
0x2e3: {  	s30 =	simm.s32 $0x400;
	s31 =	simm.s32 $0x1;
	s22 =	sor.u32 $0xC50, s16;
	[tilespmem:s21+$0x0] =	vst v1  }
0x2e4: {  	s17 =	simm.s32 $0x100;
	s2 =	sor.u32 $0xC60, s16;
	s16 =	sor.u32 $0xC70, s16;
	[tilespmem:s22+$0x0] =	vst v1  }
.LBB2_6:
0x2e5: {  	s0 =	smov.u32 s17  }
0x2e6: {  	s18 =	sand.u32 $0x7000, s30;
	s19 =	sand.u32 $0x300, s17;
	[tilespmem:s2+$0x0] =	vst v1;
	s0 =	sadd.s32 $0x100, s17  }
0x2e7: {  	p0 =	sne.s32 s17, $0x1F00;
	s2 =	sor.u32 s19, s18;
	[tilespmem:s16+$0x0] =	vst v1  }
0x2e8: {  	[tilespmem:s2+$0x850] =	vst v1  }
0x2e9: {  	[tilespmem:s2+$0x860] =	vst v1  }
0x2ea: {  	[tilespmem:s2+$0x870] =	vst v1  }
0x2eb: {  	[tilespmem:s2+$0x840] =	vst v1  }
0x2ec: {  	[tilespmem:s2+$0x470] =	vst v1  }
0x2ed: {  	[tilespmem:s2+$0x460] =	vst v1  }
0x2ee: {  	[tilespmem:s2+$0x70] =	vst v1  }
0x2ef: {  	[tilespmem:s2+$0x450] =	vst v1  }
0x2f0: {  	s16 =	sand.u32 $0x3, s31;
	[tilespmem:s2+$0x50] =	vst v1  }
0x2f1: {  	s16 =	sshll.u32 s16, $0x8;
	[tilespmem:s2+$0x440] =	vst v1  }
0x2f2: {  	s17 =	sadd.s32 s16, s30;
	[tilespmem:s2+$0x60] =	vst v1  }
0x2f3: {  	s18 =	sor.u32 $0xC00, s17;
	s19 =	sor.u32 $0xC10, s17;
	s16 =	sadd.s32 $0x80, s17;
	[tilespmem:s2+$0x830] =	vst v1  }
0x2f4: {  	[tilespmem:s2+$0x40] =	vst v1  }
0x2f5: {  	s20 =	sor.u32 $0xC20, s17;
	[tilespmem:s2+$0x820] =	vst v1  }
0x2f6: {  	s21 =	sor.u32 $0xC30, s17;
	[tilespmem:s2+$0x810] =	vst v1  }
0x2f7: {  	s22 =	sor.u32 $0xC40, s17;
	[tilespmem:s2+$0x800] =	vst v1  }
0x2f8: {  	[tilespmem:s2+$0x430] =	vst v1  }
0x2f9: {  	[tilespmem:s2+$0x420] =	vst v1  }
0x2fa: {  	[tilespmem:s2+$0x400] =	vst v1  }
0x2fb: {  	[tilespmem:s2+$0x30] =	vst v1  }
0x2fc: {  	[tilespmem:s2+$0x20] =	vst v1  }
0x2fd: {  	[tilespmem:s2+$0x10] =	vst v1  }
0x2fe: {  	[tilespmem:s2+$0x0] =	vst v1  }
0x2ff: {  	[tilespmem:s2+$0x410] =	vst v1  }
0x300: {  	[tilespmem:s18+$0x0] =	vst v1  }
0x301: {  	[tilespmem:s19+$0x0] =	vst v1  }
0x302: {  	[tilespmem:s20+$0x0] =	vst v1  }
0x303: {  	[tilespmem:s21+$0x0] =	vst v1  }
0x304: {  	s18 =	sor.u32 $0xC50, s17;
	[tilespmem:s22+$0x0] =	vst v1  }
0x305: {  	[tilespmem:s18+$0x0] =	vst v1;
	s18 =	sor.u32 $0xC60, s17  }
0x306: {  	s17 =	sor.u32 $0xC70, s17;
	[tilespmem:s18+$0x0] =	vst v1  }
0x307: {  	[tilespmem:s17+$0x0] =	vst v1  }
0x308: {  	[tilespmem:s2+$0x8C0] =	vst v1  }
0x309: {  	[tilespmem:s2+$0x4C0] =	vst v1  }
0x30a: {  	[tilespmem:s2+$0x8F0] =	vst v1  }
0x30b: {  	[tilespmem:s2+$0xC0] =	vst v1  }
0x30c: {  	[tilespmem:s2+$0x8D0] =	vst v1  }
0x30d: {  	[tilespmem:s2+$0x8E0] =	vst v1  }
0x30e: {  	[tilespmem:s2+$0x8B0] =	vst v1  }
0x30f: {  	[tilespmem:s2+$0x8A0] =	vst v1  }
0x310: {  	[tilespmem:s2+$0x890] =	vst v1  }
0x311: {  	[tilespmem:s2+$0x4F0] =	vst v1  }
0x312: {  	[tilespmem:s2+$0x880] =	vst v1  }
0x313: {  	[tilespmem:s2+$0x4D0] =	vst v1  }
0x314: {  	[tilespmem:s2+$0x4E0] =	vst v1  }
0x315: {  	[tilespmem:s2+$0x4B0] =	vst v1  }
0x316: {  	[tilespmem:s2+$0x4A0] =	vst v1  }
0x317: {  	[tilespmem:s2+$0x490] =	vst v1  }
0x318: {  	[tilespmem:s2+$0xE0] =	vst v1  }
0x319: {  	[tilespmem:s2+$0x480] =	vst v1  }
0x31a: {  	[tilespmem:s2+$0xD0] =	vst v1  }
0x31b: {  	[tilespmem:s2+$0xB0] =	vst v1  }
0x31c: {  	[tilespmem:s2+$0x90] =	vst v1  }
0x31d: {  	[tilespmem:s2+$0xF0] =	vst v1  }
0x31e: {  	s17 =	sor.u32 $0xC00, s16;
	[tilespmem:s2+$0xA0] =	vst v1  }
0x31f: {  	[tilespmem:s2+$0x80] =	vst v1;
	s2 =	sor.u32 $0xC10, s16  }
0x320: {  	[tilespmem:s17+$0x0] =	vst v1;
	s17 =	sor.u32 $0xC20, s16  }
.Ltmp2:
0x321: {  	[tilespmem:s2+$0x0] =	vst v1;
	s2 =	sor.u32 $0xC30, s16;
	(pc) =	sbr.rel @p0 .LBB2_6-.Ltmp2, $4  }
0x322: {  	[tilespmem:s17+$0x0] =	vst v1;
	s17 =	sor.u32 $0xC40, s16  }
0x323: {  	s18 =	sor.u32 $0xC50, s16;
	[tilespmem:s2+$0x0] =	vst v1  }
0x324: {  	s31 =	sadd.s32 $0x1, s31;
	s2 =	sor.u32 $0xC60, s16;
	[tilespmem:s17+$0x0] =	vst v1  }
0x325: {  	s30 =	sadd.s32 $0x400, s30;
	s16 =	sor.u32 $0xC70, s16;
	s17 =	smov.u32 s0;
	[tilespmem:s18+$0x0] =	vst v1  }
0x326: {  	[tilespmem:s2+$0x0] =	vst v1  }
0x327: {  	[tilespmem:s16+$0x0] =	vst v1  }
0x328: {  	v2 =	vld [tilespmem:$0x13000];
	_ =	sdelay $0x2  }
0x329: {  	v3 =	vld [tilespmem:$0x11000];
	_ =	sdelay $0x1  }
0x32a: {  	v2 =	vsub.s32 v2, v0  }
0x32b: {  	vm0 =	vgt.s32 v2, $0x0  }
0x32c: {  	v4 =	vnsel vm0, $0x0, v2  }
0x32d: {  	vm14 =	vlt.f32 v3, $0.0e+00;
	vm1 =	vgt.f32 v3, $0.0e+00;
	v4 =	vmin.u32 v4, $0x7FFF  }
0x32e: {  	vm15 =	vlt.u32 v2, $0x8000;
	vm0 =	vmor vm1, vm14;
	v2 =	vshll.u32 v4, $0x3  }
0x32f: {  	v5 =	vshrl.u32 v4, $0x2;
	v4 =	vand.u32 $0x707F, v4;
	v2 =	vand.u32 $0xC00, v2  }
0x330: {  	vm0 =	vmand vm0, vm15;
	v5 =	vand.u32 $0x380, v5;
	v2 =	vor.u32 v2, v4  }
0x331: {  	v2 =	vor.u32 v5, v2;
	_ =	sdelay $0x3  }
0x332: {  	s30 =	simm.s32 $0x0  }
0x333: {  	[tilespmem:v2+s30+$0x0] =	vst.idx.add.f32.msk vm0, v3  }
0x334: {  	v2 =	vld [tilespmem:$0x13010];
	_ =	sdelay $0x2  }
0x335: {  	v3 =	vld [tilespmem:$0x11010];
	_ =	sdelay $0x1  }
0x336: {  	v2 =	vsub.s32 v2, v0  }
0x337: {  	vm4 =	vgt.s32 v2, $0x0  }
0x338: {  	v34 =	vnsel vm4, $0x0, v2  }
0x339: {  	vm5 =	vlt.f32 v3, $0.0e+00;
	vm6 =	vgt.f32 v3, $0.0e+00;
	v4 =	vmin.u32 v34, $0x7FFF  }
0x33a: {  	vm0 =	vmor vm6, vm5;
	vm7 =	vlt.u32 v2, $0x8000;
	v2 =	vshll.u32 v4, $0x3  }
0x33b: {  	v35 =	vshrl.u32 v4, $0x2;
	v4 =	vand.u32 $0x707F, v4;
	v2 =	vand.u32 $0xC00, v2  }
0x33c: {  	vm0 =	vmand vm0, vm7;
	v5 =	vand.u32 $0x380, v35;
	v2 =	vor.u32 v2, v4  }
0x33d: {  	v2 =	vor.u32 v5, v2;
	_ =	sdelay $0x4  }
0x33e: {  	[tilespmem:v2+s30+$0x0] =	vst.idx.add.f32.msk vm0, v3  }
0x33f: {  	v2 =	vld [tilespmem:$0x13020];
	_ =	sdelay $0x2  }
0x340: {  	v3 =	vld [tilespmem:$0x11020];
	_ =	sdelay $0x1  }
0x341: {  	v2 =	vsub.s32 v2, v0  }
0x342: {  	vm8 =	vgt.s32 v2, $0x0  }
0x343: {  	v36 =	vnsel vm8, $0x0, v2  }
0x344: {  	vm9 =	vlt.f32 v3, $0.0e+00;
	vm10 =	vgt.f32 v3, $0.0e+00;
	v4 =	vmin.u32 v36, $0x7FFF  }
0x345: {  	vm0 =	vmor vm10, vm9;
	vm11 =	vlt.u32 v2, $0x8000;
	v2 =	vshll.u32 v4, $0x3  }
0x346: {  	v37 =	vshrl.u32 v4, $0x2;
	v4 =	vand.u32 $0x707F, v4;
	v2 =	vand.u32 $0xC00, v2  }
0x347: {  	vm0 =	vmand vm0, vm11;
	v5 =	vand.u32 $0x380, v37;
	v2 =	vor.u32 v2, v4  }
0x348: {  	v2 =	vor.u32 v5, v2;
	_ =	sdelay $0x4  }
0x349: {  	[tilespmem:v2+s30+$0x0] =	vst.idx.add.f32.msk vm0, v3  }
0x34a: {  	v2 =	vld [tilespmem:$0x13030];
	_ =	sdelay $0x2  }
0x34b: {  	v3 =	vld [tilespmem:$0x11030];
	_ =	sdelay $0x1  }
0x34c: {  	v2 =	vsub.s32 v2, v0  }
0x34d: {  	vm12 =	vgt.s32 v2, $0x0  }
0x34e: {  	v38 =	vnsel vm12, $0x0, v2  }
0x34f: {  	vm13 =	vlt.f32 v3, $0.0e+00;
	vm14 =	vgt.f32 v3, $0.0e+00;
	v4 =	vmin.u32 v38, $0x7FFF  }
0x350: {  	vm0 =	vmor vm14, vm13;
	vm15 =	vlt.u32 v2, $0x8000;
	v2 =	vshll.u32 v4, $0x3  }
0x351: {  	v39 =	vshrl.u32 v4, $0x2;
	v4 =	vand.u32 $0x707F, v4;
	v2 =	vand.u32 $0xC00, v2  }
0x352: {  	vm0 =	vmand vm0, vm15;
	v5 =	vand.u32 $0x380, v39;
	v2 =	vor.u32 v2, v4  }
0x353: {  	v2 =	vor.u32 v5, v2;
	_ =	sdelay $0x4  }
0x354: {  	[tilespmem:v2+s30+$0x0] =	vst.idx.add.f32.msk vm0, v3  }
0x355: {  	v2 =	vld [tilespmem:$0x13040];
	_ =	sdelay $0x2  }
0x356: {  	v3 =	vld [tilespmem:$0x11040];
	_ =	sdelay $0x1  }
0x357: {  	v2 =	vsub.s32 v2, v0  }
0x358: {  	vm4 =	vgt.s32 v2, $0x0  }
0x359: {  	v40 =	vnsel vm4, $0x0, v2  }
0x35a: {  	vm5 =	vlt.f32 v3, $0.0e+00;
	vm6 =	vgt.f32 v3, $0.0e+00;
	v4 =	vmin.u32 v40, $0x7FFF  }
0x35b: {  	vm0 =	vmor vm6, vm5;
	vm7 =	vlt.u32 v2, $0x8000;
	v2 =	vshll.u32 v4, $0x3  }
0x35c: {  	v41 =	vshrl.u32 v4, $0x2;
	v4 =	vand.u32 $0x707F, v4;
	v2 =	vand.u32 $0xC00, v2  }
0x35d: {  	vm0 =	vmand vm0, vm7;
	v5 =	vand.u32 $0x380, v41;
	v2 =	vor.u32 v2, v4  }
0x35e: {  	v2 =	vor.u32 v5, v2;
	_ =	sdelay $0x4  }
0x35f: {  	[tilespmem:v2+s30+$0x0] =	vst.idx.add.f32.msk vm0, v3  }
0x360: {  	v2 =	vld [tilespmem:$0x13050];
	_ =	sdelay $0x2  }
0x361: {  	v3 =	vld [tilespmem:$0x11050];
	_ =	sdelay $0x1  }
0x362: {  	v2 =	vsub.s32 v2, v0  }
0x363: {  	vm8 =	vgt.s32 v2, $0x0  }
0x364: {  	v42 =	vnsel vm8, $0x0, v2  }
0x365: {  	vm9 =	vlt.f32 v3, $0.0e+00;
	vm10 =	vgt.f32 v3, $0.0e+00;
	v4 =	vmin.u32 v42, $0x7FFF  }
0x366: {  	vm0 =	vmor vm10, vm9;
	vm11 =	vlt.u32 v2, $0x8000;
	v2 =	vshll.u32 v4, $0x3  }
0x367: {  	v43 =	vshrl.u32 v4, $0x2;
	v4 =	vand.u32 $0x707F, v4;
	v2 =	vand.u32 $0xC00, v2  }
0x368: {  	vm0 =	vmand vm0, vm11;
	v5 =	vand.u32 $0x380, v43;
	v2 =	vor.u32 v2, v4  }
0x369: {  	v2 =	vor.u32 v5, v2;
	_ =	sdelay $0x4  }
0x36a: {  	[tilespmem:v2+s30+$0x0] =	vst.idx.add.f32.msk vm0, v3  }
0x36b: {  	v2 =	vld [tilespmem:$0x13060];
	_ =	sdelay $0x2  }
0x36c: {  	v3 =	vld [tilespmem:$0x11060];
	_ =	sdelay $0x1  }
0x36d: {  	v2 =	vsub.s32 v2, v0  }
0x36e: {  	vm12 =	vgt.s32 v2, $0x0  }
0x36f: {  	v44 =	vnsel vm12, $0x0, v2  }
0x370: {  	vm13 =	vlt.f32 v3, $0.0e+00;
	vm14 =	vgt.f32 v3, $0.0e+00;
	v4 =	vmin.u32 v44, $0x7FFF  }
0x371: {  	vm0 =	vmor vm14, vm13;
	vm15 =	vlt.u32 v2, $0x8000;
	v2 =	vshll.u32 v4, $0x3  }
0x372: {  	v45 =	vshrl.u32 v4, $0x2;
	v4 =	vand.u32 $0x707F, v4;
	v2 =	vand.u32 $0xC00, v2  }
0x373: {  	vm0 =	vmand vm0, vm15;
	v5 =	vand.u32 $0x380, v45;
	v2 =	vor.u32 v2, v4  }
0x374: {  	v2 =	vor.u32 v5, v2;
	_ =	sdelay $0x4  }
0x375: {  	[tilespmem:v2+s30+$0x0] =	vst.idx.add.f32.msk vm0, v3  }
0x376: {  	v2 =	vld [tilespmem:$0x13070];
	_ =	sdelay $0x2  }
0x377: {  	v3 =	vld [tilespmem:$0x11070];
	_ =	sdelay $0x1  }
0x378: {  	v2 =	vsub.s32 v2, v0  }
0x379: {  	vm4 =	vgt.s32 v2, $0x0  }
0x37a: {  	v46 =	vnsel vm4, $0x0, v2  }
0x37b: {  	vm5 =	vlt.f32 v3, $0.0e+00;
	vm6 =	vgt.f32 v3, $0.0e+00;
	v4 =	vmin.u32 v46, $0x7FFF  }
0x37c: {  	vm0 =	vmor vm6, vm5;
	vm7 =	vlt.u32 v2, $0x8000;
	v2 =	vshll.u32 v4, $0x3  }
0x37d: {  	v47 =	vshrl.u32 v4, $0x2;
	v4 =	vand.u32 $0x707F, v4;
	v2 =	vand.u32 $0xC00, v2  }
0x37e: {  	vm0 =	vmand vm0, vm7;
	v5 =	vand.u32 $0x380, v47;
	v2 =	vor.u32 v2, v4  }
0x37f: {  	v2 =	vor.u32 v5, v2;
	_ =	sdelay $0x4  }
0x380: {  	[tilespmem:v2+s30+$0x0] =	vst.idx.add.f32.msk vm0, v3  }
0x381: {  	v2 =	vld [tilespmem:$0x13400];
	_ =	sdelay $0x2  }
0x382: {  	v3 =	vld [tilespmem:$0x11400];
	_ =	sdelay $0x1  }
0x383: {  	v2 =	vsub.s32 v2, v0  }
0x384: {  	vm8 =	vgt.s32 v2, $0x0  }
0x385: {  	v48 =	vnsel vm8, $0x0, v2  }
0x386: {  	vm9 =	vlt.f32 v3, $0.0e+00;
	vm10 =	vgt.f32 v3, $0.0e+00;
	v4 =	vmin.u32 v48, $0x7FFF  }
0x387: {  	vm0 =	vmor vm10, vm9;
	vm11 =	vlt.u32 v2, $0x8000;
	v2 =	vshll.u32 v4, $0x3  }
0x388: {  	v49 =	vshrl.u32 v4, $0x2;
	v4 =	vand.u32 $0x707F, v4;
	v2 =	vand.u32 $0xC00, v2  }
0x389: {  	vm0 =	vmand vm0, vm11;
	v5 =	vand.u32 $0x380, v49;
	v2 =	vor.u32 v2, v4  }
0x38a: {  	v2 =	vor.u32 v5, v2;
	_ =	sdelay $0x4  }
0x38b: {  	[tilespmem:v2+s30+$0x0] =	vst.idx.add.f32.msk vm0, v3  }
0x38c: {  	v2 =	vld [tilespmem:$0x13410];
	_ =	sdelay $0x2  }
0x38d: {  	v3 =	vld [tilespmem:$0x11410];
	_ =	sdelay $0x1  }
0x38e: {  	v2 =	vsub.s32 v2, v0  }
0x38f: {  	vm12 =	vgt.s32 v2, $0x0  }
0x390: {  	v50 =	vnsel vm12, $0x0, v2  }
0x391: {  	vm13 =	vlt.f32 v3, $0.0e+00;
	vm14 =	vgt.f32 v3, $0.0e+00;
	v4 =	vmin.u32 v50, $0x7FFF  }
0x392: {  	vm0 =	vmor vm14, vm13;
	vm15 =	vlt.u32 v2, $0x8000;
	v2 =	vshll.u32 v4, $0x3  }
0x393: {  	v51 =	vshrl.u32 v4, $0x2;
	v4 =	vand.u32 $0x707F, v4;
	v2 =	vand.u32 $0xC00, v2  }
0x394: {  	vm0 =	vmand vm0, vm15;
	v5 =	vand.u32 $0x380, v51;
	v2 =	vor.u32 v2, v4  }
0x395: {  	v2 =	vor.u32 v5, v2;
	_ =	sdelay $0x4  }
0x396: {  	[tilespmem:v2+s30+$0x0] =	vst.idx.add.f32.msk vm0, v3  }
0x397: {  	v2 =	vld [tilespmem:$0x13420];
	_ =	sdelay $0x2  }
0x398: {  	v3 =	vld [tilespmem:$0x11420];
	_ =	sdelay $0x1  }
0x399: {  	v2 =	vsub.s32 v2, v0  }
0x39a: {  	vm4 =	vgt.s32 v2, $0x0  }
0x39b: {  	v52 =	vnsel vm4, $0x0, v2  }
0x39c: {  	vm5 =	vlt.f32 v3, $0.0e+00;
	vm6 =	vgt.f32 v3, $0.0e+00;
	v4 =	vmin.u32 v52, $0x7FFF  }
0x39d: {  	vm0 =	vmor vm6, vm5;
	vm7 =	vlt.u32 v2, $0x8000;
	v2 =	vshll.u32 v4, $0x3  }
0x39e: {  	v53 =	vshrl.u32 v4, $0x2;
	v4 =	vand.u32 $0x707F, v4;
	v2 =	vand.u32 $0xC00, v2  }
0x39f: {  	vm0 =	vmand vm0, vm7;
	v5 =	vand.u32 $0x380, v53;
	v2 =	vor.u32 v2, v4  }
0x3a0: {  	v2 =	vor.u32 v5, v2;
	_ =	sdelay $0x4  }
0x3a1: {  	[tilespmem:v2+s30+$0x0] =	vst.idx.add.f32.msk vm0, v3  }
0x3a2: {  	v2 =	vld [tilespmem:$0x13430];
	_ =	sdelay $0x2  }
0x3a3: {  	v3 =	vld [tilespmem:$0x11430];
	_ =	sdelay $0x1  }
0x3a4: {  	v2 =	vsub.s32 v2, v0  }
0x3a5: {  	vm8 =	vgt.s32 v2, $0x0  }
0x3a6: {  	v54 =	vnsel vm8, $0x0, v2  }
0x3a7: {  	vm9 =	vlt.f32 v3, $0.0e+00;
	vm10 =	vgt.f32 v3, $0.0e+00;
	v4 =	vmin.u32 v54, $0x7FFF  }
0x3a8: {  	vm0 =	vmor vm10, vm9;
	vm11 =	vlt.u32 v2, $0x8000;
	v2 =	vshll.u32 v4, $0x3  }
0x3a9: {  	v55 =	vshrl.u32 v4, $0x2;
	v4 =	vand.u32 $0x707F, v4;
	v2 =	vand.u32 $0xC00, v2  }
0x3aa: {  	vm0 =	vmand vm0, vm11;
	v5 =	vand.u32 $0x380, v55;
	v2 =	vor.u32 v2, v4  }
0x3ab: {  	v2 =	vor.u32 v5, v2;
	_ =	sdelay $0x4  }
0x3ac: {  	[tilespmem:v2+s30+$0x0] =	vst.idx.add.f32.msk vm0, v3  }
0x3ad: {  	v2 =	vld [tilespmem:$0x13440];
	_ =	sdelay $0x2  }
0x3ae: {  	v3 =	vld [tilespmem:$0x11440];
	_ =	sdelay $0x1  }
0x3af: {  	v2 =	vsub.s32 v2, v0  }
0x3b0: {  	vm12 =	vgt.s32 v2, $0x0  }
0x3b1: {  	v56 =	vnsel vm12, $0x0, v2  }
0x3b2: {  	vm13 =	vlt.f32 v3, $0.0e+00;
	vm14 =	vgt.f32 v3, $0.0e+00;
	v4 =	vmin.u32 v56, $0x7FFF  }
0x3b3: {  	vm0 =	vmor vm14, vm13;
	vm15 =	vlt.u32 v2, $0x8000;
	v2 =	vshll.u32 v4, $0x3  }
0x3b4: {  	v57 =	vshrl.u32 v4, $0x2;
	v4 =	vand.u32 $0x707F, v4;
	v2 =	vand.u32 $0xC00, v2  }
0x3b5: {  	vm0 =	vmand vm0, vm15;
	v5 =	vand.u32 $0x380, v57;
	v2 =	vor.u32 v2, v4  }
0x3b6: {  	v2 =	vor.u32 v5, v2;
	_ =	sdelay $0x4  }
0x3b7: {  	[tilespmem:v2+s30+$0x0] =	vst.idx.add.f32.msk vm0, v3  }
0x3b8: {  	v2 =	vld [tilespmem:$0x13450];
	_ =	sdelay $0x2  }
0x3b9: {  	v3 =	vld [tilespmem:$0x11450];
	_ =	sdelay $0x1  }
0x3ba: {  	v2 =	vsub.s32 v2, v0  }
0x3bb: {  	vm4 =	vgt.s32 v2, $0x0  }
0x3bc: {  	v58 =	vnsel vm4, $0x0, v2  }
0x3bd: {  	vm5 =	vlt.f32 v3, $0.0e+00;
	vm6 =	vgt.f32 v3, $0.0e+00;
	v4 =	vmin.u32 v58, $0x7FFF  }
0x3be: {  	vm0 =	vmor vm6, vm5;
	vm7 =	vlt.u32 v2, $0x8000;
	v2 =	vshll.u32 v4, $0x3  }
0x3bf: {  	v59 =	vshrl.u32 v4, $0x2;
	v4 =	vand.u32 $0x707F, v4;
	v2 =	vand.u32 $0xC00, v2  }
0x3c0: {  	vm0 =	vmand vm0, vm7;
	v5 =	vand.u32 $0x380, v59;
	v2 =	vor.u32 v2, v4  }
0x3c1: {  	v2 =	vor.u32 v5, v2;
	_ =	sdelay $0x4  }
0x3c2: {  	[tilespmem:v2+s30+$0x0] =	vst.idx.add.f32.msk vm0, v3  }
0x3c3: {  	v2 =	vld [tilespmem:$0x13460];
	_ =	sdelay $0x2  }
0x3c4: {  	v3 =	vld [tilespmem:$0x11460];
	_ =	sdelay $0x1  }
0x3c5: {  	v2 =	vsub.s32 v2, v0  }
0x3c6: {  	vm8 =	vgt.s32 v2, $0x0  }
0x3c7: {  	v60 =	vnsel vm8, $0x0, v2  }
0x3c8: {  	vm9 =	vlt.f32 v3, $0.0e+00;
	vm10 =	vgt.f32 v3, $0.0e+00;
	v4 =	vmin.u32 v60, $0x7FFF  }
0x3c9: {  	vm0 =	vmor vm10, vm9;
	vm11 =	vlt.u32 v2, $0x8000;
	v2 =	vshll.u32 v4, $0x3  }
0x3ca: {  	v61 =	vshrl.u32 v4, $0x2;
	v4 =	vand.u32 $0x707F, v4;
	v2 =	vand.u32 $0xC00, v2  }
0x3cb: {  	vm0 =	vmand vm0, vm11;
	v5 =	vand.u32 $0x380, v61;
	v2 =	vor.u32 v2, v4  }
0x3cc: {  	v2 =	vor.u32 v5, v2;
	_ =	sdelay $0x4  }
0x3cd: {  	[tilespmem:v2+s30+$0x0] =	vst.idx.add.f32.msk vm0, v3  }
0x3ce: {  	v2 =	vld [tilespmem:$0x13470];
	_ =	sdelay $0x2  }
0x3cf: {  	v3 =	vld [tilespmem:$0x11470];
	_ =	sdelay $0x1  }
0x3d0: {  	v2 =	vsub.s32 v2, v0  }
0x3d1: {  	vm12 =	vgt.s32 v2, $0x0  }
0x3d2: {  	v62 =	vnsel vm12, $0x0, v2  }
0x3d3: {  	vm13 =	vlt.f32 v3, $0.0e+00;
	vm14 =	vgt.f32 v3, $0.0e+00;
	v4 =	vmin.u32 v62, $0x7FFF  }
0x3d4: {  	vm0 =	vmor vm14, vm13;
	vm15 =	vlt.u32 v2, $0x8000;
	v2 =	vshll.u32 v4, $0x3  }
0x3d5: {  	v63 =	vshrl.u32 v4, $0x2;
	v4 =	vand.u32 $0x707F, v4;
	v2 =	vand.u32 $0xC00, v2  }
0x3d6: {  	vm0 =	vmand vm0, vm15;
	v5 =	vand.u32 $0x380, v63;
	v2 =	vor.u32 v2, v4  }
0x3d7: {  	v2 =	vor.u32 v5, v2;
	_ =	sdelay $0x4  }
0x3d8: {  	[tilespmem:v2+s30+$0x0] =	vst.idx.add.f32.msk vm0, v3  }
0x3d9: {  	[hbm4b:s13+s30] =	stream.linear.scatter [tilespmem:s30], [sflag:$0x2], $0x8000, $0x38;
	[tilespmem:$0x14000] =	vst v63  }
0x3da: {  	_ =	swait.ge [sflag:s28], $0x8000  }
0x3db: {  	s0 =	sand.u32 $0x7000, s30;
	s20 =	sand.u32 $0x300, s30;
	[sflag:s28] =	ssyncset.done $0x0  }
0x3dc: {  	s0 =	sor.u32 s20, s0;
	[sflag:s28] =	ssyncadd.s32 $0xFFFF8000  }
0x3dd: {  	[tilespmem:s0+$0x8850] =	vst v1  }
0x3de: {  	[tilespmem:s0+$0x8860] =	vst v1  }
0x3df: {  	[tilespmem:s0+$0x8870] =	vst v1  }
0x3e0: {  	[tilespmem:s0+$0x8840] =	vst v1  }
0x3e1: {  	[tilespmem:s0+$0x8470] =	vst v1  }
0x3e2: {  	[tilespmem:s0+$0x8460] =	vst v1  }
0x3e3: {  	[tilespmem:s0+$0x8070] =	vst v1  }
0x3e4: {  	[tilespmem:s0+$0x8450] =	vst v1  }
0x3e5: {  	[tilespmem:s0+$0x8050] =	vst v1  }
0x3e6: {  	[tilespmem:s0+$0x8440] =	vst v1  }
0x3e7: {  	[tilespmem:s0+$0x8060] =	vst v1  }
0x3e8: {  	[tilespmem:s0+$0x8830] =	vst v1  }
0x3e9: {  	[tilespmem:s0+$0x8040] =	vst v1  }
0x3ea: {  	[tilespmem:s0+$0x8820] =	vst v1  }
0x3eb: {  	[tilespmem:s0+$0x8810] =	vst v1  }
0x3ec: {  	[tilespmem:s0+$0x8800] =	vst v1  }
0x3ed: {  	[tilespmem:s0+$0x8430] =	vst v1  }
0x3ee: {  	[tilespmem:s0+$0x8420] =	vst v1  }
0x3ef: {  	[tilespmem:s0+$0x8400] =	vst v1  }
0x3f0: {  	[tilespmem:s0+$0x8030] =	vst v1  }
0x3f1: {  	s21 =	sand.u32 $0x3, s30;
	[tilespmem:s0+$0x8020] =	vst v1  }
0x3f2: {  	s2 =	sshll.u32 s21, $0x8;
	[tilespmem:s0+$0x8010] =	vst v1  }
0x3f3: {  	s2 =	sadd.s32 $0x0, s2;
	[tilespmem:s0+$0x8000] =	vst v1  }
0x3f4: {  	s22 =	sor.u32 $0xC00, s2;
	[tilespmem:s0+$0x8410] =	vst v1  }
0x3f5: {  	s17 =	sor.u32 $0xC10, s2;
	[tilespmem:s22+$0x8000] =	vst v1  }
0x3f6: {  	s18 =	sor.u32 $0xC20, s2;
	[tilespmem:s17+$0x8000] =	vst v1  }
0x3f7: {  	s19 =	sor.u32 $0xC30, s2;
	[tilespmem:s18+$0x8000] =	vst v1  }
0x3f8: {  	s20 =	sor.u32 $0xC40, s2;
	[tilespmem:s19+$0x8000] =	vst v1  }
0x3f9: {  	s21 =	sor.u32 $0xC50, s2;
	[tilespmem:s20+$0x8000] =	vst v1  }
0x3fa: {  	s22 =	sor.u32 $0xC60, s2;
	[tilespmem:s21+$0x8000] =	vst v1  }
0x3fb: {  	s17 =	sor.u32 $0xC70, s2;
	[tilespmem:s22+$0x8000] =	vst v1  }
0x3fc: {  	[tilespmem:s17+$0x8000] =	vst v1  }
0x3fd: {  	[tilespmem:s0+$0x88C0] =	vst v1  }
0x3fe: {  	[tilespmem:s0+$0x84C0] =	vst v1  }
0x3ff: {  	[tilespmem:s0+$0x88F0] =	vst v1  }
0x400: {  	[tilespmem:s0+$0x80C0] =	vst v1  }
0x401: {  	[tilespmem:s0+$0x88D0] =	vst v1  }
0x402: {  	[tilespmem:s0+$0x88E0] =	vst v1  }
0x403: {  	[tilespmem:s0+$0x88B0] =	vst v1  }
0x404: {  	[tilespmem:s0+$0x88A0] =	vst v1  }
0x405: {  	[tilespmem:s0+$0x8890] =	vst v1  }
0x406: {  	[tilespmem:s0+$0x84F0] =	vst v1  }
0x407: {  	[tilespmem:s0+$0x8880] =	vst v1  }
0x408: {  	[tilespmem:s0+$0x84D0] =	vst v1  }
0x409: {  	[tilespmem:s0+$0x84E0] =	vst v1  }
0x40a: {  	[tilespmem:s0+$0x84B0] =	vst v1  }
0x40b: {  	[tilespmem:s0+$0x84A0] =	vst v1  }
0x40c: {  	[tilespmem:s0+$0x8490] =	vst v1  }
0x40d: {  	[tilespmem:s0+$0x80E0] =	vst v1  }
0x40e: {  	[tilespmem:s0+$0x8480] =	vst v1  }
0x40f: {  	[tilespmem:s0+$0x80D0] =	vst v1  }
0x410: {  	[tilespmem:s0+$0x80B0] =	vst v1  }
0x411: {  	[tilespmem:s0+$0x8090] =	vst v1  }
0x412: {  	[tilespmem:s0+$0x80F0] =	vst v1  }
0x413: {  	s16 =	sadd.s32 $0x80, s2;
	[tilespmem:s0+$0x80A0] =	vst v1  }
0x414: {  	s2 =	sor.u32 $0xC00, s16;
	[tilespmem:s0+$0x8080] =	vst v1  }
0x415: {  	s18 =	sor.u32 $0xC10, s16;
	[tilespmem:s2+$0x8000] =	vst v1  }
0x416: {  	s19 =	sor.u32 $0xC20, s16;
	[tilespmem:s18+$0x8000] =	vst v1  }
0x417: {  	s20 =	sor.u32 $0xC30, s16;
	[tilespmem:s19+$0x8000] =	vst v1  }
0x418: {  	s21 =	sor.u32 $0xC40, s16;
	[tilespmem:s20+$0x8000] =	vst v1  }
0x419: {  	s31 =	simm.s32 $0x1;
	s30 =	simm.s32 $0x400;
	s22 =	sor.u32 $0xC50, s16;
	[tilespmem:s21+$0x8000] =	vst v1  }
0x41a: {  	s17 =	simm.s32 $0x100;
	s2 =	sor.u32 $0xC60, s16;
	s16 =	sor.u32 $0xC70, s16;
	[tilespmem:s22+$0x8000] =	vst v1  }
.LBB2_8:
0x41b: {  	s0 =	smov.u32 s17  }
0x41c: {  	s18 =	sand.u32 $0x7000, s30;
	s19 =	sand.u32 $0x300, s17;
	[tilespmem:s2+$0x8000] =	vst v1;
	s0 =	sadd.s32 $0x100, s17  }
0x41d: {  	p0 =	sne.s32 s17, $0x1F00;
	s2 =	sor.u32 s19, s18;
	[tilespmem:s16+$0x8000] =	vst v1  }
0x41e: {  	[tilespmem:s2+$0x8850] =	vst v1  }
0x41f: {  	[tilespmem:s2+$0x8860] =	vst v1  }
0x420: {  	[tilespmem:s2+$0x8870] =	vst v1  }
0x421: {  	[tilespmem:s2+$0x8840] =	vst v1  }
0x422: {  	[tilespmem:s2+$0x8470] =	vst v1  }
0x423: {  	[tilespmem:s2+$0x8460] =	vst v1  }
0x424: {  	[tilespmem:s2+$0x8070] =	vst v1  }
0x425: {  	[tilespmem:s2+$0x8450] =	vst v1  }
0x426: {  	s16 =	sand.u32 $0x3, s31;
	[tilespmem:s2+$0x8050] =	vst v1  }
0x427: {  	s16 =	sshll.u32 s16, $0x8;
	[tilespmem:s2+$0x8440] =	vst v1  }
0x428: {  	s17 =	sadd.s32 s16, s30;
	[tilespmem:s2+$0x8060] =	vst v1  }
0x429: {  	s18 =	sor.u32 $0xC00, s17;
	s19 =	sor.u32 $0xC10, s17;
	s16 =	sadd.s32 $0x80, s17;
	[tilespmem:s2+$0x8830] =	vst v1  }
0x42a: {  	[tilespmem:s2+$0x8040] =	vst v1  }
0x42b: {  	s20 =	sor.u32 $0xC20, s17;
	[tilespmem:s2+$0x8820] =	vst v1  }
0x42c: {  	s21 =	sor.u32 $0xC30, s17;
	[tilespmem:s2+$0x8810] =	vst v1  }
0x42d: {  	s22 =	sor.u32 $0xC40, s17;
	[tilespmem:s2+$0x8800] =	vst v1  }
0x42e: {  	[tilespmem:s2+$0x8430] =	vst v1  }
0x42f: {  	[tilespmem:s2+$0x8420] =	vst v1  }
0x430: {  	[tilespmem:s2+$0x8400] =	vst v1  }
0x431: {  	[tilespmem:s2+$0x8030] =	vst v1  }
0x432: {  	[tilespmem:s2+$0x8020] =	vst v1  }
0x433: {  	[tilespmem:s2+$0x8010] =	vst v1  }
0x434: {  	[tilespmem:s2+$0x8000] =	vst v1  }
0x435: {  	[tilespmem:s2+$0x8410] =	vst v1  }
0x436: {  	[tilespmem:s18+$0x8000] =	vst v1  }
0x437: {  	[tilespmem:s19+$0x8000] =	vst v1  }
0x438: {  	[tilespmem:s20+$0x8000] =	vst v1  }
0x439: {  	[tilespmem:s21+$0x8000] =	vst v1  }
0x43a: {  	s18 =	sor.u32 $0xC50, s17;
	[tilespmem:s22+$0x8000] =	vst v1  }
0x43b: {  	[tilespmem:s18+$0x8000] =	vst v1;
	s18 =	sor.u32 $0xC60, s17  }
0x43c: {  	s17 =	sor.u32 $0xC70, s17;
	[tilespmem:s18+$0x8000] =	vst v1  }
0x43d: {  	[tilespmem:s17+$0x8000] =	vst v1  }
0x43e: {  	[tilespmem:s2+$0x88C0] =	vst v1  }
0x43f: {  	[tilespmem:s2+$0x84C0] =	vst v1  }
0x440: {  	[tilespmem:s2+$0x88F0] =	vst v1  }
0x441: {  	[tilespmem:s2+$0x80C0] =	vst v1  }
0x442: {  	[tilespmem:s2+$0x88D0] =	vst v1  }
0x443: {  	[tilespmem:s2+$0x88E0] =	vst v1  }
0x444: {  	[tilespmem:s2+$0x88B0] =	vst v1  }
0x445: {  	[tilespmem:s2+$0x88A0] =	vst v1  }
0x446: {  	[tilespmem:s2+$0x8890] =	vst v1  }
0x447: {  	[tilespmem:s2+$0x84F0] =	vst v1  }
0x448: {  	[tilespmem:s2+$0x8880] =	vst v1  }
0x449: {  	[tilespmem:s2+$0x84D0] =	vst v1  }
0x44a: {  	[tilespmem:s2+$0x84E0] =	vst v1  }
0x44b: {  	[tilespmem:s2+$0x84B0] =	vst v1  }
0x44c: {  	[tilespmem:s2+$0x84A0] =	vst v1  }
0x44d: {  	[tilespmem:s2+$0x8490] =	vst v1  }
0x44e: {  	[tilespmem:s2+$0x80E0] =	vst v1  }
0x44f: {  	[tilespmem:s2+$0x8480] =	vst v1  }
0x450: {  	[tilespmem:s2+$0x80D0] =	vst v1  }
0x451: {  	[tilespmem:s2+$0x80B0] =	vst v1  }
0x452: {  	[tilespmem:s2+$0x8090] =	vst v1  }
0x453: {  	[tilespmem:s2+$0x80F0] =	vst v1  }
0x454: {  	s17 =	sor.u32 $0xC00, s16;
	[tilespmem:s2+$0x80A0] =	vst v1  }
0x455: {  	[tilespmem:s2+$0x8080] =	vst v1;
	s2 =	sor.u32 $0xC10, s16  }
0x456: {  	[tilespmem:s17+$0x8000] =	vst v1;
	s17 =	sor.u32 $0xC20, s16  }
.Ltmp3:
0x457: {  	[tilespmem:s2+$0x8000] =	vst v1;
	s2 =	sor.u32 $0xC30, s16;
	(pc) =	sbr.rel @p0 .LBB2_8-.Ltmp3, $4  }
0x458: {  	[tilespmem:s17+$0x8000] =	vst v1;
	s17 =	sor.u32 $0xC40, s16  }
0x459: {  	s18 =	sor.u32 $0xC50, s16;
	[tilespmem:s2+$0x8000] =	vst v1  }
0x45a: {  	s31 =	sadd.s32 $0x1, s31;
	s2 =	sor.u32 $0xC60, s16;
	[tilespmem:s17+$0x8000] =	vst v1  }
0x45b: {  	s30 =	sadd.s32 $0x400, s30;
	s16 =	sor.u32 $0xC70, s16;
	s17 =	smov.u32 s0;
	[tilespmem:s18+$0x8000] =	vst v1  }
0x45c: {  	[tilespmem:s2+$0x8000] =	vst v1  }
0x45d: {  	[tilespmem:s16+$0x8000] =	vst v1  }
0x45e: {  	v2 =	vld [tilespmem:$0x13800];
	_ =	sdelay $0x2  }
0x45f: {  	v3 =	vld [tilespmem:$0x11800];
	_ =	sdelay $0x1  }
0x460: {  	v2 =	vsub.s32 v2, v0  }
0x461: {  	vm0 =	vgt.s32 v2, $0x0  }
0x462: {  	v4 =	vnsel vm0, $0x0, v2  }
0x463: {  	vm14 =	vlt.f32 v3, $0.0e+00;
	vm1 =	vgt.f32 v3, $0.0e+00;
	v4 =	vmin.u32 v4, $0x7FFF  }
0x464: {  	vm15 =	vlt.u32 v2, $0x8000;
	vm0 =	vmor vm1, vm14;
	v2 =	vshll.u32 v4, $0x3  }
0x465: {  	v5 =	vshrl.u32 v4, $0x2;
	v4 =	vand.u32 $0x707F, v4;
	v2 =	vand.u32 $0xC00, v2  }
0x466: {  	vm0 =	vmand vm0, vm15;
	v5 =	vand.u32 $0x380, v5;
	v2 =	vor.u32 v2, v4  }
0x467: {  	v2 =	vor.u32 v5, v2;
	_ =	sdelay $0x4  }
0x468: {  	[tilespmem:v2+s25+$0x0] =	vst.idx.add.f32.msk vm0, v3  }
0x469: {  	v2 =	vld [tilespmem:$0x13810];
	_ =	sdelay $0x2  }
0x46a: {  	v3 =	vld [tilespmem:$0x11810];
	_ =	sdelay $0x1  }
0x46b: {  	v2 =	vsub.s32 v2, v0  }
0x46c: {  	vm4 =	vgt.s32 v2, $0x0  }
0x46d: {  	v34 =	vnsel vm4, $0x0, v2  }
0x46e: {  	vm5 =	vlt.f32 v3, $0.0e+00;
	vm6 =	vgt.f32 v3, $0.0e+00;
	v4 =	vmin.u32 v34, $0x7FFF  }
0x46f: {  	vm0 =	vmor vm6, vm5;
	vm7 =	vlt.u32 v2, $0x8000;
	v2 =	vshll.u32 v4, $0x3  }
0x470: {  	v35 =	vshrl.u32 v4, $0x2;
	v4 =	vand.u32 $0x707F, v4;
	v2 =	vand.u32 $0xC00, v2  }
0x471: {  	vm0 =	vmand vm0, vm7;
	v5 =	vand.u32 $0x380, v35;
	v2 =	vor.u32 v2, v4  }
0x472: {  	v2 =	vor.u32 v5, v2;
	_ =	sdelay $0x4  }
0x473: {  	[tilespmem:v2+s25+$0x0] =	vst.idx.add.f32.msk vm0, v3  }
0x474: {  	v2 =	vld [tilespmem:$0x13820];
	_ =	sdelay $0x2  }
0x475: {  	v3 =	vld [tilespmem:$0x11820];
	_ =	sdelay $0x1  }
0x476: {  	v2 =	vsub.s32 v2, v0  }
0x477: {  	vm8 =	vgt.s32 v2, $0x0  }
0x478: {  	v36 =	vnsel vm8, $0x0, v2  }
0x479: {  	vm9 =	vlt.f32 v3, $0.0e+00;
	vm10 =	vgt.f32 v3, $0.0e+00;
	v4 =	vmin.u32 v36, $0x7FFF  }
0x47a: {  	vm0 =	vmor vm10, vm9;
	vm11 =	vlt.u32 v2, $0x8000;
	v2 =	vshll.u32 v4, $0x3  }
0x47b: {  	v37 =	vshrl.u32 v4, $0x2;
	v4 =	vand.u32 $0x707F, v4;
	v2 =	vand.u32 $0xC00, v2  }
0x47c: {  	vm0 =	vmand vm0, vm11;
	v5 =	vand.u32 $0x380, v37;
	v2 =	vor.u32 v2, v4  }
0x47d: {  	v2 =	vor.u32 v5, v2;
	_ =	sdelay $0x4  }
0x47e: {  	[tilespmem:v2+s25+$0x0] =	vst.idx.add.f32.msk vm0, v3  }
0x47f: {  	v2 =	vld [tilespmem:$0x13830];
	_ =	sdelay $0x2  }
0x480: {  	v3 =	vld [tilespmem:$0x11830];
	_ =	sdelay $0x1  }
0x481: {  	v2 =	vsub.s32 v2, v0  }
0x482: {  	vm12 =	vgt.s32 v2, $0x0  }
0x483: {  	v38 =	vnsel vm12, $0x0, v2  }
0x484: {  	vm13 =	vlt.f32 v3, $0.0e+00;
	vm14 =	vgt.f32 v3, $0.0e+00;
	v4 =	vmin.u32 v38, $0x7FFF  }
0x485: {  	vm0 =	vmor vm14, vm13;
	vm15 =	vlt.u32 v2, $0x8000;
	v2 =	vshll.u32 v4, $0x3  }
0x486: {  	v39 =	vshrl.u32 v4, $0x2;
	v4 =	vand.u32 $0x707F, v4;
	v2 =	vand.u32 $0xC00, v2  }
0x487: {  	vm0 =	vmand vm0, vm15;
	v5 =	vand.u32 $0x380, v39;
	v2 =	vor.u32 v2, v4  }
0x488: {  	v2 =	vor.u32 v5, v2;
	_ =	sdelay $0x4  }
0x489: {  	[tilespmem:v2+s25+$0x0] =	vst.idx.add.f32.msk vm0, v3  }
0x48a: {  	v2 =	vld [tilespmem:$0x13840];
	_ =	sdelay $0x2  }
0x48b: {  	v3 =	vld [tilespmem:$0x11840];
	_ =	sdelay $0x1  }
0x48c: {  	v2 =	vsub.s32 v2, v0  }
0x48d: {  	vm4 =	vgt.s32 v2, $0x0  }
0x48e: {  	v40 =	vnsel vm4, $0x0, v2  }
0x48f: {  	vm5 =	vlt.f32 v3, $0.0e+00;
	vm6 =	vgt.f32 v3, $0.0e+00;
	v4 =	vmin.u32 v40, $0x7FFF  }
0x490: {  	vm0 =	vmor vm6, vm5;
	vm7 =	vlt.u32 v2, $0x8000;
	v2 =	vshll.u32 v4, $0x3  }
0x491: {  	v41 =	vshrl.u32 v4, $0x2;
	v4 =	vand.u32 $0x707F, v4;
	v2 =	vand.u32 $0xC00, v2  }
0x492: {  	vm0 =	vmand vm0, vm7;
	v5 =	vand.u32 $0x380, v41;
	v2 =	vor.u32 v2, v4  }
0x493: {  	v2 =	vor.u32 v5, v2;
	_ =	sdelay $0x4  }
0x494: {  	[tilespmem:v2+s25+$0x0] =	vst.idx.add.f32.msk vm0, v3  }
0x495: {  	v2 =	vld [tilespmem:$0x13850];
	_ =	sdelay $0x2  }
0x496: {  	v3 =	vld [tilespmem:$0x11850];
	_ =	sdelay $0x1  }
0x497: {  	v2 =	vsub.s32 v2, v0  }
0x498: {  	vm8 =	vgt.s32 v2, $0x0  }
0x499: {  	v42 =	vnsel vm8, $0x0, v2  }
0x49a: {  	vm9 =	vlt.f32 v3, $0.0e+00;
	vm10 =	vgt.f32 v3, $0.0e+00;
	v4 =	vmin.u32 v42, $0x7FFF  }
0x49b: {  	vm0 =	vmor vm10, vm9;
	vm11 =	vlt.u32 v2, $0x8000;
	v2 =	vshll.u32 v4, $0x3  }
0x49c: {  	v43 =	vshrl.u32 v4, $0x2;
	v4 =	vand.u32 $0x707F, v4;
	v2 =	vand.u32 $0xC00, v2  }
0x49d: {  	vm0 =	vmand vm0, vm11;
	v5 =	vand.u32 $0x380, v43;
	v2 =	vor.u32 v2, v4  }
0x49e: {  	v2 =	vor.u32 v5, v2;
	_ =	sdelay $0x4  }
0x49f: {  	[tilespmem:v2+s25+$0x0] =	vst.idx.add.f32.msk vm0, v3  }
0x4a0: {  	v2 =	vld [tilespmem:$0x13860];
	_ =	sdelay $0x2  }
0x4a1: {  	v3 =	vld [tilespmem:$0x11860];
	_ =	sdelay $0x1  }
0x4a2: {  	v2 =	vsub.s32 v2, v0  }
0x4a3: {  	vm12 =	vgt.s32 v2, $0x0  }
0x4a4: {  	v44 =	vnsel vm12, $0x0, v2  }
0x4a5: {  	vm13 =	vlt.f32 v3, $0.0e+00;
	vm14 =	vgt.f32 v3, $0.0e+00;
	v4 =	vmin.u32 v44, $0x7FFF  }
0x4a6: {  	vm0 =	vmor vm14, vm13;
	vm15 =	vlt.u32 v2, $0x8000;
	v2 =	vshll.u32 v4, $0x3  }
0x4a7: {  	v45 =	vshrl.u32 v4, $0x2;
	v4 =	vand.u32 $0x707F, v4;
	v2 =	vand.u32 $0xC00, v2  }
0x4a8: {  	vm0 =	vmand vm0, vm15;
	v5 =	vand.u32 $0x380, v45;
	v2 =	vor.u32 v2, v4  }
0x4a9: {  	v2 =	vor.u32 v5, v2;
	_ =	sdelay $0x4  }
0x4aa: {  	[tilespmem:v2+s25+$0x0] =	vst.idx.add.f32.msk vm0, v3  }
0x4ab: {  	v2 =	vld [tilespmem:$0x13870];
	_ =	sdelay $0x2  }
0x4ac: {  	v3 =	vld [tilespmem:$0x11870];
	_ =	sdelay $0x1  }
0x4ad: {  	v2 =	vsub.s32 v2, v0  }
0x4ae: {  	vm4 =	vgt.s32 v2, $0x0  }
0x4af: {  	v46 =	vnsel vm4, $0x0, v2  }
0x4b0: {  	vm5 =	vlt.f32 v3, $0.0e+00;
	vm6 =	vgt.f32 v3, $0.0e+00;
	v4 =	vmin.u32 v46, $0x7FFF  }
0x4b1: {  	vm0 =	vmor vm6, vm5;
	vm7 =	vlt.u32 v2, $0x8000;
	v2 =	vshll.u32 v4, $0x3  }
0x4b2: {  	v47 =	vshrl.u32 v4, $0x2;
	v4 =	vand.u32 $0x707F, v4;
	v2 =	vand.u32 $0xC00, v2  }
0x4b3: {  	vm0 =	vmand vm0, vm7;
	v5 =	vand.u32 $0x380, v47;
	v2 =	vor.u32 v2, v4  }
0x4b4: {  	v2 =	vor.u32 v5, v2;
	_ =	sdelay $0x4  }
0x4b5: {  	[tilespmem:v2+s25+$0x0] =	vst.idx.add.f32.msk vm0, v3  }
0x4b6: {  	v2 =	vld [tilespmem:$0x13C00];
	_ =	sdelay $0x2  }
0x4b7: {  	v3 =	vld [tilespmem:$0x11C00];
	_ =	sdelay $0x1  }
0x4b8: {  	v2 =	vsub.s32 v2, v0  }
0x4b9: {  	vm8 =	vgt.s32 v2, $0x0  }
0x4ba: {  	v48 =	vnsel vm8, $0x0, v2  }
0x4bb: {  	vm9 =	vlt.f32 v3, $0.0e+00;
	vm10 =	vgt.f32 v3, $0.0e+00;
	v4 =	vmin.u32 v48, $0x7FFF  }
0x4bc: {  	vm0 =	vmor vm10, vm9;
	vm11 =	vlt.u32 v2, $0x8000;
	v2 =	vshll.u32 v4, $0x3  }
0x4bd: {  	v49 =	vshrl.u32 v4, $0x2;
	v4 =	vand.u32 $0x707F, v4;
	v2 =	vand.u32 $0xC00, v2  }
0x4be: {  	vm0 =	vmand vm0, vm11;
	v5 =	vand.u32 $0x380, v49;
	v2 =	vor.u32 v2, v4  }
0x4bf: {  	v2 =	vor.u32 v5, v2;
	_ =	sdelay $0x4  }
0x4c0: {  	[tilespmem:v2+s25+$0x0] =	vst.idx.add.f32.msk vm0, v3  }
0x4c1: {  	v2 =	vld [tilespmem:$0x13C10];
	_ =	sdelay $0x2  }
0x4c2: {  	v3 =	vld [tilespmem:$0x11C10];
	_ =	sdelay $0x1  }
0x4c3: {  	v2 =	vsub.s32 v2, v0  }
0x4c4: {  	vm12 =	vgt.s32 v2, $0x0  }
0x4c5: {  	v50 =	vnsel vm12, $0x0, v2  }
0x4c6: {  	vm13 =	vlt.f32 v3, $0.0e+00;
	vm14 =	vgt.f32 v3, $0.0e+00;
	v4 =	vmin.u32 v50, $0x7FFF  }
0x4c7: {  	vm0 =	vmor vm14, vm13;
	vm15 =	vlt.u32 v2, $0x8000;
	v2 =	vshll.u32 v4, $0x3  }
0x4c8: {  	v51 =	vshrl.u32 v4, $0x2;
	v4 =	vand.u32 $0x707F, v4;
	v2 =	vand.u32 $0xC00, v2  }
0x4c9: {  	vm0 =	vmand vm0, vm15;
	v5 =	vand.u32 $0x380, v51;
	v2 =	vor.u32 v2, v4  }
0x4ca: {  	v2 =	vor.u32 v5, v2;
	_ =	sdelay $0x4  }
0x4cb: {  	[tilespmem:v2+s25+$0x0] =	vst.idx.add.f32.msk vm0, v3  }
0x4cc: {  	v2 =	vld [tilespmem:$0x13C20];
	_ =	sdelay $0x2  }
0x4cd: {  	v3 =	vld [tilespmem:$0x11C20];
	_ =	sdelay $0x1  }
0x4ce: {  	v2 =	vsub.s32 v2, v0  }
0x4cf: {  	vm4 =	vgt.s32 v2, $0x0  }
0x4d0: {  	v52 =	vnsel vm4, $0x0, v2  }
0x4d1: {  	vm5 =	vlt.f32 v3, $0.0e+00;
	vm6 =	vgt.f32 v3, $0.0e+00;
	v4 =	vmin.u32 v52, $0x7FFF  }
0x4d2: {  	vm0 =	vmor vm6, vm5;
	vm7 =	vlt.u32 v2, $0x8000;
	v2 =	vshll.u32 v4, $0x3  }
0x4d3: {  	v53 =	vshrl.u32 v4, $0x2;
	v4 =	vand.u32 $0x707F, v4;
	v2 =	vand.u32 $0xC00, v2  }
0x4d4: {  	vm0 =	vmand vm0, vm7;
	v5 =	vand.u32 $0x380, v53;
	v2 =	vor.u32 v2, v4  }
0x4d5: {  	v2 =	vor.u32 v5, v2;
	_ =	sdelay $0x4  }
0x4d6: {  	[tilespmem:v2+s25+$0x0] =	vst.idx.add.f32.msk vm0, v3  }
0x4d7: {  	v2 =	vld [tilespmem:$0x13C30];
	_ =	sdelay $0x2  }
0x4d8: {  	v3 =	vld [tilespmem:$0x11C30];
	_ =	sdelay $0x1  }
0x4d9: {  	v2 =	vsub.s32 v2, v0  }
0x4da: {  	vm8 =	vgt.s32 v2, $0x0  }
0x4db: {  	v54 =	vnsel vm8, $0x0, v2  }
0x4dc: {  	vm9 =	vlt.f32 v3, $0.0e+00;
	vm10 =	vgt.f32 v3, $0.0e+00;
	v4 =	vmin.u32 v54, $0x7FFF  }
0x4dd: {  	vm0 =	vmor vm10, vm9;
	vm11 =	vlt.u32 v2, $0x8000;
	v2 =	vshll.u32 v4, $0x3  }
0x4de: {  	v55 =	vshrl.u32 v4, $0x2;
	v4 =	vand.u32 $0x707F, v4;
	v2 =	vand.u32 $0xC00, v2  }
0x4df: {  	vm0 =	vmand vm0, vm11;
	v5 =	vand.u32 $0x380, v55;
	v2 =	vor.u32 v2, v4  }
0x4e0: {  	v2 =	vor.u32 v5, v2;
	_ =	sdelay $0x4  }
0x4e1: {  	[tilespmem:v2+s25+$0x0] =	vst.idx.add.f32.msk vm0, v3  }
0x4e2: {  	v2 =	vld [tilespmem:$0x13C40];
	_ =	sdelay $0x2  }
0x4e3: {  	v3 =	vld [tilespmem:$0x11C40];
	_ =	sdelay $0x1  }
0x4e4: {  	v2 =	vsub.s32 v2, v0  }
0x4e5: {  	vm12 =	vgt.s32 v2, $0x0  }
0x4e6: {  	v56 =	vnsel vm12, $0x0, v2  }
0x4e7: {  	vm13 =	vlt.f32 v3, $0.0e+00;
	vm14 =	vgt.f32 v3, $0.0e+00;
	v4 =	vmin.u32 v56, $0x7FFF  }
0x4e8: {  	vm0 =	vmor vm14, vm13;
	vm15 =	vlt.u32 v2, $0x8000;
	v2 =	vshll.u32 v4, $0x3  }
0x4e9: {  	v57 =	vshrl.u32 v4, $0x2;
	v4 =	vand.u32 $0x707F, v4;
	v2 =	vand.u32 $0xC00, v2  }
0x4ea: {  	vm0 =	vmand vm0, vm15;
	v5 =	vand.u32 $0x380, v57;
	v2 =	vor.u32 v2, v4  }
0x4eb: {  	v2 =	vor.u32 v5, v2;
	_ =	sdelay $0x4  }
0x4ec: {  	[tilespmem:v2+s25+$0x0] =	vst.idx.add.f32.msk vm0, v3  }
0x4ed: {  	v2 =	vld [tilespmem:$0x13C50];
	_ =	sdelay $0x2  }
0x4ee: {  	v3 =	vld [tilespmem:$0x11C50];
	_ =	sdelay $0x1  }
0x4ef: {  	v2 =	vsub.s32 v2, v0  }
0x4f0: {  	vm4 =	vgt.s32 v2, $0x0  }
0x4f1: {  	v58 =	vnsel vm4, $0x0, v2  }
0x4f2: {  	vm5 =	vlt.f32 v3, $0.0e+00;
	vm6 =	vgt.f32 v3, $0.0e+00;
	v4 =	vmin.u32 v58, $0x7FFF  }
0x4f3: {  	vm0 =	vmor vm6, vm5;
	vm7 =	vlt.u32 v2, $0x8000;
	v2 =	vshll.u32 v4, $0x3  }
0x4f4: {  	v59 =	vshrl.u32 v4, $0x2;
	v4 =	vand.u32 $0x707F, v4;
	v2 =	vand.u32 $0xC00, v2  }
0x4f5: {  	vm0 =	vmand vm0, vm7;
	v5 =	vand.u32 $0x380, v59;
	v2 =	vor.u32 v2, v4  }
0x4f6: {  	v2 =	vor.u32 v5, v2;
	_ =	sdelay $0x4  }
0x4f7: {  	[tilespmem:v2+s25+$0x0] =	vst.idx.add.f32.msk vm0, v3  }
0x4f8: {  	v2 =	vld [tilespmem:$0x13C60];
	_ =	sdelay $0x2  }
0x4f9: {  	v3 =	vld [tilespmem:$0x11C60];
	_ =	sdelay $0x1  }
0x4fa: {  	v2 =	vsub.s32 v2, v0  }
0x4fb: {  	vm8 =	vgt.s32 v2, $0x0  }
0x4fc: {  	v60 =	vnsel vm8, $0x0, v2  }
0x4fd: {  	vm9 =	vlt.f32 v3, $0.0e+00;
	vm10 =	vgt.f32 v3, $0.0e+00;
	v4 =	vmin.u32 v60, $0x7FFF  }
0x4fe: {  	vm0 =	vmor vm10, vm9;
	vm11 =	vlt.u32 v2, $0x8000;
	v2 =	vshll.u32 v4, $0x3  }
0x4ff: {  	v61 =	vshrl.u32 v4, $0x2;
	v4 =	vand.u32 $0x707F, v4;
	v2 =	vand.u32 $0xC00, v2  }
0x500: {  	vm0 =	vmand vm0, vm11;
	v5 =	vand.u32 $0x380, v61;
	v2 =	vor.u32 v2, v4  }
0x501: {  	v2 =	vor.u32 v5, v2;
	_ =	sdelay $0x4  }
0x502: {  	[tilespmem:v2+s25+$0x0] =	vst.idx.add.f32.msk vm0, v3  }
0x503: {  	v2 =	vld [tilespmem:$0x13C70];
	_ =	sdelay $0x2  }
0x504: {  	v3 =	vld [tilespmem:$0x11C70];
	_ =	sdelay $0x1  }
0x505: {  	v2 =	vsub.s32 v2, v0  }
0x506: {  	vm12 =	vgt.s32 v2, $0x0  }
0x507: {  	v62 =	vnsel vm12, $0x0, v2  }
0x508: {  	vm13 =	vlt.f32 v3, $0.0e+00;
	vm14 =	vgt.f32 v3, $0.0e+00;
	v4 =	vmin.u32 v62, $0x7FFF  }
0x509: {  	vm0 =	vmor vm14, vm13;
	vm15 =	vlt.u32 v2, $0x8000;
	v2 =	vshll.u32 v4, $0x3  }
0x50a: {  	v63 =	vshrl.u32 v4, $0x2;
	v4 =	vand.u32 $0x707F, v4;
	v2 =	vand.u32 $0xC00, v2  }
0x50b: {  	vm0 =	vmand vm0, vm15;
	v5 =	vand.u32 $0x380, v63;
	v2 =	vor.u32 v2, v4  }
0x50c: {  	v2 =	vor.u32 v5, v2;
	_ =	sdelay $0x4  }
0x50d: {  	s29 =	sadd.s32 $0x1, s29;
	[tilespmem:v2+s25+$0x0] =	vst.idx.add.f32.msk vm0, v3  }
0x50e: {  	[hbm4b:s14+s1] =	stream.linear.scatter [tilespmem:s25], [sflag:$0x3], $0x8000, $0x38;
	[tilespmem:$0x14000] =	vst v63  }
0x50f: {  	p0 =	sne.s32 s29, s15;
	_ =	swait.ge [sflag:s26], $0x8000  }
.Ltmp4:
0x510: {  	[sflag:s26] =	ssyncset.done $0x0;
	(pc) =	sbr.rel @p0 .LBB2_1-.Ltmp4, $4  }
0x511: {  	[sflag:s26] =	ssyncadd.s32 $0xFFFF8000  }
0x512: {  	_ =	swait.ge [sflag:s28], $0x8000  }
0x513: {  	[sflag:s28] =	ssyncset.done $0x0  }
0x514: {  	[sflag:s28] =	ssyncadd.s32 $0xFFFF8000  }
0x515: {  	_ =	sfence.sel $0x180000  }
0x516: {  	[bflag:$0x0] =	sbarrier.arrive $0xFFFF  }
0x517: {  	_ =	strace $0x90000047  }
0x518: {  	s0 =	stileid.u32;
	[bflag:$0x2] =	sbarrier.arrive $0xFFFF  }
0x519: {  	p0 =	sne.s32 s0, $0x0;
	s0 =	rddreg [dreg:$0x2]  }
0x51a: {  	s0 =	sadd.s32 @!p0 $0x100000, s0  }
0x51b: {  	[sflag:s0] =	ssyncadd.tile.s32 @!p0 $0x1;
	_ =	shalt  }
.Lfunc_end2:
_tile_overlayer_lowered:
.L_overlay_start_2:
0x51c: {  	(tag) =	ssettag $0x2  }
0x51d: {  	s0 =	rddreg [dreg:$0x0];
	s2 =	stileid.u32  }
0x51e: {  	s1 =	rddreg [dreg:$0x1];
	p0 =	sne.s32 s2, $0x0  }
0x51f: {  	s3 =	rddreg [dreg:$0x2];
	[bflag:$0x3] =	sbarrier.arrive $0xFFFF;
	s2 =	simm.s32 @!p0 $0x1C04  }
0x520: {  	[timem:s3], [sflag:s2] =	dma.local @!p0 [hbm:s0], s1  }
0x521: {  	s0 =	simm.s32 @!p0 $0x4  }
0x522: {  	_ =	swait.ge @!p0 [sflag:s0], s1  }
0x523: {  	s1 =	ssub.s32 @!p0 $0x0, s1;
	[sflag:s0] =	ssyncset.done @!p0 $0x0  }
0x524: {  	[sflag:s0] =	ssyncadd.s32 @!p0 s1  }
0x525: {  	[bflag:$0x3] =	sbarrier.arrive $0xFFFF  }
0x526: {  	_ =	shalt  }

</sc_bundles>
